<compile_context>
chip_gen: v7x
topology: tpu7x:2x2x1
jax: 0.10.2.dev20260603
libtpu: 0.0.44.dev20260713+nightly
codegen_flags: <defaults>
</compile_context>

<pallas_src>
import functools

import jax
import jax.numpy as jnp
from jax import lax
from jax.experimental import pallas as pl
from jax.experimental.pallas import tpu as pltpu
from jax.experimental.pallas import tpu_sc as plsc

N_ROWS = 16384
N_COLS = 16384
UNITS = 64
NW = 32
ROWS_PER_W = N_ROWS // NW
K = 512
KSUB = 128
NSUB = K // KSUB

_GDNUMS = lax.GatherDimensionNumbers(
    offset_dims=(), collapsed_slice_dims=(0,), start_index_map=(0,))


def _splat(vec, lane):
    idx = jnp.full((16, 1), lane, jnp.int32)
    return lax.gather(vec, idx, _GDNUMS, slice_sizes=(1,),
                      mode=lax.GatherScatterMode.PROMISE_IN_BOUNDS)


def _sc_body(bounds_hbm, cols_hbm, rows_hbm, vals_hbm, w_hbm, out_hbm,
             bounds_v, idx_v, row_v, val_v, stage_v, acc_v, isem, gsem):
    wid = lax.axis_index("c") * 16 + lax.axis_index("s")
    row_base = wid * ROWS_PER_W

    pltpu.async_copy(
        bounds_hbm.at[pl.ds(pl.multiple_of(wid * 16, 16), 16)], bounds_v,
        isem)

    zeros16 = jnp.zeros((16,), jnp.float32)

    @plsc.parallel_loop(0, ROWS_PER_W + 8, 1)
    def zero_body(r):
        for j in range(UNITS // 16):
            acc_v[r, pl.ds(j * 16, 16)] = zeros16

    iota16 = lax.iota(jnp.int32, 16)
    pltpu.make_async_copy(
        bounds_hbm.at[pl.ds(pl.multiple_of(wid * 16, 16), 16)], bounds_v,
        isem).wait()
    bv = bounds_v[pl.ds(0, 16)]
    s = bv[0]
    e = bv[1]
    a_s = (s // 8) * 8
    nb = (e - a_s + (K - 1)) // K

    def g_of(b):
        return pl.multiple_of(a_s + b * K, 8)

    def issue_idx(b, buf):
        g0 = g_of(b)
        pltpu.async_copy(cols_hbm.at[pl.ds(g0, K)], idx_v.at[buf], isem)
        pltpu.async_copy(rows_hbm.at[pl.ds(g0, K)], row_v.at[buf], isem)
        pltpu.async_copy(vals_hbm.at[pl.ds(g0, K)], val_v.at[buf], isem)

    def wait_idx(b, buf):
        g0 = g_of(b)
        pltpu.make_async_copy(cols_hbm.at[pl.ds(g0, K)], idx_v.at[buf],
                              isem).wait()
        pltpu.make_async_copy(rows_hbm.at[pl.ds(g0, K)], row_v.at[buf],
                              isem).wait()
        pltpu.make_async_copy(vals_hbm.at[pl.ds(g0, K)], val_v.at[buf],
                              isem).wait()

    def issue_gather(buf):
        for j in range(NSUB):
            pltpu.async_copy(
                w_hbm.at[idx_v.at[buf, pl.ds(j * KSUB, KSUB)]],
                stage_v.at[buf, pl.ds(j * KSUB, KSUB)], gsem)

    def wait_gather(buf):
        for j in range(NSUB):
            pltpu.make_async_copy(
                w_hbm.at[idx_v.at[buf, pl.ds(j * KSUB, KSUB)]],
                stage_v.at[buf, pl.ds(j * KSUB, KSUB)], gsem).wait()

    def compute(b, buf):
        g0 = g_of(b)
        gvec0 = g0 + iota16

        @plsc.parallel_loop(0, K // 16, 1, unroll=1)
        def row_body(i16):
            ii = pl.multiple_of(i16 * 16, 16)
            vals16 = val_v[buf, pl.ds(ii, 16)]
            rows16 = row_v[buf, pl.ds(ii, 16)]
            g16 = gvec0 + i16 * 16
            inb = jnp.logical_and(g16 >= s, g16 < e)
            v16 = jnp.where(inb, vals16, 0.0)
            lr16 = rows16 - row_base
            lr16 = jnp.minimum(jnp.maximum(lr16, 0), ROWS_PER_W)
            for i in range(16):
                vv = _splat(v16, i)
                lr = lr16[i]
                for j in range(UNITS // 16):
                    x = stage_v[buf, i16 * 16 + i, pl.ds(j * 16, 16)]
                    plsc.addupdate(acc_v.at[lr, pl.ds(j * 16, 16)], x * vv)

    @pl.when(nb >= 1)
    def _prologue():
        issue_idx(0, 0)
        wait_idx(0, 0)
        issue_gather(0)

        @pl.when(nb >= 2)
        def _():
            issue_idx(1, 1)

    def block_body(b, _):
        buf = b & 1
        wait_gather(buf)

        @pl.when(b + 1 < nb)
        def _():
            wait_idx(b + 1, 1 - buf)
            issue_gather(1 - buf)

        compute(b, buf)

        @pl.when(b + 2 < nb)
        def _():
            issue_idx(b + 2, buf)

        return 0

    lax.fori_loop(0, nb, block_body, 0)

    pltpu.sync_copy(acc_v.at[pl.ds(0, ROWS_PER_W)],
                    out_hbm.at[pl.ds(row_base, ROWS_PER_W)])


def kernel(rows, cols, vals, W):
    rows = rows.astype(jnp.int32)
    cols = cols.astype(jnp.int32)
    nnz = rows.shape[0]

    marks = jnp.arange(0, N_ROWS + 1, ROWS_PER_W, dtype=jnp.int32)
    bounds = jnp.searchsorted(rows, marks, side="left",
                              method="compare_all").astype(jnp.int32)
    bpairs = jnp.stack([bounds[:-1], bounds[1:]], axis=1)
    bpairs = jnp.pad(bpairs, ((0, 0), (0, 14))).reshape(NW * 16)

    p = (-nnz) % K + 2 * K
    cols_p = jnp.pad(cols, (0, p))
    rows_p = jnp.pad(rows, (0, p))
    vals_p = jnp.pad(vals, (0, p))

    mesh = plsc.VectorSubcoreMesh(core_axis_name="c", subcore_axis_name="s")
    f = functools.partial(
        pl.kernel,
        out_type=jax.ShapeDtypeStruct((N_ROWS, UNITS), jnp.float32),
        mesh=mesh,
        compiler_params=pltpu.CompilerParams(use_tc_tiling_on_sc=False),
        scratch_types=[
            pltpu.VMEM((16,), jnp.int32),
            pltpu.VMEM((2, K), jnp.int32),
            pltpu.VMEM((2, K), jnp.int32),
            pltpu.VMEM((2, K), jnp.float32),
            pltpu.VMEM((2, K, UNITS), jnp.float32),
            pltpu.VMEM((ROWS_PER_W + 8, UNITS), jnp.float32),
            pltpu.SemaphoreType.DMA,
            pltpu.SemaphoreType.DMA,
        ],
    )(_sc_body)
    return f(bpairs, cols_p, rows_p, vals_p, W)

# --- scband reference (transcript-rebuilt; emitter-appended) ---
"""Pipeline reference for scband-sparse-linear-47055661695147 (READ-ONLY COPY).

The authoritative reference and input builder live on the scoring server;
editing this copy changes nothing except your own understanding.
"""

import jax, jax.numpy as jnp
import numpy as np

N_ROWS = 16384
N_COLS = 16384
UNITS = 64
NNZ = 268435

def setup_inputs(seed: int = 0) -> dict:
    key = jax.random.key(seed)
    k1, k2, k3, k4 = jax.random.split(key, 4)
    rows = jnp.sort(jax.random.randint(k1, (NNZ,), 0, N_ROWS, dtype=jnp.int64))
    cols = jax.random.randint(k2, (NNZ,), 0, N_COLS, dtype=jnp.int64)
    vals = jax.random.normal(k3, (NNZ,), dtype=jnp.float32)
    # GlorotUniform-like init for W: limit = sqrt(6/(fan_in+fan_out))
    limit = np.sqrt(6.0 / (N_COLS + UNITS))
    W = jax.random.uniform(k4, (N_COLS, UNITS), dtype=jnp.float32, minval=-limit, maxval=limit)
    return {"rows": rows, "cols": cols, "vals": vals, "W": W}

def reference(rows, cols, vals, W):
    # tf.sparse.sparse_dense_matmul(sparse_inputs, W) with sparse_inputs in COO form:
    # out[r, :] = sum over nnz with row==r of vals * W[col, :]
    gathered = jnp.take(W, cols, axis=0) * vals[:, None]
    out = jax.ops.segment_sum(gathered, rows, num_segments=N_ROWS)
    return out

if __name__ == "__main__":
    import jax
    _d = setup_inputs()
    print(jax.jit(kernel)(*tuple(_d.values())))

</pallas_src>

<mosaic_0001>
#map = affine_map<(d0, d1) -> (0)>
#map1 = affine_map<(d0, d1) -> (0, 0)>
module attributes {stable_mosaic.version = 14 : i64} {
  func.func @_sc_body(%arg0: i32, %arg1: i32, %arg2: memref<512xi32, #tpu.memory_space<hbm>>, %arg3: memref<269824xi32, #tpu.memory_space<hbm>>, %arg4: memref<269824xi32, #tpu.memory_space<hbm>>, %arg5: memref<269824xf32, #tpu.memory_space<hbm>>, %arg6: memref<16384x64xf32, #tpu.memory_space<hbm>>, %arg7: memref<16384x64xf32, #tpu.memory_space<hbm>>, %arg8: memref<16xi32, #tpu.memory_space<vmem>>, %arg9: memref<2x512xi32, #tpu.memory_space<vmem>>, %arg10: memref<2x512xi32, #tpu.memory_space<vmem>>, %arg11: memref<2x512xf32, #tpu.memory_space<vmem>>, %arg12: memref<2x512x64xf32, #tpu.memory_space<vmem>>, %arg13: memref<520x64xf32, #tpu.memory_space<vmem>>, %arg14: memref<!tpu.dma_semaphore, #tpu.memory_space<semaphore_mem>>, %arg15: memref<!tpu.dma_semaphore, #tpu.memory_space<semaphore_mem>>) attributes {dimension_semantics = [#tpu.dimension_semantics<core_parallel>, #tpu.dimension_semantics<subcore_parallel>], iteration_bounds = array<i64: 2, 16>, scalar_prefetch = 0 : i64, scratch_operands = 8 : i64, tpu.core_type = #tpu.core_type<sc_vector_subcore>, window_params = [{transform_indices = #map}, {transform_indices = #map}, {transform_indices = #map}, {transform_indices = #map}, {transform_indices = #map1}, {transform_indices = #map1}]} {
    %mul3A = arith.constant 16 : i32
    %mul3A_0 = arith.muli %arg0, %mul3A : i32
    %add3A = arith.addi %mul3A_0, %arg1 : i32
    %mul3A_1 = arith.constant 512 : i32
    %mul3A_2 = arith.muli %add3A, %mul3A_1 : i32
    %mul3A_3 = arith.constant 16 : i32
    %mul3A_4 = arith.muli %add3A, %mul3A_3 : i32
    %multiple_of3A = tpu.assume_multiple %mul3A_4, 16 : i32
    %dma_start3A = tpu.memref_slice %arg2[%multiple_of3A] : memref<512xi32, #tpu.memory_space<hbm>> -> memref<16xi32, #tpu.memory_space<hbm>>
    %dma_start3A_5 = tpu.memref_slice %arg2[%multiple_of3A] : memref<512xi32, #tpu.memory_space<hbm>> -> memref<16xi32, #tpu.memory_space<hbm>>
    tpu.enqueue_dma source(%dma_start3A_5 : memref<16xi32, #tpu.memory_space<hbm>>) target(%arg8 : memref<16xi32, #tpu.memory_space<vmem>>) target_semaphore(%arg14 : memref<!tpu.dma_semaphore, #tpu.memory_space<semaphore_mem>>)
    %broadcast_in_dim3A = arith.constant 0.000000e+00 : f32
    %broadcast_in_dim3A_6 = vector.broadcast %broadcast_in_dim3A : f32 to vector<16xf32>
    %parallel_loop3A = arith.constant 0 : i32
    %parallel_loop3A_7 = arith.constant 520 : i32
    %parallel_loop3A_8 = arith.constant 1 : i32
    scf.for %parallel_loop3A_75 = %parallel_loop3A to %parallel_loop3A_7 step %parallel_loop3A_8  : i32 {
      %parallel_loop3A_76 = arith.index_cast %parallel_loop3A_75 : i32 to index
      %parallel_loop3A_77 = arith.constant 0 : index
      %parallel_loop3A_78 = tpu.vector_load %arg13[%parallel_loop3A_76, %parallel_loop3A_77] {strides = array<i32>} : memref<520x64xf32, #tpu.memory_space<vmem>>, vector<1x16xf32>,
      %parallel_loop3A_79 = vector.shape_cast %parallel_loop3A_78 : vector<1x16xf32> to vector<16xf32>
      %parallel_loop3A_80 = vector.shape_cast %broadcast_in_dim3A_6 : vector<16xf32> to vector<1x16xf32>
      tpu.vector_store %arg13[%parallel_loop3A_76, %parallel_loop3A_77], %parallel_loop3A_80 {strides = array<i32>} : memref<520x64xf32, #tpu.memory_space<vmem>>, vector<1x16xf32>,
      %parallel_loop3A_81 = arith.index_cast %parallel_loop3A_75 : i32 to index
      %parallel_loop3A_82 = arith.constant 16 : index
      %parallel_loop3A_83 = tpu.vector_load %arg13[%parallel_loop3A_81, %parallel_loop3A_82] {strides = array<i32>} : memref<520x64xf32, #tpu.memory_space<vmem>>, vector<1x16xf32>,
      %parallel_loop3A_84 = vector.shape_cast %parallel_loop3A_83 : vector<1x16xf32> to vector<16xf32>
      %parallel_loop3A_85 = vector.shape_cast %broadcast_in_dim3A_6 : vector<16xf32> to vector<1x16xf32>
      tpu.vector_store %arg13[%parallel_loop3A_81, %parallel_loop3A_82], %parallel_loop3A_85 {strides = array<i32>} : memref<520x64xf32, #tpu.memory_space<vmem>>, vector<1x16xf32>,
      %parallel_loop3A_86 = arith.index_cast %parallel_loop3A_75 : i32 to index
      %parallel_loop3A_87 = arith.constant 32 : index
      %parallel_loop3A_88 = tpu.vector_load %arg13[%parallel_loop3A_86, %parallel_loop3A_87] {strides = array<i32>} : memref<520x64xf32, #tpu.memory_space<vmem>>, vector<1x16xf32>,
      %parallel_loop3A_89 = vector.shape_cast %parallel_loop3A_88 : vector<1x16xf32> to vector<16xf32>
      %parallel_loop3A_90 = vector.shape_cast %broadcast_in_dim3A_6 : vector<16xf32> to vector<1x16xf32>
      tpu.vector_store %arg13[%parallel_loop3A_86, %parallel_loop3A_87], %parallel_loop3A_90 {strides = array<i32>} : memref<520x64xf32, #tpu.memory_space<vmem>>, vector<1x16xf32>,
      %parallel_loop3A_91 = arith.index_cast %parallel_loop3A_75 : i32 to index
      %parallel_loop3A_92 = arith.constant 48 : index
      %parallel_loop3A_93 = tpu.vector_load %arg13[%parallel_loop3A_91, %parallel_loop3A_92] {strides = array<i32>} : memref<520x64xf32, #tpu.memory_space<vmem>>, vector<1x16xf32>,
      %parallel_loop3A_94 = vector.shape_cast %parallel_loop3A_93 : vector<1x16xf32> to vector<16xf32>
      %parallel_loop3A_95 = vector.shape_cast %broadcast_in_dim3A_6 : vector<16xf32> to vector<1x16xf32>
      tpu.vector_store %arg13[%parallel_loop3A_91, %parallel_loop3A_92], %parallel_loop3A_95 {strides = array<i32>} : memref<520x64xf32, #tpu.memory_space<vmem>>, vector<1x16xf32>,
    } {sc.loop_unroll_factor = 1 : i64, sc.parallel_access}
    %iota3A = tpu.iota {dimensions = array<i32: 0>} : vector<16xi32>
    %mul3A_9 = arith.constant 16 : i32
    %mul3A_10 = arith.muli %add3A, %mul3A_9 : i32
    %multiple_of3A_11 = tpu.assume_multiple %mul3A_10, 16 : i32
    %dma_wait3A = tpu.memref_slice %arg2[%multiple_of3A_11] : memref<512xi32, #tpu.memory_space<hbm>> -> memref<16xi32, #tpu.memory_space<hbm>>
    %dma_wait3A_12 = tpu.memref_slice %arg2[%multiple_of3A_11] : memref<512xi32, #tpu.memory_space<hbm>> -> memref<16xi32, #tpu.memory_space<hbm>>
    tpu.wait_dma2 semaphore(%arg14 : memref<!tpu.dma_semaphore, #tpu.memory_space<semaphore_mem>>) src(%dma_wait3A_12 : memref<16xi32, #tpu.memory_space<hbm>>) dst(%arg8 : memref<16xi32, #tpu.memory_space<vmem>>)
    %get3A = arith.constant 0 : index
    %get3A_13 = tpu.vector_load %arg8[%get3A] {strides = array<i32>} : memref<16xi32, #tpu.memory_space<vmem>>, vector<16xi32>,
    %get3A_14 = vector.shape_cast %get3A_13 : vector<16xi32> to vector<16xi32>
    %slice3A = vector.extract_strided_slice %get3A_14 {offsets = [0], sizes = [1], strides = [1]} : vector<16xi32> to vector<1xi32>
    %squeeze3A = vector.extract %slice3A[0] : i32 from vector<1xi32>
    %slice3A_15 = vector.extract_strided_slice %get3A_14 {offsets = [1], sizes = [1], strides = [1]} : vector<16xi32> to vector<1xi32>
    %squeeze3A_16 = vector.extract %slice3A_15[0] : i32 from vector<1xi32>
    %jit3A = arith.constant 8 : i32
    %div3A = arith.divsi %squeeze3A, %jit3A : i32
    %sign3A = arith.constant 0 : i32
    %sign3A_17 = arith.cmpi sgt, %squeeze3A, %sign3A : i32
    %sign3A_18 = arith.extui %sign3A_17 : i1 to i32
    %sign3A_19 = arith.constant 0 : i32
    %sign3A_20 = arith.cmpi slt, %squeeze3A, %sign3A_19 : i32
    %sign3A_21 = arith.extui %sign3A_20 : i1 to i32
    %sign3A_22 = arith.subi %sign3A_18, %sign3A_21 : i32
    %sign3A_23 = arith.constant 0 : i32
    %sign3A_24 = arith.cmpi sgt, %jit3A, %sign3A_23 : i32
    %sign3A_25 = arith.extui %sign3A_24 : i1 to i32
    %sign3A_26 = arith.constant 0 : i32
    %sign3A_27 = arith.cmpi slt, %jit3A, %sign3A_26 : i32
    %sign3A_28 = arith.extui %sign3A_27 : i1 to i32
    %sign3A_29 = arith.subi %sign3A_25, %sign3A_28 : i32
    %ne3A = arith.cmpi ne, %sign3A_22, %sign3A_29 : i32
    %rem3A = arith.remsi %squeeze3A, %jit3A : i32
    %ne3A_30 = arith.constant 0 : i32
    %ne3A_31 = arith.cmpi ne, %rem3A, %ne3A_30 : i32
    %and3A = arith.andi %ne3A, %ne3A_31 : i1
    %sub3A = arith.constant 1 : i32
    %sub3A_32 = arith.subi %div3A, %sub3A : i32
    %select_n3A = arith.select %and3A, %sub3A_32, %div3A : i32
    %mul3A_33 = arith.constant 8 : i32
    %mul3A_34 = arith.muli %select_n3A, %mul3A_33 : i32
    %sub3A_35 = arith.subi %squeeze3A_16, %mul3A_34 : i32
    %add3A_36 = arith.constant 511 : i32
    %add3A_37 = arith.addi %sub3A_35, %add3A_36 : i32
    %jit3A_38 = arith.constant 512 : i32
    %div3A_39 = arith.divsi %add3A_37, %jit3A_38 : i32
    %sign3A_40 = arith.constant 0 : i32
    %sign3A_41 = arith.cmpi sgt, %add3A_37, %sign3A_40 : i32
    %sign3A_42 = arith.extui %sign3A_41 : i1 to i32
    %sign3A_43 = arith.constant 0 : i32
    %sign3A_44 = arith.cmpi slt, %add3A_37, %sign3A_43 : i32
    %sign3A_45 = arith.extui %sign3A_44 : i1 to i32
    %sign3A_46 = arith.subi %sign3A_42, %sign3A_45 : i32
    %sign3A_47 = arith.constant 0 : i32
    %sign3A_48 = arith.cmpi sgt, %jit3A_38, %sign3A_47 : i32
    %sign3A_49 = arith.extui %sign3A_48 : i1 to i32
    %sign3A_50 = arith.constant 0 : i32
    %sign3A_51 = arith.cmpi slt, %jit3A_38, %sign3A_50 : i32
    %sign3A_52 = arith.extui %sign3A_51 : i1 to i32
    %sign3A_53 = arith.subi %sign3A_49, %sign3A_52 : i32
    %ne3A_54 = arith.cmpi ne, %sign3A_46, %sign3A_53 : i32
    %rem3A_55 = arith.remsi %add3A_37, %jit3A_38 : i32
    %ne3A_56 = arith.constant 0 : i32
    %ne3A_57 = arith.cmpi ne, %rem3A_55, %ne3A_56 : i32
    %and3A_58 = arith.andi %ne3A_54, %ne3A_57 : i1
    %sub3A_59 = arith.constant 1 : i32
    %sub3A_60 = arith.subi %div3A_39, %sub3A_59 : i32
    %select_n3A_61 = arith.select %and3A_58, %sub3A_60, %div3A_39 : i32
    %ge3A = arith.constant 1 : i32
    %ge3A_62 = arith.cmpi sge, %select_n3A_61, %ge3A : i32
    %convert_element_type3A = arith.extui %ge3A_62 : i1 to i32
    %cond3A = arith.constant 0 : i32
    %cond3A_63 = arith.cmpi ne, %convert_element_type3A, %cond3A : i32
    scf.if %cond3A_63 {
      %add3A_75 = arith.constant 0 : i32
      %add3A_76 = arith.addi %mul3A_34, %add3A_75 : i32
      %multiple_of3A_77 = tpu.assume_multiple %add3A_76, 8 : i32
      %dma_start3A_78 = arith.constant 0 : i32
      %dma_start3A_79 = arith.constant 0 : i32
      %dma_start3A_80 = tpu.memref_slice %arg9[%dma_start3A_78, %dma_start3A_79] : memref<2x512xi32, #tpu.memory_space<vmem>> -> memref<1x512xi32, #tpu.memory_space<vmem>>
      %dma_start3A_81 = tpu.memref_squeeze %dma_start3A_80 : memref<1x512xi32, #tpu.memory_space<vmem>> -> memref<512xi32, #tpu.memory_space<vmem>>
      %dma_start3A_82 = tpu.memref_slice %arg3[%multiple_of3A_77] : memref<269824xi32, #tpu.memory_space<hbm>> -> memref<512xi32, #tpu.memory_space<hbm>>
      %dma_start3A_83 = arith.constant 0 : i32
      %dma_start3A_84 = tpu.memref_slice %arg9[%dma_start3A_78, %dma_start3A_83] : memref<2x512xi32, #tpu.memory_space<vmem>> -> memref<1x512xi32, #tpu.memory_space<vmem>>
      %dma_start3A_85 = tpu.memref_squeeze %dma_start3A_84 : memref<1x512xi32, #tpu.memory_space<vmem>> -> memref<512xi32, #tpu.memory_space<vmem>>
      %dma_start3A_86 = tpu.memref_slice %arg3[%multiple_of3A_77] : memref<269824xi32, #tpu.memory_space<hbm>> -> memref<512xi32, #tpu.memory_space<hbm>>
      tpu.enqueue_dma source(%dma_start3A_86 : memref<512xi32, #tpu.memory_space<hbm>>) target(%dma_start3A_85 : memref<512xi32, #tpu.memory_space<vmem>>) target_semaphore(%arg14 : memref<!tpu.dma_semaphore, #tpu.memory_space<semaphore_mem>>)
      %dma_start3A_87 = arith.constant 0 : i32
      %dma_start3A_88 = arith.constant 0 : i32
      %dma_start3A_89 = tpu.memref_slice %arg10[%dma_start3A_87, %dma_start3A_88] : memref<2x512xi32, #tpu.memory_space<vmem>> -> memref<1x512xi32, #tpu.memory_space<vmem>>
      %dma_start3A_90 = tpu.memref_squeeze %dma_start3A_89 : memref<1x512xi32, #tpu.memory_space<vmem>> -> memref<512xi32, #tpu.memory_space<vmem>>
      %dma_start3A_91 = tpu.memref_slice %arg4[%multiple_of3A_77] : memref<269824xi32, #tpu.memory_space<hbm>> -> memref<512xi32, #tpu.memory_space<hbm>>
      %dma_start3A_92 = arith.constant 0 : i32
      %dma_start3A_93 = tpu.memref_slice %arg10[%dma_start3A_87, %dma_start3A_92] : memref<2x512xi32, #tpu.memory_space<vmem>> -> memref<1x512xi32, #tpu.memory_space<vmem>>
      %dma_start3A_94 = tpu.memref_squeeze %dma_start3A_93 : memref<1x512xi32, #tpu.memory_space<vmem>> -> memref<512xi32, #tpu.memory_space<vmem>>
      %dma_start3A_95 = tpu.memref_slice %arg4[%multiple_of3A_77] : memref<269824xi32, #tpu.memory_space<hbm>> -> memref<512xi32, #tpu.memory_space<hbm>>
      tpu.enqueue_dma source(%dma_start3A_95 : memref<512xi32, #tpu.memory_space<hbm>>) target(%dma_start3A_94 : memref<512xi32, #tpu.memory_space<vmem>>) target_semaphore(%arg14 : memref<!tpu.dma_semaphore, #tpu.memory_space<semaphore_mem>>)
      %dma_start3A_96 = arith.constant 0 : i32
      %dma_start3A_97 = arith.constant 0 : i32
      %dma_start3A_98 = tpu.memref_slice %arg11[%dma_start3A_96, %dma_start3A_97] : memref<2x512xf32, #tpu.memory_space<vmem>> -> memref<1x512xf32, #tpu.memory_space<vmem>>
      %dma_start3A_99 = tpu.memref_squeeze %dma_start3A_98 : memref<1x512xf32, #tpu.memory_space<vmem>> -> memref<512xf32, #tpu.memory_space<vmem>>
      %dma_start3A_100 = tpu.memref_slice %arg5[%multiple_of3A_77] : memref<269824xf32, #tpu.memory_space<hbm>> -> memref<512xf32, #tpu.memory_space<hbm>>
      %dma_start3A_101 = arith.constant 0 : i32
      %dma_start3A_102 = tpu.memref_slice %arg11[%dma_start3A_96, %dma_start3A_101] : memref<2x512xf32, #tpu.memory_space<vmem>> -> memref<1x512xf32, #tpu.memory_space<vmem>>
      %dma_start3A_103 = tpu.memref_squeeze %dma_start3A_102 : memref<1x512xf32, #tpu.memory_space<vmem>> -> memref<512xf32, #tpu.memory_space<vmem>>
      %dma_start3A_104 = tpu.memref_slice %arg5[%multiple_of3A_77] : memref<269824xf32, #tpu.memory_space<hbm>> -> memref<512xf32, #tpu.memory_space<hbm>>
      tpu.enqueue_dma source(%dma_start3A_104 : memref<512xf32, #tpu.memory_space<hbm>>) target(%dma_start3A_103 : memref<512xf32, #tpu.memory_space<vmem>>) target_semaphore(%arg14 : memref<!tpu.dma_semaphore, #tpu.memory_space<semaphore_mem>>)
      %add3A_105 = arith.constant 0 : i32
      %add3A_106 = arith.addi %mul3A_34, %add3A_105 : i32
      %multiple_of3A_107 = tpu.assume_multiple %add3A_106, 8 : i32
      %dma_wait3A_108 = arith.constant 0 : i32
      %dma_wait3A_109 = arith.constant 0 : i32
      %dma_wait3A_110 = tpu.memref_slice %arg9[%dma_wait3A_108, %dma_wait3A_109] : memref<2x512xi32, #tpu.memory_space<vmem>> -> memref<1x512xi32, #tpu.memory_space<vmem>>
      %dma_wait3A_111 = tpu.memref_squeeze %dma_wait3A_110 : memref<1x512xi32, #tpu.memory_space<vmem>> -> memref<512xi32, #tpu.memory_space<vmem>>
      %dma_wait3A_112 = tpu.memref_slice %arg3[%multiple_of3A_107] : memref<269824xi32, #tpu.memory_space<hbm>> -> memref<512xi32, #tpu.memory_space<hbm>>
      %dma_wait3A_113 = arith.constant 0 : i32
      %dma_wait3A_114 = tpu.memref_slice %arg9[%dma_wait3A_108, %dma_wait3A_113] : memref<2x512xi32, #tpu.memory_space<vmem>> -> memref<1x512xi32, #tpu.memory_space<vmem>>
      %dma_wait3A_115 = tpu.memref_squeeze %dma_wait3A_114 : memref<1x512xi32, #tpu.memory_space<vmem>> -> memref<512xi32, #tpu.memory_space<vmem>>
      %dma_wait3A_116 = tpu.memref_slice %arg3[%multiple_of3A_107] : memref<269824xi32, #tpu.memory_space<hbm>> -> memref<512xi32, #tpu.memory_space<hbm>>
      tpu.wait_dma2 semaphore(%arg14 : memref<!tpu.dma_semaphore, #tpu.memory_space<semaphore_mem>>) src(%dma_wait3A_116 : memref<512xi32, #tpu.memory_space<hbm>>) dst(%dma_wait3A_115 : memref<512xi32, #tpu.memory_space<vmem>>)
      %dma_wait3A_117 = arith.constant 0 : i32
      %dma_wait3A_118 = arith.constant 0 : i32
      %dma_wait3A_119 = tpu.memref_slice %arg10[%dma_wait3A_117, %dma_wait3A_118] : memref<2x512xi32, #tpu.memory_space<vmem>> -> memref<1x512xi32, #tpu.memory_space<vmem>>
      %dma_wait3A_120 = tpu.memref_squeeze %dma_wait3A_119 : memref<1x512xi32, #tpu.memory_space<vmem>> -> memref<512xi32, #tpu.memory_space<vmem>>
      %dma_wait3A_121 = tpu.memref_slice %arg4[%multiple_of3A_107] : memref<269824xi32, #tpu.memory_space<hbm>> -> memref<512xi32, #tpu.memory_space<hbm>>
      %dma_wait3A_122 = arith.constant 0 : i32
      %dma_wait3A_123 = tpu.memref_slice %arg10[%dma_wait3A_117, %dma_wait3A_122] : memref<2x512xi32, #tpu.memory_space<vmem>> -> memref<1x512xi32, #tpu.memory_space<vmem>>
      %dma_wait3A_124 = tpu.memref_squeeze %dma_wait3A_123 : memref<1x512xi32, #tpu.memory_space<vmem>> -> memref<512xi32, #tpu.memory_space<vmem>>
      %dma_wait3A_125 = tpu.memref_slice %arg4[%multiple_of3A_107] : memref<269824xi32, #tpu.memory_space<hbm>> -> memref<512xi32, #tpu.memory_space<hbm>>
      tpu.wait_dma2 semaphore(%arg14 : memref<!tpu.dma_semaphore, #tpu.memory_space<semaphore_mem>>) src(%dma_wait3A_125 : memref<512xi32, #tpu.memory_space<hbm>>) dst(%dma_wait3A_124 : memref<512xi32, #tpu.memory_space<vmem>>)
      %dma_wait3A_126 = arith.constant 0 : i32
      %dma_wait3A_127 = arith.constant 0 : i32
      %dma_wait3A_128 = tpu.memref_slice %arg11[%dma_wait3A_126, %dma_wait3A_127] : memref<2x512xf32, #tpu.memory_space<vmem>> -> memref<1x512xf32, #tpu.memory_space<vmem>>
      %dma_wait3A_129 = tpu.memref_squeeze %dma_wait3A_128 : memref<1x512xf32, #tpu.memory_space<vmem>> -> memref<512xf32, #tpu.memory_space<vmem>>
      %dma_wait3A_130 = tpu.memref_slice %arg5[%multiple_of3A_107] : memref<269824xf32, #tpu.memory_space<hbm>> -> memref<512xf32, #tpu.memory_space<hbm>>
      %dma_wait3A_131 = arith.constant 0 : i32
      %dma_wait3A_132 = tpu.memref_slice %arg11[%dma_wait3A_126, %dma_wait3A_131] : memref<2x512xf32, #tpu.memory_space<vmem>> -> memref<1x512xf32, #tpu.memory_space<vmem>>
      %dma_wait3A_133 = tpu.memref_squeeze %dma_wait3A_132 : memref<1x512xf32, #tpu.memory_space<vmem>> -> memref<512xf32, #tpu.memory_space<vmem>>
      %dma_wait3A_134 = tpu.memref_slice %arg5[%multiple_of3A_107] : memref<269824xf32, #tpu.memory_space<hbm>> -> memref<512xf32, #tpu.memory_space<hbm>>
      tpu.wait_dma2 semaphore(%arg14 : memref<!tpu.dma_semaphore, #tpu.memory_space<semaphore_mem>>) src(%dma_wait3A_134 : memref<512xf32, #tpu.memory_space<hbm>>) dst(%dma_wait3A_133 : memref<512xf32, #tpu.memory_space<vmem>>)
      %dma_start3A_135 = arith.constant 0 : i32
      %dma_start3A_136 = arith.constant 0 : i32
      %dma_start3A_137 = arith.constant 0 : i32
      %dma_start3A_138 = arith.constant 0 : i32
      %dma_start3A_139 = tpu.memref_slice %arg12[%dma_start3A_136, %dma_start3A_137, %dma_start3A_138] : memref<2x512x64xf32, #tpu.memory_space<vmem>> -> memref<1x128x64xf32, #tpu.memory_space<vmem>>
      %dma_start3A_140 = tpu.memref_squeeze %dma_start3A_139 : memref<1x128x64xf32, #tpu.memory_space<vmem>> -> memref<128x64xf32, #tpu.memory_space<vmem>>
      %dma_start3A_141 = arith.constant 0 : i32
      %dma_start3A_142 = tpu.memref_slice %arg9[%dma_start3A_135, %dma_start3A_141] : memref<2x512xi32, #tpu.memory_space<vmem>> -> memref<1x128xi32, #tpu.memory_space<vmem>>
      %dma_start3A_143 = tpu.memref_squeeze %dma_start3A_142 : memref<1x128xi32, #tpu.memory_space<vmem>> -> memref<128xi32, #tpu.memory_space<vmem>>
      %dma_start3A_144 = arith.constant 0 : i32
      %dma_start3A_145 = arith.constant 0 : i32
      %dma_start3A_146 = tpu.memref_slice %arg6[%dma_start3A_144, %dma_start3A_145] : memref<16384x64xf32, #tpu.memory_space<hbm>> -> memref<16384x64xf32, #tpu.memory_space<hbm>>
      tpu.enqueue_indirect_dma source(%dma_start3A_146 : memref<16384x64xf32, #tpu.memory_space<hbm>>) target(%dma_start3A_140 : memref<128x64xf32, #tpu.memory_space<vmem>>) offsets(%dma_start3A_143 : memref<128xi32, #tpu.memory_space<vmem>>) semaphore(%arg15 : memref<!tpu.dma_semaphore, #tpu.memory_space<semaphore_mem>>)
      %dma_start3A_147 = arith.constant 0 : i32
      %dma_start3A_148 = arith.constant 0 : i32
      %dma_start3A_149 = arith.constant 128 : i32
      %dma_start3A_150 = arith.constant 0 : i32
      %dma_start3A_151 = tpu.memref_slice %arg12[%dma_start3A_148, %dma_start3A_149, %dma_start3A_150] : memref<2x512x64xf32, #tpu.memory_space<vmem>> -> memref<1x128x64xf32, #tpu.memory_space<vmem>>
      %dma_start3A_152 = tpu.memref_squeeze %dma_start3A_151 : memref<1x128x64xf32, #tpu.memory_space<vmem>> -> memref<128x64xf32, #tpu.memory_space<vmem>>
      %dma_start3A_153 = arith.constant 128 : i32
      %dma_start3A_154 = tpu.memref_slice %arg9[%dma_start3A_147, %dma_start3A_153] : memref<2x512xi32, #tpu.memory_space<vmem>> -> memref<1x128xi32, #tpu.memory_space<vmem>>
      %dma_start3A_155 = tpu.memref_squeeze %dma_start3A_154 : memref<1x128xi32, #tpu.memory_space<vmem>> -> memref<128xi32, #tpu.memory_space<vmem>>
      %dma_start3A_156 = arith.constant 0 : i32
      %dma_start3A_157 = arith.constant 0 : i32
      %dma_start3A_158 = tpu.memref_slice %arg6[%dma_start3A_156, %dma_start3A_157] : memref<16384x64xf32, #tpu.memory_space<hbm>> -> memref<16384x64xf32, #tpu.memory_space<hbm>>
      tpu.enqueue_indirect_dma source(%dma_start3A_158 : memref<16384x64xf32, #tpu.memory_space<hbm>>) target(%dma_start3A_152 : memref<128x64xf32, #tpu.memory_space<vmem>>) offsets(%dma_start3A_155 : memref<128xi32, #tpu.memory_space<vmem>>) semaphore(%arg15 : memref<!tpu.dma_semaphore, #tpu.memory_space<semaphore_mem>>)
      %dma_start3A_159 = arith.constant 0 : i32
      %dma_start3A_160 = arith.constant 0 : i32
      %dma_start3A_161 = arith.constant 256 : i32
      %dma_start3A_162 = arith.constant 0 : i32
      %dma_start3A_163 = tpu.memref_slice %arg12[%dma_start3A_160, %dma_start3A_161, %dma_start3A_162] : memref<2x512x64xf32, #tpu.memory_space<vmem>> -> memref<1x128x64xf32, #tpu.memory_space<vmem>>
      %dma_start3A_164 = tpu.memref_squeeze %dma_start3A_163 : memref<1x128x64xf32, #tpu.memory_space<vmem>> -> memref<128x64xf32, #tpu.memory_space<vmem>>
      %dma_start3A_165 = arith.constant 256 : i32
      %dma_start3A_166 = tpu.memref_slice %arg9[%dma_start3A_159, %dma_start3A_165] : memref<2x512xi32, #tpu.memory_space<vmem>> -> memref<1x128xi32, #tpu.memory_space<vmem>>
      %dma_start3A_167 = tpu.memref_squeeze %dma_start3A_166 : memref<1x128xi32, #tpu.memory_space<vmem>> -> memref<128xi32, #tpu.memory_space<vmem>>
      %dma_start3A_168 = arith.constant 0 : i32
      %dma_start3A_169 = arith.constant 0 : i32
      %dma_start3A_170 = tpu.memref_slice %arg6[%dma_start3A_168, %dma_start3A_169] : memref<16384x64xf32, #tpu.memory_space<hbm>> -> memref<16384x64xf32, #tpu.memory_space<hbm>>
      tpu.enqueue_indirect_dma source(%dma_start3A_170 : memref<16384x64xf32, #tpu.memory_space<hbm>>) target(%dma_start3A_164 : memref<128x64xf32, #tpu.memory_space<vmem>>) offsets(%dma_start3A_167 : memref<128xi32, #tpu.memory_space<vmem>>) semaphore(%arg15 : memref<!tpu.dma_semaphore, #tpu.memory_space<semaphore_mem>>)
      %dma_start3A_171 = arith.constant 0 : i32
      %dma_start3A_172 = arith.constant 0 : i32
      %dma_start3A_173 = arith.constant 384 : i32
      %dma_start3A_174 = arith.constant 0 : i32
      %dma_start3A_175 = tpu.memref_slice %arg12[%dma_start3A_172, %dma_start3A_173, %dma_start3A_174] : memref<2x512x64xf32, #tpu.memory_space<vmem>> -> memref<1x128x64xf32, #tpu.memory_space<vmem>>
      %dma_start3A_176 = tpu.memref_squeeze %dma_start3A_175 : memref<1x128x64xf32, #tpu.memory_space<vmem>> -> memref<128x64xf32, #tpu.memory_space<vmem>>
      %dma_start3A_177 = arith.constant 384 : i32
      %dma_start3A_178 = tpu.memref_slice %arg9[%dma_start3A_171, %dma_start3A_177] : memref<2x512xi32, #tpu.memory_space<vmem>> -> memref<1x128xi32, #tpu.memory_space<vmem>>
      %dma_start3A_179 = tpu.memref_squeeze %dma_start3A_178 : memref<1x128xi32, #tpu.memory_space<vmem>> -> memref<128xi32, #tpu.memory_space<vmem>>
      %dma_start3A_180 = arith.constant 0 : i32
      %dma_start3A_181 = arith.constant 0 : i32
      %dma_start3A_182 = tpu.memref_slice %arg6[%dma_start3A_180, %dma_start3A_181] : memref<16384x64xf32, #tpu.memory_space<hbm>> -> memref<16384x64xf32, #tpu.memory_space<hbm>>
      tpu.enqueue_indirect_dma source(%dma_start3A_182 : memref<16384x64xf32, #tpu.memory_space<hbm>>) target(%dma_start3A_176 : memref<128x64xf32, #tpu.memory_space<vmem>>) offsets(%dma_start3A_179 : memref<128xi32, #tpu.memory_space<vmem>>) semaphore(%arg15 : memref<!tpu.dma_semaphore, #tpu.memory_space<semaphore_mem>>)
      %ge3A_183 = arith.constant 2 : i32
      %ge3A_184 = arith.cmpi sge, %select_n3A_61, %ge3A_183 : i32
      %convert_element_type3A_185 = arith.extui %ge3A_184 : i1 to i32
      %cond3A_186 = arith.constant 0 : i32
      %cond3A_187 = arith.cmpi ne, %convert_element_type3A_185, %cond3A_186 : i32
      scf.if %cond3A_187 {
        %add3A_188 = arith.constant 512 : i32
        %add3A_189 = arith.addi %mul3A_34, %add3A_188 : i32
        %multiple_of3A_190 = tpu.assume_multiple %add3A_189, 8 : i32
        %dma_start3A_191 = arith.constant 1 : i32
        %dma_start3A_192 = arith.constant 0 : i32
        %dma_start3A_193 = tpu.memref_slice %arg9[%dma_start3A_191, %dma_start3A_192] : memref<2x512xi32, #tpu.memory_space<vmem>> -> memref<1x512xi32, #tpu.memory_space<vmem>>
        %dma_start3A_194 = tpu.memref_squeeze %dma_start3A_193 : memref<1x512xi32, #tpu.memory_space<vmem>> -> memref<512xi32, #tpu.memory_space<vmem>>
        %dma_start3A_195 = tpu.memref_slice %arg3[%multiple_of3A_190] : memref<269824xi32, #tpu.memory_space<hbm>> -> memref<512xi32, #tpu.memory_space<hbm>>
        %dma_start3A_196 = arith.constant 0 : i32
        %dma_start3A_197 = tpu.memref_slice %arg9[%dma_start3A_191, %dma_start3A_196] : memref<2x512xi32, #tpu.memory_space<vmem>> -> memref<1x512xi32, #tpu.memory_space<vmem>>
        %dma_start3A_198 = tpu.memref_squeeze %dma_start3A_197 : memref<1x512xi32, #tpu.memory_space<vmem>> -> memref<512xi32, #tpu.memory_space<vmem>>
        %dma_start3A_199 = tpu.memref_slice %arg3[%multiple_of3A_190] : memref<269824xi32, #tpu.memory_space<hbm>> -> memref<512xi32, #tpu.memory_space<hbm>>
        tpu.enqueue_dma source(%dma_start3A_199 : memref<512xi32, #tpu.memory_space<hbm>>) target(%dma_start3A_198 : memref<512xi32, #tpu.memory_space<vmem>>) target_semaphore(%arg14 : memref<!tpu.dma_semaphore, #tpu.memory_space<semaphore_mem>>)
        %dma_start3A_200 = arith.constant 1 : i32
        %dma_start3A_201 = arith.constant 0 : i32
        %dma_start3A_202 = tpu.memref_slice %arg10[%dma_start3A_200, %dma_start3A_201] : memref<2x512xi32, #tpu.memory_space<vmem>> -> memref<1x512xi32, #tpu.memory_space<vmem>>
        %dma_start3A_203 = tpu.memref_squeeze %dma_start3A_202 : memref<1x512xi32, #tpu.memory_space<vmem>> -> memref<512xi32, #tpu.memory_space<vmem>>
        %dma_start3A_204 = tpu.memref_slice %arg4[%multiple_of3A_190] : memref<269824xi32, #tpu.memory_space<hbm>> -> memref<512xi32, #tpu.memory_space<hbm>>
        %dma_start3A_205 = arith.constant 0 : i32
        %dma_start3A_206 = tpu.memref_slice %arg10[%dma_start3A_200, %dma_start3A_205] : memref<2x512xi32, #tpu.memory_space<vmem>> -> memref<1x512xi32, #tpu.memory_space<vmem>>
        %dma_start3A_207 = tpu.memref_squeeze %dma_start3A_206 : memref<1x512xi32, #tpu.memory_space<vmem>> -> memref<512xi32, #tpu.memory_space<vmem>>
        %dma_start3A_208 = tpu.memref_slice %arg4[%multiple_of3A_190] : memref<269824xi32, #tpu.memory_space<hbm>> -> memref<512xi32, #tpu.memory_space<hbm>>
        tpu.enqueue_dma source(%dma_start3A_208 : memref<512xi32, #tpu.memory_space<hbm>>) target(%dma_start3A_207 : memref<512xi32, #tpu.memory_space<vmem>>) target_semaphore(%arg14 : memref<!tpu.dma_semaphore, #tpu.memory_space<semaphore_mem>>)
        %dma_start3A_209 = arith.constant 1 : i32
        %dma_start3A_210 = arith.constant 0 : i32
        %dma_start3A_211 = tpu.memref_slice %arg11[%dma_start3A_209, %dma_start3A_210] : memref<2x512xf32, #tpu.memory_space<vmem>> -> memref<1x512xf32, #tpu.memory_space<vmem>>
        %dma_start3A_212 = tpu.memref_squeeze %dma_start3A_211 : memref<1x512xf32, #tpu.memory_space<vmem>> -> memref<512xf32, #tpu.memory_space<vmem>>
        %dma_start3A_213 = tpu.memref_slice %arg5[%multiple_of3A_190] : memref<269824xf32, #tpu.memory_space<hbm>> -> memref<512xf32, #tpu.memory_space<hbm>>
        %dma_start3A_214 = arith.constant 0 : i32
        %dma_start3A_215 = tpu.memref_slice %arg11[%dma_start3A_209, %dma_start3A_214] : memref<2x512xf32, #tpu.memory_space<vmem>> -> memref<1x512xf32, #tpu.memory_space<vmem>>
        %dma_start3A_216 = tpu.memref_squeeze %dma_start3A_215 : memref<1x512xf32, #tpu.memory_space<vmem>> -> memref<512xf32, #tpu.memory_space<vmem>>
        %dma_start3A_217 = tpu.memref_slice %arg5[%multiple_of3A_190] : memref<269824xf32, #tpu.memory_space<hbm>> -> memref<512xf32, #tpu.memory_space<hbm>>
        tpu.enqueue_dma source(%dma_start3A_217 : memref<512xf32, #tpu.memory_space<hbm>>) target(%dma_start3A_216 : memref<512xf32, #tpu.memory_space<vmem>>) target_semaphore(%arg14 : memref<!tpu.dma_semaphore, #tpu.memory_space<semaphore_mem>>)
      } else {
      }
    } else {
    }
    %while3A = arith.constant 0 : i32
    %while3A_64 = arith.constant 0 : i32
    %while3A_65 = arith.subi %select_n3A_61, %while3A : i32
    %while3A_66 = arith.addi %while3A, %while3A_65 : i32
    %while3A_67 = arith.constant 1 : i32
    %while3A_68 = arith.divsi %while3A_65, %while3A_67 : i32
    %while3A_69 = arith.muli %while3A_68, %while3A_67 : i32
    %while3A_70 = arith.addi %while3A, %while3A_69 : i32
    %while3A_71 = arith.constant 1 : i32
    %while3A_72 = scf.for %while3A_75 = %while3A to %while3A_70 step %while3A_71 iter_args(%while3A_76 = %while3A_64) -> (i32)  : i32 {
      %and3A_77 = arith.constant 1 : i32
      %and3A_78 = arith.andi %while3A_75, %and3A_77 : i32
      %dma_wait3A_79 = arith.constant 0 : i32
      %dma_wait3A_80 = arith.constant 0 : i32
      %dma_wait3A_81 = tpu.memref_slice %arg12[%and3A_78, %dma_wait3A_79, %dma_wait3A_80] : memref<2x512x64xf32, #tpu.memory_space<vmem>> -> memref<1x128x64xf32, #tpu.memory_space<vmem>>
      %dma_wait3A_82 = tpu.memref_squeeze %dma_wait3A_81 : memref<1x128x64xf32, #tpu.memory_space<vmem>> -> memref<128x64xf32, #tpu.memory_space<vmem>>
      %dma_wait3A_83 = arith.constant 0 : i32
      %dma_wait3A_84 = tpu.memref_slice %arg9[%and3A_78, %dma_wait3A_83] : memref<2x512xi32, #tpu.memory_space<vmem>> -> memref<1x128xi32, #tpu.memory_space<vmem>>
      %dma_wait3A_85 = tpu.memref_squeeze %dma_wait3A_84 : memref<1x128xi32, #tpu.memory_space<vmem>> -> memref<128xi32, #tpu.memory_space<vmem>>
      %dma_wait3A_86 = arith.constant 0 : i32
      %dma_wait3A_87 = arith.constant 0 : i32
      %dma_wait3A_88 = tpu.memref_slice %arg6[%dma_wait3A_86, %dma_wait3A_87] : memref<16384x64xf32, #tpu.memory_space<hbm>> -> memref<16384x64xf32, #tpu.memory_space<hbm>>
      tpu.wait_indirect_dma semaphore(%arg15 : memref<!tpu.dma_semaphore, #tpu.memory_space<semaphore_mem>>) src(%dma_wait3A_88 : memref<16384x64xf32, #tpu.memory_space<hbm>>) dst(%dma_wait3A_82 : memref<128x64xf32, #tpu.memory_space<vmem>>)
      %dma_wait3A_89 = arith.constant 128 : i32
      %dma_wait3A_90 = arith.constant 0 : i32
      %dma_wait3A_91 = tpu.memref_slice %arg12[%and3A_78, %dma_wait3A_89, %dma_wait3A_90] : memref<2x512x64xf32, #tpu.memory_space<vmem>> -> memref<1x128x64xf32, #tpu.memory_space<vmem>>
      %dma_wait3A_92 = tpu.memref_squeeze %dma_wait3A_91 : memref<1x128x64xf32, #tpu.memory_space<vmem>> -> memref<128x64xf32, #tpu.memory_space<vmem>>
      %dma_wait3A_93 = arith.constant 128 : i32
      %dma_wait3A_94 = tpu.memref_slice %arg9[%and3A_78, %dma_wait3A_93] : memref<2x512xi32, #tpu.memory_space<vmem>> -> memref<1x128xi32, #tpu.memory_space<vmem>>
      %dma_wait3A_95 = tpu.memref_squeeze %dma_wait3A_94 : memref<1x128xi32, #tpu.memory_space<vmem>> -> memref<128xi32, #tpu.memory_space<vmem>>
      %dma_wait3A_96 = arith.constant 0 : i32
      %dma_wait3A_97 = arith.constant 0 : i32
      %dma_wait3A_98 = tpu.memref_slice %arg6[%dma_wait3A_96, %dma_wait3A_97] : memref<16384x64xf32, #tpu.memory_space<hbm>> -> memref<16384x64xf32, #tpu.memory_space<hbm>>
      tpu.wait_indirect_dma semaphore(%arg15 : memref<!tpu.dma_semaphore, #tpu.memory_space<semaphore_mem>>) src(%dma_wait3A_98 : memref<16384x64xf32, #tpu.memory_space<hbm>>) dst(%dma_wait3A_92 : memref<128x64xf32, #tpu.memory_space<vmem>>)
      %dma_wait3A_99 = arith.constant 256 : i32
      %dma_wait3A_100 = arith.constant 0 : i32
      %dma_wait3A_101 = tpu.memref_slice %arg12[%and3A_78, %dma_wait3A_99, %dma_wait3A_100] : memref<2x512x64xf32, #tpu.memory_space<vmem>> -> memref<1x128x64xf32, #tpu.memory_space<vmem>>
      %dma_wait3A_102 = tpu.memref_squeeze %dma_wait3A_101 : memref<1x128x64xf32, #tpu.memory_space<vmem>> -> memref<128x64xf32, #tpu.memory_space<vmem>>
      %dma_wait3A_103 = arith.constant 256 : i32
      %dma_wait3A_104 = tpu.memref_slice %arg9[%and3A_78, %dma_wait3A_103] : memref<2x512xi32, #tpu.memory_space<vmem>> -> memref<1x128xi32, #tpu.memory_space<vmem>>
      %dma_wait3A_105 = tpu.memref_squeeze %dma_wait3A_104 : memref<1x128xi32, #tpu.memory_space<vmem>> -> memref<128xi32, #tpu.memory_space<vmem>>
      %dma_wait3A_106 = arith.constant 0 : i32
      %dma_wait3A_107 = arith.constant 0 : i32
      %dma_wait3A_108 = tpu.memref_slice %arg6[%dma_wait3A_106, %dma_wait3A_107] : memref<16384x64xf32, #tpu.memory_space<hbm>> -> memref<16384x64xf32, #tpu.memory_space<hbm>>
      tpu.wait_indirect_dma semaphore(%arg15 : memref<!tpu.dma_semaphore, #tpu.memory_space<semaphore_mem>>) src(%dma_wait3A_108 : memref<16384x64xf32, #tpu.memory_space<hbm>>) dst(%dma_wait3A_102 : memref<128x64xf32, #tpu.memory_space<vmem>>)
      %dma_wait3A_109 = arith.constant 384 : i32
      %dma_wait3A_110 = arith.constant 0 : i32
      %dma_wait3A_111 = tpu.memref_slice %arg12[%and3A_78, %dma_wait3A_109, %dma_wait3A_110] : memref<2x512x64xf32, #tpu.memory_space<vmem>> -> memref<1x128x64xf32, #tpu.memory_space<vmem>>
      %dma_wait3A_112 = tpu.memref_squeeze %dma_wait3A_111 : memref<1x128x64xf32, #tpu.memory_space<vmem>> -> memref<128x64xf32, #tpu.memory_space<vmem>>
      %dma_wait3A_113 = arith.constant 384 : i32
      %dma_wait3A_114 = tpu.memref_slice %arg9[%and3A_78, %dma_wait3A_113] : memref<2x512xi32, #tpu.memory_space<vmem>> -> memref<1x128xi32, #tpu.memory_space<vmem>>
      %dma_wait3A_115 = tpu.memref_squeeze %dma_wait3A_114 : memref<1x128xi32, #tpu.memory_space<vmem>> -> memref<128xi32, #tpu.memory_space<vmem>>
      %dma_wait3A_116 = arith.constant 0 : i32
      %dma_wait3A_117 = arith.constant 0 : i32
      %dma_wait3A_118 = tpu.memref_slice %arg6[%dma_wait3A_116, %dma_wait3A_117] : memref<16384x64xf32, #tpu.memory_space<hbm>> -> memref<16384x64xf32, #tpu.memory_space<hbm>>
      tpu.wait_indirect_dma semaphore(%arg15 : memref<!tpu.dma_semaphore, #tpu.memory_space<semaphore_mem>>) src(%dma_wait3A_118 : memref<16384x64xf32, #tpu.memory_space<hbm>>) dst(%dma_wait3A_112 : memref<128x64xf32, #tpu.memory_space<vmem>>)
      %add3A_119 = arith.constant 1 : i32
      %add3A_120 = arith.addi %while3A_75, %add3A_119 : i32
      %lt3A = arith.cmpi slt, %add3A_120, %select_n3A_61 : i32
      %convert_element_type3A_121 = arith.extui %lt3A : i1 to i32
      %cond3A_122 = arith.constant 0 : i32
      %cond3A_123 = arith.cmpi ne, %convert_element_type3A_121, %cond3A_122 : i32
      scf.if %cond3A_123 {
        %add3A_140 = arith.constant 1 : i32
        %add3A_141 = arith.addi %while3A_75, %add3A_140 : i32
        %sub3A_142 = arith.constant 1 : i32
        %sub3A_143 = arith.subi %sub3A_142, %and3A_78 : i32
        %mul3A_144 = arith.constant 512 : i32
        %mul3A_145 = arith.muli %add3A_141, %mul3A_144 : i32
        %add3A_146 = arith.addi %mul3A_34, %mul3A_145 : i32
        %multiple_of3A_147 = tpu.assume_multiple %add3A_146, 8 : i32
        %dma_wait3A_148 = arith.constant 0 : i32
        %dma_wait3A_149 = tpu.memref_slice %arg9[%sub3A_143, %dma_wait3A_148] : memref<2x512xi32, #tpu.memory_space<vmem>> -> memref<1x512xi32, #tpu.memory_space<vmem>>
        %dma_wait3A_150 = tpu.memref_squeeze %dma_wait3A_149 : memref<1x512xi32, #tpu.memory_space<vmem>> -> memref<512xi32, #tpu.memory_space<vmem>>
        %dma_wait3A_151 = tpu.memref_slice %arg3[%multiple_of3A_147] : memref<269824xi32, #tpu.memory_space<hbm>> -> memref<512xi32, #tpu.memory_space<hbm>>
        %dma_wait3A_152 = arith.constant 0 : i32
        %dma_wait3A_153 = tpu.memref_slice %arg9[%sub3A_143, %dma_wait3A_152] : memref<2x512xi32, #tpu.memory_space<vmem>> -> memref<1x512xi32, #tpu.memory_space<vmem>>
        %dma_wait3A_154 = tpu.memref_squeeze %dma_wait3A_153 : memref<1x512xi32, #tpu.memory_space<vmem>> -> memref<512xi32, #tpu.memory_space<vmem>>
        %dma_wait3A_155 = tpu.memref_slice %arg3[%multiple_of3A_147] : memref<269824xi32, #tpu.memory_space<hbm>> -> memref<512xi32, #tpu.memory_space<hbm>>
        tpu.wait_dma2 semaphore(%arg14 : memref<!tpu.dma_semaphore, #tpu.memory_space<semaphore_mem>>) src(%dma_wait3A_155 : memref<512xi32, #tpu.memory_space<hbm>>) dst(%dma_wait3A_154 : memref<512xi32, #tpu.memory_space<vmem>>)
        %dma_wait3A_156 = arith.constant 0 : i32
        %dma_wait3A_157 = tpu.memref_slice %arg10[%sub3A_143, %dma_wait3A_156] : memref<2x512xi32, #tpu.memory_space<vmem>> -> memref<1x512xi32, #tpu.memory_space<vmem>>
        %dma_wait3A_158 = tpu.memref_squeeze %dma_wait3A_157 : memref<1x512xi32, #tpu.memory_space<vmem>> -> memref<512xi32, #tpu.memory_space<vmem>>
        %dma_wait3A_159 = tpu.memref_slice %arg4[%multiple_of3A_147] : memref<269824xi32, #tpu.memory_space<hbm>> -> memref<512xi32, #tpu.memory_space<hbm>>
        %dma_wait3A_160 = arith.constant 0 : i32
        %dma_wait3A_161 = tpu.memref_slice %arg10[%sub3A_143, %dma_wait3A_160] : memref<2x512xi32, #tpu.memory_space<vmem>> -> memref<1x512xi32, #tpu.memory_space<vmem>>
        %dma_wait3A_162 = tpu.memref_squeeze %dma_wait3A_161 : memref<1x512xi32, #tpu.memory_space<vmem>> -> memref<512xi32, #tpu.memory_space<vmem>>
        %dma_wait3A_163 = tpu.memref_slice %arg4[%multiple_of3A_147] : memref<269824xi32, #tpu.memory_space<hbm>> -> memref<512xi32, #tpu.memory_space<hbm>>
        tpu.wait_dma2 semaphore(%arg14 : memref<!tpu.dma_semaphore, #tpu.memory_space<semaphore_mem>>) src(%dma_wait3A_163 : memref<512xi32, #tpu.memory_space<hbm>>) dst(%dma_wait3A_162 : memref<512xi32, #tpu.memory_space<vmem>>)
        %dma_wait3A_164 = arith.constant 0 : i32
        %dma_wait3A_165 = tpu.memref_slice %arg11[%sub3A_143, %dma_wait3A_164] : memref<2x512xf32, #tpu.memory_space<vmem>> -> memref<1x512xf32, #tpu.memory_space<vmem>>
        %dma_wait3A_166 = tpu.memref_squeeze %dma_wait3A_165 : memref<1x512xf32, #tpu.memory_space<vmem>> -> memref<512xf32, #tpu.memory_space<vmem>>
        %dma_wait3A_167 = tpu.memref_slice %arg5[%multiple_of3A_147] : memref<269824xf32, #tpu.memory_space<hbm>> -> memref<512xf32, #tpu.memory_space<hbm>>
        %dma_wait3A_168 = arith.constant 0 : i32
        %dma_wait3A_169 = tpu.memref_slice %arg11[%sub3A_143, %dma_wait3A_168] : memref<2x512xf32, #tpu.memory_space<vmem>> -> memref<1x512xf32, #tpu.memory_space<vmem>>
        %dma_wait3A_170 = tpu.memref_squeeze %dma_wait3A_169 : memref<1x512xf32, #tpu.memory_space<vmem>> -> memref<512xf32, #tpu.memory_space<vmem>>
        %dma_wait3A_171 = tpu.memref_slice %arg5[%multiple_of3A_147] : memref<269824xf32, #tpu.memory_space<hbm>> -> memref<512xf32, #tpu.memory_space<hbm>>
        tpu.wait_dma2 semaphore(%arg14 : memref<!tpu.dma_semaphore, #tpu.memory_space<semaphore_mem>>) src(%dma_wait3A_171 : memref<512xf32, #tpu.memory_space<hbm>>) dst(%dma_wait3A_170 : memref<512xf32, #tpu.memory_space<vmem>>)
        %sub3A_172 = arith.constant 1 : i32
        %sub3A_173 = arith.subi %sub3A_172, %and3A_78 : i32
        %dma_start3A_174 = arith.constant 0 : i32
        %dma_start3A_175 = arith.constant 0 : i32
        %dma_start3A_176 = tpu.memref_slice %arg12[%sub3A_173, %dma_start3A_174, %dma_start3A_175] : memref<2x512x64xf32, #tpu.memory_space<vmem>> -> memref<1x128x64xf32, #tpu.memory_space<vmem>>
        %dma_start3A_177 = tpu.memref_squeeze %dma_start3A_176 : memref<1x128x64xf32, #tpu.memory_space<vmem>> -> memref<128x64xf32, #tpu.memory_space<vmem>>
        %dma_start3A_178 = arith.constant 0 : i32
        %dma_start3A_179 = tpu.memref_slice %arg9[%sub3A_173, %dma_start3A_178] : memref<2x512xi32, #tpu.memory_space<vmem>> -> memref<1x128xi32, #tpu.memory_space<vmem>>
        %dma_start3A_180 = tpu.memref_squeeze %dma_start3A_179 : memref<1x128xi32, #tpu.memory_space<vmem>> -> memref<128xi32, #tpu.memory_space<vmem>>
        %dma_start3A_181 = arith.constant 0 : i32
        %dma_start3A_182 = arith.constant 0 : i32
        %dma_start3A_183 = tpu.memref_slice %arg6[%dma_start3A_181, %dma_start3A_182] : memref<16384x64xf32, #tpu.memory_space<hbm>> -> memref<16384x64xf32, #tpu.memory_space<hbm>>
        tpu.enqueue_indirect_dma source(%dma_start3A_183 : memref<16384x64xf32, #tpu.memory_space<hbm>>) target(%dma_start3A_177 : memref<128x64xf32, #tpu.memory_space<vmem>>) offsets(%dma_start3A_180 : memref<128xi32, #tpu.memory_space<vmem>>) semaphore(%arg15 : memref<!tpu.dma_semaphore, #tpu.memory_space<semaphore_mem>>)
        %dma_start3A_184 = arith.constant 128 : i32
        %dma_start3A_185 = arith.constant 0 : i32
        %dma_start3A_186 = tpu.memref_slice %arg12[%sub3A_173, %dma_start3A_184, %dma_start3A_185] : memref<2x512x64xf32, #tpu.memory_space<vmem>> -> memref<1x128x64xf32, #tpu.memory_space<vmem>>
        %dma_start3A_187 = tpu.memref_squeeze %dma_start3A_186 : memref<1x128x64xf32, #tpu.memory_space<vmem>> -> memref<128x64xf32, #tpu.memory_space<vmem>>
        %dma_start3A_188 = arith.constant 128 : i32
        %dma_start3A_189 = tpu.memref_slice %arg9[%sub3A_173, %dma_start3A_188] : memref<2x512xi32, #tpu.memory_space<vmem>> -> memref<1x128xi32, #tpu.memory_space<vmem>>
        %dma_start3A_190 = tpu.memref_squeeze %dma_start3A_189 : memref<1x128xi32, #tpu.memory_space<vmem>> -> memref<128xi32, #tpu.memory_space<vmem>>
        %dma_start3A_191 = arith.constant 0 : i32
        %dma_start3A_192 = arith.constant 0 : i32
        %dma_start3A_193 = tpu.memref_slice %arg6[%dma_start3A_191, %dma_start3A_192] : memref<16384x64xf32, #tpu.memory_space<hbm>> -> memref<16384x64xf32, #tpu.memory_space<hbm>>
        tpu.enqueue_indirect_dma source(%dma_start3A_193 : memref<16384x64xf32, #tpu.memory_space<hbm>>) target(%dma_start3A_187 : memref<128x64xf32, #tpu.memory_space<vmem>>) offsets(%dma_start3A_190 : memref<128xi32, #tpu.memory_space<vmem>>) semaphore(%arg15 : memref<!tpu.dma_semaphore, #tpu.memory_space<semaphore_mem>>)
        %dma_start3A_194 = arith.constant 256 : i32
        %dma_start3A_195 = arith.constant 0 : i32
        %dma_start3A_196 = tpu.memref_slice %arg12[%sub3A_173, %dma_start3A_194, %dma_start3A_195] : memref<2x512x64xf32, #tpu.memory_space<vmem>> -> memref<1x128x64xf32, #tpu.memory_space<vmem>>
        %dma_start3A_197 = tpu.memref_squeeze %dma_start3A_196 : memref<1x128x64xf32, #tpu.memory_space<vmem>> -> memref<128x64xf32, #tpu.memory_space<vmem>>
        %dma_start3A_198 = arith.constant 256 : i32
        %dma_start3A_199 = tpu.memref_slice %arg9[%sub3A_173, %dma_start3A_198] : memref<2x512xi32, #tpu.memory_space<vmem>> -> memref<1x128xi32, #tpu.memory_space<vmem>>
        %dma_start3A_200 = tpu.memref_squeeze %dma_start3A_199 : memref<1x128xi32, #tpu.memory_space<vmem>> -> memref<128xi32, #tpu.memory_space<vmem>>
        %dma_start3A_201 = arith.constant 0 : i32
        %dma_start3A_202 = arith.constant 0 : i32
        %dma_start3A_203 = tpu.memref_slice %arg6[%dma_start3A_201, %dma_start3A_202] : memref<16384x64xf32, #tpu.memory_space<hbm>> -> memref<16384x64xf32, #tpu.memory_space<hbm>>
        tpu.enqueue_indirect_dma source(%dma_start3A_203 : memref<16384x64xf32, #tpu.memory_space<hbm>>) target(%dma_start3A_197 : memref<128x64xf32, #tpu.memory_space<vmem>>) offsets(%dma_start3A_200 : memref<128xi32, #tpu.memory_space<vmem>>) semaphore(%arg15 : memref<!tpu.dma_semaphore, #tpu.memory_space<semaphore_mem>>)
        %dma_start3A_204 = arith.constant 384 : i32
        %dma_start3A_205 = arith.constant 0 : i32
        %dma_start3A_206 = tpu.memref_slice %arg12[%sub3A_173, %dma_start3A_204, %dma_start3A_205] : memref<2x512x64xf32, #tpu.memory_space<vmem>> -> memref<1x128x64xf32, #tpu.memory_space<vmem>>
        %dma_start3A_207 = tpu.memref_squeeze %dma_start3A_206 : memref<1x128x64xf32, #tpu.memory_space<vmem>> -> memref<128x64xf32, #tpu.memory_space<vmem>>
        %dma_start3A_208 = arith.constant 384 : i32
        %dma_start3A_209 = tpu.memref_slice %arg9[%sub3A_173, %dma_start3A_208] : memref<2x512xi32, #tpu.memory_space<vmem>> -> memref<1x128xi32, #tpu.memory_space<vmem>>
        %dma_start3A_210 = tpu.memref_squeeze %dma_start3A_209 : memref<1x128xi32, #tpu.memory_space<vmem>> -> memref<128xi32, #tpu.memory_space<vmem>>
        %dma_start3A_211 = arith.constant 0 : i32
        %dma_start3A_212 = arith.constant 0 : i32
        %dma_start3A_213 = tpu.memref_slice %arg6[%dma_start3A_211, %dma_start3A_212] : memref<16384x64xf32, #tpu.memory_space<hbm>> -> memref<16384x64xf32, #tpu.memory_space<hbm>>
        tpu.enqueue_indirect_dma source(%dma_start3A_213 : memref<16384x64xf32, #tpu.memory_space<hbm>>) target(%dma_start3A_207 : memref<128x64xf32, #tpu.memory_space<vmem>>) offsets(%dma_start3A_210 : memref<128xi32, #tpu.memory_space<vmem>>) semaphore(%arg15 : memref<!tpu.dma_semaphore, #tpu.memory_space<semaphore_mem>>)
      } else {
      }
      %mul3A_124 = arith.constant 512 : i32
      %mul3A_125 = arith.muli %while3A_75, %mul3A_124 : i32
      %add3A_126 = arith.addi %mul3A_34, %mul3A_125 : i32
      %multiple_of3A_127 = tpu.assume_multiple %add3A_126, 8 : i32
      %add3A_128 = vector.broadcast %multiple_of3A_127 : i32 to vector<16xi32>
      %add3A_129 = arith.addi %add3A_128, %iota3A : vector<16xi32>
      %parallel_loop3A_130 = arith.constant 0 : i32
      %parallel_loop3A_131 = arith.constant 32 : i32
      %parallel_loop3A_132 = arith.constant 1 : i32
      scf.for %parallel_loop3A_140 = %parallel_loop3A_130 to %parallel_loop3A_131 step %parallel_loop3A_132  : i32 {
        %parallel_loop3A_141 = arith.constant 16 : i32
        %parallel_loop3A_142 = arith.muli %parallel_loop3A_140, %parallel_loop3A_141 : i32
        %parallel_loop3A_143 = tpu.assume_multiple %parallel_loop3A_142, 16 : i32
        %parallel_loop3A_144 = arith.index_cast %and3A_78 : i32 to index
        %parallel_loop3A_145 = arith.index_cast %parallel_loop3A_143 : i32 to index
        %parallel_loop3A_146 = tpu.vector_load %arg11[%parallel_loop3A_144, %parallel_loop3A_145] {strides = array<i32>} : memref<2x512xf32, #tpu.memory_space<vmem>>, vector<1x16xf32>,
        %parallel_loop3A_147 = vector.shape_cast %parallel_loop3A_146 : vector<1x16xf32> to vector<16xf32>
        %parallel_loop3A_148 = arith.index_cast %and3A_78 : i32 to index
        %parallel_loop3A_149 = arith.index_cast %parallel_loop3A_143 : i32 to index
        %parallel_loop3A_150 = tpu.vector_load %arg10[%parallel_loop3A_148, %parallel_loop3A_149] {strides = array<i32>} : memref<2x512xi32, #tpu.memory_space<vmem>>, vector<1x16xi32>,
        %parallel_loop3A_151 = vector.shape_cast %parallel_loop3A_150 : vector<1x16xi32> to vector<16xi32>
        %parallel_loop3A_152 = arith.constant 16 : i32
        %parallel_loop3A_153 = arith.muli %parallel_loop3A_140, %parallel_loop3A_152 : i32
        %parallel_loop3A_154 = vector.broadcast %parallel_loop3A_153 : i32 to vector<16xi32>
        %parallel_loop3A_155 = arith.addi %add3A_129, %parallel_loop3A_154 : vector<16xi32>
        %parallel_loop3A_156 = vector.broadcast %squeeze3A : i32 to vector<16xi32>
        %parallel_loop3A_157 = arith.cmpi sge, %parallel_loop3A_155, %parallel_loop3A_156 : vector<16xi32>
        %parallel_loop3A_158 = vector.broadcast %squeeze3A_16 : i32 to vector<16xi32>
        %parallel_loop3A_159 = arith.cmpi slt, %parallel_loop3A_155, %parallel_loop3A_158 : vector<16xi32>
        %parallel_loop3A_160 = arith.andi %parallel_loop3A_157, %parallel_loop3A_159 : vector<16xi1>
        %parallel_loop3A_161 = arith.constant 0.000000e+00 : f32
        %parallel_loop3A_162 = vector.broadcast %parallel_loop3A_161 : f32 to vector<16xf32>
        %parallel_loop3A_163 = arith.select %parallel_loop3A_160, %parallel_loop3A_147, %parallel_loop3A_162 : vector<16xi1>, vector<16xf32>
        %parallel_loop3A_164 = vector.broadcast %mul3A_2 : i32 to vector<16xi32>
        %parallel_loop3A_165 = arith.subi %parallel_loop3A_151, %parallel_loop3A_164 : vector<16xi32>
        %parallel_loop3A_166 = arith.constant 0 : i32
        %parallel_loop3A_167 = vector.broadcast %parallel_loop3A_166 : i32 to vector<16xi32>
        %parallel_loop3A_168 = arith.maxsi %parallel_loop3A_165, %parallel_loop3A_167 : vector<16xi32>
        %parallel_loop3A_169 = arith.constant 512 : i32
        %parallel_loop3A_170 = vector.broadcast %parallel_loop3A_169 : i32 to vector<16xi32>
        %parallel_loop3A_171 = arith.minsi %parallel_loop3A_168, %parallel_loop3A_170 : vector<16xi32>
        %parallel_loop3A_172 = arith.constant 0 : i32
        %parallel_loop3A_173 = vector.broadcast %parallel_loop3A_172 : i32 to vector<16x1xi32>
        %parallel_loop3A_174 = vector.shape_cast %parallel_loop3A_173 : vector<16x1xi32> to vector<16xi32>
        %parallel_loop3A_175 = tpu.dynamic_gather %parallel_loop3A_163[%parallel_loop3A_174] in [0] : vector<16xf32>, vector<16xi32> -> vector<16xf32>
        %parallel_loop3A_176 = vector.extract_strided_slice %parallel_loop3A_171 {offsets = [0], sizes = [1], strides = [1]} : vector<16xi32> to vector<1xi32>
        %parallel_loop3A_177 = vector.extract %parallel_loop3A_176[0] : i32 from vector<1xi32>
        %parallel_loop3A_178 = arith.constant 16 : i32
        %parallel_loop3A_179 = arith.muli %parallel_loop3A_140, %parallel_loop3A_178 : i32
        %parallel_loop3A_180 = arith.constant 0 : i32
        %parallel_loop3A_181 = arith.addi %parallel_loop3A_179, %parallel_loop3A_180 : i32
        %parallel_loop3A_182 = arith.index_cast %and3A_78 : i32 to index
        %parallel_loop3A_183 = arith.index_cast %parallel_loop3A_181 : i32 to index
        %parallel_loop3A_184 = arith.constant 0 : index
        %parallel_loop3A_185 = tpu.vector_load %arg12[%parallel_loop3A_182, %parallel_loop3A_183, %parallel_loop3A_184] {strides = array<i32>} : memref<2x512x64xf32, #tpu.memory_space<vmem>>, vector<1x1x16xf32>,
        %parallel_loop3A_186 = vector.shape_cast %parallel_loop3A_185 : vector<1x1x16xf32> to vector<16xf32>
        %parallel_loop3A_187 = arith.mulf %parallel_loop3A_186, %parallel_loop3A_175 : vector<16xf32>
        %parallel_loop3A_188 = arith.index_cast %parallel_loop3A_177 : i32 to index
        %parallel_loop3A_189 = arith.constant 0 : index
        %parallel_loop3A_190 = tpu.vector_load %arg13[%parallel_loop3A_188, %parallel_loop3A_189] {strides = array<i32>} : memref<520x64xf32, #tpu.memory_space<vmem>>, vector<1x16xf32>,
        %parallel_loop3A_191 = vector.shape_cast %parallel_loop3A_190 : vector<1x16xf32> to vector<16xf32>
        %parallel_loop3A_192 = vector.shape_cast %parallel_loop3A_187 : vector<16xf32> to vector<1x16xf32>
        tpu.vector_store %arg13[%parallel_loop3A_188, %parallel_loop3A_189], %parallel_loop3A_192 {add = true, strides = array<i32>} : memref<520x64xf32, #tpu.memory_space<vmem>>, vector<1x16xf32>,
        %parallel_loop3A_193 = arith.constant 16 : i32
        %parallel_loop3A_194 = arith.muli %parallel_loop3A_140, %parallel_loop3A_193 : i32
        %parallel_loop3A_195 = arith.constant 0 : i32
        %parallel_loop3A_196 = arith.addi %parallel_loop3A_194, %parallel_loop3A_195 : i32
        %parallel_loop3A_197 = arith.index_cast %and3A_78 : i32 to index
        %parallel_loop3A_198 = arith.index_cast %parallel_loop3A_196 : i32 to index
        %parallel_loop3A_199 = arith.constant 16 : index
        %parallel_loop3A_200 = tpu.vector_load %arg12[%parallel_loop3A_197, %parallel_loop3A_198, %parallel_loop3A_199] {strides = array<i32>} : memref<2x512x64xf32, #tpu.memory_space<vmem>>, vector<1x1x16xf32>,
        %parallel_loop3A_201 = vector.shape_cast %parallel_loop3A_200 : vector<1x1x16xf32> to vector<16xf32>
        %parallel_loop3A_202 = arith.mulf %parallel_loop3A_201, %parallel_loop3A_175 : vector<16xf32>
        %parallel_loop3A_203 = arith.index_cast %parallel_loop3A_177 : i32 to index
        %parallel_loop3A_204 = arith.constant 16 : index
        %parallel_loop3A_205 = tpu.vector_load %arg13[%parallel_loop3A_203, %parallel_loop3A_204] {strides = array<i32>} : memref<520x64xf32, #tpu.memory_space<vmem>>, vector<1x16xf32>,
        %parallel_loop3A_206 = vector.shape_cast %parallel_loop3A_205 : vector<1x16xf32> to vector<16xf32>
        %parallel_loop3A_207 = vector.shape_cast %parallel_loop3A_202 : vector<16xf32> to vector<1x16xf32>
        tpu.vector_store %arg13[%parallel_loop3A_203, %parallel_loop3A_204], %parallel_loop3A_207 {add = true, strides = array<i32>} : memref<520x64xf32, #tpu.memory_space<vmem>>, vector<1x16xf32>,
        %parallel_loop3A_208 = arith.constant 16 : i32
        %parallel_loop3A_209 = arith.muli %parallel_loop3A_140, %parallel_loop3A_208 : i32
        %parallel_loop3A_210 = arith.constant 0 : i32
        %parallel_loop3A_211 = arith.addi %parallel_loop3A_209, %parallel_loop3A_210 : i32
        %parallel_loop3A_212 = arith.index_cast %and3A_78 : i32 to index
        %parallel_loop3A_213 = arith.index_cast %parallel_loop3A_211 : i32 to index
        %parallel_loop3A_214 = arith.constant 32 : index
        %parallel_loop3A_215 = tpu.vector_load %arg12[%parallel_loop3A_212, %parallel_loop3A_213, %parallel_loop3A_214] {strides = array<i32>} : memref<2x512x64xf32, #tpu.memory_space<vmem>>, vector<1x1x16xf32>,
        %parallel_loop3A_216 = vector.shape_cast %parallel_loop3A_215 : vector<1x1x16xf32> to vector<16xf32>
        %parallel_loop3A_217 = arith.mulf %parallel_loop3A_216, %parallel_loop3A_175 : vector<16xf32>
        %parallel_loop3A_218 = arith.index_cast %parallel_loop3A_177 : i32 to index
        %parallel_loop3A_219 = arith.constant 32 : index
        %parallel_loop3A_220 = tpu.vector_load %arg13[%parallel_loop3A_218, %parallel_loop3A_219] {strides = array<i32>} : memref<520x64xf32, #tpu.memory_space<vmem>>, vector<1x16xf32>,
        %parallel_loop3A_221 = vector.shape_cast %parallel_loop3A_220 : vector<1x16xf32> to vector<16xf32>
        %parallel_loop3A_222 = vector.shape_cast %parallel_loop3A_217 : vector<16xf32> to vector<1x16xf32>
        tpu.vector_store %arg13[%parallel_loop3A_218, %parallel_loop3A_219], %parallel_loop3A_222 {add = true, strides = array<i32>} : memref<520x64xf32, #tpu.memory_space<vmem>>, vector<1x16xf32>,
        %parallel_loop3A_223 = arith.constant 16 : i32
        %parallel_loop3A_224 = arith.muli %parallel_loop3A_140, %parallel_loop3A_223 : i32
        %parallel_loop3A_225 = arith.constant 0 : i32
        %parallel_loop3A_226 = arith.addi %parallel_loop3A_224, %parallel_loop3A_225 : i32
        %parallel_loop3A_227 = arith.index_cast %and3A_78 : i32 to index
        %parallel_loop3A_228 = arith.index_cast %parallel_loop3A_226 : i32 to index
        %parallel_loop3A_229 = arith.constant 48 : index
        %parallel_loop3A_230 = tpu.vector_load %arg12[%parallel_loop3A_227, %parallel_loop3A_228, %parallel_loop3A_229] {strides = array<i32>} : memref<2x512x64xf32, #tpu.memory_space<vmem>>, vector<1x1x16xf32>,
        %parallel_loop3A_231 = vector.shape_cast %parallel_loop3A_230 : vector<1x1x16xf32> to vector<16xf32>
        %parallel_loop3A_232 = arith.mulf %parallel_loop3A_231, %parallel_loop3A_175 : vector<16xf32>
        %parallel_loop3A_233 = arith.index_cast %parallel_loop3A_177 : i32 to index
        %parallel_loop3A_234 = arith.constant 48 : index
        %parallel_loop3A_235 = tpu.vector_load %arg13[%parallel_loop3A_233, %parallel_loop3A_234] {strides = array<i32>} : memref<520x64xf32, #tpu.memory_space<vmem>>, vector<1x16xf32>,
        %parallel_loop3A_236 = vector.shape_cast %parallel_loop3A_235 : vector<1x16xf32> to vector<16xf32>
        %parallel_loop3A_237 = vector.shape_cast %parallel_loop3A_232 : vector<16xf32> to vector<1x16xf32>
        tpu.vector_store %arg13[%parallel_loop3A_233, %parallel_loop3A_234], %parallel_loop3A_237 {add = true, strides = array<i32>} : memref<520x64xf32, #tpu.memory_space<vmem>>, vector<1x16xf32>,
        %parallel_loop3A_238 = arith.constant 1 : i32
        %parallel_loop3A_239 = vector.broadcast %parallel_loop3A_238 : i32 to vector<16x1xi32>
        %parallel_loop3A_240 = vector.shape_cast %parallel_loop3A_239 : vector<16x1xi32> to vector<16xi32>
        %parallel_loop3A_241 = tpu.dynamic_gather %parallel_loop3A_163[%parallel_loop3A_240] in [0] : vector<16xf32>, vector<16xi32> -> vector<16xf32>
        %parallel_loop3A_242 = vector.extract_strided_slice %parallel_loop3A_171 {offsets = [1], sizes = [1], strides = [1]} : vector<16xi32> to vector<1xi32>
        %parallel_loop3A_243 = vector.extract %parallel_loop3A_242[0] : i32 from vector<1xi32>
        %parallel_loop3A_244 = arith.constant 16 : i32
        %parallel_loop3A_245 = arith.muli %parallel_loop3A_140, %parallel_loop3A_244 : i32
        %parallel_loop3A_246 = arith.constant 1 : i32
        %parallel_loop3A_247 = arith.addi %parallel_loop3A_245, %parallel_loop3A_246 : i32
        %parallel_loop3A_248 = arith.index_cast %and3A_78 : i32 to index
        %parallel_loop3A_249 = arith.index_cast %parallel_loop3A_247 : i32 to index
        %parallel_loop3A_250 = arith.constant 0 : index
        %parallel_loop3A_251 = tpu.vector_load %arg12[%parallel_loop3A_248, %parallel_loop3A_249, %parallel_loop3A_250] {strides = array<i32>} : memref<2x512x64xf32, #tpu.memory_space<vmem>>, vector<1x1x16xf32>,
        %parallel_loop3A_252 = vector.shape_cast %parallel_loop3A_251 : vector<1x1x16xf32> to vector<16xf32>
        %parallel_loop3A_253 = arith.mulf %parallel_loop3A_252, %parallel_loop3A_241 : vector<16xf32>
        %parallel_loop3A_254 = arith.index_cast %parallel_loop3A_243 : i32 to index
        %parallel_loop3A_255 = arith.constant 0 : index
        %parallel_loop3A_256 = tpu.vector_load %arg13[%parallel_loop3A_254, %parallel_loop3A_255] {strides = array<i32>} : memref<520x64xf32, #tpu.memory_space<vmem>>, vector<1x16xf32>,
        %parallel_loop3A_257 = vector.shape_cast %parallel_loop3A_256 : vector<1x16xf32> to vector<16xf32>
        %parallel_loop3A_258 = vector.shape_cast %parallel_loop3A_253 : vector<16xf32> to vector<1x16xf32>
        tpu.vector_store %arg13[%parallel_loop3A_254, %parallel_loop3A_255], %parallel_loop3A_258 {add = true, strides = array<i32>} : memref<520x64xf32, #tpu.memory_space<vmem>>, vector<1x16xf32>,
        %parallel_loop3A_259 = arith.constant 16 : i32
        %parallel_loop3A_260 = arith.muli %parallel_loop3A_140, %parallel_loop3A_259 : i32
        %parallel_loop3A_261 = arith.constant 1 : i32
        %parallel_loop3A_262 = arith.addi %parallel_loop3A_260, %parallel_loop3A_261 : i32
        %parallel_loop3A_263 = arith.index_cast %and3A_78 : i32 to index
        %parallel_loop3A_264 = arith.index_cast %parallel_loop3A_262 : i32 to index
        %parallel_loop3A_265 = arith.constant 16 : index
        %parallel_loop3A_266 = tpu.vector_load %arg12[%parallel_loop3A_263, %parallel_loop3A_264, %parallel_loop3A_265] {strides = array<i32>} : memref<2x512x64xf32, #tpu.memory_space<vmem>>, vector<1x1x16xf32>,
        %parallel_loop3A_267 = vector.shape_cast %parallel_loop3A_266 : vector<1x1x16xf32> to vector<16xf32>
        %parallel_loop3A_268 = arith.mulf %parallel_loop3A_267, %parallel_loop3A_241 : vector<16xf32>
        %parallel_loop3A_269 = arith.index_cast %parallel_loop3A_243 : i32 to index
        %parallel_loop3A_270 = arith.constant 16 : index
        %parallel_loop3A_271 = tpu.vector_load %arg13[%parallel_loop3A_269, %parallel_loop3A_270] {strides = array<i32>} : memref<520x64xf32, #tpu.memory_space<vmem>>, vector<1x16xf32>,
        %parallel_loop3A_272 = vector.shape_cast %parallel_loop3A_271 : vector<1x16xf32> to vector<16xf32>
        %parallel_loop3A_273 = vector.shape_cast %parallel_loop3A_268 : vector<16xf32> to vector<1x16xf32>
        tpu.vector_store %arg13[%parallel_loop3A_269, %parallel_loop3A_270], %parallel_loop3A_273 {add = true, strides = array<i32>} : memref<520x64xf32, #tpu.memory_space<vmem>>, vector<1x16xf32>,
        %parallel_loop3A_274 = arith.constant 16 : i32
        %parallel_loop3A_275 = arith.muli %parallel_loop3A_140, %parallel_loop3A_274 : i32
        %parallel_loop3A_276 = arith.constant 1 : i32
        %parallel_loop3A_277 = arith.addi %parallel_loop3A_275, %parallel_loop3A_276 : i32
        %parallel_loop3A_278 = arith.index_cast %and3A_78 : i32 to index
        %parallel_loop3A_279 = arith.index_cast %parallel_loop3A_277 : i32 to index
        %parallel_loop3A_280 = arith.constant 32 : index
        %parallel_loop3A_281 = tpu.vector_load %arg12[%parallel_loop3A_278, %parallel_loop3A_279, %parallel_loop3A_280] {strides = array<i32>} : memref<2x512x64xf32, #tpu.memory_space<vmem>>, vector<1x1x16xf32>,
        %parallel_loop3A_282 = vector.shape_cast %parallel_loop3A_281 : vector<1x1x16xf32> to vector<16xf32>
        %parallel_loop3A_283 = arith.mulf %parallel_loop3A_282, %parallel_loop3A_241 : vector<16xf32>
        %parallel_loop3A_284 = arith.index_cast %parallel_loop3A_243 : i32 to index
        %parallel_loop3A_285 = arith.constant 32 : index
        %parallel_loop3A_286 = tpu.vector_load %arg13[%parallel_loop3A_284, %parallel_loop3A_285] {strides = array<i32>} : memref<520x64xf32, #tpu.memory_space<vmem>>, vector<1x16xf32>,
        %parallel_loop3A_287 = vector.shape_cast %parallel_loop3A_286 : vector<1x16xf32> to vector<16xf32>
        %parallel_loop3A_288 = vector.shape_cast %parallel_loop3A_283 : vector<16xf32> to vector<1x16xf32>
        tpu.vector_store %arg13[%parallel_loop3A_284, %parallel_loop3A_285], %parallel_loop3A_288 {add = true, strides = array<i32>} : memref<520x64xf32, #tpu.memory_space<vmem>>, vector<1x16xf32>,
        %parallel_loop3A_289 = arith.constant 16 : i32
        %parallel_loop3A_290 = arith.muli %parallel_loop3A_140, %parallel_loop3A_289 : i32
        %parallel_loop3A_291 = arith.constant 1 : i32
        %parallel_loop3A_292 = arith.addi %parallel_loop3A_290, %parallel_loop3A_291 : i32
        %parallel_loop3A_293 = arith.index_cast %and3A_78 : i32 to index
        %parallel_loop3A_294 = arith.index_cast %parallel_loop3A_292 : i32 to index
        %parallel_loop3A_295 = arith.constant 48 : index
        %parallel_loop3A_296 = tpu.vector_load %arg12[%parallel_loop3A_293, %parallel_loop3A_294, %parallel_loop3A_295] {strides = array<i32>} : memref<2x512x64xf32, #tpu.memory_space<vmem>>, vector<1x1x16xf32>,
        %parallel_loop3A_297 = vector.shape_cast %parallel_loop3A_296 : vector<1x1x16xf32> to vector<16xf32>
        %parallel_loop3A_298 = arith.mulf %parallel_loop3A_297, %parallel_loop3A_241 : vector<16xf32>
        %parallel_loop3A_299 = arith.index_cast %parallel_loop3A_243 : i32 to index
        %parallel_loop3A_300 = arith.constant 48 : index
        %parallel_loop3A_301 = tpu.vector_load %arg13[%parallel_loop3A_299, %parallel_loop3A_300] {strides = array<i32>} : memref<520x64xf32, #tpu.memory_space<vmem>>, vector<1x16xf32>,
        %parallel_loop3A_302 = vector.shape_cast %parallel_loop3A_301 : vector<1x16xf32> to vector<16xf32>
        %parallel_loop3A_303 = vector.shape_cast %parallel_loop3A_298 : vector<16xf32> to vector<1x16xf32>
        tpu.vector_store %arg13[%parallel_loop3A_299, %parallel_loop3A_300], %parallel_loop3A_303 {add = true, strides = array<i32>} : memref<520x64xf32, #tpu.memory_space<vmem>>, vector<1x16xf32>,
        %parallel_loop3A_304 = arith.constant 2 : i32
        %parallel_loop3A_305 = vector.broadcast %parallel_loop3A_304 : i32 to vector<16x1xi32>
        %parallel_loop3A_306 = vector.shape_cast %parallel_loop3A_305 : vector<16x1xi32> to vector<16xi32>
        %parallel_loop3A_307 = tpu.dynamic_gather %parallel_loop3A_163[%parallel_loop3A_306] in [0] : vector<16xf32>, vector<16xi32> -> vector<16xf32>
        %parallel_loop3A_308 = vector.extract_strided_slice %parallel_loop3A_171 {offsets = [2], sizes = [1], strides = [1]} : vector<16xi32> to vector<1xi32>
        %parallel_loop3A_309 = vector.extract %parallel_loop3A_308[0] : i32 from vector<1xi32>
        %parallel_loop3A_310 = arith.constant 16 : i32
        %parallel_loop3A_311 = arith.muli %parallel_loop3A_140, %parallel_loop3A_310 : i32
        %parallel_loop3A_312 = arith.constant 2 : i32
        %parallel_loop3A_313 = arith.addi %parallel_loop3A_311, %parallel_loop3A_312 : i32
        %parallel_loop3A_314 = arith.index_cast %and3A_78 : i32 to index
        %parallel_loop3A_315 = arith.index_cast %parallel_loop3A_313 : i32 to index
        %parallel_loop3A_316 = arith.constant 0 : index
        %parallel_loop3A_317 = tpu.vector_load %arg12[%parallel_loop3A_314, %parallel_loop3A_315, %parallel_loop3A_316] {strides = array<i32>} : memref<2x512x64xf32, #tpu.memory_space<vmem>>, vector<1x1x16xf32>,
        %parallel_loop3A_318 = vector.shape_cast %parallel_loop3A_317 : vector<1x1x16xf32> to vector<16xf32>
        %parallel_loop3A_319 = arith.mulf %parallel_loop3A_318, %parallel_loop3A_307 : vector<16xf32>
        %parallel_loop3A_320 = arith.index_cast %parallel_loop3A_309 : i32 to index
        %parallel_loop3A_321 = arith.constant 0 : index
        %parallel_loop3A_322 = tpu.vector_load %arg13[%parallel_loop3A_320, %parallel_loop3A_321] {strides = array<i32>} : memref<520x64xf32, #tpu.memory_space<vmem>>, vector<1x16xf32>,
        %parallel_loop3A_323 = vector.shape_cast %parallel_loop3A_322 : vector<1x16xf32> to vector<16xf32>
        %parallel_loop3A_324 = vector.shape_cast %parallel_loop3A_319 : vector<16xf32> to vector<1x16xf32>
        tpu.vector_store %arg13[%parallel_loop3A_320, %parallel_loop3A_321], %parallel_loop3A_324 {add = true, strides = array<i32>} : memref<520x64xf32, #tpu.memory_space<vmem>>, vector<1x16xf32>,
        %parallel_loop3A_325 = arith.constant 16 : i32
        %parallel_loop3A_326 = arith.muli %parallel_loop3A_140, %parallel_loop3A_325 : i32
        %parallel_loop3A_327 = arith.constant 2 : i32
        %parallel_loop3A_328 = arith.addi %parallel_loop3A_326, %parallel_loop3A_327 : i32
        %parallel_loop3A_329 = arith.index_cast %and3A_78 : i32 to index
        %parallel_loop3A_330 = arith.index_cast %parallel_loop3A_328 : i32 to index
        %parallel_loop3A_331 = arith.constant 16 : index
        %parallel_loop3A_332 = tpu.vector_load %arg12[%parallel_loop3A_329, %parallel_loop3A_330, %parallel_loop3A_331] {strides = array<i32>} : memref<2x512x64xf32, #tpu.memory_space<vmem>>, vector<1x1x16xf32>,
        %parallel_loop3A_333 = vector.shape_cast %parallel_loop3A_332 : vector<1x1x16xf32> to vector<16xf32>
        %parallel_loop3A_334 = arith.mulf %parallel_loop3A_333, %parallel_loop3A_307 : vector<16xf32>
        %parallel_loop3A_335 = arith.index_cast %parallel_loop3A_309 : i32 to index
        %parallel_loop3A_336 = arith.constant 16 : index
        %parallel_loop3A_337 = tpu.vector_load %arg13[%parallel_loop3A_335, %parallel_loop3A_336] {strides = array<i32>} : memref<520x64xf32, #tpu.memory_space<vmem>>, vector<1x16xf32>,
        %parallel_loop3A_338 = vector.shape_cast %parallel_loop3A_337 : vector<1x16xf32> to vector<16xf32>
        %parallel_loop3A_339 = vector.shape_cast %parallel_loop3A_334 : vector<16xf32> to vector<1x16xf32>
        tpu.vector_store %arg13[%parallel_loop3A_335, %parallel_loop3A_336], %parallel_loop3A_339 {add = true, strides = array<i32>} : memref<520x64xf32, #tpu.memory_space<vmem>>, vector<1x16xf32>,
        %parallel_loop3A_340 = arith.constant 16 : i32
        %parallel_loop3A_341 = arith.muli %parallel_loop3A_140, %parallel_loop3A_340 : i32
        %parallel_loop3A_342 = arith.constant 2 : i32
        %parallel_loop3A_343 = arith.addi %parallel_loop3A_341, %parallel_loop3A_342 : i32
        %parallel_loop3A_344 = arith.index_cast %and3A_78 : i32 to index
        %parallel_loop3A_345 = arith.index_cast %parallel_loop3A_343 : i32 to index
        %parallel_loop3A_346 = arith.constant 32 : index
        %parallel_loop3A_347 = tpu.vector_load %arg12[%parallel_loop3A_344, %parallel_loop3A_345, %parallel_loop3A_346] {strides = array<i32>} : memref<2x512x64xf32, #tpu.memory_space<vmem>>, vector<1x1x16xf32>,
        %parallel_loop3A_348 = vector.shape_cast %parallel_loop3A_347 : vector<1x1x16xf32> to vector<16xf32>
        %parallel_loop3A_349 = arith.mulf %parallel_loop3A_348, %parallel_loop3A_307 : vector<16xf32>
        %parallel_loop3A_350 = arith.index_cast %parallel_loop3A_309 : i32 to index
        %parallel_loop3A_351 = arith.constant 32 : index
        %parallel_loop3A_352 = tpu.vector_load %arg13[%parallel_loop3A_350, %parallel_loop3A_351] {strides = array<i32>} : memref<520x64xf32, #tpu.memory_space<vmem>>, vector<1x16xf32>,
        %parallel_loop3A_353 = vector.shape_cast %parallel_loop3A_352 : vector<1x16xf32> to vector<16xf32>
        %parallel_loop3A_354 = vector.shape_cast %parallel_loop3A_349 : vector<16xf32> to vector<1x16xf32>
        tpu.vector_store %arg13[%parallel_loop3A_350, %parallel_loop3A_351], %parallel_loop3A_354 {add = true, strides = array<i32>} : memref<520x64xf32, #tpu.memory_space<vmem>>, vector<1x16xf32>,
        %parallel_loop3A_355 = arith.constant 16 : i32
        %parallel_loop3A_356 = arith.muli %parallel_loop3A_140, %parallel_loop3A_355 : i32
        %parallel_loop3A_357 = arith.constant 2 : i32
        %parallel_loop3A_358 = arith.addi %parallel_loop3A_356, %parallel_loop3A_357 : i32
        %parallel_loop3A_359 = arith.index_cast %and3A_78 : i32 to index
        %parallel_loop3A_360 = arith.index_cast %parallel_loop3A_358 : i32 to index
        %parallel_loop3A_361 = arith.constant 48 : index
        %parallel_loop3A_362 = tpu.vector_load %arg12[%parallel_loop3A_359, %parallel_loop3A_360, %parallel_loop3A_361] {strides = array<i32>} : memref<2x512x64xf32, #tpu.memory_space<vmem>>, vector<1x1x16xf32>,
        %parallel_loop3A_363 = vector.shape_cast %parallel_loop3A_362 : vector<1x1x16xf32> to vector<16xf32>
        %parallel_loop3A_364 = arith.mulf %parallel_loop3A_363, %parallel_loop3A_307 : vector<16xf32>
        %parallel_loop3A_365 = arith.index_cast %parallel_loop3A_309 : i32 to index
        %parallel_loop3A_366 = arith.constant 48 : index
        %parallel_loop3A_367 = tpu.vector_load %arg13[%parallel_loop3A_365, %parallel_loop3A_366] {strides = array<i32>} : memref<520x64xf32, #tpu.memory_space<vmem>>, vector<1x16xf32>,
        %parallel_loop3A_368 = vector.shape_cast %parallel_loop3A_367 : vector<1x16xf32> to vector<16xf32>
        %parallel_loop3A_369 = vector.shape_cast %parallel_loop3A_364 : vector<16xf32> to vector<1x16xf32>
        tpu.vector_store %arg13[%parallel_loop3A_365, %parallel_loop3A_366], %parallel_loop3A_369 {add = true, strides = array<i32>} : memref<520x64xf32, #tpu.memory_space<vmem>>, vector<1x16xf32>,
        %parallel_loop3A_370 = arith.constant 3 : i32
        %parallel_loop3A_371 = vector.broadcast %parallel_loop3A_370 : i32 to vector<16x1xi32>
        %parallel_loop3A_372 = vector.shape_cast %parallel_loop3A_371 : vector<16x1xi32> to vector<16xi32>
        %parallel_loop3A_373 = tpu.dynamic_gather %parallel_loop3A_163[%parallel_loop3A_372] in [0] : vector<16xf32>, vector<16xi32> -> vector<16xf32>
        %parallel_loop3A_374 = vector.extract_strided_slice %parallel_loop3A_171 {offsets = [3], sizes = [1], strides = [1]} : vector<16xi32> to vector<1xi32>
        %parallel_loop3A_375 = vector.extract %parallel_loop3A_374[0] : i32 from vector<1xi32>
        %parallel_loop3A_376 = arith.constant 16 : i32
        %parallel_loop3A_377 = arith.muli %parallel_loop3A_140, %parallel_loop3A_376 : i32
        %parallel_loop3A_378 = arith.constant 3 : i32
        %parallel_loop3A_379 = arith.addi %parallel_loop3A_377, %parallel_loop3A_378 : i32
        %parallel_loop3A_380 = arith.index_cast %and3A_78 : i32 to index
        %parallel_loop3A_381 = arith.index_cast %parallel_loop3A_379 : i32 to index
        %parallel_loop3A_382 = arith.constant 0 : index
        %parallel_loop3A_383 = tpu.vector_load %arg12[%parallel_loop3A_380, %parallel_loop3A_381, %parallel_loop3A_382] {strides = array<i32>} : memref<2x512x64xf32, #tpu.memory_space<vmem>>, vector<1x1x16xf32>,
        %parallel_loop3A_384 = vector.shape_cast %parallel_loop3A_383 : vector<1x1x16xf32> to vector<16xf32>
        %parallel_loop3A_385 = arith.mulf %parallel_loop3A_384, %parallel_loop3A_373 : vector<16xf32>
        %parallel_loop3A_386 = arith.index_cast %parallel_loop3A_375 : i32 to index
        %parallel_loop3A_387 = arith.constant 0 : index
        %parallel_loop3A_388 = tpu.vector_load %arg13[%parallel_loop3A_386, %parallel_loop3A_387] {strides = array<i32>} : memref<520x64xf32, #tpu.memory_space<vmem>>, vector<1x16xf32>,
        %parallel_loop3A_389 = vector.shape_cast %parallel_loop3A_388 : vector<1x16xf32> to vector<16xf32>
        %parallel_loop3A_390 = vector.shape_cast %parallel_loop3A_385 : vector<16xf32> to vector<1x16xf32>
        tpu.vector_store %arg13[%parallel_loop3A_386, %parallel_loop3A_387], %parallel_loop3A_390 {add = true, strides = array<i32>} : memref<520x64xf32, #tpu.memory_space<vmem>>, vector<1x16xf32>,
        %parallel_loop3A_391 = arith.constant 16 : i32
        %parallel_loop3A_392 = arith.muli %parallel_loop3A_140, %parallel_loop3A_391 : i32
        %parallel_loop3A_393 = arith.constant 3 : i32
        %parallel_loop3A_394 = arith.addi %parallel_loop3A_392, %parallel_loop3A_393 : i32
        %parallel_loop3A_395 = arith.index_cast %and3A_78 : i32 to index
        %parallel_loop3A_396 = arith.index_cast %parallel_loop3A_394 : i32 to index
        %parallel_loop3A_397 = arith.constant 16 : index
        %parallel_loop3A_398 = tpu.vector_load %arg12[%parallel_loop3A_395, %parallel_loop3A_396, %parallel_loop3A_397] {strides = array<i32>} : memref<2x512x64xf32, #tpu.memory_space<vmem>>, vector<1x1x16xf32>,
        %parallel_loop3A_399 = vector.shape_cast %parallel_loop3A_398 : vector<1x1x16xf32> to vector<16xf32>
        %parallel_loop3A_400 = arith.mulf %parallel_loop3A_399, %parallel_loop3A_373 : vector<16xf32>
        %parallel_loop3A_401 = arith.index_cast %parallel_loop3A_375 : i32 to index
        %parallel_loop3A_402 = arith.constant 16 : index
        %parallel_loop3A_403 = tpu.vector_load %arg13[%parallel_loop3A_401, %parallel_loop3A_402] {strides = array<i32>} : memref<520x64xf32, #tpu.memory_space<vmem>>, vector<1x16xf32>,
        %parallel_loop3A_404 = vector.shape_cast %parallel_loop3A_403 : vector<1x16xf32> to vector<16xf32>
        %parallel_loop3A_405 = vector.shape_cast %parallel_loop3A_400 : vector<16xf32> to vector<1x16xf32>
        tpu.vector_store %arg13[%parallel_loop3A_401, %parallel_loop3A_402], %parallel_loop3A_405 {add = true, strides = array<i32>} : memref<520x64xf32, #tpu.memory_space<vmem>>, vector<1x16xf32>,
        %parallel_loop3A_406 = arith.constant 16 : i32
        %parallel_loop3A_407 = arith.muli %parallel_loop3A_140, %parallel_loop3A_406 : i32
        %parallel_loop3A_408 = arith.constant 3 : i32
        %parallel_loop3A_409 = arith.addi %parallel_loop3A_407, %parallel_loop3A_408 : i32
        %parallel_loop3A_410 = arith.index_cast %and3A_78 : i32 to index
        %parallel_loop3A_411 = arith.index_cast %parallel_loop3A_409 : i32 to index
        %parallel_loop3A_412 = arith.constant 32 : index
        %parallel_loop3A_413 = tpu.vector_load %arg12[%parallel_loop3A_410, %parallel_loop3A_411, %parallel_loop3A_412] {strides = array<i32>} : memref<2x512x64xf32, #tpu.memory_space<vmem>>, vector<1x1x16xf32>,
        %parallel_loop3A_414 = vector.shape_cast %parallel_loop3A_413 : vector<1x1x16xf32> to vector<16xf32>
        %parallel_loop3A_415 = arith.mulf %parallel_loop3A_414, %parallel_loop3A_373 : vector<16xf32>
        %parallel_loop3A_416 = arith.index_cast %parallel_loop3A_375 : i32 to index
        %parallel_loop3A_417 = arith.constant 32 : index
        %parallel_loop3A_418 = tpu.vector_load %arg13[%parallel_loop3A_416, %parallel_loop3A_417] {strides = array<i32>} : memref<520x64xf32, #tpu.memory_space<vmem>>, vector<1x16xf32>,
        %parallel_loop3A_419 = vector.shape_cast %parallel_loop3A_418 : vector<1x16xf32> to vector<16xf32>
        %parallel_loop3A_420 = vector.shape_cast %parallel_loop3A_415 : vector<16xf32> to vector<1x16xf32>
        tpu.vector_store %arg13[%parallel_loop3A_416, %parallel_loop3A_417], %parallel_loop3A_420 {add = true, strides = array<i32>} : memref<520x64xf32, #tpu.memory_space<vmem>>, vector<1x16xf32>,
        %parallel_loop3A_421 = arith.constant 16 : i32
        %parallel_loop3A_422 = arith.muli %parallel_loop3A_140, %parallel_loop3A_421 : i32
        %parallel_loop3A_423 = arith.constant 3 : i32
        %parallel_loop3A_424 = arith.addi %parallel_loop3A_422, %parallel_loop3A_423 : i32
        %parallel_loop3A_425 = arith.index_cast %and3A_78 : i32 to index
        %parallel_loop3A_426 = arith.index_cast %parallel_loop3A_424 : i32 to index
        %parallel_loop3A_427 = arith.constant 48 : index
        %parallel_loop3A_428 = tpu.vector_load %arg12[%parallel_loop3A_425, %parallel_loop3A_426, %parallel_loop3A_427] {strides = array<i32>} : memref<2x512x64xf32, #tpu.memory_space<vmem>>, vector<1x1x16xf32>,
        %parallel_loop3A_429 = vector.shape_cast %parallel_loop3A_428 : vector<1x1x16xf32> to vector<16xf32>
        %parallel_loop3A_430 = arith.mulf %parallel_loop3A_429, %parallel_loop3A_373 : vector<16xf32>
        %parallel_loop3A_431 = arith.index_cast %parallel_loop3A_375 : i32 to index
        %parallel_loop3A_432 = arith.constant 48 : index
        %parallel_loop3A_433 = tpu.vector_load %arg13[%parallel_loop3A_431, %parallel_loop3A_432] {strides = array<i32>} : memref<520x64xf32, #tpu.memory_space<vmem>>, vector<1x16xf32>,
        %parallel_loop3A_434 = vector.shape_cast %parallel_loop3A_433 : vector<1x16xf32> to vector<16xf32>
        %parallel_loop3A_435 = vector.shape_cast %parallel_loop3A_430 : vector<16xf32> to vector<1x16xf32>
        tpu.vector_store %arg13[%parallel_loop3A_431, %parallel_loop3A_432], %parallel_loop3A_435 {add = true, strides = array<i32>} : memref<520x64xf32, #tpu.memory_space<vmem>>, vector<1x16xf32>,
        %parallel_loop3A_436 = arith.constant 4 : i32
        %parallel_loop3A_437 = vector.broadcast %parallel_loop3A_436 : i32 to vector<16x1xi32>
        %parallel_loop3A_438 = vector.shape_cast %parallel_loop3A_437 : vector<16x1xi32> to vector<16xi32>
        %parallel_loop3A_439 = tpu.dynamic_gather %parallel_loop3A_163[%parallel_loop3A_438] in [0] : vector<16xf32>, vector<16xi32> -> vector<16xf32>
        %parallel_loop3A_440 = vector.extract_strided_slice %parallel_loop3A_171 {offsets = [4], sizes = [1], strides = [1]} : vector<16xi32> to vector<1xi32>
        %parallel_loop3A_441 = vector.extract %parallel_loop3A_440[0] : i32 from vector<1xi32>
        %parallel_loop3A_442 = arith.constant 16 : i32
        %parallel_loop3A_443 = arith.muli %parallel_loop3A_140, %parallel_loop3A_442 : i32
        %parallel_loop3A_444 = arith.constant 4 : i32
        %parallel_loop3A_445 = arith.addi %parallel_loop3A_443, %parallel_loop3A_444 : i32
        %parallel_loop3A_446 = arith.index_cast %and3A_78 : i32 to index
        %parallel_loop3A_447 = arith.index_cast %parallel_loop3A_445 : i32 to index
        %parallel_loop3A_448 = arith.constant 0 : index
        %parallel_loop3A_449 = tpu.vector_load %arg12[%parallel_loop3A_446, %parallel_loop3A_447, %parallel_loop3A_448] {strides = array<i32>} : memref<2x512x64xf32, #tpu.memory_space<vmem>>, vector<1x1x16xf32>,
        %parallel_loop3A_450 = vector.shape_cast %parallel_loop3A_449 : vector<1x1x16xf32> to vector<16xf32>
        %parallel_loop3A_451 = arith.mulf %parallel_loop3A_450, %parallel_loop3A_439 : vector<16xf32>
        %parallel_loop3A_452 = arith.index_cast %parallel_loop3A_441 : i32 to index
        %parallel_loop3A_453 = arith.constant 0 : index
        %parallel_loop3A_454 = tpu.vector_load %arg13[%parallel_loop3A_452, %parallel_loop3A_453] {strides = array<i32>} : memref<520x64xf32, #tpu.memory_space<vmem>>, vector<1x16xf32>,
        %parallel_loop3A_455 = vector.shape_cast %parallel_loop3A_454 : vector<1x16xf32> to vector<16xf32>
        %parallel_loop3A_456 = vector.shape_cast %parallel_loop3A_451 : vector<16xf32> to vector<1x16xf32>
        tpu.vector_store %arg13[%parallel_loop3A_452, %parallel_loop3A_453], %parallel_loop3A_456 {add = true, strides = array<i32>} : memref<520x64xf32, #tpu.memory_space<vmem>>, vector<1x16xf32>,
        %parallel_loop3A_457 = arith.constant 16 : i32
        %parallel_loop3A_458 = arith.muli %parallel_loop3A_140, %parallel_loop3A_457 : i32
        %parallel_loop3A_459 = arith.constant 4 : i32
        %parallel_loop3A_460 = arith.addi %parallel_loop3A_458, %parallel_loop3A_459 : i32
        %parallel_loop3A_461 = arith.index_cast %and3A_78 : i32 to index
        %parallel_loop3A_462 = arith.index_cast %parallel_loop3A_460 : i32 to index
        %parallel_loop3A_463 = arith.constant 16 : index
        %parallel_loop3A_464 = tpu.vector_load %arg12[%parallel_loop3A_461, %parallel_loop3A_462, %parallel_loop3A_463] {strides = array<i32>} : memref<2x512x64xf32, #tpu.memory_space<vmem>>, vector<1x1x16xf32>,
        %parallel_loop3A_465 = vector.shape_cast %parallel_loop3A_464 : vector<1x1x16xf32> to vector<16xf32>
        %parallel_loop3A_466 = arith.mulf %parallel_loop3A_465, %parallel_loop3A_439 : vector<16xf32>
        %parallel_loop3A_467 = arith.index_cast %parallel_loop3A_441 : i32 to index
        %parallel_loop3A_468 = arith.constant 16 : index
        %parallel_loop3A_469 = tpu.vector_load %arg13[%parallel_loop3A_467, %parallel_loop3A_468] {strides = array<i32>} : memref<520x64xf32, #tpu.memory_space<vmem>>, vector<1x16xf32>,
        %parallel_loop3A_470 = vector.shape_cast %parallel_loop3A_469 : vector<1x16xf32> to vector<16xf32>
        %parallel_loop3A_471 = vector.shape_cast %parallel_loop3A_466 : vector<16xf32> to vector<1x16xf32>
        tpu.vector_store %arg13[%parallel_loop3A_467, %parallel_loop3A_468], %parallel_loop3A_471 {add = true, strides = array<i32>} : memref<520x64xf32, #tpu.memory_space<vmem>>, vector<1x16xf32>,
        %parallel_loop3A_472 = arith.constant 16 : i32
        %parallel_loop3A_473 = arith.muli %parallel_loop3A_140, %parallel_loop3A_472 : i32
        %parallel_loop3A_474 = arith.constant 4 : i32
        %parallel_loop3A_475 = arith.addi %parallel_loop3A_473, %parallel_loop3A_474 : i32
        %parallel_loop3A_476 = arith.index_cast %and3A_78 : i32 to index
        %parallel_loop3A_477 = arith.index_cast %parallel_loop3A_475 : i32 to index
        %parallel_loop3A_478 = arith.constant 32 : index
        %parallel_loop3A_479 = tpu.vector_load %arg12[%parallel_loop3A_476, %parallel_loop3A_477, %parallel_loop3A_478] {strides = array<i32>} : memref<2x512x64xf32, #tpu.memory_space<vmem>>, vector<1x1x16xf32>,
        %parallel_loop3A_480 = vector.shape_cast %parallel_loop3A_479 : vector<1x1x16xf32> to vector<16xf32>
        %parallel_loop3A_481 = arith.mulf %parallel_loop3A_480, %parallel_loop3A_439 : vector<16xf32>
        %parallel_loop3A_482 = arith.index_cast %parallel_loop3A_441 : i32 to index
        %parallel_loop3A_483 = arith.constant 32 : index
        %parallel_loop3A_484 = tpu.vector_load %arg13[%parallel_loop3A_482, %parallel_loop3A_483] {strides = array<i32>} : memref<520x64xf32, #tpu.memory_space<vmem>>, vector<1x16xf32>,
        %parallel_loop3A_485 = vector.shape_cast %parallel_loop3A_484 : vector<1x16xf32> to vector<16xf32>
        %parallel_loop3A_486 = vector.shape_cast %parallel_loop3A_481 : vector<16xf32> to vector<1x16xf32>
        tpu.vector_store %arg13[%parallel_loop3A_482, %parallel_loop3A_483], %parallel_loop3A_486 {add = true, strides = array<i32>} : memref<520x64xf32, #tpu.memory_space<vmem>>, vector<1x16xf32>,
        %parallel_loop3A_487 = arith.constant 16 : i32
        %parallel_loop3A_488 = arith.muli %parallel_loop3A_140, %parallel_loop3A_487 : i32
        %parallel_loop3A_489 = arith.constant 4 : i32
        %parallel_loop3A_490 = arith.addi %parallel_loop3A_488, %parallel_loop3A_489 : i32
        %parallel_loop3A_491 = arith.index_cast %and3A_78 : i32 to index
        %parallel_loop3A_492 = arith.index_cast %parallel_loop3A_490 : i32 to index
        %parallel_loop3A_493 = arith.constant 48 : index
        %parallel_loop3A_494 = tpu.vector_load %arg12[%parallel_loop3A_491, %parallel_loop3A_492, %parallel_loop3A_493] {strides = array<i32>} : memref<2x512x64xf32, #tpu.memory_space<vmem>>, vector<1x1x16xf32>,
        %parallel_loop3A_495 = vector.shape_cast %parallel_loop3A_494 : vector<1x1x16xf32> to vector<16xf32>
        %parallel_loop3A_496 = arith.mulf %parallel_loop3A_495, %parallel_loop3A_439 : vector<16xf32>
        %parallel_loop3A_497 = arith.index_cast %parallel_loop3A_441 : i32 to index
        %parallel_loop3A_498 = arith.constant 48 : index
        %parallel_loop3A_499 = tpu.vector_load %arg13[%parallel_loop3A_497, %parallel_loop3A_498] {strides = array<i32>} : memref<520x64xf32, #tpu.memory_space<vmem>>, vector<1x16xf32>,
        %parallel_loop3A_500 = vector.shape_cast %parallel_loop3A_499 : vector<1x16xf32> to vector<16xf32>
        %parallel_loop3A_501 = vector.shape_cast %parallel_loop3A_496 : vector<16xf32> to vector<1x16xf32>
        tpu.vector_store %arg13[%parallel_loop3A_497, %parallel_loop3A_498], %parallel_loop3A_501 {add = true, strides = array<i32>} : memref<520x64xf32, #tpu.memory_space<vmem>>, vector<1x16xf32>,
        %parallel_loop3A_502 = arith.constant 5 : i32
        %parallel_loop3A_503 = vector.broadcast %parallel_loop3A_502 : i32 to vector<16x1xi32>
        %parallel_loop3A_504 = vector.shape_cast %parallel_loop3A_503 : vector<16x1xi32> to vector<16xi32>
        %parallel_loop3A_505 = tpu.dynamic_gather %parallel_loop3A_163[%parallel_loop3A_504] in [0] : vector<16xf32>, vector<16xi32> -> vector<16xf32>
        %parallel_loop3A_506 = vector.extract_strided_slice %parallel_loop3A_171 {offsets = [5], sizes = [1], strides = [1]} : vector<16xi32> to vector<1xi32>
        %parallel_loop3A_507 = vector.extract %parallel_loop3A_506[0] : i32 from vector<1xi32>
        %parallel_loop3A_508 = arith.constant 16 : i32
        %parallel_loop3A_509 = arith.muli %parallel_loop3A_140, %parallel_loop3A_508 : i32
        %parallel_loop3A_510 = arith.constant 5 : i32
        %parallel_loop3A_511 = arith.addi %parallel_loop3A_509, %parallel_loop3A_510 : i32
        %parallel_loop3A_512 = arith.index_cast %and3A_78 : i32 to index
        %parallel_loop3A_513 = arith.index_cast %parallel_loop3A_511 : i32 to index
        %parallel_loop3A_514 = arith.constant 0 : index
        %parallel_loop3A_515 = tpu.vector_load %arg12[%parallel_loop3A_512, %parallel_loop3A_513, %parallel_loop3A_514] {strides = array<i32>} : memref<2x512x64xf32, #tpu.memory_space<vmem>>, vector<1x1x16xf32>,
        %parallel_loop3A_516 = vector.shape_cast %parallel_loop3A_515 : vector<1x1x16xf32> to vector<16xf32>
        %parallel_loop3A_517 = arith.mulf %parallel_loop3A_516, %parallel_loop3A_505 : vector<16xf32>
        %parallel_loop3A_518 = arith.index_cast %parallel_loop3A_507 : i32 to index
        %parallel_loop3A_519 = arith.constant 0 : index
        %parallel_loop3A_520 = tpu.vector_load %arg13[%parallel_loop3A_518, %parallel_loop3A_519] {strides = array<i32>} : memref<520x64xf32, #tpu.memory_space<vmem>>, vector<1x16xf32>,
        %parallel_loop3A_521 = vector.shape_cast %parallel_loop3A_520 : vector<1x16xf32> to vector<16xf32>
        %parallel_loop3A_522 = vector.shape_cast %parallel_loop3A_517 : vector<16xf32> to vector<1x16xf32>
        tpu.vector_store %arg13[%parallel_loop3A_518, %parallel_loop3A_519], %parallel_loop3A_522 {add = true, strides = array<i32>} : memref<520x64xf32, #tpu.memory_space<vmem>>, vector<1x16xf32>,
        %parallel_loop3A_523 = arith.constant 16 : i32
        %parallel_loop3A_524 = arith.muli %parallel_loop3A_140, %parallel_loop3A_523 : i32
        %parallel_loop3A_525 = arith.constant 5 : i32
        %parallel_loop3A_526 = arith.addi %parallel_loop3A_524, %parallel_loop3A_525 : i32
        %parallel_loop3A_527 = arith.index_cast %and3A_78 : i32 to index
        %parallel_loop3A_528 = arith.index_cast %parallel_loop3A_526 : i32 to index
        %parallel_loop3A_529 = arith.constant 16 : index
        %parallel_loop3A_530 = tpu.vector_load %arg12[%parallel_loop3A_527, %parallel_loop3A_528, %parallel_loop3A_529] {strides = array<i32>} : memref<2x512x64xf32, #tpu.memory_space<vmem>>, vector<1x1x16xf32>,
        %parallel_loop3A_531 = vector.shape_cast %parallel_loop3A_530 : vector<1x1x16xf32> to vector<16xf32>
        %parallel_loop3A_532 = arith.mulf %parallel_loop3A_531, %parallel_loop3A_505 : vector<16xf32>
        %parallel_loop3A_533 = arith.index_cast %parallel_loop3A_507 : i32 to index
        %parallel_loop3A_534 = arith.constant 16 : index
        %parallel_loop3A_535 = tpu.vector_load %arg13[%parallel_loop3A_533, %parallel_loop3A_534] {strides = array<i32>} : memref<520x64xf32, #tpu.memory_space<vmem>>, vector<1x16xf32>,
        %parallel_loop3A_536 = vector.shape_cast %parallel_loop3A_535 : vector<1x16xf32> to vector<16xf32>
        %parallel_loop3A_537 = vector.shape_cast %parallel_loop3A_532 : vector<16xf32> to vector<1x16xf32>
        tpu.vector_store %arg13[%parallel_loop3A_533, %parallel_loop3A_534], %parallel_loop3A_537 {add = true, strides = array<i32>} : memref<520x64xf32, #tpu.memory_space<vmem>>, vector<1x16xf32>,
        %parallel_loop3A_538 = arith.constant 16 : i32
        %parallel_loop3A_539 = arith.muli %parallel_loop3A_140, %parallel_loop3A_538 : i32
        %parallel_loop3A_540 = arith.constant 5 : i32
        %parallel_loop3A_541 = arith.addi %parallel_loop3A_539, %parallel_loop3A_540 : i32
        %parallel_loop3A_542 = arith.index_cast %and3A_78 : i32 to index
        %parallel_loop3A_543 = arith.index_cast %parallel_loop3A_541 : i32 to index
        %parallel_loop3A_544 = arith.constant 32 : index
        %parallel_loop3A_545 = tpu.vector_load %arg12[%parallel_loop3A_542, %parallel_loop3A_543, %parallel_loop3A_544] {strides = array<i32>} : memref<2x512x64xf32, #tpu.memory_space<vmem>>, vector<1x1x16xf32>,
        %parallel_loop3A_546 = vector.shape_cast %parallel_loop3A_545 : vector<1x1x16xf32> to vector<16xf32>
        %parallel_loop3A_547 = arith.mulf %parallel_loop3A_546, %parallel_loop3A_505 : vector<16xf32>
        %parallel_loop3A_548 = arith.index_cast %parallel_loop3A_507 : i32 to index
        %parallel_loop3A_549 = arith.constant 32 : index
        %parallel_loop3A_550 = tpu.vector_load %arg13[%parallel_loop3A_548, %parallel_loop3A_549] {strides = array<i32>} : memref<520x64xf32, #tpu.memory_space<vmem>>, vector<1x16xf32>,
        %parallel_loop3A_551 = vector.shape_cast %parallel_loop3A_550 : vector<1x16xf32> to vector<16xf32>
        %parallel_loop3A_552 = vector.shape_cast %parallel_loop3A_547 : vector<16xf32> to vector<1x16xf32>
        tpu.vector_store %arg13[%parallel_loop3A_548, %parallel_loop3A_549], %parallel_loop3A_552 {add = true, strides = array<i32>} : memref<520x64xf32, #tpu.memory_space<vmem>>, vector<1x16xf32>,
        %parallel_loop3A_553 = arith.constant 16 : i32
        %parallel_loop3A_554 = arith.muli %parallel_loop3A_140, %parallel_loop3A_553 : i32
        %parallel_loop3A_555 = arith.constant 5 : i32
        %parallel_loop3A_556 = arith.addi %parallel_loop3A_554, %parallel_loop3A_555 : i32
        %parallel_loop3A_557 = arith.index_cast %and3A_78 : i32 to index
        %parallel_loop3A_558 = arith.index_cast %parallel_loop3A_556 : i32 to index
        %parallel_loop3A_559 = arith.constant 48 : index
        %parallel_loop3A_560 = tpu.vector_load %arg12[%parallel_loop3A_557, %parallel_loop3A_558, %parallel_loop3A_559] {strides = array<i32>} : memref<2x512x64xf32, #tpu.memory_space<vmem>>, vector<1x1x16xf32>,
        %parallel_loop3A_561 = vector.shape_cast %parallel_loop3A_560 : vector<1x1x16xf32> to vector<16xf32>
        %parallel_loop3A_562 = arith.mulf %parallel_loop3A_561, %parallel_loop3A_505 : vector<16xf32>
        %parallel_loop3A_563 = arith.index_cast %parallel_loop3A_507 : i32 to index
        %parallel_loop3A_564 = arith.constant 48 : index
        %parallel_loop3A_565 = tpu.vector_load %arg13[%parallel_loop3A_563, %parallel_loop3A_564] {strides = array<i32>} : memref<520x64xf32, #tpu.memory_space<vmem>>, vector<1x16xf32>,
        %parallel_loop3A_566 = vector.shape_cast %parallel_loop3A_565 : vector<1x16xf32> to vector<16xf32>
        %parallel_loop3A_567 = vector.shape_cast %parallel_loop3A_562 : vector<16xf32> to vector<1x16xf32>
        tpu.vector_store %arg13[%parallel_loop3A_563, %parallel_loop3A_564], %parallel_loop3A_567 {add = true, strides = array<i32>} : memref<520x64xf32, #tpu.memory_space<vmem>>, vector<1x16xf32>,
        %parallel_loop3A_568 = arith.constant 6 : i32
        %parallel_loop3A_569 = vector.broadcast %parallel_loop3A_568 : i32 to vector<16x1xi32>
        %parallel_loop3A_570 = vector.shape_cast %parallel_loop3A_569 : vector<16x1xi32> to vector<16xi32>
        %parallel_loop3A_571 = tpu.dynamic_gather %parallel_loop3A_163[%parallel_loop3A_570] in [0] : vector<16xf32>, vector<16xi32> -> vector<16xf32>
        %parallel_loop3A_572 = vector.extract_strided_slice %parallel_loop3A_171 {offsets = [6], sizes = [1], strides = [1]} : vector<16xi32> to vector<1xi32>
        %parallel_loop3A_573 = vector.extract %parallel_loop3A_572[0] : i32 from vector<1xi32>
        %parallel_loop3A_574 = arith.constant 16 : i32
        %parallel_loop3A_575 = arith.muli %parallel_loop3A_140, %parallel_loop3A_574 : i32
        %parallel_loop3A_576 = arith.constant 6 : i32
        %parallel_loop3A_577 = arith.addi %parallel_loop3A_575, %parallel_loop3A_576 : i32
        %parallel_loop3A_578 = arith.index_cast %and3A_78 : i32 to index
        %parallel_loop3A_579 = arith.index_cast %parallel_loop3A_577 : i32 to index
        %parallel_loop3A_580 = arith.constant 0 : index
        %parallel_loop3A_581 = tpu.vector_load %arg12[%parallel_loop3A_578, %parallel_loop3A_579, %parallel_loop3A_580] {strides = array<i32>} : memref<2x512x64xf32, #tpu.memory_space<vmem>>, vector<1x1x16xf32>,
        %parallel_loop3A_582 = vector.shape_cast %parallel_loop3A_581 : vector<1x1x16xf32> to vector<16xf32>
        %parallel_loop3A_583 = arith.mulf %parallel_loop3A_582, %parallel_loop3A_571 : vector<16xf32>
        %parallel_loop3A_584 = arith.index_cast %parallel_loop3A_573 : i32 to index
        %parallel_loop3A_585 = arith.constant 0 : index
        %parallel_loop3A_586 = tpu.vector_load %arg13[%parallel_loop3A_584, %parallel_loop3A_585] {strides = array<i32>} : memref<520x64xf32, #tpu.memory_space<vmem>>, vector<1x16xf32>,
        %parallel_loop3A_587 = vector.shape_cast %parallel_loop3A_586 : vector<1x16xf32> to vector<16xf32>
        %parallel_loop3A_588 = vector.shape_cast %parallel_loop3A_583 : vector<16xf32> to vector<1x16xf32>
        tpu.vector_store %arg13[%parallel_loop3A_584, %parallel_loop3A_585], %parallel_loop3A_588 {add = true, strides = array<i32>} : memref<520x64xf32, #tpu.memory_space<vmem>>, vector<1x16xf32>,
        %parallel_loop3A_589 = arith.constant 16 : i32
        %parallel_loop3A_590 = arith.muli %parallel_loop3A_140, %parallel_loop3A_589 : i32
        %parallel_loop3A_591 = arith.constant 6 : i32
        %parallel_loop3A_592 = arith.addi %parallel_loop3A_590, %parallel_loop3A_591 : i32
        %parallel_loop3A_593 = arith.index_cast %and3A_78 : i32 to index
        %parallel_loop3A_594 = arith.index_cast %parallel_loop3A_592 : i32 to index
        %parallel_loop3A_595 = arith.constant 16 : index
        %parallel_loop3A_596 = tpu.vector_load %arg12[%parallel_loop3A_593, %parallel_loop3A_594, %parallel_loop3A_595] {strides = array<i32>} : memref<2x512x64xf32, #tpu.memory_space<vmem>>, vector<1x1x16xf32>,
        %parallel_loop3A_597 = vector.shape_cast %parallel_loop3A_596 : vector<1x1x16xf32> to vector<16xf32>
        %parallel_loop3A_598 = arith.mulf %parallel_loop3A_597, %parallel_loop3A_571 : vector<16xf32>
        %parallel_loop3A_599 = arith.index_cast %parallel_loop3A_573 : i32 to index
        %parallel_loop3A_600 = arith.constant 16 : index
        %parallel_loop3A_601 = tpu.vector_load %arg13[%parallel_loop3A_599, %parallel_loop3A_600] {strides = array<i32>} : memref<520x64xf32, #tpu.memory_space<vmem>>, vector<1x16xf32>,
        %parallel_loop3A_602 = vector.shape_cast %parallel_loop3A_601 : vector<1x16xf32> to vector<16xf32>
        %parallel_loop3A_603 = vector.shape_cast %parallel_loop3A_598 : vector<16xf32> to vector<1x16xf32>
        tpu.vector_store %arg13[%parallel_loop3A_599, %parallel_loop3A_600], %parallel_loop3A_603 {add = true, strides = array<i32>} : memref<520x64xf32, #tpu.memory_space<vmem>>, vector<1x16xf32>,
        %parallel_loop3A_604 = arith.constant 16 : i32
        %parallel_loop3A_605 = arith.muli %parallel_loop3A_140, %parallel_loop3A_604 : i32
        %parallel_loop3A_606 = arith.constant 6 : i32
        %parallel_loop3A_607 = arith.addi %parallel_loop3A_605, %parallel_loop3A_606 : i32
        %parallel_loop3A_608 = arith.index_cast %and3A_78 : i32 to index
        %parallel_loop3A_609 = arith.index_cast %parallel_loop3A_607 : i32 to index
        %parallel_loop3A_610 = arith.constant 32 : index
        %parallel_loop3A_611 = tpu.vector_load %arg12[%parallel_loop3A_608, %parallel_loop3A_609, %parallel_loop3A_610] {strides = array<i32>} : memref<2x512x64xf32, #tpu.memory_space<vmem>>, vector<1x1x16xf32>,
        %parallel_loop3A_612 = vector.shape_cast %parallel_loop3A_611 : vector<1x1x16xf32> to vector<16xf32>
        %parallel_loop3A_613 = arith.mulf %parallel_loop3A_612, %parallel_loop3A_571 : vector<16xf32>
        %parallel_loop3A_614 = arith.index_cast %parallel_loop3A_573 : i32 to index
        %parallel_loop3A_615 = arith.constant 32 : index
        %parallel_loop3A_616 = tpu.vector_load %arg13[%parallel_loop3A_614, %parallel_loop3A_615] {strides = array<i32>} : memref<520x64xf32, #tpu.memory_space<vmem>>, vector<1x16xf32>,
        %parallel_loop3A_617 = vector.shape_cast %parallel_loop3A_616 : vector<1x16xf32> to vector<16xf32>
        %parallel_loop3A_618 = vector.shape_cast %parallel_loop3A_613 : vector<16xf32> to vector<1x16xf32>
        tpu.vector_store %arg13[%parallel_loop3A_614, %parallel_loop3A_615], %parallel_loop3A_618 {add = true, strides = array<i32>} : memref<520x64xf32, #tpu.memory_space<vmem>>, vector<1x16xf32>,
        %parallel_loop3A_619 = arith.constant 16 : i32
        %parallel_loop3A_620 = arith.muli %parallel_loop3A_140, %parallel_loop3A_619 : i32
        %parallel_loop3A_621 = arith.constant 6 : i32
        %parallel_loop3A_622 = arith.addi %parallel_loop3A_620, %parallel_loop3A_621 : i32
        %parallel_loop3A_623 = arith.index_cast %and3A_78 : i32 to index
        %parallel_loop3A_624 = arith.index_cast %parallel_loop3A_622 : i32 to index
        %parallel_loop3A_625 = arith.constant 48 : index
        %parallel_loop3A_626 = tpu.vector_load %arg12[%parallel_loop3A_623, %parallel_loop3A_624, %parallel_loop3A_625] {strides = array<i32>} : memref<2x512x64xf32, #tpu.memory_space<vmem>>, vector<1x1x16xf32>,
        %parallel_loop3A_627 = vector.shape_cast %parallel_loop3A_626 : vector<1x1x16xf32> to vector<16xf32>
        %parallel_loop3A_628 = arith.mulf %parallel_loop3A_627, %parallel_loop3A_571 : vector<16xf32>
        %parallel_loop3A_629 = arith.index_cast %parallel_loop3A_573 : i32 to index
        %parallel_loop3A_630 = arith.constant 48 : index
        %parallel_loop3A_631 = tpu.vector_load %arg13[%parallel_loop3A_629, %parallel_loop3A_630] {strides = array<i32>} : memref<520x64xf32, #tpu.memory_space<vmem>>, vector<1x16xf32>,
        %parallel_loop3A_632 = vector.shape_cast %parallel_loop3A_631 : vector<1x16xf32> to vector<16xf32>
        %parallel_loop3A_633 = vector.shape_cast %parallel_loop3A_628 : vector<16xf32> to vector<1x16xf32>
        tpu.vector_store %arg13[%parallel_loop3A_629, %parallel_loop3A_630], %parallel_loop3A_633 {add = true, strides = array<i32>} : memref<520x64xf32, #tpu.memory_space<vmem>>, vector<1x16xf32>,
        %parallel_loop3A_634 = arith.constant 7 : i32
        %parallel_loop3A_635 = vector.broadcast %parallel_loop3A_634 : i32 to vector<16x1xi32>
        %parallel_loop3A_636 = vector.shape_cast %parallel_loop3A_635 : vector<16x1xi32> to vector<16xi32>
        %parallel_loop3A_637 = tpu.dynamic_gather %parallel_loop3A_163[%parallel_loop3A_636] in [0] : vector<16xf32>, vector<16xi32> -> vector<16xf32>
        %parallel_loop3A_638 = vector.extract_strided_slice %parallel_loop3A_171 {offsets = [7], sizes = [1], strides = [1]} : vector<16xi32> to vector<1xi32>
        %parallel_loop3A_639 = vector.extract %parallel_loop3A_638[0] : i32 from vector<1xi32>
        %parallel_loop3A_640 = arith.constant 16 : i32
        %parallel_loop3A_641 = arith.muli %parallel_loop3A_140, %parallel_loop3A_640 : i32
        %parallel_loop3A_642 = arith.constant 7 : i32
        %parallel_loop3A_643 = arith.addi %parallel_loop3A_641, %parallel_loop3A_642 : i32
        %parallel_loop3A_644 = arith.index_cast %and3A_78 : i32 to index
        %parallel_loop3A_645 = arith.index_cast %parallel_loop3A_643 : i32 to index
        %parallel_loop3A_646 = arith.constant 0 : index
        %parallel_loop3A_647 = tpu.vector_load %arg12[%parallel_loop3A_644, %parallel_loop3A_645, %parallel_loop3A_646] {strides = array<i32>} : memref<2x512x64xf32, #tpu.memory_space<vmem>>, vector<1x1x16xf32>,
        %parallel_loop3A_648 = vector.shape_cast %parallel_loop3A_647 : vector<1x1x16xf32> to vector<16xf32>
        %parallel_loop3A_649 = arith.mulf %parallel_loop3A_648, %parallel_loop3A_637 : vector<16xf32>
        %parallel_loop3A_650 = arith.index_cast %parallel_loop3A_639 : i32 to index
        %parallel_loop3A_651 = arith.constant 0 : index
        %parallel_loop3A_652 = tpu.vector_load %arg13[%parallel_loop3A_650, %parallel_loop3A_651] {strides = array<i32>} : memref<520x64xf32, #tpu.memory_space<vmem>>, vector<1x16xf32>,
        %parallel_loop3A_653 = vector.shape_cast %parallel_loop3A_652 : vector<1x16xf32> to vector<16xf32>
        %parallel_loop3A_654 = vector.shape_cast %parallel_loop3A_649 : vector<16xf32> to vector<1x16xf32>
        tpu.vector_store %arg13[%parallel_loop3A_650, %parallel_loop3A_651], %parallel_loop3A_654 {add = true, strides = array<i32>} : memref<520x64xf32, #tpu.memory_space<vmem>>, vector<1x16xf32>,
        %parallel_loop3A_655 = arith.constant 16 : i32
        %parallel_loop3A_656 = arith.muli %parallel_loop3A_140, %parallel_loop3A_655 : i32
        %parallel_loop3A_657 = arith.constant 7 : i32
        %parallel_loop3A_658 = arith.addi %parallel_loop3A_656, %parallel_loop3A_657 : i32
        %parallel_loop3A_659 = arith.index_cast %and3A_78 : i32 to index
        %parallel_loop3A_660 = arith.index_cast %parallel_loop3A_658 : i32 to index
        %parallel_loop3A_661 = arith.constant 16 : index
        %parallel_loop3A_662 = tpu.vector_load %arg12[%parallel_loop3A_659, %parallel_loop3A_660, %parallel_loop3A_661] {strides = array<i32>} : memref<2x512x64xf32, #tpu.memory_space<vmem>>, vector<1x1x16xf32>,
        %parallel_loop3A_663 = vector.shape_cast %parallel_loop3A_662 : vector<1x1x16xf32> to vector<16xf32>
        %parallel_loop3A_664 = arith.mulf %parallel_loop3A_663, %parallel_loop3A_637 : vector<16xf32>
        %parallel_loop3A_665 = arith.index_cast %parallel_loop3A_639 : i32 to index
        %parallel_loop3A_666 = arith.constant 16 : index
        %parallel_loop3A_667 = tpu.vector_load %arg13[%parallel_loop3A_665, %parallel_loop3A_666] {strides = array<i32>} : memref<520x64xf32, #tpu.memory_space<vmem>>, vector<1x16xf32>,
        %parallel_loop3A_668 = vector.shape_cast %parallel_loop3A_667 : vector<1x16xf32> to vector<16xf32>
        %parallel_loop3A_669 = vector.shape_cast %parallel_loop3A_664 : vector<16xf32> to vector<1x16xf32>
        tpu.vector_store %arg13[%parallel_loop3A_665, %parallel_loop3A_666], %parallel_loop3A_669 {add = true, strides = array<i32>} : memref<520x64xf32, #tpu.memory_space<vmem>>, vector<1x16xf32>,
        %parallel_loop3A_670 = arith.constant 16 : i32
        %parallel_loop3A_671 = arith.muli %parallel_loop3A_140, %parallel_loop3A_670 : i32
        %parallel_loop3A_672 = arith.constant 7 : i32
        %parallel_loop3A_673 = arith.addi %parallel_loop3A_671, %parallel_loop3A_672 : i32
        %parallel_loop3A_674 = arith.index_cast %and3A_78 : i32 to index
        %parallel_loop3A_675 = arith.index_cast %parallel_loop3A_673 : i32 to index
        %parallel_loop3A_676 = arith.constant 32 : index
        %parallel_loop3A_677 = tpu.vector_load %arg12[%parallel_loop3A_674, %parallel_loop3A_675, %parallel_loop3A_676] {strides = array<i32>} : memref<2x512x64xf32, #tpu.memory_space<vmem>>, vector<1x1x16xf32>,
        %parallel_loop3A_678 = vector.shape_cast %parallel_loop3A_677 : vector<1x1x16xf32> to vector<16xf32>
        %parallel_loop3A_679 = arith.mulf %parallel_loop3A_678, %parallel_loop3A_637 : vector<16xf32>
        %parallel_loop3A_680 = arith.index_cast %parallel_loop3A_639 : i32 to index
        %parallel_loop3A_681 = arith.constant 32 : index
        %parallel_loop3A_682 = tpu.vector_load %arg13[%parallel_loop3A_680, %parallel_loop3A_681] {strides = array<i32>} : memref<520x64xf32, #tpu.memory_space<vmem>>, vector<1x16xf32>,
        %parallel_loop3A_683 = vector.shape_cast %parallel_loop3A_682 : vector<1x16xf32> to vector<16xf32>
        %parallel_loop3A_684 = vector.shape_cast %parallel_loop3A_679 : vector<16xf32> to vector<1x16xf32>
        tpu.vector_store %arg13[%parallel_loop3A_680, %parallel_loop3A_681], %parallel_loop3A_684 {add = true, strides = array<i32>} : memref<520x64xf32, #tpu.memory_space<vmem>>, vector<1x16xf32>,
        %parallel_loop3A_685 = arith.constant 16 : i32
        %parallel_loop3A_686 = arith.muli %parallel_loop3A_140, %parallel_loop3A_685 : i32
        %parallel_loop3A_687 = arith.constant 7 : i32
        %parallel_loop3A_688 = arith.addi %parallel_loop3A_686, %parallel_loop3A_687 : i32
        %parallel_loop3A_689 = arith.index_cast %and3A_78 : i32 to index
        %parallel_loop3A_690 = arith.index_cast %parallel_loop3A_688 : i32 to index
        %parallel_loop3A_691 = arith.constant 48 : index
        %parallel_loop3A_692 = tpu.vector_load %arg12[%parallel_loop3A_689, %parallel_loop3A_690, %parallel_loop3A_691] {strides = array<i32>} : memref<2x512x64xf32, #tpu.memory_space<vmem>>, vector<1x1x16xf32>,
        %parallel_loop3A_693 = vector.shape_cast %parallel_loop3A_692 : vector<1x1x16xf32> to vector<16xf32>
        %parallel_loop3A_694 = arith.mulf %parallel_loop3A_693, %parallel_loop3A_637 : vector<16xf32>
        %parallel_loop3A_695 = arith.index_cast %parallel_loop3A_639 : i32 to index
        %parallel_loop3A_696 = arith.constant 48 : index
        %parallel_loop3A_697 = tpu.vector_load %arg13[%parallel_loop3A_695, %parallel_loop3A_696] {strides = array<i32>} : memref<520x64xf32, #tpu.memory_space<vmem>>, vector<1x16xf32>,
        %parallel_loop3A_698 = vector.shape_cast %parallel_loop3A_697 : vector<1x16xf32> to vector<16xf32>
        %parallel_loop3A_699 = vector.shape_cast %parallel_loop3A_694 : vector<16xf32> to vector<1x16xf32>
        tpu.vector_store %arg13[%parallel_loop3A_695, %parallel_loop3A_696], %parallel_loop3A_699 {add = true, strides = array<i32>} : memref<520x64xf32, #tpu.memory_space<vmem>>, vector<1x16xf32>,
        %parallel_loop3A_700 = arith.constant 8 : i32
        %parallel_loop3A_701 = vector.broadcast %parallel_loop3A_700 : i32 to vector<16x1xi32>
        %parallel_loop3A_702 = vector.shape_cast %parallel_loop3A_701 : vector<16x1xi32> to vector<16xi32>
        %parallel_loop3A_703 = tpu.dynamic_gather %parallel_loop3A_163[%parallel_loop3A_702] in [0] : vector<16xf32>, vector<16xi32> -> vector<16xf32>
        %parallel_loop3A_704 = vector.extract_strided_slice %parallel_loop3A_171 {offsets = [8], sizes = [1], strides = [1]} : vector<16xi32> to vector<1xi32>
        %parallel_loop3A_705 = vector.extract %parallel_loop3A_704[0] : i32 from vector<1xi32>
        %parallel_loop3A_706 = arith.constant 16 : i32
        %parallel_loop3A_707 = arith.muli %parallel_loop3A_140, %parallel_loop3A_706 : i32
        %parallel_loop3A_708 = arith.constant 8 : i32
        %parallel_loop3A_709 = arith.addi %parallel_loop3A_707, %parallel_loop3A_708 : i32
        %parallel_loop3A_710 = arith.index_cast %and3A_78 : i32 to index
        %parallel_loop3A_711 = arith.index_cast %parallel_loop3A_709 : i32 to index
        %parallel_loop3A_712 = arith.constant 0 : index
        %parallel_loop3A_713 = tpu.vector_load %arg12[%parallel_loop3A_710, %parallel_loop3A_711, %parallel_loop3A_712] {strides = array<i32>} : memref<2x512x64xf32, #tpu.memory_space<vmem>>, vector<1x1x16xf32>,
        %parallel_loop3A_714 = vector.shape_cast %parallel_loop3A_713 : vector<1x1x16xf32> to vector<16xf32>
        %parallel_loop3A_715 = arith.mulf %parallel_loop3A_714, %parallel_loop3A_703 : vector<16xf32>
        %parallel_loop3A_716 = arith.index_cast %parallel_loop3A_705 : i32 to index
        %parallel_loop3A_717 = arith.constant 0 : index
        %parallel_loop3A_718 = tpu.vector_load %arg13[%parallel_loop3A_716, %parallel_loop3A_717] {strides = array<i32>} : memref<520x64xf32, #tpu.memory_space<vmem>>, vector<1x16xf32>,
        %parallel_loop3A_719 = vector.shape_cast %parallel_loop3A_718 : vector<1x16xf32> to vector<16xf32>
        %parallel_loop3A_720 = vector.shape_cast %parallel_loop3A_715 : vector<16xf32> to vector<1x16xf32>
        tpu.vector_store %arg13[%parallel_loop3A_716, %parallel_loop3A_717], %parallel_loop3A_720 {add = true, strides = array<i32>} : memref<520x64xf32, #tpu.memory_space<vmem>>, vector<1x16xf32>,
        %parallel_loop3A_721 = arith.constant 16 : i32
        %parallel_loop3A_722 = arith.muli %parallel_loop3A_140, %parallel_loop3A_721 : i32
        %parallel_loop3A_723 = arith.constant 8 : i32
        %parallel_loop3A_724 = arith.addi %parallel_loop3A_722, %parallel_loop3A_723 : i32
        %parallel_loop3A_725 = arith.index_cast %and3A_78 : i32 to index
        %parallel_loop3A_726 = arith.index_cast %parallel_loop3A_724 : i32 to index
        %parallel_loop3A_727 = arith.constant 16 : index
        %parallel_loop3A_728 = tpu.vector_load %arg12[%parallel_loop3A_725, %parallel_loop3A_726, %parallel_loop3A_727] {strides = array<i32>} : memref<2x512x64xf32, #tpu.memory_space<vmem>>, vector<1x1x16xf32>,
        %parallel_loop3A_729 = vector.shape_cast %parallel_loop3A_728 : vector<1x1x16xf32> to vector<16xf32>
        %parallel_loop3A_730 = arith.mulf %parallel_loop3A_729, %parallel_loop3A_703 : vector<16xf32>
        %parallel_loop3A_731 = arith.index_cast %parallel_loop3A_705 : i32 to index
        %parallel_loop3A_732 = arith.constant 16 : index
        %parallel_loop3A_733 = tpu.vector_load %arg13[%parallel_loop3A_731, %parallel_loop3A_732] {strides = array<i32>} : memref<520x64xf32, #tpu.memory_space<vmem>>, vector<1x16xf32>,
        %parallel_loop3A_734 = vector.shape_cast %parallel_loop3A_733 : vector<1x16xf32> to vector<16xf32>
        %parallel_loop3A_735 = vector.shape_cast %parallel_loop3A_730 : vector<16xf32> to vector<1x16xf32>
        tpu.vector_store %arg13[%parallel_loop3A_731, %parallel_loop3A_732], %parallel_loop3A_735 {add = true, strides = array<i32>} : memref<520x64xf32, #tpu.memory_space<vmem>>, vector<1x16xf32>,
        %parallel_loop3A_736 = arith.constant 16 : i32
        %parallel_loop3A_737 = arith.muli %parallel_loop3A_140, %parallel_loop3A_736 : i32
        %parallel_loop3A_738 = arith.constant 8 : i32
        %parallel_loop3A_739 = arith.addi %parallel_loop3A_737, %parallel_loop3A_738 : i32
        %parallel_loop3A_740 = arith.index_cast %and3A_78 : i32 to index
        %parallel_loop3A_741 = arith.index_cast %parallel_loop3A_739 : i32 to index
        %parallel_loop3A_742 = arith.constant 32 : index
        %parallel_loop3A_743 = tpu.vector_load %arg12[%parallel_loop3A_740, %parallel_loop3A_741, %parallel_loop3A_742] {strides = array<i32>} : memref<2x512x64xf32, #tpu.memory_space<vmem>>, vector<1x1x16xf32>,
        %parallel_loop3A_744 = vector.shape_cast %parallel_loop3A_743 : vector<1x1x16xf32> to vector<16xf32>
        %parallel_loop3A_745 = arith.mulf %parallel_loop3A_744, %parallel_loop3A_703 : vector<16xf32>
        %parallel_loop3A_746 = arith.index_cast %parallel_loop3A_705 : i32 to index
        %parallel_loop3A_747 = arith.constant 32 : index
        %parallel_loop3A_748 = tpu.vector_load %arg13[%parallel_loop3A_746, %parallel_loop3A_747] {strides = array<i32>} : memref<520x64xf32, #tpu.memory_space<vmem>>, vector<1x16xf32>,
        %parallel_loop3A_749 = vector.shape_cast %parallel_loop3A_748 : vector<1x16xf32> to vector<16xf32>
        %parallel_loop3A_750 = vector.shape_cast %parallel_loop3A_745 : vector<16xf32> to vector<1x16xf32>
        tpu.vector_store %arg13[%parallel_loop3A_746, %parallel_loop3A_747], %parallel_loop3A_750 {add = true, strides = array<i32>} : memref<520x64xf32, #tpu.memory_space<vmem>>, vector<1x16xf32>,
        %parallel_loop3A_751 = arith.constant 16 : i32
        %parallel_loop3A_752 = arith.muli %parallel_loop3A_140, %parallel_loop3A_751 : i32
        %parallel_loop3A_753 = arith.constant 8 : i32
        %parallel_loop3A_754 = arith.addi %parallel_loop3A_752, %parallel_loop3A_753 : i32
        %parallel_loop3A_755 = arith.index_cast %and3A_78 : i32 to index
        %parallel_loop3A_756 = arith.index_cast %parallel_loop3A_754 : i32 to index
        %parallel_loop3A_757 = arith.constant 48 : index
        %parallel_loop3A_758 = tpu.vector_load %arg12[%parallel_loop3A_755, %parallel_loop3A_756, %parallel_loop3A_757] {strides = array<i32>} : memref<2x512x64xf32, #tpu.memory_space<vmem>>, vector<1x1x16xf32>,
        %parallel_loop3A_759 = vector.shape_cast %parallel_loop3A_758 : vector<1x1x16xf32> to vector<16xf32>
        %parallel_loop3A_760 = arith.mulf %parallel_loop3A_759, %parallel_loop3A_703 : vector<16xf32>
        %parallel_loop3A_761 = arith.index_cast %parallel_loop3A_705 : i32 to index
        %parallel_loop3A_762 = arith.constant 48 : index
        %parallel_loop3A_763 = tpu.vector_load %arg13[%parallel_loop3A_761, %parallel_loop3A_762] {strides = array<i32>} : memref<520x64xf32, #tpu.memory_space<vmem>>, vector<1x16xf32>,
        %parallel_loop3A_764 = vector.shape_cast %parallel_loop3A_763 : vector<1x16xf32> to vector<16xf32>
        %parallel_loop3A_765 = vector.shape_cast %parallel_loop3A_760 : vector<16xf32> to vector<1x16xf32>
        tpu.vector_store %arg13[%parallel_loop3A_761, %parallel_loop3A_762], %parallel_loop3A_765 {add = true, strides = array<i32>} : memref<520x64xf32, #tpu.memory_space<vmem>>, vector<1x16xf32>,
        %parallel_loop3A_766 = arith.constant 9 : i32
        %parallel_loop3A_767 = vector.broadcast %parallel_loop3A_766 : i32 to vector<16x1xi32>
        %parallel_loop3A_768 = vector.shape_cast %parallel_loop3A_767 : vector<16x1xi32> to vector<16xi32>
        %parallel_loop3A_769 = tpu.dynamic_gather %parallel_loop3A_163[%parallel_loop3A_768] in [0] : vector<16xf32>, vector<16xi32> -> vector<16xf32>
        %parallel_loop3A_770 = vector.extract_strided_slice %parallel_loop3A_171 {offsets = [9], sizes = [1], strides = [1]} : vector<16xi32> to vector<1xi32>
        %parallel_loop3A_771 = vector.extract %parallel_loop3A_770[0] : i32 from vector<1xi32>
        %parallel_loop3A_772 = arith.constant 16 : i32
        %parallel_loop3A_773 = arith.muli %parallel_loop3A_140, %parallel_loop3A_772 : i32
        %parallel_loop3A_774 = arith.constant 9 : i32
        %parallel_loop3A_775 = arith.addi %parallel_loop3A_773, %parallel_loop3A_774 : i32
        %parallel_loop3A_776 = arith.index_cast %and3A_78 : i32 to index
        %parallel_loop3A_777 = arith.index_cast %parallel_loop3A_775 : i32 to index
        %parallel_loop3A_778 = arith.constant 0 : index
        %parallel_loop3A_779 = tpu.vector_load %arg12[%parallel_loop3A_776, %parallel_loop3A_777, %parallel_loop3A_778] {strides = array<i32>} : memref<2x512x64xf32, #tpu.memory_space<vmem>>, vector<1x1x16xf32>,
        %parallel_loop3A_780 = vector.shape_cast %parallel_loop3A_779 : vector<1x1x16xf32> to vector<16xf32>
        %parallel_loop3A_781 = arith.mulf %parallel_loop3A_780, %parallel_loop3A_769 : vector<16xf32>
        %parallel_loop3A_782 = arith.index_cast %parallel_loop3A_771 : i32 to index
        %parallel_loop3A_783 = arith.constant 0 : index
        %parallel_loop3A_784 = tpu.vector_load %arg13[%parallel_loop3A_782, %parallel_loop3A_783] {strides = array<i32>} : memref<520x64xf32, #tpu.memory_space<vmem>>, vector<1x16xf32>,
        %parallel_loop3A_785 = vector.shape_cast %parallel_loop3A_784 : vector<1x16xf32> to vector<16xf32>
        %parallel_loop3A_786 = vector.shape_cast %parallel_loop3A_781 : vector<16xf32> to vector<1x16xf32>
        tpu.vector_store %arg13[%parallel_loop3A_782, %parallel_loop3A_783], %parallel_loop3A_786 {add = true, strides = array<i32>} : memref<520x64xf32, #tpu.memory_space<vmem>>, vector<1x16xf32>,
        %parallel_loop3A_787 = arith.constant 16 : i32
        %parallel_loop3A_788 = arith.muli %parallel_loop3A_140, %parallel_loop3A_787 : i32
        %parallel_loop3A_789 = arith.constant 9 : i32
        %parallel_loop3A_790 = arith.addi %parallel_loop3A_788, %parallel_loop3A_789 : i32
        %parallel_loop3A_791 = arith.index_cast %and3A_78 : i32 to index
        %parallel_loop3A_792 = arith.index_cast %parallel_loop3A_790 : i32 to index
        %parallel_loop3A_793 = arith.constant 16 : index
        %parallel_loop3A_794 = tpu.vector_load %arg12[%parallel_loop3A_791, %parallel_loop3A_792, %parallel_loop3A_793] {strides = array<i32>} : memref<2x512x64xf32, #tpu.memory_space<vmem>>, vector<1x1x16xf32>,
        %parallel_loop3A_795 = vector.shape_cast %parallel_loop3A_794 : vector<1x1x16xf32> to vector<16xf32>
        %parallel_loop3A_796 = arith.mulf %parallel_loop3A_795, %parallel_loop3A_769 : vector<16xf32>
        %parallel_loop3A_797 = arith.index_cast %parallel_loop3A_771 : i32 to index
        %parallel_loop3A_798 = arith.constant 16 : index
        %parallel_loop3A_799 = tpu.vector_load %arg13[%parallel_loop3A_797, %parallel_loop3A_798] {strides = array<i32>} : memref<520x64xf32, #tpu.memory_space<vmem>>, vector<1x16xf32>,
        %parallel_loop3A_800 = vector.shape_cast %parallel_loop3A_799 : vector<1x16xf32> to vector<16xf32>
        %parallel_loop3A_801 = vector.shape_cast %parallel_loop3A_796 : vector<16xf32> to vector<1x16xf32>
        tpu.vector_store %arg13[%parallel_loop3A_797, %parallel_loop3A_798], %parallel_loop3A_801 {add = true, strides = array<i32>} : memref<520x64xf32, #tpu.memory_space<vmem>>, vector<1x16xf32>,
        %parallel_loop3A_802 = arith.constant 16 : i32
        %parallel_loop3A_803 = arith.muli %parallel_loop3A_140, %parallel_loop3A_802 : i32
        %parallel_loop3A_804 = arith.constant 9 : i32
        %parallel_loop3A_805 = arith.addi %parallel_loop3A_803, %parallel_loop3A_804 : i32
        %parallel_loop3A_806 = arith.index_cast %and3A_78 : i32 to index
        %parallel_loop3A_807 = arith.index_cast %parallel_loop3A_805 : i32 to index
        %parallel_loop3A_808 = arith.constant 32 : index
        %parallel_loop3A_809 = tpu.vector_load %arg12[%parallel_loop3A_806, %parallel_loop3A_807, %parallel_loop3A_808] {strides = array<i32>} : memref<2x512x64xf32, #tpu.memory_space<vmem>>, vector<1x1x16xf32>,
        %parallel_loop3A_810 = vector.shape_cast %parallel_loop3A_809 : vector<1x1x16xf32> to vector<16xf32>
        %parallel_loop3A_811 = arith.mulf %parallel_loop3A_810, %parallel_loop3A_769 : vector<16xf32>
        %parallel_loop3A_812 = arith.index_cast %parallel_loop3A_771 : i32 to index
        %parallel_loop3A_813 = arith.constant 32 : index
        %parallel_loop3A_814 = tpu.vector_load %arg13[%parallel_loop3A_812, %parallel_loop3A_813] {strides = array<i32>} : memref<520x64xf32, #tpu.memory_space<vmem>>, vector<1x16xf32>,
        %parallel_loop3A_815 = vector.shape_cast %parallel_loop3A_814 : vector<1x16xf32> to vector<16xf32>
        %parallel_loop3A_816 = vector.shape_cast %parallel_loop3A_811 : vector<16xf32> to vector<1x16xf32>
        tpu.vector_store %arg13[%parallel_loop3A_812, %parallel_loop3A_813], %parallel_loop3A_816 {add = true, strides = array<i32>} : memref<520x64xf32, #tpu.memory_space<vmem>>, vector<1x16xf32>,
        %parallel_loop3A_817 = arith.constant 16 : i32
        %parallel_loop3A_818 = arith.muli %parallel_loop3A_140, %parallel_loop3A_817 : i32
        %parallel_loop3A_819 = arith.constant 9 : i32
        %parallel_loop3A_820 = arith.addi %parallel_loop3A_818, %parallel_loop3A_819 : i32
        %parallel_loop3A_821 = arith.index_cast %and3A_78 : i32 to index
        %parallel_loop3A_822 = arith.index_cast %parallel_loop3A_820 : i32 to index
        %parallel_loop3A_823 = arith.constant 48 : index
        %parallel_loop3A_824 = tpu.vector_load %arg12[%parallel_loop3A_821, %parallel_loop3A_822, %parallel_loop3A_823] {strides = array<i32>} : memref<2x512x64xf32, #tpu.memory_space<vmem>>, vector<1x1x16xf32>,
        %parallel_loop3A_825 = vector.shape_cast %parallel_loop3A_824 : vector<1x1x16xf32> to vector<16xf32>
        %parallel_loop3A_826 = arith.mulf %parallel_loop3A_825, %parallel_loop3A_769 : vector<16xf32>
        %parallel_loop3A_827 = arith.index_cast %parallel_loop3A_771 : i32 to index
        %parallel_loop3A_828 = arith.constant 48 : index
        %parallel_loop3A_829 = tpu.vector_load %arg13[%parallel_loop3A_827, %parallel_loop3A_828] {strides = array<i32>} : memref<520x64xf32, #tpu.memory_space<vmem>>, vector<1x16xf32>,
        %parallel_loop3A_830 = vector.shape_cast %parallel_loop3A_829 : vector<1x16xf32> to vector<16xf32>
        %parallel_loop3A_831 = vector.shape_cast %parallel_loop3A_826 : vector<16xf32> to vector<1x16xf32>
        tpu.vector_store %arg13[%parallel_loop3A_827, %parallel_loop3A_828], %parallel_loop3A_831 {add = true, strides = array<i32>} : memref<520x64xf32, #tpu.memory_space<vmem>>, vector<1x16xf32>,
        %parallel_loop3A_832 = arith.constant 10 : i32
        %parallel_loop3A_833 = vector.broadcast %parallel_loop3A_832 : i32 to vector<16x1xi32>
        %parallel_loop3A_834 = vector.shape_cast %parallel_loop3A_833 : vector<16x1xi32> to vector<16xi32>
        %parallel_loop3A_835 = tpu.dynamic_gather %parallel_loop3A_163[%parallel_loop3A_834] in [0] : vector<16xf32>, vector<16xi32> -> vector<16xf32>
        %parallel_loop3A_836 = vector.extract_strided_slice %parallel_loop3A_171 {offsets = [10], sizes = [1], strides = [1]} : vector<16xi32> to vector<1xi32>
        %parallel_loop3A_837 = vector.extract %parallel_loop3A_836[0] : i32 from vector<1xi32>
        %parallel_loop3A_838 = arith.constant 16 : i32
        %parallel_loop3A_839 = arith.muli %parallel_loop3A_140, %parallel_loop3A_838 : i32
        %parallel_loop3A_840 = arith.constant 10 : i32
        %parallel_loop3A_841 = arith.addi %parallel_loop3A_839, %parallel_loop3A_840 : i32
        %parallel_loop3A_842 = arith.index_cast %and3A_78 : i32 to index
        %parallel_loop3A_843 = arith.index_cast %parallel_loop3A_841 : i32 to index
        %parallel_loop3A_844 = arith.constant 0 : index
        %parallel_loop3A_845 = tpu.vector_load %arg12[%parallel_loop3A_842, %parallel_loop3A_843, %parallel_loop3A_844] {strides = array<i32>} : memref<2x512x64xf32, #tpu.memory_space<vmem>>, vector<1x1x16xf32>,
        %parallel_loop3A_846 = vector.shape_cast %parallel_loop3A_845 : vector<1x1x16xf32> to vector<16xf32>
        %parallel_loop3A_847 = arith.mulf %parallel_loop3A_846, %parallel_loop3A_835 : vector<16xf32>
        %parallel_loop3A_848 = arith.index_cast %parallel_loop3A_837 : i32 to index
        %parallel_loop3A_849 = arith.constant 0 : index
        %parallel_loop3A_850 = tpu.vector_load %arg13[%parallel_loop3A_848, %parallel_loop3A_849] {strides = array<i32>} : memref<520x64xf32, #tpu.memory_space<vmem>>, vector<1x16xf32>,
        %parallel_loop3A_851 = vector.shape_cast %parallel_loop3A_850 : vector<1x16xf32> to vector<16xf32>
        %parallel_loop3A_852 = vector.shape_cast %parallel_loop3A_847 : vector<16xf32> to vector<1x16xf32>
        tpu.vector_store %arg13[%parallel_loop3A_848, %parallel_loop3A_849], %parallel_loop3A_852 {add = true, strides = array<i32>} : memref<520x64xf32, #tpu.memory_space<vmem>>, vector<1x16xf32>,
        %parallel_loop3A_853 = arith.constant 16 : i32
        %parallel_loop3A_854 = arith.muli %parallel_loop3A_140, %parallel_loop3A_853 : i32
        %parallel_loop3A_855 = arith.constant 10 : i32
        %parallel_loop3A_856 = arith.addi %parallel_loop3A_854, %parallel_loop3A_855 : i32
        %parallel_loop3A_857 = arith.index_cast %and3A_78 : i32 to index
        %parallel_loop3A_858 = arith.index_cast %parallel_loop3A_856 : i32 to index
        %parallel_loop3A_859 = arith.constant 16 : index
        %parallel_loop3A_860 = tpu.vector_load %arg12[%parallel_loop3A_857, %parallel_loop3A_858, %parallel_loop3A_859] {strides = array<i32>} : memref<2x512x64xf32, #tpu.memory_space<vmem>>, vector<1x1x16xf32>,
        %parallel_loop3A_861 = vector.shape_cast %parallel_loop3A_860 : vector<1x1x16xf32> to vector<16xf32>
        %parallel_loop3A_862 = arith.mulf %parallel_loop3A_861, %parallel_loop3A_835 : vector<16xf32>
        %parallel_loop3A_863 = arith.index_cast %parallel_loop3A_837 : i32 to index
        %parallel_loop3A_864 = arith.constant 16 : index
        %parallel_loop3A_865 = tpu.vector_load %arg13[%parallel_loop3A_863, %parallel_loop3A_864] {strides = array<i32>} : memref<520x64xf32, #tpu.memory_space<vmem>>, vector<1x16xf32>,
        %parallel_loop3A_866 = vector.shape_cast %parallel_loop3A_865 : vector<1x16xf32> to vector<16xf32>
        %parallel_loop3A_867 = vector.shape_cast %parallel_loop3A_862 : vector<16xf32> to vector<1x16xf32>
        tpu.vector_store %arg13[%parallel_loop3A_863, %parallel_loop3A_864], %parallel_loop3A_867 {add = true, strides = array<i32>} : memref<520x64xf32, #tpu.memory_space<vmem>>, vector<1x16xf32>,
        %parallel_loop3A_868 = arith.constant 16 : i32
        %parallel_loop3A_869 = arith.muli %parallel_loop3A_140, %parallel_loop3A_868 : i32
        %parallel_loop3A_870 = arith.constant 10 : i32
        %parallel_loop3A_871 = arith.addi %parallel_loop3A_869, %parallel_loop3A_870 : i32
        %parallel_loop3A_872 = arith.index_cast %and3A_78 : i32 to index
        %parallel_loop3A_873 = arith.index_cast %parallel_loop3A_871 : i32 to index
        %parallel_loop3A_874 = arith.constant 32 : index
        %parallel_loop3A_875 = tpu.vector_load %arg12[%parallel_loop3A_872, %parallel_loop3A_873, %parallel_loop3A_874] {strides = array<i32>} : memref<2x512x64xf32, #tpu.memory_space<vmem>>, vector<1x1x16xf32>,
        %parallel_loop3A_876 = vector.shape_cast %parallel_loop3A_875 : vector<1x1x16xf32> to vector<16xf32>
        %parallel_loop3A_877 = arith.mulf %parallel_loop3A_876, %parallel_loop3A_835 : vector<16xf32>
        %parallel_loop3A_878 = arith.index_cast %parallel_loop3A_837 : i32 to index
        %parallel_loop3A_879 = arith.constant 32 : index
        %parallel_loop3A_880 = tpu.vector_load %arg13[%parallel_loop3A_878, %parallel_loop3A_879] {strides = array<i32>} : memref<520x64xf32, #tpu.memory_space<vmem>>, vector<1x16xf32>,
        %parallel_loop3A_881 = vector.shape_cast %parallel_loop3A_880 : vector<1x16xf32> to vector<16xf32>
        %parallel_loop3A_882 = vector.shape_cast %parallel_loop3A_877 : vector<16xf32> to vector<1x16xf32>
        tpu.vector_store %arg13[%parallel_loop3A_878, %parallel_loop3A_879], %parallel_loop3A_882 {add = true, strides = array<i32>} : memref<520x64xf32, #tpu.memory_space<vmem>>, vector<1x16xf32>,
        %parallel_loop3A_883 = arith.constant 16 : i32
        %parallel_loop3A_884 = arith.muli %parallel_loop3A_140, %parallel_loop3A_883 : i32
        %parallel_loop3A_885 = arith.constant 10 : i32
        %parallel_loop3A_886 = arith.addi %parallel_loop3A_884, %parallel_loop3A_885 : i32
        %parallel_loop3A_887 = arith.index_cast %and3A_78 : i32 to index
        %parallel_loop3A_888 = arith.index_cast %parallel_loop3A_886 : i32 to index
        %parallel_loop3A_889 = arith.constant 48 : index
        %parallel_loop3A_890 = tpu.vector_load %arg12[%parallel_loop3A_887, %parallel_loop3A_888, %parallel_loop3A_889] {strides = array<i32>} : memref<2x512x64xf32, #tpu.memory_space<vmem>>, vector<1x1x16xf32>,
        %parallel_loop3A_891 = vector.shape_cast %parallel_loop3A_890 : vector<1x1x16xf32> to vector<16xf32>
        %parallel_loop3A_892 = arith.mulf %parallel_loop3A_891, %parallel_loop3A_835 : vector<16xf32>
        %parallel_loop3A_893 = arith.index_cast %parallel_loop3A_837 : i32 to index
        %parallel_loop3A_894 = arith.constant 48 : index
        %parallel_loop3A_895 = tpu.vector_load %arg13[%parallel_loop3A_893, %parallel_loop3A_894] {strides = array<i32>} : memref<520x64xf32, #tpu.memory_space<vmem>>, vector<1x16xf32>,
        %parallel_loop3A_896 = vector.shape_cast %parallel_loop3A_895 : vector<1x16xf32> to vector<16xf32>
        %parallel_loop3A_897 = vector.shape_cast %parallel_loop3A_892 : vector<16xf32> to vector<1x16xf32>
        tpu.vector_store %arg13[%parallel_loop3A_893, %parallel_loop3A_894], %parallel_loop3A_897 {add = true, strides = array<i32>} : memref<520x64xf32, #tpu.memory_space<vmem>>, vector<1x16xf32>,
        %parallel_loop3A_898 = arith.constant 11 : i32
        %parallel_loop3A_899 = vector.broadcast %parallel_loop3A_898 : i32 to vector<16x1xi32>
        %parallel_loop3A_900 = vector.shape_cast %parallel_loop3A_899 : vector<16x1xi32> to vector<16xi32>
        %parallel_loop3A_901 = tpu.dynamic_gather %parallel_loop3A_163[%parallel_loop3A_900] in [0] : vector<16xf32>, vector<16xi32> -> vector<16xf32>
        %parallel_loop3A_902 = vector.extract_strided_slice %parallel_loop3A_171 {offsets = [11], sizes = [1], strides = [1]} : vector<16xi32> to vector<1xi32>
        %parallel_loop3A_903 = vector.extract %parallel_loop3A_902[0] : i32 from vector<1xi32>
        %parallel_loop3A_904 = arith.constant 16 : i32
        %parallel_loop3A_905 = arith.muli %parallel_loop3A_140, %parallel_loop3A_904 : i32
        %parallel_loop3A_906 = arith.constant 11 : i32
        %parallel_loop3A_907 = arith.addi %parallel_loop3A_905, %parallel_loop3A_906 : i32
        %parallel_loop3A_908 = arith.index_cast %and3A_78 : i32 to index
        %parallel_loop3A_909 = arith.index_cast %parallel_loop3A_907 : i32 to index
        %parallel_loop3A_910 = arith.constant 0 : index
        %parallel_loop3A_911 = tpu.vector_load %arg12[%parallel_loop3A_908, %parallel_loop3A_909, %parallel_loop3A_910] {strides = array<i32>} : memref<2x512x64xf32, #tpu.memory_space<vmem>>, vector<1x1x16xf32>,
        %parallel_loop3A_912 = vector.shape_cast %parallel_loop3A_911 : vector<1x1x16xf32> to vector<16xf32>
        %parallel_loop3A_913 = arith.mulf %parallel_loop3A_912, %parallel_loop3A_901 : vector<16xf32>
        %parallel_loop3A_914 = arith.index_cast %parallel_loop3A_903 : i32 to index
        %parallel_loop3A_915 = arith.constant 0 : index
        %parallel_loop3A_916 = tpu.vector_load %arg13[%parallel_loop3A_914, %parallel_loop3A_915] {strides = array<i32>} : memref<520x64xf32, #tpu.memory_space<vmem>>, vector<1x16xf32>,
        %parallel_loop3A_917 = vector.shape_cast %parallel_loop3A_916 : vector<1x16xf32> to vector<16xf32>
        %parallel_loop3A_918 = vector.shape_cast %parallel_loop3A_913 : vector<16xf32> to vector<1x16xf32>
        tpu.vector_store %arg13[%parallel_loop3A_914, %parallel_loop3A_915], %parallel_loop3A_918 {add = true, strides = array<i32>} : memref<520x64xf32, #tpu.memory_space<vmem>>, vector<1x16xf32>,
        %parallel_loop3A_919 = arith.constant 16 : i32
        %parallel_loop3A_920 = arith.muli %parallel_loop3A_140, %parallel_loop3A_919 : i32
        %parallel_loop3A_921 = arith.constant 11 : i32
        %parallel_loop3A_922 = arith.addi %parallel_loop3A_920, %parallel_loop3A_921 : i32
        %parallel_loop3A_923 = arith.index_cast %and3A_78 : i32 to index
        %parallel_loop3A_924 = arith.index_cast %parallel_loop3A_922 : i32 to index
        %parallel_loop3A_925 = arith.constant 16 : index
        %parallel_loop3A_926 = tpu.vector_load %arg12[%parallel_loop3A_923, %parallel_loop3A_924, %parallel_loop3A_925] {strides = array<i32>} : memref<2x512x64xf32, #tpu.memory_space<vmem>>, vector<1x1x16xf32>,
        %parallel_loop3A_927 = vector.shape_cast %parallel_loop3A_926 : vector<1x1x16xf32> to vector<16xf32>
        %parallel_loop3A_928 = arith.mulf %parallel_loop3A_927, %parallel_loop3A_901 : vector<16xf32>
        %parallel_loop3A_929 = arith.index_cast %parallel_loop3A_903 : i32 to index
        %parallel_loop3A_930 = arith.constant 16 : index
        %parallel_loop3A_931 = tpu.vector_load %arg13[%parallel_loop3A_929, %parallel_loop3A_930] {strides = array<i32>} : memref<520x64xf32, #tpu.memory_space<vmem>>, vector<1x16xf32>,
        %parallel_loop3A_932 = vector.shape_cast %parallel_loop3A_931 : vector<1x16xf32> to vector<16xf32>
        %parallel_loop3A_933 = vector.shape_cast %parallel_loop3A_928 : vector<16xf32> to vector<1x16xf32>
        tpu.vector_store %arg13[%parallel_loop3A_929, %parallel_loop3A_930], %parallel_loop3A_933 {add = true, strides = array<i32>} : memref<520x64xf32, #tpu.memory_space<vmem>>, vector<1x16xf32>,
        %parallel_loop3A_934 = arith.constant 16 : i32
        %parallel_loop3A_935 = arith.muli %parallel_loop3A_140, %parallel_loop3A_934 : i32
        %parallel_loop3A_936 = arith.constant 11 : i32
        %parallel_loop3A_937 = arith.addi %parallel_loop3A_935, %parallel_loop3A_936 : i32
        %parallel_loop3A_938 = arith.index_cast %and3A_78 : i32 to index
        %parallel_loop3A_939 = arith.index_cast %parallel_loop3A_937 : i32 to index
        %parallel_loop3A_940 = arith.constant 32 : index
        %parallel_loop3A_941 = tpu.vector_load %arg12[%parallel_loop3A_938, %parallel_loop3A_939, %parallel_loop3A_940] {strides = array<i32>} : memref<2x512x64xf32, #tpu.memory_space<vmem>>, vector<1x1x16xf32>,
        %parallel_loop3A_942 = vector.shape_cast %parallel_loop3A_941 : vector<1x1x16xf32> to vector<16xf32>
        %parallel_loop3A_943 = arith.mulf %parallel_loop3A_942, %parallel_loop3A_901 : vector<16xf32>
        %parallel_loop3A_944 = arith.index_cast %parallel_loop3A_903 : i32 to index
        %parallel_loop3A_945 = arith.constant 32 : index
        %parallel_loop3A_946 = tpu.vector_load %arg13[%parallel_loop3A_944, %parallel_loop3A_945] {strides = array<i32>} : memref<520x64xf32, #tpu.memory_space<vmem>>, vector<1x16xf32>,
        %parallel_loop3A_947 = vector.shape_cast %parallel_loop3A_946 : vector<1x16xf32> to vector<16xf32>
        %parallel_loop3A_948 = vector.shape_cast %parallel_loop3A_943 : vector<16xf32> to vector<1x16xf32>
        tpu.vector_store %arg13[%parallel_loop3A_944, %parallel_loop3A_945], %parallel_loop3A_948 {add = true, strides = array<i32>} : memref<520x64xf32, #tpu.memory_space<vmem>>, vector<1x16xf32>,
        %parallel_loop3A_949 = arith.constant 16 : i32
        %parallel_loop3A_950 = arith.muli %parallel_loop3A_140, %parallel_loop3A_949 : i32
        %parallel_loop3A_951 = arith.constant 11 : i32
        %parallel_loop3A_952 = arith.addi %parallel_loop3A_950, %parallel_loop3A_951 : i32
        %parallel_loop3A_953 = arith.index_cast %and3A_78 : i32 to index
        %parallel_loop3A_954 = arith.index_cast %parallel_loop3A_952 : i32 to index
        %parallel_loop3A_955 = arith.constant 48 : index
        %parallel_loop3A_956 = tpu.vector_load %arg12[%parallel_loop3A_953, %parallel_loop3A_954, %parallel_loop3A_955] {strides = array<i32>} : memref<2x512x64xf32, #tpu.memory_space<vmem>>, vector<1x1x16xf32>,
        %parallel_loop3A_957 = vector.shape_cast %parallel_loop3A_956 : vector<1x1x16xf32> to vector<16xf32>
        %parallel_loop3A_958 = arith.mulf %parallel_loop3A_957, %parallel_loop3A_901 : vector<16xf32>
        %parallel_loop3A_959 = arith.index_cast %parallel_loop3A_903 : i32 to index
        %parallel_loop3A_960 = arith.constant 48 : index
        %parallel_loop3A_961 = tpu.vector_load %arg13[%parallel_loop3A_959, %parallel_loop3A_960] {strides = array<i32>} : memref<520x64xf32, #tpu.memory_space<vmem>>, vector<1x16xf32>,
        %parallel_loop3A_962 = vector.shape_cast %parallel_loop3A_961 : vector<1x16xf32> to vector<16xf32>
        %parallel_loop3A_963 = vector.shape_cast %parallel_loop3A_958 : vector<16xf32> to vector<1x16xf32>
        tpu.vector_store %arg13[%parallel_loop3A_959, %parallel_loop3A_960], %parallel_loop3A_963 {add = true, strides = array<i32>} : memref<520x64xf32, #tpu.memory_space<vmem>>, vector<1x16xf32>,
        %parallel_loop3A_964 = arith.constant 12 : i32
        %parallel_loop3A_965 = vector.broadcast %parallel_loop3A_964 : i32 to vector<16x1xi32>
        %parallel_loop3A_966 = vector.shape_cast %parallel_loop3A_965 : vector<16x1xi32> to vector<16xi32>
        %parallel_loop3A_967 = tpu.dynamic_gather %parallel_loop3A_163[%parallel_loop3A_966] in [0] : vector<16xf32>, vector<16xi32> -> vector<16xf32>
        %parallel_loop3A_968 = vector.extract_strided_slice %parallel_loop3A_171 {offsets = [12], sizes = [1], strides = [1]} : vector<16xi32> to vector<1xi32>
        %parallel_loop3A_969 = vector.extract %parallel_loop3A_968[0] : i32 from vector<1xi32>
        %parallel_loop3A_970 = arith.constant 16 : i32
        %parallel_loop3A_971 = arith.muli %parallel_loop3A_140, %parallel_loop3A_970 : i32
        %parallel_loop3A_972 = arith.constant 12 : i32
        %parallel_loop3A_973 = arith.addi %parallel_loop3A_971, %parallel_loop3A_972 : i32
        %parallel_loop3A_974 = arith.index_cast %and3A_78 : i32 to index
        %parallel_loop3A_975 = arith.index_cast %parallel_loop3A_973 : i32 to index
        %parallel_loop3A_976 = arith.constant 0 : index
        %parallel_loop3A_977 = tpu.vector_load %arg12[%parallel_loop3A_974, %parallel_loop3A_975, %parallel_loop3A_976] {strides = array<i32>} : memref<2x512x64xf32, #tpu.memory_space<vmem>>, vector<1x1x16xf32>,
        %parallel_loop3A_978 = vector.shape_cast %parallel_loop3A_977 : vector<1x1x16xf32> to vector<16xf32>
        %parallel_loop3A_979 = arith.mulf %parallel_loop3A_978, %parallel_loop3A_967 : vector<16xf32>
        %parallel_loop3A_980 = arith.index_cast %parallel_loop3A_969 : i32 to index
        %parallel_loop3A_981 = arith.constant 0 : index
        %parallel_loop3A_982 = tpu.vector_load %arg13[%parallel_loop3A_980, %parallel_loop3A_981] {strides = array<i32>} : memref<520x64xf32, #tpu.memory_space<vmem>>, vector<1x16xf32>,
        %parallel_loop3A_983 = vector.shape_cast %parallel_loop3A_982 : vector<1x16xf32> to vector<16xf32>
        %parallel_loop3A_984 = vector.shape_cast %parallel_loop3A_979 : vector<16xf32> to vector<1x16xf32>
        tpu.vector_store %arg13[%parallel_loop3A_980, %parallel_loop3A_981], %parallel_loop3A_984 {add = true, strides = array<i32>} : memref<520x64xf32, #tpu.memory_space<vmem>>, vector<1x16xf32>,
        %parallel_loop3A_985 = arith.constant 16 : i32
        %parallel_loop3A_986 = arith.muli %parallel_loop3A_140, %parallel_loop3A_985 : i32
        %parallel_loop3A_987 = arith.constant 12 : i32
        %parallel_loop3A_988 = arith.addi %parallel_loop3A_986, %parallel_loop3A_987 : i32
        %parallel_loop3A_989 = arith.index_cast %and3A_78 : i32 to index
        %parallel_loop3A_990 = arith.index_cast %parallel_loop3A_988 : i32 to index
        %parallel_loop3A_991 = arith.constant 16 : index
        %parallel_loop3A_992 = tpu.vector_load %arg12[%parallel_loop3A_989, %parallel_loop3A_990, %parallel_loop3A_991] {strides = array<i32>} : memref<2x512x64xf32, #tpu.memory_space<vmem>>, vector<1x1x16xf32>,
        %parallel_loop3A_993 = vector.shape_cast %parallel_loop3A_992 : vector<1x1x16xf32> to vector<16xf32>
        %parallel_loop3A_994 = arith.mulf %parallel_loop3A_993, %parallel_loop3A_967 : vector<16xf32>
        %parallel_loop3A_995 = arith.index_cast %parallel_loop3A_969 : i32 to index
        %parallel_loop3A_996 = arith.constant 16 : index
        %parallel_loop3A_997 = tpu.vector_load %arg13[%parallel_loop3A_995, %parallel_loop3A_996] {strides = array<i32>} : memref<520x64xf32, #tpu.memory_space<vmem>>, vector<1x16xf32>,
        %parallel_loop3A_998 = vector.shape_cast %parallel_loop3A_997 : vector<1x16xf32> to vector<16xf32>
        %parallel_loop3A_999 = vector.shape_cast %parallel_loop3A_994 : vector<16xf32> to vector<1x16xf32>
        tpu.vector_store %arg13[%parallel_loop3A_995, %parallel_loop3A_996], %parallel_loop3A_999 {add = true, strides = array<i32>} : memref<520x64xf32, #tpu.memory_space<vmem>>, vector<1x16xf32>,
        %parallel_loop3A_1000 = arith.constant 16 : i32
        %parallel_loop3A_1001 = arith.muli %parallel_loop3A_140, %parallel_loop3A_1000 : i32
        %parallel_loop3A_1002 = arith.constant 12 : i32
        %parallel_loop3A_1003 = arith.addi %parallel_loop3A_1001, %parallel_loop3A_1002 : i32
        %parallel_loop3A_1004 = arith.index_cast %and3A_78 : i32 to index
        %parallel_loop3A_1005 = arith.index_cast %parallel_loop3A_1003 : i32 to index
        %parallel_loop3A_1006 = arith.constant 32 : index
        %parallel_loop3A_1007 = tpu.vector_load %arg12[%parallel_loop3A_1004, %parallel_loop3A_1005, %parallel_loop3A_1006] {strides = array<i32>} : memref<2x512x64xf32, #tpu.memory_space<vmem>>, vector<1x1x16xf32>,
        %parallel_loop3A_1008 = vector.shape_cast %parallel_loop3A_1007 : vector<1x1x16xf32> to vector<16xf32>
        %parallel_loop3A_1009 = arith.mulf %parallel_loop3A_1008, %parallel_loop3A_967 : vector<16xf32>
        %parallel_loop3A_1010 = arith.index_cast %parallel_loop3A_969 : i32 to index
        %parallel_loop3A_1011 = arith.constant 32 : index
        %parallel_loop3A_1012 = tpu.vector_load %arg13[%parallel_loop3A_1010, %parallel_loop3A_1011] {strides = array<i32>} : memref<520x64xf32, #tpu.memory_space<vmem>>, vector<1x16xf32>,
        %parallel_loop3A_1013 = vector.shape_cast %parallel_loop3A_1012 : vector<1x16xf32> to vector<16xf32>
        %parallel_loop3A_1014 = vector.shape_cast %parallel_loop3A_1009 : vector<16xf32> to vector<1x16xf32>
        tpu.vector_store %arg13[%parallel_loop3A_1010, %parallel_loop3A_1011], %parallel_loop3A_1014 {add = true, strides = array<i32>} : memref<520x64xf32, #tpu.memory_space<vmem>>, vector<1x16xf32>,
        %parallel_loop3A_1015 = arith.constant 16 : i32
        %parallel_loop3A_1016 = arith.muli %parallel_loop3A_140, %parallel_loop3A_1015 : i32
        %parallel_loop3A_1017 = arith.constant 12 : i32
        %parallel_loop3A_1018 = arith.addi %parallel_loop3A_1016, %parallel_loop3A_1017 : i32
        %parallel_loop3A_1019 = arith.index_cast %and3A_78 : i32 to index
        %parallel_loop3A_1020 = arith.index_cast %parallel_loop3A_1018 : i32 to index
        %parallel_loop3A_1021 = arith.constant 48 : index
        %parallel_loop3A_1022 = tpu.vector_load %arg12[%parallel_loop3A_1019, %parallel_loop3A_1020, %parallel_loop3A_1021] {strides = array<i32>} : memref<2x512x64xf32, #tpu.memory_space<vmem>>, vector<1x1x16xf32>,
        %parallel_loop3A_1023 = vector.shape_cast %parallel_loop3A_1022 : vector<1x1x16xf32> to vector<16xf32>
        %parallel_loop3A_1024 = arith.mulf %parallel_loop3A_1023, %parallel_loop3A_967 : vector<16xf32>
        %parallel_loop3A_1025 = arith.index_cast %parallel_loop3A_969 : i32 to index
        %parallel_loop3A_1026 = arith.constant 48 : index
        %parallel_loop3A_1027 = tpu.vector_load %arg13[%parallel_loop3A_1025, %parallel_loop3A_1026] {strides = array<i32>} : memref<520x64xf32, #tpu.memory_space<vmem>>, vector<1x16xf32>,
        %parallel_loop3A_1028 = vector.shape_cast %parallel_loop3A_1027 : vector<1x16xf32> to vector<16xf32>
        %parallel_loop3A_1029 = vector.shape_cast %parallel_loop3A_1024 : vector<16xf32> to vector<1x16xf32>
        tpu.vector_store %arg13[%parallel_loop3A_1025, %parallel_loop3A_1026], %parallel_loop3A_1029 {add = true, strides = array<i32>} : memref<520x64xf32, #tpu.memory_space<vmem>>, vector<1x16xf32>,
        %parallel_loop3A_1030 = arith.constant 13 : i32
        %parallel_loop3A_1031 = vector.broadcast %parallel_loop3A_1030 : i32 to vector<16x1xi32>
        %parallel_loop3A_1032 = vector.shape_cast %parallel_loop3A_1031 : vector<16x1xi32> to vector<16xi32>
        %parallel_loop3A_1033 = tpu.dynamic_gather %parallel_loop3A_163[%parallel_loop3A_1032] in [0] : vector<16xf32>, vector<16xi32> -> vector<16xf32>
        %parallel_loop3A_1034 = vector.extract_strided_slice %parallel_loop3A_171 {offsets = [13], sizes = [1], strides = [1]} : vector<16xi32> to vector<1xi32>
        %parallel_loop3A_1035 = vector.extract %parallel_loop3A_1034[0] : i32 from vector<1xi32>
        %parallel_loop3A_1036 = arith.constant 16 : i32
        %parallel_loop3A_1037 = arith.muli %parallel_loop3A_140, %parallel_loop3A_1036 : i32
        %parallel_loop3A_1038 = arith.constant 13 : i32
        %parallel_loop3A_1039 = arith.addi %parallel_loop3A_1037, %parallel_loop3A_1038 : i32
        %parallel_loop3A_1040 = arith.index_cast %and3A_78 : i32 to index
        %parallel_loop3A_1041 = arith.index_cast %parallel_loop3A_1039 : i32 to index
        %parallel_loop3A_1042 = arith.constant 0 : index
        %parallel_loop3A_1043 = tpu.vector_load %arg12[%parallel_loop3A_1040, %parallel_loop3A_1041, %parallel_loop3A_1042] {strides = array<i32>} : memref<2x512x64xf32, #tpu.memory_space<vmem>>, vector<1x1x16xf32>,
        %parallel_loop3A_1044 = vector.shape_cast %parallel_loop3A_1043 : vector<1x1x16xf32> to vector<16xf32>
        %parallel_loop3A_1045 = arith.mulf %parallel_loop3A_1044, %parallel_loop3A_1033 : vector<16xf32>
        %parallel_loop3A_1046 = arith.index_cast %parallel_loop3A_1035 : i32 to index
        %parallel_loop3A_1047 = arith.constant 0 : index
        %parallel_loop3A_1048 = tpu.vector_load %arg13[%parallel_loop3A_1046, %parallel_loop3A_1047] {strides = array<i32>} : memref<520x64xf32, #tpu.memory_space<vmem>>, vector<1x16xf32>,
        %parallel_loop3A_1049 = vector.shape_cast %parallel_loop3A_1048 : vector<1x16xf32> to vector<16xf32>
        %parallel_loop3A_1050 = vector.shape_cast %parallel_loop3A_1045 : vector<16xf32> to vector<1x16xf32>
        tpu.vector_store %arg13[%parallel_loop3A_1046, %parallel_loop3A_1047], %parallel_loop3A_1050 {add = true, strides = array<i32>} : memref<520x64xf32, #tpu.memory_space<vmem>>, vector<1x16xf32>,
        %parallel_loop3A_1051 = arith.constant 16 : i32
        %parallel_loop3A_1052 = arith.muli %parallel_loop3A_140, %parallel_loop3A_1051 : i32
        %parallel_loop3A_1053 = arith.constant 13 : i32
        %parallel_loop3A_1054 = arith.addi %parallel_loop3A_1052, %parallel_loop3A_1053 : i32
        %parallel_loop3A_1055 = arith.index_cast %and3A_78 : i32 to index
        %parallel_loop3A_1056 = arith.index_cast %parallel_loop3A_1054 : i32 to index
        %parallel_loop3A_1057 = arith.constant 16 : index
        %parallel_loop3A_1058 = tpu.vector_load %arg12[%parallel_loop3A_1055, %parallel_loop3A_1056, %parallel_loop3A_1057] {strides = array<i32>} : memref<2x512x64xf32, #tpu.memory_space<vmem>>, vector<1x1x16xf32>,
        %parallel_loop3A_1059 = vector.shape_cast %parallel_loop3A_1058 : vector<1x1x16xf32> to vector<16xf32>
        %parallel_loop3A_1060 = arith.mulf %parallel_loop3A_1059, %parallel_loop3A_1033 : vector<16xf32>
        %parallel_loop3A_1061 = arith.index_cast %parallel_loop3A_1035 : i32 to index
        %parallel_loop3A_1062 = arith.constant 16 : index
        %parallel_loop3A_1063 = tpu.vector_load %arg13[%parallel_loop3A_1061, %parallel_loop3A_1062] {strides = array<i32>} : memref<520x64xf32, #tpu.memory_space<vmem>>, vector<1x16xf32>,
        %parallel_loop3A_1064 = vector.shape_cast %parallel_loop3A_1063 : vector<1x16xf32> to vector<16xf32>
        %parallel_loop3A_1065 = vector.shape_cast %parallel_loop3A_1060 : vector<16xf32> to vector<1x16xf32>
        tpu.vector_store %arg13[%parallel_loop3A_1061, %parallel_loop3A_1062], %parallel_loop3A_1065 {add = true, strides = array<i32>} : memref<520x64xf32, #tpu.memory_space<vmem>>, vector<1x16xf32>,
        %parallel_loop3A_1066 = arith.constant 16 : i32
        %parallel_loop3A_1067 = arith.muli %parallel_loop3A_140, %parallel_loop3A_1066 : i32
        %parallel_loop3A_1068 = arith.constant 13 : i32
        %parallel_loop3A_1069 = arith.addi %parallel_loop3A_1067, %parallel_loop3A_1068 : i32
        %parallel_loop3A_1070 = arith.index_cast %and3A_78 : i32 to index
        %parallel_loop3A_1071 = arith.index_cast %parallel_loop3A_1069 : i32 to index
        %parallel_loop3A_1072 = arith.constant 32 : index
        %parallel_loop3A_1073 = tpu.vector_load %arg12[%parallel_loop3A_1070, %parallel_loop3A_1071, %parallel_loop3A_1072] {strides = array<i32>} : memref<2x512x64xf32, #tpu.memory_space<vmem>>, vector<1x1x16xf32>,
        %parallel_loop3A_1074 = vector.shape_cast %parallel_loop3A_1073 : vector<1x1x16xf32> to vector<16xf32>
        %parallel_loop3A_1075 = arith.mulf %parallel_loop3A_1074, %parallel_loop3A_1033 : vector<16xf32>
        %parallel_loop3A_1076 = arith.index_cast %parallel_loop3A_1035 : i32 to index
        %parallel_loop3A_1077 = arith.constant 32 : index
        %parallel_loop3A_1078 = tpu.vector_load %arg13[%parallel_loop3A_1076, %parallel_loop3A_1077] {strides = array<i32>} : memref<520x64xf32, #tpu.memory_space<vmem>>, vector<1x16xf32>,
        %parallel_loop3A_1079 = vector.shape_cast %parallel_loop3A_1078 : vector<1x16xf32> to vector<16xf32>
        %parallel_loop3A_1080 = vector.shape_cast %parallel_loop3A_1075 : vector<16xf32> to vector<1x16xf32>
        tpu.vector_store %arg13[%parallel_loop3A_1076, %parallel_loop3A_1077], %parallel_loop3A_1080 {add = true, strides = array<i32>} : memref<520x64xf32, #tpu.memory_space<vmem>>, vector<1x16xf32>,
        %parallel_loop3A_1081 = arith.constant 16 : i32
        %parallel_loop3A_1082 = arith.muli %parallel_loop3A_140, %parallel_loop3A_1081 : i32
        %parallel_loop3A_1083 = arith.constant 13 : i32
        %parallel_loop3A_1084 = arith.addi %parallel_loop3A_1082, %parallel_loop3A_1083 : i32
        %parallel_loop3A_1085 = arith.index_cast %and3A_78 : i32 to index
        %parallel_loop3A_1086 = arith.index_cast %parallel_loop3A_1084 : i32 to index
        %parallel_loop3A_1087 = arith.constant 48 : index
        %parallel_loop3A_1088 = tpu.vector_load %arg12[%parallel_loop3A_1085, %parallel_loop3A_1086, %parallel_loop3A_1087] {strides = array<i32>} : memref<2x512x64xf32, #tpu.memory_space<vmem>>, vector<1x1x16xf32>,
        %parallel_loop3A_1089 = vector.shape_cast %parallel_loop3A_1088 : vector<1x1x16xf32> to vector<16xf32>
        %parallel_loop3A_1090 = arith.mulf %parallel_loop3A_1089, %parallel_loop3A_1033 : vector<16xf32>
        %parallel_loop3A_1091 = arith.index_cast %parallel_loop3A_1035 : i32 to index
        %parallel_loop3A_1092 = arith.constant 48 : index
        %parallel_loop3A_1093 = tpu.vector_load %arg13[%parallel_loop3A_1091, %parallel_loop3A_1092] {strides = array<i32>} : memref<520x64xf32, #tpu.memory_space<vmem>>, vector<1x16xf32>,
        %parallel_loop3A_1094 = vector.shape_cast %parallel_loop3A_1093 : vector<1x16xf32> to vector<16xf32>
        %parallel_loop3A_1095 = vector.shape_cast %parallel_loop3A_1090 : vector<16xf32> to vector<1x16xf32>
        tpu.vector_store %arg13[%parallel_loop3A_1091, %parallel_loop3A_1092], %parallel_loop3A_1095 {add = true, strides = array<i32>} : memref<520x64xf32, #tpu.memory_space<vmem>>, vector<1x16xf32>,
        %parallel_loop3A_1096 = arith.constant 14 : i32
        %parallel_loop3A_1097 = vector.broadcast %parallel_loop3A_1096 : i32 to vector<16x1xi32>
        %parallel_loop3A_1098 = vector.shape_cast %parallel_loop3A_1097 : vector<16x1xi32> to vector<16xi32>
        %parallel_loop3A_1099 = tpu.dynamic_gather %parallel_loop3A_163[%parallel_loop3A_1098] in [0] : vector<16xf32>, vector<16xi32> -> vector<16xf32>
        %parallel_loop3A_1100 = vector.extract_strided_slice %parallel_loop3A_171 {offsets = [14], sizes = [1], strides = [1]} : vector<16xi32> to vector<1xi32>
        %parallel_loop3A_1101 = vector.extract %parallel_loop3A_1100[0] : i32 from vector<1xi32>
        %parallel_loop3A_1102 = arith.constant 16 : i32
        %parallel_loop3A_1103 = arith.muli %parallel_loop3A_140, %parallel_loop3A_1102 : i32
        %parallel_loop3A_1104 = arith.constant 14 : i32
        %parallel_loop3A_1105 = arith.addi %parallel_loop3A_1103, %parallel_loop3A_1104 : i32
        %parallel_loop3A_1106 = arith.index_cast %and3A_78 : i32 to index
        %parallel_loop3A_1107 = arith.index_cast %parallel_loop3A_1105 : i32 to index
        %parallel_loop3A_1108 = arith.constant 0 : index
        %parallel_loop3A_1109 = tpu.vector_load %arg12[%parallel_loop3A_1106, %parallel_loop3A_1107, %parallel_loop3A_1108] {strides = array<i32>} : memref<2x512x64xf32, #tpu.memory_space<vmem>>, vector<1x1x16xf32>,
        %parallel_loop3A_1110 = vector.shape_cast %parallel_loop3A_1109 : vector<1x1x16xf32> to vector<16xf32>
        %parallel_loop3A_1111 = arith.mulf %parallel_loop3A_1110, %parallel_loop3A_1099 : vector<16xf32>
        %parallel_loop3A_1112 = arith.index_cast %parallel_loop3A_1101 : i32 to index
        %parallel_loop3A_1113 = arith.constant 0 : index
        %parallel_loop3A_1114 = tpu.vector_load %arg13[%parallel_loop3A_1112, %parallel_loop3A_1113] {strides = array<i32>} : memref<520x64xf32, #tpu.memory_space<vmem>>, vector<1x16xf32>,
        %parallel_loop3A_1115 = vector.shape_cast %parallel_loop3A_1114 : vector<1x16xf32> to vector<16xf32>
        %parallel_loop3A_1116 = vector.shape_cast %parallel_loop3A_1111 : vector<16xf32> to vector<1x16xf32>
        tpu.vector_store %arg13[%parallel_loop3A_1112, %parallel_loop3A_1113], %parallel_loop3A_1116 {add = true, strides = array<i32>} : memref<520x64xf32, #tpu.memory_space<vmem>>, vector<1x16xf32>,
        %parallel_loop3A_1117 = arith.constant 16 : i32
        %parallel_loop3A_1118 = arith.muli %parallel_loop3A_140, %parallel_loop3A_1117 : i32
        %parallel_loop3A_1119 = arith.constant 14 : i32
        %parallel_loop3A_1120 = arith.addi %parallel_loop3A_1118, %parallel_loop3A_1119 : i32
        %parallel_loop3A_1121 = arith.index_cast %and3A_78 : i32 to index
        %parallel_loop3A_1122 = arith.index_cast %parallel_loop3A_1120 : i32 to index
        %parallel_loop3A_1123 = arith.constant 16 : index
        %parallel_loop3A_1124 = tpu.vector_load %arg12[%parallel_loop3A_1121, %parallel_loop3A_1122, %parallel_loop3A_1123] {strides = array<i32>} : memref<2x512x64xf32, #tpu.memory_space<vmem>>, vector<1x1x16xf32>,
        %parallel_loop3A_1125 = vector.shape_cast %parallel_loop3A_1124 : vector<1x1x16xf32> to vector<16xf32>
        %parallel_loop3A_1126 = arith.mulf %parallel_loop3A_1125, %parallel_loop3A_1099 : vector<16xf32>
        %parallel_loop3A_1127 = arith.index_cast %parallel_loop3A_1101 : i32 to index
        %parallel_loop3A_1128 = arith.constant 16 : index
        %parallel_loop3A_1129 = tpu.vector_load %arg13[%parallel_loop3A_1127, %parallel_loop3A_1128] {strides = array<i32>} : memref<520x64xf32, #tpu.memory_space<vmem>>, vector<1x16xf32>,
        %parallel_loop3A_1130 = vector.shape_cast %parallel_loop3A_1129 : vector<1x16xf32> to vector<16xf32>
        %parallel_loop3A_1131 = vector.shape_cast %parallel_loop3A_1126 : vector<16xf32> to vector<1x16xf32>
        tpu.vector_store %arg13[%parallel_loop3A_1127, %parallel_loop3A_1128], %parallel_loop3A_1131 {add = true, strides = array<i32>} : memref<520x64xf32, #tpu.memory_space<vmem>>, vector<1x16xf32>,
        %parallel_loop3A_1132 = arith.constant 16 : i32
        %parallel_loop3A_1133 = arith.muli %parallel_loop3A_140, %parallel_loop3A_1132 : i32
        %parallel_loop3A_1134 = arith.constant 14 : i32
        %parallel_loop3A_1135 = arith.addi %parallel_loop3A_1133, %parallel_loop3A_1134 : i32
        %parallel_loop3A_1136 = arith.index_cast %and3A_78 : i32 to index
        %parallel_loop3A_1137 = arith.index_cast %parallel_loop3A_1135 : i32 to index
        %parallel_loop3A_1138 = arith.constant 32 : index
        %parallel_loop3A_1139 = tpu.vector_load %arg12[%parallel_loop3A_1136, %parallel_loop3A_1137, %parallel_loop3A_1138] {strides = array<i32>} : memref<2x512x64xf32, #tpu.memory_space<vmem>>, vector<1x1x16xf32>,
        %parallel_loop3A_1140 = vector.shape_cast %parallel_loop3A_1139 : vector<1x1x16xf32> to vector<16xf32>
        %parallel_loop3A_1141 = arith.mulf %parallel_loop3A_1140, %parallel_loop3A_1099 : vector<16xf32>
        %parallel_loop3A_1142 = arith.index_cast %parallel_loop3A_1101 : i32 to index
        %parallel_loop3A_1143 = arith.constant 32 : index
        %parallel_loop3A_1144 = tpu.vector_load %arg13[%parallel_loop3A_1142, %parallel_loop3A_1143] {strides = array<i32>} : memref<520x64xf32, #tpu.memory_space<vmem>>, vector<1x16xf32>,
        %parallel_loop3A_1145 = vector.shape_cast %parallel_loop3A_1144 : vector<1x16xf32> to vector<16xf32>
        %parallel_loop3A_1146 = vector.shape_cast %parallel_loop3A_1141 : vector<16xf32> to vector<1x16xf32>
        tpu.vector_store %arg13[%parallel_loop3A_1142, %parallel_loop3A_1143], %parallel_loop3A_1146 {add = true, strides = array<i32>} : memref<520x64xf32, #tpu.memory_space<vmem>>, vector<1x16xf32>,
        %parallel_loop3A_1147 = arith.constant 16 : i32
        %parallel_loop3A_1148 = arith.muli %parallel_loop3A_140, %parallel_loop3A_1147 : i32
        %parallel_loop3A_1149 = arith.constant 14 : i32
        %parallel_loop3A_1150 = arith.addi %parallel_loop3A_1148, %parallel_loop3A_1149 : i32
        %parallel_loop3A_1151 = arith.index_cast %and3A_78 : i32 to index
        %parallel_loop3A_1152 = arith.index_cast %parallel_loop3A_1150 : i32 to index
        %parallel_loop3A_1153 = arith.constant 48 : index
        %parallel_loop3A_1154 = tpu.vector_load %arg12[%parallel_loop3A_1151, %parallel_loop3A_1152, %parallel_loop3A_1153] {strides = array<i32>} : memref<2x512x64xf32, #tpu.memory_space<vmem>>, vector<1x1x16xf32>,
        %parallel_loop3A_1155 = vector.shape_cast %parallel_loop3A_1154 : vector<1x1x16xf32> to vector<16xf32>
        %parallel_loop3A_1156 = arith.mulf %parallel_loop3A_1155, %parallel_loop3A_1099 : vector<16xf32>
        %parallel_loop3A_1157 = arith.index_cast %parallel_loop3A_1101 : i32 to index
        %parallel_loop3A_1158 = arith.constant 48 : index
        %parallel_loop3A_1159 = tpu.vector_load %arg13[%parallel_loop3A_1157, %parallel_loop3A_1158] {strides = array<i32>} : memref<520x64xf32, #tpu.memory_space<vmem>>, vector<1x16xf32>,
        %parallel_loop3A_1160 = vector.shape_cast %parallel_loop3A_1159 : vector<1x16xf32> to vector<16xf32>
        %parallel_loop3A_1161 = vector.shape_cast %parallel_loop3A_1156 : vector<16xf32> to vector<1x16xf32>
        tpu.vector_store %arg13[%parallel_loop3A_1157, %parallel_loop3A_1158], %parallel_loop3A_1161 {add = true, strides = array<i32>} : memref<520x64xf32, #tpu.memory_space<vmem>>, vector<1x16xf32>,
        %parallel_loop3A_1162 = arith.constant 15 : i32
        %parallel_loop3A_1163 = vector.broadcast %parallel_loop3A_1162 : i32 to vector<16x1xi32>
        %parallel_loop3A_1164 = vector.shape_cast %parallel_loop3A_1163 : vector<16x1xi32> to vector<16xi32>
        %parallel_loop3A_1165 = tpu.dynamic_gather %parallel_loop3A_163[%parallel_loop3A_1164] in [0] : vector<16xf32>, vector<16xi32> -> vector<16xf32>
        %parallel_loop3A_1166 = vector.extract_strided_slice %parallel_loop3A_171 {offsets = [15], sizes = [1], strides = [1]} : vector<16xi32> to vector<1xi32>
        %parallel_loop3A_1167 = vector.extract %parallel_loop3A_1166[0] : i32 from vector<1xi32>
        %parallel_loop3A_1168 = arith.constant 16 : i32
        %parallel_loop3A_1169 = arith.muli %parallel_loop3A_140, %parallel_loop3A_1168 : i32
        %parallel_loop3A_1170 = arith.constant 15 : i32
        %parallel_loop3A_1171 = arith.addi %parallel_loop3A_1169, %parallel_loop3A_1170 : i32
        %parallel_loop3A_1172 = arith.index_cast %and3A_78 : i32 to index
        %parallel_loop3A_1173 = arith.index_cast %parallel_loop3A_1171 : i32 to index
        %parallel_loop3A_1174 = arith.constant 0 : index
        %parallel_loop3A_1175 = tpu.vector_load %arg12[%parallel_loop3A_1172, %parallel_loop3A_1173, %parallel_loop3A_1174] {strides = array<i32>} : memref<2x512x64xf32, #tpu.memory_space<vmem>>, vector<1x1x16xf32>,
        %parallel_loop3A_1176 = vector.shape_cast %parallel_loop3A_1175 : vector<1x1x16xf32> to vector<16xf32>
        %parallel_loop3A_1177 = arith.mulf %parallel_loop3A_1176, %parallel_loop3A_1165 : vector<16xf32>
        %parallel_loop3A_1178 = arith.index_cast %parallel_loop3A_1167 : i32 to index
        %parallel_loop3A_1179 = arith.constant 0 : index
        %parallel_loop3A_1180 = tpu.vector_load %arg13[%parallel_loop3A_1178, %parallel_loop3A_1179] {strides = array<i32>} : memref<520x64xf32, #tpu.memory_space<vmem>>, vector<1x16xf32>,
        %parallel_loop3A_1181 = vector.shape_cast %parallel_loop3A_1180 : vector<1x16xf32> to vector<16xf32>
        %parallel_loop3A_1182 = vector.shape_cast %parallel_loop3A_1177 : vector<16xf32> to vector<1x16xf32>
        tpu.vector_store %arg13[%parallel_loop3A_1178, %parallel_loop3A_1179], %parallel_loop3A_1182 {add = true, strides = array<i32>} : memref<520x64xf32, #tpu.memory_space<vmem>>, vector<1x16xf32>,
        %parallel_loop3A_1183 = arith.constant 16 : i32
        %parallel_loop3A_1184 = arith.muli %parallel_loop3A_140, %parallel_loop3A_1183 : i32
        %parallel_loop3A_1185 = arith.constant 15 : i32
        %parallel_loop3A_1186 = arith.addi %parallel_loop3A_1184, %parallel_loop3A_1185 : i32
        %parallel_loop3A_1187 = arith.index_cast %and3A_78 : i32 to index
        %parallel_loop3A_1188 = arith.index_cast %parallel_loop3A_1186 : i32 to index
        %parallel_loop3A_1189 = arith.constant 16 : index
        %parallel_loop3A_1190 = tpu.vector_load %arg12[%parallel_loop3A_1187, %parallel_loop3A_1188, %parallel_loop3A_1189] {strides = array<i32>} : memref<2x512x64xf32, #tpu.memory_space<vmem>>, vector<1x1x16xf32>,
        %parallel_loop3A_1191 = vector.shape_cast %parallel_loop3A_1190 : vector<1x1x16xf32> to vector<16xf32>
        %parallel_loop3A_1192 = arith.mulf %parallel_loop3A_1191, %parallel_loop3A_1165 : vector<16xf32>
        %parallel_loop3A_1193 = arith.index_cast %parallel_loop3A_1167 : i32 to index
        %parallel_loop3A_1194 = arith.constant 16 : index
        %parallel_loop3A_1195 = tpu.vector_load %arg13[%parallel_loop3A_1193, %parallel_loop3A_1194] {strides = array<i32>} : memref<520x64xf32, #tpu.memory_space<vmem>>, vector<1x16xf32>,
        %parallel_loop3A_1196 = vector.shape_cast %parallel_loop3A_1195 : vector<1x16xf32> to vector<16xf32>
        %parallel_loop3A_1197 = vector.shape_cast %parallel_loop3A_1192 : vector<16xf32> to vector<1x16xf32>
        tpu.vector_store %arg13[%parallel_loop3A_1193, %parallel_loop3A_1194], %parallel_loop3A_1197 {add = true, strides = array<i32>} : memref<520x64xf32, #tpu.memory_space<vmem>>, vector<1x16xf32>,
        %parallel_loop3A_1198 = arith.constant 16 : i32
        %parallel_loop3A_1199 = arith.muli %parallel_loop3A_140, %parallel_loop3A_1198 : i32
        %parallel_loop3A_1200 = arith.constant 15 : i32
        %parallel_loop3A_1201 = arith.addi %parallel_loop3A_1199, %parallel_loop3A_1200 : i32
        %parallel_loop3A_1202 = arith.index_cast %and3A_78 : i32 to index
        %parallel_loop3A_1203 = arith.index_cast %parallel_loop3A_1201 : i32 to index
        %parallel_loop3A_1204 = arith.constant 32 : index
        %parallel_loop3A_1205 = tpu.vector_load %arg12[%parallel_loop3A_1202, %parallel_loop3A_1203, %parallel_loop3A_1204] {strides = array<i32>} : memref<2x512x64xf32, #tpu.memory_space<vmem>>, vector<1x1x16xf32>,
        %parallel_loop3A_1206 = vector.shape_cast %parallel_loop3A_1205 : vector<1x1x16xf32> to vector<16xf32>
        %parallel_loop3A_1207 = arith.mulf %parallel_loop3A_1206, %parallel_loop3A_1165 : vector<16xf32>
        %parallel_loop3A_1208 = arith.index_cast %parallel_loop3A_1167 : i32 to index
        %parallel_loop3A_1209 = arith.constant 32 : index
        %parallel_loop3A_1210 = tpu.vector_load %arg13[%parallel_loop3A_1208, %parallel_loop3A_1209] {strides = array<i32>} : memref<520x64xf32, #tpu.memory_space<vmem>>, vector<1x16xf32>,
        %parallel_loop3A_1211 = vector.shape_cast %parallel_loop3A_1210 : vector<1x16xf32> to vector<16xf32>
        %parallel_loop3A_1212 = vector.shape_cast %parallel_loop3A_1207 : vector<16xf32> to vector<1x16xf32>
        tpu.vector_store %arg13[%parallel_loop3A_1208, %parallel_loop3A_1209], %parallel_loop3A_1212 {add = true, strides = array<i32>} : memref<520x64xf32, #tpu.memory_space<vmem>>, vector<1x16xf32>,
        %parallel_loop3A_1213 = arith.constant 16 : i32
        %parallel_loop3A_1214 = arith.muli %parallel_loop3A_140, %parallel_loop3A_1213 : i32
        %parallel_loop3A_1215 = arith.constant 15 : i32
        %parallel_loop3A_1216 = arith.addi %parallel_loop3A_1214, %parallel_loop3A_1215 : i32
        %parallel_loop3A_1217 = arith.index_cast %and3A_78 : i32 to index
        %parallel_loop3A_1218 = arith.index_cast %parallel_loop3A_1216 : i32 to index
        %parallel_loop3A_1219 = arith.constant 48 : index
        %parallel_loop3A_1220 = tpu.vector_load %arg12[%parallel_loop3A_1217, %parallel_loop3A_1218, %parallel_loop3A_1219] {strides = array<i32>} : memref<2x512x64xf32, #tpu.memory_space<vmem>>, vector<1x1x16xf32>,
        %parallel_loop3A_1221 = vector.shape_cast %parallel_loop3A_1220 : vector<1x1x16xf32> to vector<16xf32>
        %parallel_loop3A_1222 = arith.mulf %parallel_loop3A_1221, %parallel_loop3A_1165 : vector<16xf32>
        %parallel_loop3A_1223 = arith.index_cast %parallel_loop3A_1167 : i32 to index
        %parallel_loop3A_1224 = arith.constant 48 : index
        %parallel_loop3A_1225 = tpu.vector_load %arg13[%parallel_loop3A_1223, %parallel_loop3A_1224] {strides = array<i32>} : memref<520x64xf32, #tpu.memory_space<vmem>>, vector<1x16xf32>,
        %parallel_loop3A_1226 = vector.shape_cast %parallel_loop3A_1225 : vector<1x16xf32> to vector<16xf32>
        %parallel_loop3A_1227 = vector.shape_cast %parallel_loop3A_1222 : vector<16xf32> to vector<1x16xf32>
        tpu.vector_store %arg13[%parallel_loop3A_1223, %parallel_loop3A_1224], %parallel_loop3A_1227 {add = true, strides = array<i32>} : memref<520x64xf32, #tpu.memory_space<vmem>>, vector<1x16xf32>,
      } {sc.loop_unroll_factor = 1 : i64, sc.parallel_access}
      %add3A_133 = arith.constant 2 : i32
      %add3A_134 = arith.addi %while3A_75, %add3A_133 : i32
      %lt3A_135 = arith.cmpi slt, %add3A_134, %select_n3A_61 : i32
      %convert_element_type3A_136 = arith.extui %lt3A_135 : i1 to i32
      %cond3A_137 = arith.constant 0 : i32
      %cond3A_138 = arith.cmpi ne, %convert_element_type3A_136, %cond3A_137 : i32
      scf.if %cond3A_138 {
        %add3A_140 = arith.constant 2 : i32
        %add3A_141 = arith.addi %while3A_75, %add3A_140 : i32
        %mul3A_142 = arith.constant 512 : i32
        %mul3A_143 = arith.muli %add3A_141, %mul3A_142 : i32
        %add3A_144 = arith.addi %mul3A_34, %mul3A_143 : i32
        %multiple_of3A_145 = tpu.assume_multiple %add3A_144, 8 : i32
        %dma_start3A_146 = arith.constant 0 : i32
        %dma_start3A_147 = tpu.memref_slice %arg9[%and3A_78, %dma_start3A_146] : memref<2x512xi32, #tpu.memory_space<vmem>> -> memref<1x512xi32, #tpu.memory_space<vmem>>
        %dma_start3A_148 = tpu.memref_squeeze %dma_start3A_147 : memref<1x512xi32, #tpu.memory_space<vmem>> -> memref<512xi32, #tpu.memory_space<vmem>>
        %dma_start3A_149 = tpu.memref_slice %arg3[%multiple_of3A_145] : memref<269824xi32, #tpu.memory_space<hbm>> -> memref<512xi32, #tpu.memory_space<hbm>>
        %dma_start3A_150 = arith.constant 0 : i32
        %dma_start3A_151 = tpu.memref_slice %arg9[%and3A_78, %dma_start3A_150] : memref<2x512xi32, #tpu.memory_space<vmem>> -> memref<1x512xi32, #tpu.memory_space<vmem>>
        %dma_start3A_152 = tpu.memref_squeeze %dma_start3A_151 : memref<1x512xi32, #tpu.memory_space<vmem>> -> memref<512xi32, #tpu.memory_space<vmem>>
        %dma_start3A_153 = tpu.memref_slice %arg3[%multiple_of3A_145] : memref<269824xi32, #tpu.memory_space<hbm>> -> memref<512xi32, #tpu.memory_space<hbm>>
        tpu.enqueue_dma source(%dma_start3A_153 : memref<512xi32, #tpu.memory_space<hbm>>) target(%dma_start3A_152 : memref<512xi32, #tpu.memory_space<vmem>>) target_semaphore(%arg14 : memref<!tpu.dma_semaphore, #tpu.memory_space<semaphore_mem>>)
        %dma_start3A_154 = arith.constant 0 : i32
        %dma_start3A_155 = tpu.memref_slice %arg10[%and3A_78, %dma_start3A_154] : memref<2x512xi32, #tpu.memory_space<vmem>> -> memref<1x512xi32, #tpu.memory_space<vmem>>
        %dma_start3A_156 = tpu.memref_squeeze %dma_start3A_155 : memref<1x512xi32, #tpu.memory_space<vmem>> -> memref<512xi32, #tpu.memory_space<vmem>>
        %dma_start3A_157 = tpu.memref_slice %arg4[%multiple_of3A_145] : memref<269824xi32, #tpu.memory_space<hbm>> -> memref<512xi32, #tpu.memory_space<hbm>>
        %dma_start3A_158 = arith.constant 0 : i32
        %dma_start3A_159 = tpu.memref_slice %arg10[%and3A_78, %dma_start3A_158] : memref<2x512xi32, #tpu.memory_space<vmem>> -> memref<1x512xi32, #tpu.memory_space<vmem>>
        %dma_start3A_160 = tpu.memref_squeeze %dma_start3A_159 : memref<1x512xi32, #tpu.memory_space<vmem>> -> memref<512xi32, #tpu.memory_space<vmem>>
        %dma_start3A_161 = tpu.memref_slice %arg4[%multiple_of3A_145] : memref<269824xi32, #tpu.memory_space<hbm>> -> memref<512xi32, #tpu.memory_space<hbm>>
        tpu.enqueue_dma source(%dma_start3A_161 : memref<512xi32, #tpu.memory_space<hbm>>) target(%dma_start3A_160 : memref<512xi32, #tpu.memory_space<vmem>>) target_semaphore(%arg14 : memref<!tpu.dma_semaphore, #tpu.memory_space<semaphore_mem>>)
        %dma_start3A_162 = arith.constant 0 : i32
        %dma_start3A_163 = tpu.memref_slice %arg11[%and3A_78, %dma_start3A_162] : memref<2x512xf32, #tpu.memory_space<vmem>> -> memref<1x512xf32, #tpu.memory_space<vmem>>
        %dma_start3A_164 = tpu.memref_squeeze %dma_start3A_163 : memref<1x512xf32, #tpu.memory_space<vmem>> -> memref<512xf32, #tpu.memory_space<vmem>>
        %dma_start3A_165 = tpu.memref_slice %arg5[%multiple_of3A_145] : memref<269824xf32, #tpu.memory_space<hbm>> -> memref<512xf32, #tpu.memory_space<hbm>>
        %dma_start3A_166 = arith.constant 0 : i32
        %dma_start3A_167 = tpu.memref_slice %arg11[%and3A_78, %dma_start3A_166] : memref<2x512xf32, #tpu.memory_space<vmem>> -> memref<1x512xf32, #tpu.memory_space<vmem>>
        %dma_start3A_168 = tpu.memref_squeeze %dma_start3A_167 : memref<1x512xf32, #tpu.memory_space<vmem>> -> memref<512xf32, #tpu.memory_space<vmem>>
        %dma_start3A_169 = tpu.memref_slice %arg5[%multiple_of3A_145] : memref<269824xf32, #tpu.memory_space<hbm>> -> memref<512xf32, #tpu.memory_space<hbm>>
        tpu.enqueue_dma source(%dma_start3A_169 : memref<512xf32, #tpu.memory_space<hbm>>) target(%dma_start3A_168 : memref<512xf32, #tpu.memory_space<vmem>>) target_semaphore(%arg14 : memref<!tpu.dma_semaphore, #tpu.memory_space<semaphore_mem>>)
      } else {
      }
      %while3A_139 = arith.constant 0 : i32
      scf.yield %while3A_139 : i32
    }
    %while3A_73 = arith.constant 1 : i32
    %while3A_74 = scf.for %while3A_75 = %while3A_70 to %while3A_66 step %while3A_73 iter_args(%while3A_76 = %while3A_72) -> (i32)  : i32 {
      %and3A_77 = arith.constant 1 : i32
      %and3A_78 = arith.andi %while3A_75, %and3A_77 : i32
      %dma_wait3A_79 = arith.constant 0 : i32
      %dma_wait3A_80 = arith.constant 0 : i32
      %dma_wait3A_81 = tpu.memref_slice %arg12[%and3A_78, %dma_wait3A_79, %dma_wait3A_80] : memref<2x512x64xf32, #tpu.memory_space<vmem>> -> memref<1x128x64xf32, #tpu.memory_space<vmem>>
      %dma_wait3A_82 = tpu.memref_squeeze %dma_wait3A_81 : memref<1x128x64xf32, #tpu.memory_space<vmem>> -> memref<128x64xf32, #tpu.memory_space<vmem>>
      %dma_wait3A_83 = arith.constant 0 : i32
      %dma_wait3A_84 = tpu.memref_slice %arg9[%and3A_78, %dma_wait3A_83] : memref<2x512xi32, #tpu.memory_space<vmem>> -> memref<1x128xi32, #tpu.memory_space<vmem>>
      %dma_wait3A_85 = tpu.memref_squeeze %dma_wait3A_84 : memref<1x128xi32, #tpu.memory_space<vmem>> -> memref<128xi32, #tpu.memory_space<vmem>>
      %dma_wait3A_86 = arith.constant 0 : i32
      %dma_wait3A_87 = arith.constant 0 : i32
      %dma_wait3A_88 = tpu.memref_slice %arg6[%dma_wait3A_86, %dma_wait3A_87] : memref<16384x64xf32, #tpu.memory_space<hbm>> -> memref<16384x64xf32, #tpu.memory_space<hbm>>
      tpu.wait_indirect_dma semaphore(%arg15 : memref<!tpu.dma_semaphore, #tpu.memory_space<semaphore_mem>>) src(%dma_wait3A_88 : memref<16384x64xf32, #tpu.memory_space<hbm>>) dst(%dma_wait3A_82 : memref<128x64xf32, #tpu.memory_space<vmem>>)
      %dma_wait3A_89 = arith.constant 128 : i32
      %dma_wait3A_90 = arith.constant 0 : i32
      %dma_wait3A_91 = tpu.memref_slice %arg12[%and3A_78, %dma_wait3A_89, %dma_wait3A_90] : memref<2x512x64xf32, #tpu.memory_space<vmem>> -> memref<1x128x64xf32, #tpu.memory_space<vmem>>
      %dma_wait3A_92 = tpu.memref_squeeze %dma_wait3A_91 : memref<1x128x64xf32, #tpu.memory_space<vmem>> -> memref<128x64xf32, #tpu.memory_space<vmem>>
      %dma_wait3A_93 = arith.constant 128 : i32
      %dma_wait3A_94 = tpu.memref_slice %arg9[%and3A_78, %dma_wait3A_93] : memref<2x512xi32, #tpu.memory_space<vmem>> -> memref<1x128xi32, #tpu.memory_space<vmem>>
      %dma_wait3A_95 = tpu.memref_squeeze %dma_wait3A_94 : memref<1x128xi32, #tpu.memory_space<vmem>> -> memref<128xi32, #tpu.memory_space<vmem>>
      %dma_wait3A_96 = arith.constant 0 : i32
      %dma_wait3A_97 = arith.constant 0 : i32
      %dma_wait3A_98 = tpu.memref_slice %arg6[%dma_wait3A_96, %dma_wait3A_97] : memref<16384x64xf32, #tpu.memory_space<hbm>> -> memref<16384x64xf32, #tpu.memory_space<hbm>>
      tpu.wait_indirect_dma semaphore(%arg15 : memref<!tpu.dma_semaphore, #tpu.memory_space<semaphore_mem>>) src(%dma_wait3A_98 : memref<16384x64xf32, #tpu.memory_space<hbm>>) dst(%dma_wait3A_92 : memref<128x64xf32, #tpu.memory_space<vmem>>)
      %dma_wait3A_99 = arith.constant 256 : i32
      %dma_wait3A_100 = arith.constant 0 : i32
      %dma_wait3A_101 = tpu.memref_slice %arg12[%and3A_78, %dma_wait3A_99, %dma_wait3A_100] : memref<2x512x64xf32, #tpu.memory_space<vmem>> -> memref<1x128x64xf32, #tpu.memory_space<vmem>>
      %dma_wait3A_102 = tpu.memref_squeeze %dma_wait3A_101 : memref<1x128x64xf32, #tpu.memory_space<vmem>> -> memref<128x64xf32, #tpu.memory_space<vmem>>
      %dma_wait3A_103 = arith.constant 256 : i32
      %dma_wait3A_104 = tpu.memref_slice %arg9[%and3A_78, %dma_wait3A_103] : memref<2x512xi32, #tpu.memory_space<vmem>> -> memref<1x128xi32, #tpu.memory_space<vmem>>
      %dma_wait3A_105 = tpu.memref_squeeze %dma_wait3A_104 : memref<1x128xi32, #tpu.memory_space<vmem>> -> memref<128xi32, #tpu.memory_space<vmem>>
      %dma_wait3A_106 = arith.constant 0 : i32
      %dma_wait3A_107 = arith.constant 0 : i32
      %dma_wait3A_108 = tpu.memref_slice %arg6[%dma_wait3A_106, %dma_wait3A_107] : memref<16384x64xf32, #tpu.memory_space<hbm>> -> memref<16384x64xf32, #tpu.memory_space<hbm>>
      tpu.wait_indirect_dma semaphore(%arg15 : memref<!tpu.dma_semaphore, #tpu.memory_space<semaphore_mem>>) src(%dma_wait3A_108 : memref<16384x64xf32, #tpu.memory_space<hbm>>) dst(%dma_wait3A_102 : memref<128x64xf32, #tpu.memory_space<vmem>>)
      %dma_wait3A_109 = arith.constant 384 : i32
      %dma_wait3A_110 = arith.constant 0 : i32
      %dma_wait3A_111 = tpu.memref_slice %arg12[%and3A_78, %dma_wait3A_109, %dma_wait3A_110] : memref<2x512x64xf32, #tpu.memory_space<vmem>> -> memref<1x128x64xf32, #tpu.memory_space<vmem>>
      %dma_wait3A_112 = tpu.memref_squeeze %dma_wait3A_111 : memref<1x128x64xf32, #tpu.memory_space<vmem>> -> memref<128x64xf32, #tpu.memory_space<vmem>>
      %dma_wait3A_113 = arith.constant 384 : i32
      %dma_wait3A_114 = tpu.memref_slice %arg9[%and3A_78, %dma_wait3A_113] : memref<2x512xi32, #tpu.memory_space<vmem>> -> memref<1x128xi32, #tpu.memory_space<vmem>>
      %dma_wait3A_115 = tpu.memref_squeeze %dma_wait3A_114 : memref<1x128xi32, #tpu.memory_space<vmem>> -> memref<128xi32, #tpu.memory_space<vmem>>
      %dma_wait3A_116 = arith.constant 0 : i32
      %dma_wait3A_117 = arith.constant 0 : i32
      %dma_wait3A_118 = tpu.memref_slice %arg6[%dma_wait3A_116, %dma_wait3A_117] : memref<16384x64xf32, #tpu.memory_space<hbm>> -> memref<16384x64xf32, #tpu.memory_space<hbm>>
      tpu.wait_indirect_dma semaphore(%arg15 : memref<!tpu.dma_semaphore, #tpu.memory_space<semaphore_mem>>) src(%dma_wait3A_118 : memref<16384x64xf32, #tpu.memory_space<hbm>>) dst(%dma_wait3A_112 : memref<128x64xf32, #tpu.memory_space<vmem>>)
      %add3A_119 = arith.constant 1 : i32
      %add3A_120 = arith.addi %while3A_75, %add3A_119 : i32
      %lt3A = arith.cmpi slt, %add3A_120, %select_n3A_61 : i32
      %convert_element_type3A_121 = arith.extui %lt3A : i1 to i32
      %cond3A_122 = arith.constant 0 : i32
      %cond3A_123 = arith.cmpi ne, %convert_element_type3A_121, %cond3A_122 : i32
      scf.if %cond3A_123 {
        %add3A_140 = arith.constant 1 : i32
        %add3A_141 = arith.addi %while3A_75, %add3A_140 : i32
        %sub3A_142 = arith.constant 1 : i32
        %sub3A_143 = arith.subi %sub3A_142, %and3A_78 : i32
        %mul3A_144 = arith.constant 512 : i32
        %mul3A_145 = arith.muli %add3A_141, %mul3A_144 : i32
        %add3A_146 = arith.addi %mul3A_34, %mul3A_145 : i32
        %multiple_of3A_147 = tpu.assume_multiple %add3A_146, 8 : i32
        %dma_wait3A_148 = arith.constant 0 : i32
        %dma_wait3A_149 = tpu.memref_slice %arg9[%sub3A_143, %dma_wait3A_148] : memref<2x512xi32, #tpu.memory_space<vmem>> -> memref<1x512xi32, #tpu.memory_space<vmem>>
        %dma_wait3A_150 = tpu.memref_squeeze %dma_wait3A_149 : memref<1x512xi32, #tpu.memory_space<vmem>> -> memref<512xi32, #tpu.memory_space<vmem>>
        %dma_wait3A_151 = tpu.memref_slice %arg3[%multiple_of3A_147] : memref<269824xi32, #tpu.memory_space<hbm>> -> memref<512xi32, #tpu.memory_space<hbm>>
        %dma_wait3A_152 = arith.constant 0 : i32
        %dma_wait3A_153 = tpu.memref_slice %arg9[%sub3A_143, %dma_wait3A_152] : memref<2x512xi32, #tpu.memory_space<vmem>> -> memref<1x512xi32, #tpu.memory_space<vmem>>
        %dma_wait3A_154 = tpu.memref_squeeze %dma_wait3A_153 : memref<1x512xi32, #tpu.memory_space<vmem>> -> memref<512xi32, #tpu.memory_space<vmem>>
        %dma_wait3A_155 = tpu.memref_slice %arg3[%multiple_of3A_147] : memref<269824xi32, #tpu.memory_space<hbm>> -> memref<512xi32, #tpu.memory_space<hbm>>
        tpu.wait_dma2 semaphore(%arg14 : memref<!tpu.dma_semaphore, #tpu.memory_space<semaphore_mem>>) src(%dma_wait3A_155 : memref<512xi32, #tpu.memory_space<hbm>>) dst(%dma_wait3A_154 : memref<512xi32, #tpu.memory_space<vmem>>)
        %dma_wait3A_156 = arith.constant 0 : i32
        %dma_wait3A_157 = tpu.memref_slice %arg10[%sub3A_143, %dma_wait3A_156] : memref<2x512xi32, #tpu.memory_space<vmem>> -> memref<1x512xi32, #tpu.memory_space<vmem>>
        %dma_wait3A_158 = tpu.memref_squeeze %dma_wait3A_157 : memref<1x512xi32, #tpu.memory_space<vmem>> -> memref<512xi32, #tpu.memory_space<vmem>>
        %dma_wait3A_159 = tpu.memref_slice %arg4[%multiple_of3A_147] : memref<269824xi32, #tpu.memory_space<hbm>> -> memref<512xi32, #tpu.memory_space<hbm>>
        %dma_wait3A_160 = arith.constant 0 : i32
        %dma_wait3A_161 = tpu.memref_slice %arg10[%sub3A_143, %dma_wait3A_160] : memref<2x512xi32, #tpu.memory_space<vmem>> -> memref<1x512xi32, #tpu.memory_space<vmem>>
        %dma_wait3A_162 = tpu.memref_squeeze %dma_wait3A_161 : memref<1x512xi32, #tpu.memory_space<vmem>> -> memref<512xi32, #tpu.memory_space<vmem>>
        %dma_wait3A_163 = tpu.memref_slice %arg4[%multiple_of3A_147] : memref<269824xi32, #tpu.memory_space<hbm>> -> memref<512xi32, #tpu.memory_space<hbm>>
        tpu.wait_dma2 semaphore(%arg14 : memref<!tpu.dma_semaphore, #tpu.memory_space<semaphore_mem>>) src(%dma_wait3A_163 : memref<512xi32, #tpu.memory_space<hbm>>) dst(%dma_wait3A_162 : memref<512xi32, #tpu.memory_space<vmem>>)
        %dma_wait3A_164 = arith.constant 0 : i32
        %dma_wait3A_165 = tpu.memref_slice %arg11[%sub3A_143, %dma_wait3A_164] : memref<2x512xf32, #tpu.memory_space<vmem>> -> memref<1x512xf32, #tpu.memory_space<vmem>>
        %dma_wait3A_166 = tpu.memref_squeeze %dma_wait3A_165 : memref<1x512xf32, #tpu.memory_space<vmem>> -> memref<512xf32, #tpu.memory_space<vmem>>
        %dma_wait3A_167 = tpu.memref_slice %arg5[%multiple_of3A_147] : memref<269824xf32, #tpu.memory_space<hbm>> -> memref<512xf32, #tpu.memory_space<hbm>>
        %dma_wait3A_168 = arith.constant 0 : i32
        %dma_wait3A_169 = tpu.memref_slice %arg11[%sub3A_143, %dma_wait3A_168] : memref<2x512xf32, #tpu.memory_space<vmem>> -> memref<1x512xf32, #tpu.memory_space<vmem>>
        %dma_wait3A_170 = tpu.memref_squeeze %dma_wait3A_169 : memref<1x512xf32, #tpu.memory_space<vmem>> -> memref<512xf32, #tpu.memory_space<vmem>>
        %dma_wait3A_171 = tpu.memref_slice %arg5[%multiple_of3A_147] : memref<269824xf32, #tpu.memory_space<hbm>> -> memref<512xf32, #tpu.memory_space<hbm>>
        tpu.wait_dma2 semaphore(%arg14 : memref<!tpu.dma_semaphore, #tpu.memory_space<semaphore_mem>>) src(%dma_wait3A_171 : memref<512xf32, #tpu.memory_space<hbm>>) dst(%dma_wait3A_170 : memref<512xf32, #tpu.memory_space<vmem>>)
        %sub3A_172 = arith.constant 1 : i32
        %sub3A_173 = arith.subi %sub3A_172, %and3A_78 : i32
        %dma_start3A_174 = arith.constant 0 : i32
        %dma_start3A_175 = arith.constant 0 : i32
        %dma_start3A_176 = tpu.memref_slice %arg12[%sub3A_173, %dma_start3A_174, %dma_start3A_175] : memref<2x512x64xf32, #tpu.memory_space<vmem>> -> memref<1x128x64xf32, #tpu.memory_space<vmem>>
        %dma_start3A_177 = tpu.memref_squeeze %dma_start3A_176 : memref<1x128x64xf32, #tpu.memory_space<vmem>> -> memref<128x64xf32, #tpu.memory_space<vmem>>
        %dma_start3A_178 = arith.constant 0 : i32
        %dma_start3A_179 = tpu.memref_slice %arg9[%sub3A_173, %dma_start3A_178] : memref<2x512xi32, #tpu.memory_space<vmem>> -> memref<1x128xi32, #tpu.memory_space<vmem>>
        %dma_start3A_180 = tpu.memref_squeeze %dma_start3A_179 : memref<1x128xi32, #tpu.memory_space<vmem>> -> memref<128xi32, #tpu.memory_space<vmem>>
        %dma_start3A_181 = arith.constant 0 : i32
        %dma_start3A_182 = arith.constant 0 : i32
        %dma_start3A_183 = tpu.memref_slice %arg6[%dma_start3A_181, %dma_start3A_182] : memref<16384x64xf32, #tpu.memory_space<hbm>> -> memref<16384x64xf32, #tpu.memory_space<hbm>>
        tpu.enqueue_indirect_dma source(%dma_start3A_183 : memref<16384x64xf32, #tpu.memory_space<hbm>>) target(%dma_start3A_177 : memref<128x64xf32, #tpu.memory_space<vmem>>) offsets(%dma_start3A_180 : memref<128xi32, #tpu.memory_space<vmem>>) semaphore(%arg15 : memref<!tpu.dma_semaphore, #tpu.memory_space<semaphore_mem>>)
        %dma_start3A_184 = arith.constant 128 : i32
        %dma_start3A_185 = arith.constant 0 : i32
        %dma_start3A_186 = tpu.memref_slice %arg12[%sub3A_173, %dma_start3A_184, %dma_start3A_185] : memref<2x512x64xf32, #tpu.memory_space<vmem>> -> memref<1x128x64xf32, #tpu.memory_space<vmem>>
        %dma_start3A_187 = tpu.memref_squeeze %dma_start3A_186 : memref<1x128x64xf32, #tpu.memory_space<vmem>> -> memref<128x64xf32, #tpu.memory_space<vmem>>
        %dma_start3A_188 = arith.constant 128 : i32
        %dma_start3A_189 = tpu.memref_slice %arg9[%sub3A_173, %dma_start3A_188] : memref<2x512xi32, #tpu.memory_space<vmem>> -> memref<1x128xi32, #tpu.memory_space<vmem>>
        %dma_start3A_190 = tpu.memref_squeeze %dma_start3A_189 : memref<1x128xi32, #tpu.memory_space<vmem>> -> memref<128xi32, #tpu.memory_space<vmem>>
        %dma_start3A_191 = arith.constant 0 : i32
        %dma_start3A_192 = arith.constant 0 : i32
        %dma_start3A_193 = tpu.memref_slice %arg6[%dma_start3A_191, %dma_start3A_192] : memref<16384x64xf32, #tpu.memory_space<hbm>> -> memref<16384x64xf32, #tpu.memory_space<hbm>>
        tpu.enqueue_indirect_dma source(%dma_start3A_193 : memref<16384x64xf32, #tpu.memory_space<hbm>>) target(%dma_start3A_187 : memref<128x64xf32, #tpu.memory_space<vmem>>) offsets(%dma_start3A_190 : memref<128xi32, #tpu.memory_space<vmem>>) semaphore(%arg15 : memref<!tpu.dma_semaphore, #tpu.memory_space<semaphore_mem>>)
        %dma_start3A_194 = arith.constant 256 : i32
        %dma_start3A_195 = arith.constant 0 : i32
        %dma_start3A_196 = tpu.memref_slice %arg12[%sub3A_173, %dma_start3A_194, %dma_start3A_195] : memref<2x512x64xf32, #tpu.memory_space<vmem>> -> memref<1x128x64xf32, #tpu.memory_space<vmem>>
        %dma_start3A_197 = tpu.memref_squeeze %dma_start3A_196 : memref<1x128x64xf32, #tpu.memory_space<vmem>> -> memref<128x64xf32, #tpu.memory_space<vmem>>
        %dma_start3A_198 = arith.constant 256 : i32
        %dma_start3A_199 = tpu.memref_slice %arg9[%sub3A_173, %dma_start3A_198] : memref<2x512xi32, #tpu.memory_space<vmem>> -> memref<1x128xi32, #tpu.memory_space<vmem>>
        %dma_start3A_200 = tpu.memref_squeeze %dma_start3A_199 : memref<1x128xi32, #tpu.memory_space<vmem>> -> memref<128xi32, #tpu.memory_space<vmem>>
        %dma_start3A_201 = arith.constant 0 : i32
        %dma_start3A_202 = arith.constant 0 : i32
        %dma_start3A_203 = tpu.memref_slice %arg6[%dma_start3A_201, %dma_start3A_202] : memref<16384x64xf32, #tpu.memory_space<hbm>> -> memref<16384x64xf32, #tpu.memory_space<hbm>>
        tpu.enqueue_indirect_dma source(%dma_start3A_203 : memref<16384x64xf32, #tpu.memory_space<hbm>>) target(%dma_start3A_197 : memref<128x64xf32, #tpu.memory_space<vmem>>) offsets(%dma_start3A_200 : memref<128xi32, #tpu.memory_space<vmem>>) semaphore(%arg15 : memref<!tpu.dma_semaphore, #tpu.memory_space<semaphore_mem>>)
        %dma_start3A_204 = arith.constant 384 : i32
        %dma_start3A_205 = arith.constant 0 : i32
        %dma_start3A_206 = tpu.memref_slice %arg12[%sub3A_173, %dma_start3A_204, %dma_start3A_205] : memref<2x512x64xf32, #tpu.memory_space<vmem>> -> memref<1x128x64xf32, #tpu.memory_space<vmem>>
        %dma_start3A_207 = tpu.memref_squeeze %dma_start3A_206 : memref<1x128x64xf32, #tpu.memory_space<vmem>> -> memref<128x64xf32, #tpu.memory_space<vmem>>
        %dma_start3A_208 = arith.constant 384 : i32
        %dma_start3A_209 = tpu.memref_slice %arg9[%sub3A_173, %dma_start3A_208] : memref<2x512xi32, #tpu.memory_space<vmem>> -> memref<1x128xi32, #tpu.memory_space<vmem>>
        %dma_start3A_210 = tpu.memref_squeeze %dma_start3A_209 : memref<1x128xi32, #tpu.memory_space<vmem>> -> memref<128xi32, #tpu.memory_space<vmem>>
        %dma_start3A_211 = arith.constant 0 : i32
        %dma_start3A_212 = arith.constant 0 : i32
        %dma_start3A_213 = tpu.memref_slice %arg6[%dma_start3A_211, %dma_start3A_212] : memref<16384x64xf32, #tpu.memory_space<hbm>> -> memref<16384x64xf32, #tpu.memory_space<hbm>>
        tpu.enqueue_indirect_dma source(%dma_start3A_213 : memref<16384x64xf32, #tpu.memory_space<hbm>>) target(%dma_start3A_207 : memref<128x64xf32, #tpu.memory_space<vmem>>) offsets(%dma_start3A_210 : memref<128xi32, #tpu.memory_space<vmem>>) semaphore(%arg15 : memref<!tpu.dma_semaphore, #tpu.memory_space<semaphore_mem>>)
      } else {
      }
      %mul3A_124 = arith.constant 512 : i32
      %mul3A_125 = arith.muli %while3A_75, %mul3A_124 : i32
      %add3A_126 = arith.addi %mul3A_34, %mul3A_125 : i32
      %multiple_of3A_127 = tpu.assume_multiple %add3A_126, 8 : i32
      %add3A_128 = vector.broadcast %multiple_of3A_127 : i32 to vector<16xi32>
      %add3A_129 = arith.addi %add3A_128, %iota3A : vector<16xi32>
      %parallel_loop3A_130 = arith.constant 0 : i32
      %parallel_loop3A_131 = arith.constant 32 : i32
      %parallel_loop3A_132 = arith.constant 1 : i32
      scf.for %parallel_loop3A_140 = %parallel_loop3A_130 to %parallel_loop3A_131 step %parallel_loop3A_132  : i32 {
        %parallel_loop3A_141 = arith.constant 16 : i32
        %parallel_loop3A_142 = arith.muli %parallel_loop3A_140, %parallel_loop3A_141 : i32
        %parallel_loop3A_143 = tpu.assume_multiple %parallel_loop3A_142, 16 : i32
        %parallel_loop3A_144 = arith.index_cast %and3A_78 : i32 to index
        %parallel_loop3A_145 = arith.index_cast %parallel_loop3A_143 : i32 to index
        %parallel_loop3A_146 = tpu.vector_load %arg11[%parallel_loop3A_144, %parallel_loop3A_145] {strides = array<i32>} : memref<2x512xf32, #tpu.memory_space<vmem>>, vector<1x16xf32>,
        %parallel_loop3A_147 = vector.shape_cast %parallel_loop3A_146 : vector<1x16xf32> to vector<16xf32>
        %parallel_loop3A_148 = arith.index_cast %and3A_78 : i32 to index
        %parallel_loop3A_149 = arith.index_cast %parallel_loop3A_143 : i32 to index
        %parallel_loop3A_150 = tpu.vector_load %arg10[%parallel_loop3A_148, %parallel_loop3A_149] {strides = array<i32>} : memref<2x512xi32, #tpu.memory_space<vmem>>, vector<1x16xi32>,
        %parallel_loop3A_151 = vector.shape_cast %parallel_loop3A_150 : vector<1x16xi32> to vector<16xi32>
        %parallel_loop3A_152 = arith.constant 16 : i32
        %parallel_loop3A_153 = arith.muli %parallel_loop3A_140, %parallel_loop3A_152 : i32
        %parallel_loop3A_154 = vector.broadcast %parallel_loop3A_153 : i32 to vector<16xi32>
        %parallel_loop3A_155 = arith.addi %add3A_129, %parallel_loop3A_154 : vector<16xi32>
        %parallel_loop3A_156 = vector.broadcast %squeeze3A : i32 to vector<16xi32>
        %parallel_loop3A_157 = arith.cmpi sge, %parallel_loop3A_155, %parallel_loop3A_156 : vector<16xi32>
        %parallel_loop3A_158 = vector.broadcast %squeeze3A_16 : i32 to vector<16xi32>
        %parallel_loop3A_159 = arith.cmpi slt, %parallel_loop3A_155, %parallel_loop3A_158 : vector<16xi32>
        %parallel_loop3A_160 = arith.andi %parallel_loop3A_157, %parallel_loop3A_159 : vector<16xi1>
        %parallel_loop3A_161 = arith.constant 0.000000e+00 : f32
        %parallel_loop3A_162 = vector.broadcast %parallel_loop3A_161 : f32 to vector<16xf32>
        %parallel_loop3A_163 = arith.select %parallel_loop3A_160, %parallel_loop3A_147, %parallel_loop3A_162 : vector<16xi1>, vector<16xf32>
        %parallel_loop3A_164 = vector.broadcast %mul3A_2 : i32 to vector<16xi32>
        %parallel_loop3A_165 = arith.subi %parallel_loop3A_151, %parallel_loop3A_164 : vector<16xi32>
        %parallel_loop3A_166 = arith.constant 0 : i32
        %parallel_loop3A_167 = vector.broadcast %parallel_loop3A_166 : i32 to vector<16xi32>
        %parallel_loop3A_168 = arith.maxsi %parallel_loop3A_165, %parallel_loop3A_167 : vector<16xi32>
        %parallel_loop3A_169 = arith.constant 512 : i32
        %parallel_loop3A_170 = vector.broadcast %parallel_loop3A_169 : i32 to vector<16xi32>
        %parallel_loop3A_171 = arith.minsi %parallel_loop3A_168, %parallel_loop3A_170 : vector<16xi32>
        %parallel_loop3A_172 = arith.constant 0 : i32
        %parallel_loop3A_173 = vector.broadcast %parallel_loop3A_172 : i32 to vector<16x1xi32>
        %parallel_loop3A_174 = vector.shape_cast %parallel_loop3A_173 : vector<16x1xi32> to vector<16xi32>
        %parallel_loop3A_175 = tpu.dynamic_gather %parallel_loop3A_163[%parallel_loop3A_174] in [0] : vector<16xf32>, vector<16xi32> -> vector<16xf32>
        %parallel_loop3A_176 = vector.extract_strided_slice %parallel_loop3A_171 {offsets = [0], sizes = [1], strides = [1]} : vector<16xi32> to vector<1xi32>
        %parallel_loop3A_177 = vector.extract %parallel_loop3A_176[0] : i32 from vector<1xi32>
        %parallel_loop3A_178 = arith.constant 16 : i32
        %parallel_loop3A_179 = arith.muli %parallel_loop3A_140, %parallel_loop3A_178 : i32
        %parallel_loop3A_180 = arith.constant 0 : i32
        %parallel_loop3A_181 = arith.addi %parallel_loop3A_179, %parallel_loop3A_180 : i32
        %parallel_loop3A_182 = arith.index_cast %and3A_78 : i32 to index
        %parallel_loop3A_183 = arith.index_cast %parallel_loop3A_181 : i32 to index
        %parallel_loop3A_184 = arith.constant 0 : index
        %parallel_loop3A_185 = tpu.vector_load %arg12[%parallel_loop3A_182, %parallel_loop3A_183, %parallel_loop3A_184] {strides = array<i32>} : memref<2x512x64xf32, #tpu.memory_space<vmem>>, vector<1x1x16xf32>,
        %parallel_loop3A_186 = vector.shape_cast %parallel_loop3A_185 : vector<1x1x16xf32> to vector<16xf32>
        %parallel_loop3A_187 = arith.mulf %parallel_loop3A_186, %parallel_loop3A_175 : vector<16xf32>
        %parallel_loop3A_188 = arith.index_cast %parallel_loop3A_177 : i32 to index
        %parallel_loop3A_189 = arith.constant 0 : index
        %parallel_loop3A_190 = tpu.vector_load %arg13[%parallel_loop3A_188, %parallel_loop3A_189] {strides = array<i32>} : memref<520x64xf32, #tpu.memory_space<vmem>>, vector<1x16xf32>,
        %parallel_loop3A_191 = vector.shape_cast %parallel_loop3A_190 : vector<1x16xf32> to vector<16xf32>
        %parallel_loop3A_192 = vector.shape_cast %parallel_loop3A_187 : vector<16xf32> to vector<1x16xf32>
        tpu.vector_store %arg13[%parallel_loop3A_188, %parallel_loop3A_189], %parallel_loop3A_192 {add = true, strides = array<i32>} : memref<520x64xf32, #tpu.memory_space<vmem>>, vector<1x16xf32>,
        %parallel_loop3A_193 = arith.constant 16 : i32
        %parallel_loop3A_194 = arith.muli %parallel_loop3A_140, %parallel_loop3A_193 : i32
        %parallel_loop3A_195 = arith.constant 0 : i32
        %parallel_loop3A_196 = arith.addi %parallel_loop3A_194, %parallel_loop3A_195 : i32
        %parallel_loop3A_197 = arith.index_cast %and3A_78 : i32 to index
        %parallel_loop3A_198 = arith.index_cast %parallel_loop3A_196 : i32 to index
        %parallel_loop3A_199 = arith.constant 16 : index
        %parallel_loop3A_200 = tpu.vector_load %arg12[%parallel_loop3A_197, %parallel_loop3A_198, %parallel_loop3A_199] {strides = array<i32>} : memref<2x512x64xf32, #tpu.memory_space<vmem>>, vector<1x1x16xf32>,
        %parallel_loop3A_201 = vector.shape_cast %parallel_loop3A_200 : vector<1x1x16xf32> to vector<16xf32>
        %parallel_loop3A_202 = arith.mulf %parallel_loop3A_201, %parallel_loop3A_175 : vector<16xf32>
        %parallel_loop3A_203 = arith.index_cast %parallel_loop3A_177 : i32 to index
        %parallel_loop3A_204 = arith.constant 16 : index
        %parallel_loop3A_205 = tpu.vector_load %arg13[%parallel_loop3A_203, %parallel_loop3A_204] {strides = array<i32>} : memref<520x64xf32, #tpu.memory_space<vmem>>, vector<1x16xf32>,
        %parallel_loop3A_206 = vector.shape_cast %parallel_loop3A_205 : vector<1x16xf32> to vector<16xf32>
        %parallel_loop3A_207 = vector.shape_cast %parallel_loop3A_202 : vector<16xf32> to vector<1x16xf32>
        tpu.vector_store %arg13[%parallel_loop3A_203, %parallel_loop3A_204], %parallel_loop3A_207 {add = true, strides = array<i32>} : memref<520x64xf32, #tpu.memory_space<vmem>>, vector<1x16xf32>,
        %parallel_loop3A_208 = arith.constant 16 : i32
        %parallel_loop3A_209 = arith.muli %parallel_loop3A_140, %parallel_loop3A_208 : i32
        %parallel_loop3A_210 = arith.constant 0 : i32
        %parallel_loop3A_211 = arith.addi %parallel_loop3A_209, %parallel_loop3A_210 : i32
        %parallel_loop3A_212 = arith.index_cast %and3A_78 : i32 to index
        %parallel_loop3A_213 = arith.index_cast %parallel_loop3A_211 : i32 to index
        %parallel_loop3A_214 = arith.constant 32 : index
        %parallel_loop3A_215 = tpu.vector_load %arg12[%parallel_loop3A_212, %parallel_loop3A_213, %parallel_loop3A_214] {strides = array<i32>} : memref<2x512x64xf32, #tpu.memory_space<vmem>>, vector<1x1x16xf32>,
        %parallel_loop3A_216 = vector.shape_cast %parallel_loop3A_215 : vector<1x1x16xf32> to vector<16xf32>
        %parallel_loop3A_217 = arith.mulf %parallel_loop3A_216, %parallel_loop3A_175 : vector<16xf32>
        %parallel_loop3A_218 = arith.index_cast %parallel_loop3A_177 : i32 to index
        %parallel_loop3A_219 = arith.constant 32 : index
        %parallel_loop3A_220 = tpu.vector_load %arg13[%parallel_loop3A_218, %parallel_loop3A_219] {strides = array<i32>} : memref<520x64xf32, #tpu.memory_space<vmem>>, vector<1x16xf32>,
        %parallel_loop3A_221 = vector.shape_cast %parallel_loop3A_220 : vector<1x16xf32> to vector<16xf32>
        %parallel_loop3A_222 = vector.shape_cast %parallel_loop3A_217 : vector<16xf32> to vector<1x16xf32>
        tpu.vector_store %arg13[%parallel_loop3A_218, %parallel_loop3A_219], %parallel_loop3A_222 {add = true, strides = array<i32>} : memref<520x64xf32, #tpu.memory_space<vmem>>, vector<1x16xf32>,
        %parallel_loop3A_223 = arith.constant 16 : i32
        %parallel_loop3A_224 = arith.muli %parallel_loop3A_140, %parallel_loop3A_223 : i32
        %parallel_loop3A_225 = arith.constant 0 : i32
        %parallel_loop3A_226 = arith.addi %parallel_loop3A_224, %parallel_loop3A_225 : i32
        %parallel_loop3A_227 = arith.index_cast %and3A_78 : i32 to index
        %parallel_loop3A_228 = arith.index_cast %parallel_loop3A_226 : i32 to index
        %parallel_loop3A_229 = arith.constant 48 : index
        %parallel_loop3A_230 = tpu.vector_load %arg12[%parallel_loop3A_227, %parallel_loop3A_228, %parallel_loop3A_229] {strides = array<i32>} : memref<2x512x64xf32, #tpu.memory_space<vmem>>, vector<1x1x16xf32>,
        %parallel_loop3A_231 = vector.shape_cast %parallel_loop3A_230 : vector<1x1x16xf32> to vector<16xf32>
        %parallel_loop3A_232 = arith.mulf %parallel_loop3A_231, %parallel_loop3A_175 : vector<16xf32>
        %parallel_loop3A_233 = arith.index_cast %parallel_loop3A_177 : i32 to index
        %parallel_loop3A_234 = arith.constant 48 : index
        %parallel_loop3A_235 = tpu.vector_load %arg13[%parallel_loop3A_233, %parallel_loop3A_234] {strides = array<i32>} : memref<520x64xf32, #tpu.memory_space<vmem>>, vector<1x16xf32>,
        %parallel_loop3A_236 = vector.shape_cast %parallel_loop3A_235 : vector<1x16xf32> to vector<16xf32>
        %parallel_loop3A_237 = vector.shape_cast %parallel_loop3A_232 : vector<16xf32> to vector<1x16xf32>
        tpu.vector_store %arg13[%parallel_loop3A_233, %parallel_loop3A_234], %parallel_loop3A_237 {add = true, strides = array<i32>} : memref<520x64xf32, #tpu.memory_space<vmem>>, vector<1x16xf32>,
        %parallel_loop3A_238 = arith.constant 1 : i32
        %parallel_loop3A_239 = vector.broadcast %parallel_loop3A_238 : i32 to vector<16x1xi32>
        %parallel_loop3A_240 = vector.shape_cast %parallel_loop3A_239 : vector<16x1xi32> to vector<16xi32>
        %parallel_loop3A_241 = tpu.dynamic_gather %parallel_loop3A_163[%parallel_loop3A_240] in [0] : vector<16xf32>, vector<16xi32> -> vector<16xf32>
        %parallel_loop3A_242 = vector.extract_strided_slice %parallel_loop3A_171 {offsets = [1], sizes = [1], strides = [1]} : vector<16xi32> to vector<1xi32>
        %parallel_loop3A_243 = vector.extract %parallel_loop3A_242[0] : i32 from vector<1xi32>
        %parallel_loop3A_244 = arith.constant 16 : i32
        %parallel_loop3A_245 = arith.muli %parallel_loop3A_140, %parallel_loop3A_244 : i32
        %parallel_loop3A_246 = arith.constant 1 : i32
        %parallel_loop3A_247 = arith.addi %parallel_loop3A_245, %parallel_loop3A_246 : i32
        %parallel_loop3A_248 = arith.index_cast %and3A_78 : i32 to index
        %parallel_loop3A_249 = arith.index_cast %parallel_loop3A_247 : i32 to index
        %parallel_loop3A_250 = arith.constant 0 : index
        %parallel_loop3A_251 = tpu.vector_load %arg12[%parallel_loop3A_248, %parallel_loop3A_249, %parallel_loop3A_250] {strides = array<i32>} : memref<2x512x64xf32, #tpu.memory_space<vmem>>, vector<1x1x16xf32>,
        %parallel_loop3A_252 = vector.shape_cast %parallel_loop3A_251 : vector<1x1x16xf32> to vector<16xf32>
        %parallel_loop3A_253 = arith.mulf %parallel_loop3A_252, %parallel_loop3A_241 : vector<16xf32>
        %parallel_loop3A_254 = arith.index_cast %parallel_loop3A_243 : i32 to index
        %parallel_loop3A_255 = arith.constant 0 : index
        %parallel_loop3A_256 = tpu.vector_load %arg13[%parallel_loop3A_254, %parallel_loop3A_255] {strides = array<i32>} : memref<520x64xf32, #tpu.memory_space<vmem>>, vector<1x16xf32>,
        %parallel_loop3A_257 = vector.shape_cast %parallel_loop3A_256 : vector<1x16xf32> to vector<16xf32>
        %parallel_loop3A_258 = vector.shape_cast %parallel_loop3A_253 : vector<16xf32> to vector<1x16xf32>
        tpu.vector_store %arg13[%parallel_loop3A_254, %parallel_loop3A_255], %parallel_loop3A_258 {add = true, strides = array<i32>} : memref<520x64xf32, #tpu.memory_space<vmem>>, vector<1x16xf32>,
        %parallel_loop3A_259 = arith.constant 16 : i32
        %parallel_loop3A_260 = arith.muli %parallel_loop3A_140, %parallel_loop3A_259 : i32
        %parallel_loop3A_261 = arith.constant 1 : i32
        %parallel_loop3A_262 = arith.addi %parallel_loop3A_260, %parallel_loop3A_261 : i32
        %parallel_loop3A_263 = arith.index_cast %and3A_78 : i32 to index
        %parallel_loop3A_264 = arith.index_cast %parallel_loop3A_262 : i32 to index
        %parallel_loop3A_265 = arith.constant 16 : index
        %parallel_loop3A_266 = tpu.vector_load %arg12[%parallel_loop3A_263, %parallel_loop3A_264, %parallel_loop3A_265] {strides = array<i32>} : memref<2x512x64xf32, #tpu.memory_space<vmem>>, vector<1x1x16xf32>,
        %parallel_loop3A_267 = vector.shape_cast %parallel_loop3A_266 : vector<1x1x16xf32> to vector<16xf32>
        %parallel_loop3A_268 = arith.mulf %parallel_loop3A_267, %parallel_loop3A_241 : vector<16xf32>
        %parallel_loop3A_269 = arith.index_cast %parallel_loop3A_243 : i32 to index
        %parallel_loop3A_270 = arith.constant 16 : index
        %parallel_loop3A_271 = tpu.vector_load %arg13[%parallel_loop3A_269, %parallel_loop3A_270] {strides = array<i32>} : memref<520x64xf32, #tpu.memory_space<vmem>>, vector<1x16xf32>,
        %parallel_loop3A_272 = vector.shape_cast %parallel_loop3A_271 : vector<1x16xf32> to vector<16xf32>
        %parallel_loop3A_273 = vector.shape_cast %parallel_loop3A_268 : vector<16xf32> to vector<1x16xf32>
        tpu.vector_store %arg13[%parallel_loop3A_269, %parallel_loop3A_270], %parallel_loop3A_273 {add = true, strides = array<i32>} : memref<520x64xf32, #tpu.memory_space<vmem>>, vector<1x16xf32>,
        %parallel_loop3A_274 = arith.constant 16 : i32
        %parallel_loop3A_275 = arith.muli %parallel_loop3A_140, %parallel_loop3A_274 : i32
        %parallel_loop3A_276 = arith.constant 1 : i32
        %parallel_loop3A_277 = arith.addi %parallel_loop3A_275, %parallel_loop3A_276 : i32
        %parallel_loop3A_278 = arith.index_cast %and3A_78 : i32 to index
        %parallel_loop3A_279 = arith.index_cast %parallel_loop3A_277 : i32 to index
        %parallel_loop3A_280 = arith.constant 32 : index
        %parallel_loop3A_281 = tpu.vector_load %arg12[%parallel_loop3A_278, %parallel_loop3A_279, %parallel_loop3A_280] {strides = array<i32>} : memref<2x512x64xf32, #tpu.memory_space<vmem>>, vector<1x1x16xf32>,
        %parallel_loop3A_282 = vector.shape_cast %parallel_loop3A_281 : vector<1x1x16xf32> to vector<16xf32>
        %parallel_loop3A_283 = arith.mulf %parallel_loop3A_282, %parallel_loop3A_241 : vector<16xf32>
        %parallel_loop3A_284 = arith.index_cast %parallel_loop3A_243 : i32 to index
        %parallel_loop3A_285 = arith.constant 32 : index
        %parallel_loop3A_286 = tpu.vector_load %arg13[%parallel_loop3A_284, %parallel_loop3A_285] {strides = array<i32>} : memref<520x64xf32, #tpu.memory_space<vmem>>, vector<1x16xf32>,
        %parallel_loop3A_287 = vector.shape_cast %parallel_loop3A_286 : vector<1x16xf32> to vector<16xf32>
        %parallel_loop3A_288 = vector.shape_cast %parallel_loop3A_283 : vector<16xf32> to vector<1x16xf32>
        tpu.vector_store %arg13[%parallel_loop3A_284, %parallel_loop3A_285], %parallel_loop3A_288 {add = true, strides = array<i32>} : memref<520x64xf32, #tpu.memory_space<vmem>>, vector<1x16xf32>,
        %parallel_loop3A_289 = arith.constant 16 : i32
        %parallel_loop3A_290 = arith.muli %parallel_loop3A_140, %parallel_loop3A_289 : i32
        %parallel_loop3A_291 = arith.constant 1 : i32
        %parallel_loop3A_292 = arith.addi %parallel_loop3A_290, %parallel_loop3A_291 : i32
        %parallel_loop3A_293 = arith.index_cast %and3A_78 : i32 to index
        %parallel_loop3A_294 = arith.index_cast %parallel_loop3A_292 : i32 to index
        %parallel_loop3A_295 = arith.constant 48 : index
        %parallel_loop3A_296 = tpu.vector_load %arg12[%parallel_loop3A_293, %parallel_loop3A_294, %parallel_loop3A_295] {strides = array<i32>} : memref<2x512x64xf32, #tpu.memory_space<vmem>>, vector<1x1x16xf32>,
        %parallel_loop3A_297 = vector.shape_cast %parallel_loop3A_296 : vector<1x1x16xf32> to vector<16xf32>
        %parallel_loop3A_298 = arith.mulf %parallel_loop3A_297, %parallel_loop3A_241 : vector<16xf32>
        %parallel_loop3A_299 = arith.index_cast %parallel_loop3A_243 : i32 to index
        %parallel_loop3A_300 = arith.constant 48 : index
        %parallel_loop3A_301 = tpu.vector_load %arg13[%parallel_loop3A_299, %parallel_loop3A_300] {strides = array<i32>} : memref<520x64xf32, #tpu.memory_space<vmem>>, vector<1x16xf32>,
        %parallel_loop3A_302 = vector.shape_cast %parallel_loop3A_301 : vector<1x16xf32> to vector<16xf32>
        %parallel_loop3A_303 = vector.shape_cast %parallel_loop3A_298 : vector<16xf32> to vector<1x16xf32>
        tpu.vector_store %arg13[%parallel_loop3A_299, %parallel_loop3A_300], %parallel_loop3A_303 {add = true, strides = array<i32>} : memref<520x64xf32, #tpu.memory_space<vmem>>, vector<1x16xf32>,
        %parallel_loop3A_304 = arith.constant 2 : i32
        %parallel_loop3A_305 = vector.broadcast %parallel_loop3A_304 : i32 to vector<16x1xi32>
        %parallel_loop3A_306 = vector.shape_cast %parallel_loop3A_305 : vector<16x1xi32> to vector<16xi32>
        %parallel_loop3A_307 = tpu.dynamic_gather %parallel_loop3A_163[%parallel_loop3A_306] in [0] : vector<16xf32>, vector<16xi32> -> vector<16xf32>
        %parallel_loop3A_308 = vector.extract_strided_slice %parallel_loop3A_171 {offsets = [2], sizes = [1], strides = [1]} : vector<16xi32> to vector<1xi32>
        %parallel_loop3A_309 = vector.extract %parallel_loop3A_308[0] : i32 from vector<1xi32>
        %parallel_loop3A_310 = arith.constant 16 : i32
        %parallel_loop3A_311 = arith.muli %parallel_loop3A_140, %parallel_loop3A_310 : i32
        %parallel_loop3A_312 = arith.constant 2 : i32
        %parallel_loop3A_313 = arith.addi %parallel_loop3A_311, %parallel_loop3A_312 : i32
        %parallel_loop3A_314 = arith.index_cast %and3A_78 : i32 to index
        %parallel_loop3A_315 = arith.index_cast %parallel_loop3A_313 : i32 to index
        %parallel_loop3A_316 = arith.constant 0 : index
        %parallel_loop3A_317 = tpu.vector_load %arg12[%parallel_loop3A_314, %parallel_loop3A_315, %parallel_loop3A_316] {strides = array<i32>} : memref<2x512x64xf32, #tpu.memory_space<vmem>>, vector<1x1x16xf32>,
        %parallel_loop3A_318 = vector.shape_cast %parallel_loop3A_317 : vector<1x1x16xf32> to vector<16xf32>
        %parallel_loop3A_319 = arith.mulf %parallel_loop3A_318, %parallel_loop3A_307 : vector<16xf32>
        %parallel_loop3A_320 = arith.index_cast %parallel_loop3A_309 : i32 to index
        %parallel_loop3A_321 = arith.constant 0 : index
        %parallel_loop3A_322 = tpu.vector_load %arg13[%parallel_loop3A_320, %parallel_loop3A_321] {strides = array<i32>} : memref<520x64xf32, #tpu.memory_space<vmem>>, vector<1x16xf32>,
        %parallel_loop3A_323 = vector.shape_cast %parallel_loop3A_322 : vector<1x16xf32> to vector<16xf32>
        %parallel_loop3A_324 = vector.shape_cast %parallel_loop3A_319 : vector<16xf32> to vector<1x16xf32>
        tpu.vector_store %arg13[%parallel_loop3A_320, %parallel_loop3A_321], %parallel_loop3A_324 {add = true, strides = array<i32>} : memref<520x64xf32, #tpu.memory_space<vmem>>, vector<1x16xf32>,
        %parallel_loop3A_325 = arith.constant 16 : i32
        %parallel_loop3A_326 = arith.muli %parallel_loop3A_140, %parallel_loop3A_325 : i32
        %parallel_loop3A_327 = arith.constant 2 : i32
        %parallel_loop3A_328 = arith.addi %parallel_loop3A_326, %parallel_loop3A_327 : i32
        %parallel_loop3A_329 = arith.index_cast %and3A_78 : i32 to index
        %parallel_loop3A_330 = arith.index_cast %parallel_loop3A_328 : i32 to index
        %parallel_loop3A_331 = arith.constant 16 : index
        %parallel_loop3A_332 = tpu.vector_load %arg12[%parallel_loop3A_329, %parallel_loop3A_330, %parallel_loop3A_331] {strides = array<i32>} : memref<2x512x64xf32, #tpu.memory_space<vmem>>, vector<1x1x16xf32>,
        %parallel_loop3A_333 = vector.shape_cast %parallel_loop3A_332 : vector<1x1x16xf32> to vector<16xf32>
        %parallel_loop3A_334 = arith.mulf %parallel_loop3A_333, %parallel_loop3A_307 : vector<16xf32>
        %parallel_loop3A_335 = arith.index_cast %parallel_loop3A_309 : i32 to index
        %parallel_loop3A_336 = arith.constant 16 : index
        %parallel_loop3A_337 = tpu.vector_load %arg13[%parallel_loop3A_335, %parallel_loop3A_336] {strides = array<i32>} : memref<520x64xf32, #tpu.memory_space<vmem>>, vector<1x16xf32>,
        %parallel_loop3A_338 = vector.shape_cast %parallel_loop3A_337 : vector<1x16xf32> to vector<16xf32>
        %parallel_loop3A_339 = vector.shape_cast %parallel_loop3A_334 : vector<16xf32> to vector<1x16xf32>
        tpu.vector_store %arg13[%parallel_loop3A_335, %parallel_loop3A_336], %parallel_loop3A_339 {add = true, strides = array<i32>} : memref<520x64xf32, #tpu.memory_space<vmem>>, vector<1x16xf32>,
        %parallel_loop3A_340 = arith.constant 16 : i32
        %parallel_loop3A_341 = arith.muli %parallel_loop3A_140, %parallel_loop3A_340 : i32
        %parallel_loop3A_342 = arith.constant 2 : i32
        %parallel_loop3A_343 = arith.addi %parallel_loop3A_341, %parallel_loop3A_342 : i32
        %parallel_loop3A_344 = arith.index_cast %and3A_78 : i32 to index
        %parallel_loop3A_345 = arith.index_cast %parallel_loop3A_343 : i32 to index
        %parallel_loop3A_346 = arith.constant 32 : index
        %parallel_loop3A_347 = tpu.vector_load %arg12[%parallel_loop3A_344, %parallel_loop3A_345, %parallel_loop3A_346] {strides = array<i32>} : memref<2x512x64xf32, #tpu.memory_space<vmem>>, vector<1x1x16xf32>,
        %parallel_loop3A_348 = vector.shape_cast %parallel_loop3A_347 : vector<1x1x16xf32> to vector<16xf32>
        %parallel_loop3A_349 = arith.mulf %parallel_loop3A_348, %parallel_loop3A_307 : vector<16xf32>
        %parallel_loop3A_350 = arith.index_cast %parallel_loop3A_309 : i32 to index
        %parallel_loop3A_351 = arith.constant 32 : index
        %parallel_loop3A_352 = tpu.vector_load %arg13[%parallel_loop3A_350, %parallel_loop3A_351] {strides = array<i32>} : memref<520x64xf32, #tpu.memory_space<vmem>>, vector<1x16xf32>,
        %parallel_loop3A_353 = vector.shape_cast %parallel_loop3A_352 : vector<1x16xf32> to vector<16xf32>
        %parallel_loop3A_354 = vector.shape_cast %parallel_loop3A_349 : vector<16xf32> to vector<1x16xf32>
        tpu.vector_store %arg13[%parallel_loop3A_350, %parallel_loop3A_351], %parallel_loop3A_354 {add = true, strides = array<i32>} : memref<520x64xf32, #tpu.memory_space<vmem>>, vector<1x16xf32>,
        %parallel_loop3A_355 = arith.constant 16 : i32
        %parallel_loop3A_356 = arith.muli %parallel_loop3A_140, %parallel_loop3A_355 : i32
        %parallel_loop3A_357 = arith.constant 2 : i32
        %parallel_loop3A_358 = arith.addi %parallel_loop3A_356, %parallel_loop3A_357 : i32
        %parallel_loop3A_359 = arith.index_cast %and3A_78 : i32 to index
        %parallel_loop3A_360 = arith.index_cast %parallel_loop3A_358 : i32 to index
        %parallel_loop3A_361 = arith.constant 48 : index
        %parallel_loop3A_362 = tpu.vector_load %arg12[%parallel_loop3A_359, %parallel_loop3A_360, %parallel_loop3A_361] {strides = array<i32>} : memref<2x512x64xf32, #tpu.memory_space<vmem>>, vector<1x1x16xf32>,
        %parallel_loop3A_363 = vector.shape_cast %parallel_loop3A_362 : vector<1x1x16xf32> to vector<16xf32>
        %parallel_loop3A_364 = arith.mulf %parallel_loop3A_363, %parallel_loop3A_307 : vector<16xf32>
        %parallel_loop3A_365 = arith.index_cast %parallel_loop3A_309 : i32 to index
        %parallel_loop3A_366 = arith.constant 48 : index
        %parallel_loop3A_367 = tpu.vector_load %arg13[%parallel_loop3A_365, %parallel_loop3A_366] {strides = array<i32>} : memref<520x64xf32, #tpu.memory_space<vmem>>, vector<1x16xf32>,
        %parallel_loop3A_368 = vector.shape_cast %parallel_loop3A_367 : vector<1x16xf32> to vector<16xf32>
        %parallel_loop3A_369 = vector.shape_cast %parallel_loop3A_364 : vector<16xf32> to vector<1x16xf32>
        tpu.vector_store %arg13[%parallel_loop3A_365, %parallel_loop3A_366], %parallel_loop3A_369 {add = true, strides = array<i32>} : memref<520x64xf32, #tpu.memory_space<vmem>>, vector<1x16xf32>,
        %parallel_loop3A_370 = arith.constant 3 : i32
        %parallel_loop3A_371 = vector.broadcast %parallel_loop3A_370 : i32 to vector<16x1xi32>
        %parallel_loop3A_372 = vector.shape_cast %parallel_loop3A_371 : vector<16x1xi32> to vector<16xi32>
        %parallel_loop3A_373 = tpu.dynamic_gather %parallel_loop3A_163[%parallel_loop3A_372] in [0] : vector<16xf32>, vector<16xi32> -> vector<16xf32>
        %parallel_loop3A_374 = vector.extract_strided_slice %parallel_loop3A_171 {offsets = [3], sizes = [1], strides = [1]} : vector<16xi32> to vector<1xi32>
        %parallel_loop3A_375 = vector.extract %parallel_loop3A_374[0] : i32 from vector<1xi32>
        %parallel_loop3A_376 = arith.constant 16 : i32
        %parallel_loop3A_377 = arith.muli %parallel_loop3A_140, %parallel_loop3A_376 : i32
        %parallel_loop3A_378 = arith.constant 3 : i32
        %parallel_loop3A_379 = arith.addi %parallel_loop3A_377, %parallel_loop3A_378 : i32
        %parallel_loop3A_380 = arith.index_cast %and3A_78 : i32 to index
        %parallel_loop3A_381 = arith.index_cast %parallel_loop3A_379 : i32 to index
        %parallel_loop3A_382 = arith.constant 0 : index
        %parallel_loop3A_383 = tpu.vector_load %arg12[%parallel_loop3A_380, %parallel_loop3A_381, %parallel_loop3A_382] {strides = array<i32>} : memref<2x512x64xf32, #tpu.memory_space<vmem>>, vector<1x1x16xf32>,
        %parallel_loop3A_384 = vector.shape_cast %parallel_loop3A_383 : vector<1x1x16xf32> to vector<16xf32>
        %parallel_loop3A_385 = arith.mulf %parallel_loop3A_384, %parallel_loop3A_373 : vector<16xf32>
        %parallel_loop3A_386 = arith.index_cast %parallel_loop3A_375 : i32 to index
        %parallel_loop3A_387 = arith.constant 0 : index
        %parallel_loop3A_388 = tpu.vector_load %arg13[%parallel_loop3A_386, %parallel_loop3A_387] {strides = array<i32>} : memref<520x64xf32, #tpu.memory_space<vmem>>, vector<1x16xf32>,
        %parallel_loop3A_389 = vector.shape_cast %parallel_loop3A_388 : vector<1x16xf32> to vector<16xf32>
        %parallel_loop3A_390 = vector.shape_cast %parallel_loop3A_385 : vector<16xf32> to vector<1x16xf32>
        tpu.vector_store %arg13[%parallel_loop3A_386, %parallel_loop3A_387], %parallel_loop3A_390 {add = true, strides = array<i32>} : memref<520x64xf32, #tpu.memory_space<vmem>>, vector<1x16xf32>,
        %parallel_loop3A_391 = arith.constant 16 : i32
        %parallel_loop3A_392 = arith.muli %parallel_loop3A_140, %parallel_loop3A_391 : i32
        %parallel_loop3A_393 = arith.constant 3 : i32
        %parallel_loop3A_394 = arith.addi %parallel_loop3A_392, %parallel_loop3A_393 : i32
        %parallel_loop3A_395 = arith.index_cast %and3A_78 : i32 to index
        %parallel_loop3A_396 = arith.index_cast %parallel_loop3A_394 : i32 to index
        %parallel_loop3A_397 = arith.constant 16 : index
        %parallel_loop3A_398 = tpu.vector_load %arg12[%parallel_loop3A_395, %parallel_loop3A_396, %parallel_loop3A_397] {strides = array<i32>} : memref<2x512x64xf32, #tpu.memory_space<vmem>>, vector<1x1x16xf32>,
        %parallel_loop3A_399 = vector.shape_cast %parallel_loop3A_398 : vector<1x1x16xf32> to vector<16xf32>
        %parallel_loop3A_400 = arith.mulf %parallel_loop3A_399, %parallel_loop3A_373 : vector<16xf32>
        %parallel_loop3A_401 = arith.index_cast %parallel_loop3A_375 : i32 to index
        %parallel_loop3A_402 = arith.constant 16 : index
        %parallel_loop3A_403 = tpu.vector_load %arg13[%parallel_loop3A_401, %parallel_loop3A_402] {strides = array<i32>} : memref<520x64xf32, #tpu.memory_space<vmem>>, vector<1x16xf32>,
        %parallel_loop3A_404 = vector.shape_cast %parallel_loop3A_403 : vector<1x16xf32> to vector<16xf32>
        %parallel_loop3A_405 = vector.shape_cast %parallel_loop3A_400 : vector<16xf32> to vector<1x16xf32>
        tpu.vector_store %arg13[%parallel_loop3A_401, %parallel_loop3A_402], %parallel_loop3A_405 {add = true, strides = array<i32>} : memref<520x64xf32, #tpu.memory_space<vmem>>, vector<1x16xf32>,
        %parallel_loop3A_406 = arith.constant 16 : i32
        %parallel_loop3A_407 = arith.muli %parallel_loop3A_140, %parallel_loop3A_406 : i32
        %parallel_loop3A_408 = arith.constant 3 : i32
        %parallel_loop3A_409 = arith.addi %parallel_loop3A_407, %parallel_loop3A_408 : i32
        %parallel_loop3A_410 = arith.index_cast %and3A_78 : i32 to index
        %parallel_loop3A_411 = arith.index_cast %parallel_loop3A_409 : i32 to index
        %parallel_loop3A_412 = arith.constant 32 : index
        %parallel_loop3A_413 = tpu.vector_load %arg12[%parallel_loop3A_410, %parallel_loop3A_411, %parallel_loop3A_412] {strides = array<i32>} : memref<2x512x64xf32, #tpu.memory_space<vmem>>, vector<1x1x16xf32>,
        %parallel_loop3A_414 = vector.shape_cast %parallel_loop3A_413 : vector<1x1x16xf32> to vector<16xf32>
        %parallel_loop3A_415 = arith.mulf %parallel_loop3A_414, %parallel_loop3A_373 : vector<16xf32>
        %parallel_loop3A_416 = arith.index_cast %parallel_loop3A_375 : i32 to index
        %parallel_loop3A_417 = arith.constant 32 : index
        %parallel_loop3A_418 = tpu.vector_load %arg13[%parallel_loop3A_416, %parallel_loop3A_417] {strides = array<i32>} : memref<520x64xf32, #tpu.memory_space<vmem>>, vector<1x16xf32>,
        %parallel_loop3A_419 = vector.shape_cast %parallel_loop3A_418 : vector<1x16xf32> to vector<16xf32>
        %parallel_loop3A_420 = vector.shape_cast %parallel_loop3A_415 : vector<16xf32> to vector<1x16xf32>
        tpu.vector_store %arg13[%parallel_loop3A_416, %parallel_loop3A_417], %parallel_loop3A_420 {add = true, strides = array<i32>} : memref<520x64xf32, #tpu.memory_space<vmem>>, vector<1x16xf32>,
        %parallel_loop3A_421 = arith.constant 16 : i32
        %parallel_loop3A_422 = arith.muli %parallel_loop3A_140, %parallel_loop3A_421 : i32
        %parallel_loop3A_423 = arith.constant 3 : i32
        %parallel_loop3A_424 = arith.addi %parallel_loop3A_422, %parallel_loop3A_423 : i32
        %parallel_loop3A_425 = arith.index_cast %and3A_78 : i32 to index
        %parallel_loop3A_426 = arith.index_cast %parallel_loop3A_424 : i32 to index
        %parallel_loop3A_427 = arith.constant 48 : index
        %parallel_loop3A_428 = tpu.vector_load %arg12[%parallel_loop3A_425, %parallel_loop3A_426, %parallel_loop3A_427] {strides = array<i32>} : memref<2x512x64xf32, #tpu.memory_space<vmem>>, vector<1x1x16xf32>,
        %parallel_loop3A_429 = vector.shape_cast %parallel_loop3A_428 : vector<1x1x16xf32> to vector<16xf32>
        %parallel_loop3A_430 = arith.mulf %parallel_loop3A_429, %parallel_loop3A_373 : vector<16xf32>
        %parallel_loop3A_431 = arith.index_cast %parallel_loop3A_375 : i32 to index
        %parallel_loop3A_432 = arith.constant 48 : index
        %parallel_loop3A_433 = tpu.vector_load %arg13[%parallel_loop3A_431, %parallel_loop3A_432] {strides = array<i32>} : memref<520x64xf32, #tpu.memory_space<vmem>>, vector<1x16xf32>,
        %parallel_loop3A_434 = vector.shape_cast %parallel_loop3A_433 : vector<1x16xf32> to vector<16xf32>
        %parallel_loop3A_435 = vector.shape_cast %parallel_loop3A_430 : vector<16xf32> to vector<1x16xf32>
        tpu.vector_store %arg13[%parallel_loop3A_431, %parallel_loop3A_432], %parallel_loop3A_435 {add = true, strides = array<i32>} : memref<520x64xf32, #tpu.memory_space<vmem>>, vector<1x16xf32>,
        %parallel_loop3A_436 = arith.constant 4 : i32
        %parallel_loop3A_437 = vector.broadcast %parallel_loop3A_436 : i32 to vector<16x1xi32>
        %parallel_loop3A_438 = vector.shape_cast %parallel_loop3A_437 : vector<16x1xi32> to vector<16xi32>
        %parallel_loop3A_439 = tpu.dynamic_gather %parallel_loop3A_163[%parallel_loop3A_438] in [0] : vector<16xf32>, vector<16xi32> -> vector<16xf32>
        %parallel_loop3A_440 = vector.extract_strided_slice %parallel_loop3A_171 {offsets = [4], sizes = [1], strides = [1]} : vector<16xi32> to vector<1xi32>
        %parallel_loop3A_441 = vector.extract %parallel_loop3A_440[0] : i32 from vector<1xi32>
        %parallel_loop3A_442 = arith.constant 16 : i32
        %parallel_loop3A_443 = arith.muli %parallel_loop3A_140, %parallel_loop3A_442 : i32
        %parallel_loop3A_444 = arith.constant 4 : i32
        %parallel_loop3A_445 = arith.addi %parallel_loop3A_443, %parallel_loop3A_444 : i32
        %parallel_loop3A_446 = arith.index_cast %and3A_78 : i32 to index
        %parallel_loop3A_447 = arith.index_cast %parallel_loop3A_445 : i32 to index
        %parallel_loop3A_448 = arith.constant 0 : index
        %parallel_loop3A_449 = tpu.vector_load %arg12[%parallel_loop3A_446, %parallel_loop3A_447, %parallel_loop3A_448] {strides = array<i32>} : memref<2x512x64xf32, #tpu.memory_space<vmem>>, vector<1x1x16xf32>,
        %parallel_loop3A_450 = vector.shape_cast %parallel_loop3A_449 : vector<1x1x16xf32> to vector<16xf32>
        %parallel_loop3A_451 = arith.mulf %parallel_loop3A_450, %parallel_loop3A_439 : vector<16xf32>
        %parallel_loop3A_452 = arith.index_cast %parallel_loop3A_441 : i32 to index
        %parallel_loop3A_453 = arith.constant 0 : index
        %parallel_loop3A_454 = tpu.vector_load %arg13[%parallel_loop3A_452, %parallel_loop3A_453] {strides = array<i32>} : memref<520x64xf32, #tpu.memory_space<vmem>>, vector<1x16xf32>,
        %parallel_loop3A_455 = vector.shape_cast %parallel_loop3A_454 : vector<1x16xf32> to vector<16xf32>
        %parallel_loop3A_456 = vector.shape_cast %parallel_loop3A_451 : vector<16xf32> to vector<1x16xf32>
        tpu.vector_store %arg13[%parallel_loop3A_452, %parallel_loop3A_453], %parallel_loop3A_456 {add = true, strides = array<i32>} : memref<520x64xf32, #tpu.memory_space<vmem>>, vector<1x16xf32>,
        %parallel_loop3A_457 = arith.constant 16 : i32
        %parallel_loop3A_458 = arith.muli %parallel_loop3A_140, %parallel_loop3A_457 : i32
        %parallel_loop3A_459 = arith.constant 4 : i32
        %parallel_loop3A_460 = arith.addi %parallel_loop3A_458, %parallel_loop3A_459 : i32
        %parallel_loop3A_461 = arith.index_cast %and3A_78 : i32 to index
        %parallel_loop3A_462 = arith.index_cast %parallel_loop3A_460 : i32 to index
        %parallel_loop3A_463 = arith.constant 16 : index
        %parallel_loop3A_464 = tpu.vector_load %arg12[%parallel_loop3A_461, %parallel_loop3A_462, %parallel_loop3A_463] {strides = array<i32>} : memref<2x512x64xf32, #tpu.memory_space<vmem>>, vector<1x1x16xf32>,
        %parallel_loop3A_465 = vector.shape_cast %parallel_loop3A_464 : vector<1x1x16xf32> to vector<16xf32>
        %parallel_loop3A_466 = arith.mulf %parallel_loop3A_465, %parallel_loop3A_439 : vector<16xf32>
        %parallel_loop3A_467 = arith.index_cast %parallel_loop3A_441 : i32 to index
        %parallel_loop3A_468 = arith.constant 16 : index
        %parallel_loop3A_469 = tpu.vector_load %arg13[%parallel_loop3A_467, %parallel_loop3A_468] {strides = array<i32>} : memref<520x64xf32, #tpu.memory_space<vmem>>, vector<1x16xf32>,
        %parallel_loop3A_470 = vector.shape_cast %parallel_loop3A_469 : vector<1x16xf32> to vector<16xf32>
        %parallel_loop3A_471 = vector.shape_cast %parallel_loop3A_466 : vector<16xf32> to vector<1x16xf32>
        tpu.vector_store %arg13[%parallel_loop3A_467, %parallel_loop3A_468], %parallel_loop3A_471 {add = true, strides = array<i32>} : memref<520x64xf32, #tpu.memory_space<vmem>>, vector<1x16xf32>,
        %parallel_loop3A_472 = arith.constant 16 : i32
        %parallel_loop3A_473 = arith.muli %parallel_loop3A_140, %parallel_loop3A_472 : i32
        %parallel_loop3A_474 = arith.constant 4 : i32
        %parallel_loop3A_475 = arith.addi %parallel_loop3A_473, %parallel_loop3A_474 : i32
        %parallel_loop3A_476 = arith.index_cast %and3A_78 : i32 to index
        %parallel_loop3A_477 = arith.index_cast %parallel_loop3A_475 : i32 to index
        %parallel_loop3A_478 = arith.constant 32 : index
        %parallel_loop3A_479 = tpu.vector_load %arg12[%parallel_loop3A_476, %parallel_loop3A_477, %parallel_loop3A_478] {strides = array<i32>} : memref<2x512x64xf32, #tpu.memory_space<vmem>>, vector<1x1x16xf32>,
        %parallel_loop3A_480 = vector.shape_cast %parallel_loop3A_479 : vector<1x1x16xf32> to vector<16xf32>
        %parallel_loop3A_481 = arith.mulf %parallel_loop3A_480, %parallel_loop3A_439 : vector<16xf32>
        %parallel_loop3A_482 = arith.index_cast %parallel_loop3A_441 : i32 to index
        %parallel_loop3A_483 = arith.constant 32 : index
        %parallel_loop3A_484 = tpu.vector_load %arg13[%parallel_loop3A_482, %parallel_loop3A_483] {strides = array<i32>} : memref<520x64xf32, #tpu.memory_space<vmem>>, vector<1x16xf32>,
        %parallel_loop3A_485 = vector.shape_cast %parallel_loop3A_484 : vector<1x16xf32> to vector<16xf32>
        %parallel_loop3A_486 = vector.shape_cast %parallel_loop3A_481 : vector<16xf32> to vector<1x16xf32>
        tpu.vector_store %arg13[%parallel_loop3A_482, %parallel_loop3A_483], %parallel_loop3A_486 {add = true, strides = array<i32>} : memref<520x64xf32, #tpu.memory_space<vmem>>, vector<1x16xf32>,
        %parallel_loop3A_487 = arith.constant 16 : i32
        %parallel_loop3A_488 = arith.muli %parallel_loop3A_140, %parallel_loop3A_487 : i32
        %parallel_loop3A_489 = arith.constant 4 : i32
        %parallel_loop3A_490 = arith.addi %parallel_loop3A_488, %parallel_loop3A_489 : i32
        %parallel_loop3A_491 = arith.index_cast %and3A_78 : i32 to index
        %parallel_loop3A_492 = arith.index_cast %parallel_loop3A_490 : i32 to index
        %parallel_loop3A_493 = arith.constant 48 : index
        %parallel_loop3A_494 = tpu.vector_load %arg12[%parallel_loop3A_491, %parallel_loop3A_492, %parallel_loop3A_493] {strides = array<i32>} : memref<2x512x64xf32, #tpu.memory_space<vmem>>, vector<1x1x16xf32>,
        %parallel_loop3A_495 = vector.shape_cast %parallel_loop3A_494 : vector<1x1x16xf32> to vector<16xf32>
        %parallel_loop3A_496 = arith.mulf %parallel_loop3A_495, %parallel_loop3A_439 : vector<16xf32>
        %parallel_loop3A_497 = arith.index_cast %parallel_loop3A_441 : i32 to index
        %parallel_loop3A_498 = arith.constant 48 : index
        %parallel_loop3A_499 = tpu.vector_load %arg13[%parallel_loop3A_497, %parallel_loop3A_498] {strides = array<i32>} : memref<520x64xf32, #tpu.memory_space<vmem>>, vector<1x16xf32>,
        %parallel_loop3A_500 = vector.shape_cast %parallel_loop3A_499 : vector<1x16xf32> to vector<16xf32>
        %parallel_loop3A_501 = vector.shape_cast %parallel_loop3A_496 : vector<16xf32> to vector<1x16xf32>
        tpu.vector_store %arg13[%parallel_loop3A_497, %parallel_loop3A_498], %parallel_loop3A_501 {add = true, strides = array<i32>} : memref<520x64xf32, #tpu.memory_space<vmem>>, vector<1x16xf32>,
        %parallel_loop3A_502 = arith.constant 5 : i32
        %parallel_loop3A_503 = vector.broadcast %parallel_loop3A_502 : i32 to vector<16x1xi32>
        %parallel_loop3A_504 = vector.shape_cast %parallel_loop3A_503 : vector<16x1xi32> to vector<16xi32>
        %parallel_loop3A_505 = tpu.dynamic_gather %parallel_loop3A_163[%parallel_loop3A_504] in [0] : vector<16xf32>, vector<16xi32> -> vector<16xf32>
        %parallel_loop3A_506 = vector.extract_strided_slice %parallel_loop3A_171 {offsets = [5], sizes = [1], strides = [1]} : vector<16xi32> to vector<1xi32>
        %parallel_loop3A_507 = vector.extract %parallel_loop3A_506[0] : i32 from vector<1xi32>
        %parallel_loop3A_508 = arith.constant 16 : i32
        %parallel_loop3A_509 = arith.muli %parallel_loop3A_140, %parallel_loop3A_508 : i32
        %parallel_loop3A_510 = arith.constant 5 : i32
        %parallel_loop3A_511 = arith.addi %parallel_loop3A_509, %parallel_loop3A_510 : i32
        %parallel_loop3A_512 = arith.index_cast %and3A_78 : i32 to index
        %parallel_loop3A_513 = arith.index_cast %parallel_loop3A_511 : i32 to index
        %parallel_loop3A_514 = arith.constant 0 : index
        %parallel_loop3A_515 = tpu.vector_load %arg12[%parallel_loop3A_512, %parallel_loop3A_513, %parallel_loop3A_514] {strides = array<i32>} : memref<2x512x64xf32, #tpu.memory_space<vmem>>, vector<1x1x16xf32>,
        %parallel_loop3A_516 = vector.shape_cast %parallel_loop3A_515 : vector<1x1x16xf32> to vector<16xf32>
        %parallel_loop3A_517 = arith.mulf %parallel_loop3A_516, %parallel_loop3A_505 : vector<16xf32>
        %parallel_loop3A_518 = arith.index_cast %parallel_loop3A_507 : i32 to index
        %parallel_loop3A_519 = arith.constant 0 : index
        %parallel_loop3A_520 = tpu.vector_load %arg13[%parallel_loop3A_518, %parallel_loop3A_519] {strides = array<i32>} : memref<520x64xf32, #tpu.memory_space<vmem>>, vector<1x16xf32>,
        %parallel_loop3A_521 = vector.shape_cast %parallel_loop3A_520 : vector<1x16xf32> to vector<16xf32>
        %parallel_loop3A_522 = vector.shape_cast %parallel_loop3A_517 : vector<16xf32> to vector<1x16xf32>
        tpu.vector_store %arg13[%parallel_loop3A_518, %parallel_loop3A_519], %parallel_loop3A_522 {add = true, strides = array<i32>} : memref<520x64xf32, #tpu.memory_space<vmem>>, vector<1x16xf32>,
        %parallel_loop3A_523 = arith.constant 16 : i32
        %parallel_loop3A_524 = arith.muli %parallel_loop3A_140, %parallel_loop3A_523 : i32
        %parallel_loop3A_525 = arith.constant 5 : i32
        %parallel_loop3A_526 = arith.addi %parallel_loop3A_524, %parallel_loop3A_525 : i32
        %parallel_loop3A_527 = arith.index_cast %and3A_78 : i32 to index
        %parallel_loop3A_528 = arith.index_cast %parallel_loop3A_526 : i32 to index
        %parallel_loop3A_529 = arith.constant 16 : index
        %parallel_loop3A_530 = tpu.vector_load %arg12[%parallel_loop3A_527, %parallel_loop3A_528, %parallel_loop3A_529] {strides = array<i32>} : memref<2x512x64xf32, #tpu.memory_space<vmem>>, vector<1x1x16xf32>,
        %parallel_loop3A_531 = vector.shape_cast %parallel_loop3A_530 : vector<1x1x16xf32> to vector<16xf32>
        %parallel_loop3A_532 = arith.mulf %parallel_loop3A_531, %parallel_loop3A_505 : vector<16xf32>
        %parallel_loop3A_533 = arith.index_cast %parallel_loop3A_507 : i32 to index
        %parallel_loop3A_534 = arith.constant 16 : index
        %parallel_loop3A_535 = tpu.vector_load %arg13[%parallel_loop3A_533, %parallel_loop3A_534] {strides = array<i32>} : memref<520x64xf32, #tpu.memory_space<vmem>>, vector<1x16xf32>,
        %parallel_loop3A_536 = vector.shape_cast %parallel_loop3A_535 : vector<1x16xf32> to vector<16xf32>
        %parallel_loop3A_537 = vector.shape_cast %parallel_loop3A_532 : vector<16xf32> to vector<1x16xf32>
        tpu.vector_store %arg13[%parallel_loop3A_533, %parallel_loop3A_534], %parallel_loop3A_537 {add = true, strides = array<i32>} : memref<520x64xf32, #tpu.memory_space<vmem>>, vector<1x16xf32>,
        %parallel_loop3A_538 = arith.constant 16 : i32
        %parallel_loop3A_539 = arith.muli %parallel_loop3A_140, %parallel_loop3A_538 : i32
        %parallel_loop3A_540 = arith.constant 5 : i32
        %parallel_loop3A_541 = arith.addi %parallel_loop3A_539, %parallel_loop3A_540 : i32
        %parallel_loop3A_542 = arith.index_cast %and3A_78 : i32 to index
        %parallel_loop3A_543 = arith.index_cast %parallel_loop3A_541 : i32 to index
        %parallel_loop3A_544 = arith.constant 32 : index
        %parallel_loop3A_545 = tpu.vector_load %arg12[%parallel_loop3A_542, %parallel_loop3A_543, %parallel_loop3A_544] {strides = array<i32>} : memref<2x512x64xf32, #tpu.memory_space<vmem>>, vector<1x1x16xf32>,
        %parallel_loop3A_546 = vector.shape_cast %parallel_loop3A_545 : vector<1x1x16xf32> to vector<16xf32>
        %parallel_loop3A_547 = arith.mulf %parallel_loop3A_546, %parallel_loop3A_505 : vector<16xf32>
        %parallel_loop3A_548 = arith.index_cast %parallel_loop3A_507 : i32 to index
        %parallel_loop3A_549 = arith.constant 32 : index
        %parallel_loop3A_550 = tpu.vector_load %arg13[%parallel_loop3A_548, %parallel_loop3A_549] {strides = array<i32>} : memref<520x64xf32, #tpu.memory_space<vmem>>, vector<1x16xf32>,
        %parallel_loop3A_551 = vector.shape_cast %parallel_loop3A_550 : vector<1x16xf32> to vector<16xf32>
        %parallel_loop3A_552 = vector.shape_cast %parallel_loop3A_547 : vector<16xf32> to vector<1x16xf32>
        tpu.vector_store %arg13[%parallel_loop3A_548, %parallel_loop3A_549], %parallel_loop3A_552 {add = true, strides = array<i32>} : memref<520x64xf32, #tpu.memory_space<vmem>>, vector<1x16xf32>,
        %parallel_loop3A_553 = arith.constant 16 : i32
        %parallel_loop3A_554 = arith.muli %parallel_loop3A_140, %parallel_loop3A_553 : i32
        %parallel_loop3A_555 = arith.constant 5 : i32
        %parallel_loop3A_556 = arith.addi %parallel_loop3A_554, %parallel_loop3A_555 : i32
        %parallel_loop3A_557 = arith.index_cast %and3A_78 : i32 to index
        %parallel_loop3A_558 = arith.index_cast %parallel_loop3A_556 : i32 to index
        %parallel_loop3A_559 = arith.constant 48 : index
        %parallel_loop3A_560 = tpu.vector_load %arg12[%parallel_loop3A_557, %parallel_loop3A_558, %parallel_loop3A_559] {strides = array<i32>} : memref<2x512x64xf32, #tpu.memory_space<vmem>>, vector<1x1x16xf32>,
        %parallel_loop3A_561 = vector.shape_cast %parallel_loop3A_560 : vector<1x1x16xf32> to vector<16xf32>
        %parallel_loop3A_562 = arith.mulf %parallel_loop3A_561, %parallel_loop3A_505 : vector<16xf32>
        %parallel_loop3A_563 = arith.index_cast %parallel_loop3A_507 : i32 to index
        %parallel_loop3A_564 = arith.constant 48 : index
        %parallel_loop3A_565 = tpu.vector_load %arg13[%parallel_loop3A_563, %parallel_loop3A_564] {strides = array<i32>} : memref<520x64xf32, #tpu.memory_space<vmem>>, vector<1x16xf32>,
        %parallel_loop3A_566 = vector.shape_cast %parallel_loop3A_565 : vector<1x16xf32> to vector<16xf32>
        %parallel_loop3A_567 = vector.shape_cast %parallel_loop3A_562 : vector<16xf32> to vector<1x16xf32>
        tpu.vector_store %arg13[%parallel_loop3A_563, %parallel_loop3A_564], %parallel_loop3A_567 {add = true, strides = array<i32>} : memref<520x64xf32, #tpu.memory_space<vmem>>, vector<1x16xf32>,
        %parallel_loop3A_568 = arith.constant 6 : i32
        %parallel_loop3A_569 = vector.broadcast %parallel_loop3A_568 : i32 to vector<16x1xi32>
        %parallel_loop3A_570 = vector.shape_cast %parallel_loop3A_569 : vector<16x1xi32> to vector<16xi32>
        %parallel_loop3A_571 = tpu.dynamic_gather %parallel_loop3A_163[%parallel_loop3A_570] in [0] : vector<16xf32>, vector<16xi32> -> vector<16xf32>
        %parallel_loop3A_572 = vector.extract_strided_slice %parallel_loop3A_171 {offsets = [6], sizes = [1], strides = [1]} : vector<16xi32> to vector<1xi32>
        %parallel_loop3A_573 = vector.extract %parallel_loop3A_572[0] : i32 from vector<1xi32>
        %parallel_loop3A_574 = arith.constant 16 : i32
        %parallel_loop3A_575 = arith.muli %parallel_loop3A_140, %parallel_loop3A_574 : i32
        %parallel_loop3A_576 = arith.constant 6 : i32
        %parallel_loop3A_577 = arith.addi %parallel_loop3A_575, %parallel_loop3A_576 : i32
        %parallel_loop3A_578 = arith.index_cast %and3A_78 : i32 to index
        %parallel_loop3A_579 = arith.index_cast %parallel_loop3A_577 : i32 to index
        %parallel_loop3A_580 = arith.constant 0 : index
        %parallel_loop3A_581 = tpu.vector_load %arg12[%parallel_loop3A_578, %parallel_loop3A_579, %parallel_loop3A_580] {strides = array<i32>} : memref<2x512x64xf32, #tpu.memory_space<vmem>>, vector<1x1x16xf32>,
        %parallel_loop3A_582 = vector.shape_cast %parallel_loop3A_581 : vector<1x1x16xf32> to vector<16xf32>
        %parallel_loop3A_583 = arith.mulf %parallel_loop3A_582, %parallel_loop3A_571 : vector<16xf32>
        %parallel_loop3A_584 = arith.index_cast %parallel_loop3A_573 : i32 to index
        %parallel_loop3A_585 = arith.constant 0 : index
        %parallel_loop3A_586 = tpu.vector_load %arg13[%parallel_loop3A_584, %parallel_loop3A_585] {strides = array<i32>} : memref<520x64xf32, #tpu.memory_space<vmem>>, vector<1x16xf32>,
        %parallel_loop3A_587 = vector.shape_cast %parallel_loop3A_586 : vector<1x16xf32> to vector<16xf32>
        %parallel_loop3A_588 = vector.shape_cast %parallel_loop3A_583 : vector<16xf32> to vector<1x16xf32>
        tpu.vector_store %arg13[%parallel_loop3A_584, %parallel_loop3A_585], %parallel_loop3A_588 {add = true, strides = array<i32>} : memref<520x64xf32, #tpu.memory_space<vmem>>, vector<1x16xf32>,
        %parallel_loop3A_589 = arith.constant 16 : i32
        %parallel_loop3A_590 = arith.muli %parallel_loop3A_140, %parallel_loop3A_589 : i32
        %parallel_loop3A_591 = arith.constant 6 : i32
        %parallel_loop3A_592 = arith.addi %parallel_loop3A_590, %parallel_loop3A_591 : i32
        %parallel_loop3A_593 = arith.index_cast %and3A_78 : i32 to index
        %parallel_loop3A_594 = arith.index_cast %parallel_loop3A_592 : i32 to index
        %parallel_loop3A_595 = arith.constant 16 : index
        %parallel_loop3A_596 = tpu.vector_load %arg12[%parallel_loop3A_593, %parallel_loop3A_594, %parallel_loop3A_595] {strides = array<i32>} : memref<2x512x64xf32, #tpu.memory_space<vmem>>, vector<1x1x16xf32>,
        %parallel_loop3A_597 = vector.shape_cast %parallel_loop3A_596 : vector<1x1x16xf32> to vector<16xf32>
        %parallel_loop3A_598 = arith.mulf %parallel_loop3A_597, %parallel_loop3A_571 : vector<16xf32>
        %parallel_loop3A_599 = arith.index_cast %parallel_loop3A_573 : i32 to index
        %parallel_loop3A_600 = arith.constant 16 : index
        %parallel_loop3A_601 = tpu.vector_load %arg13[%parallel_loop3A_599, %parallel_loop3A_600] {strides = array<i32>} : memref<520x64xf32, #tpu.memory_space<vmem>>, vector<1x16xf32>,
        %parallel_loop3A_602 = vector.shape_cast %parallel_loop3A_601 : vector<1x16xf32> to vector<16xf32>
        %parallel_loop3A_603 = vector.shape_cast %parallel_loop3A_598 : vector<16xf32> to vector<1x16xf32>
        tpu.vector_store %arg13[%parallel_loop3A_599, %parallel_loop3A_600], %parallel_loop3A_603 {add = true, strides = array<i32>} : memref<520x64xf32, #tpu.memory_space<vmem>>, vector<1x16xf32>,
        %parallel_loop3A_604 = arith.constant 16 : i32
        %parallel_loop3A_605 = arith.muli %parallel_loop3A_140, %parallel_loop3A_604 : i32
        %parallel_loop3A_606 = arith.constant 6 : i32
        %parallel_loop3A_607 = arith.addi %parallel_loop3A_605, %parallel_loop3A_606 : i32
        %parallel_loop3A_608 = arith.index_cast %and3A_78 : i32 to index
        %parallel_loop3A_609 = arith.index_cast %parallel_loop3A_607 : i32 to index
        %parallel_loop3A_610 = arith.constant 32 : index
        %parallel_loop3A_611 = tpu.vector_load %arg12[%parallel_loop3A_608, %parallel_loop3A_609, %parallel_loop3A_610] {strides = array<i32>} : memref<2x512x64xf32, #tpu.memory_space<vmem>>, vector<1x1x16xf32>,
        %parallel_loop3A_612 = vector.shape_cast %parallel_loop3A_611 : vector<1x1x16xf32> to vector<16xf32>
        %parallel_loop3A_613 = arith.mulf %parallel_loop3A_612, %parallel_loop3A_571 : vector<16xf32>
        %parallel_loop3A_614 = arith.index_cast %parallel_loop3A_573 : i32 to index
        %parallel_loop3A_615 = arith.constant 32 : index
        %parallel_loop3A_616 = tpu.vector_load %arg13[%parallel_loop3A_614, %parallel_loop3A_615] {strides = array<i32>} : memref<520x64xf32, #tpu.memory_space<vmem>>, vector<1x16xf32>,
        %parallel_loop3A_617 = vector.shape_cast %parallel_loop3A_616 : vector<1x16xf32> to vector<16xf32>
        %parallel_loop3A_618 = vector.shape_cast %parallel_loop3A_613 : vector<16xf32> to vector<1x16xf32>
        tpu.vector_store %arg13[%parallel_loop3A_614, %parallel_loop3A_615], %parallel_loop3A_618 {add = true, strides = array<i32>} : memref<520x64xf32, #tpu.memory_space<vmem>>, vector<1x16xf32>,
        %parallel_loop3A_619 = arith.constant 16 : i32
        %parallel_loop3A_620 = arith.muli %parallel_loop3A_140, %parallel_loop3A_619 : i32
        %parallel_loop3A_621 = arith.constant 6 : i32
        %parallel_loop3A_622 = arith.addi %parallel_loop3A_620, %parallel_loop3A_621 : i32
        %parallel_loop3A_623 = arith.index_cast %and3A_78 : i32 to index
        %parallel_loop3A_624 = arith.index_cast %parallel_loop3A_622 : i32 to index
        %parallel_loop3A_625 = arith.constant 48 : index
        %parallel_loop3A_626 = tpu.vector_load %arg12[%parallel_loop3A_623, %parallel_loop3A_624, %parallel_loop3A_625] {strides = array<i32>} : memref<2x512x64xf32, #tpu.memory_space<vmem>>, vector<1x1x16xf32>,
        %parallel_loop3A_627 = vector.shape_cast %parallel_loop3A_626 : vector<1x1x16xf32> to vector<16xf32>
        %parallel_loop3A_628 = arith.mulf %parallel_loop3A_627, %parallel_loop3A_571 : vector<16xf32>
        %parallel_loop3A_629 = arith.index_cast %parallel_loop3A_573 : i32 to index
        %parallel_loop3A_630 = arith.constant 48 : index
        %parallel_loop3A_631 = tpu.vector_load %arg13[%parallel_loop3A_629, %parallel_loop3A_630] {strides = array<i32>} : memref<520x64xf32, #tpu.memory_space<vmem>>, vector<1x16xf32>,
        %parallel_loop3A_632 = vector.shape_cast %parallel_loop3A_631 : vector<1x16xf32> to vector<16xf32>
        %parallel_loop3A_633 = vector.shape_cast %parallel_loop3A_628 : vector<16xf32> to vector<1x16xf32>
        tpu.vector_store %arg13[%parallel_loop3A_629, %parallel_loop3A_630], %parallel_loop3A_633 {add = true, strides = array<i32>} : memref<520x64xf32, #tpu.memory_space<vmem>>, vector<1x16xf32>,
        %parallel_loop3A_634 = arith.constant 7 : i32
        %parallel_loop3A_635 = vector.broadcast %parallel_loop3A_634 : i32 to vector<16x1xi32>
        %parallel_loop3A_636 = vector.shape_cast %parallel_loop3A_635 : vector<16x1xi32> to vector<16xi32>
        %parallel_loop3A_637 = tpu.dynamic_gather %parallel_loop3A_163[%parallel_loop3A_636] in [0] : vector<16xf32>, vector<16xi32> -> vector<16xf32>
        %parallel_loop3A_638 = vector.extract_strided_slice %parallel_loop3A_171 {offsets = [7], sizes = [1], strides = [1]} : vector<16xi32> to vector<1xi32>
        %parallel_loop3A_639 = vector.extract %parallel_loop3A_638[0] : i32 from vector<1xi32>
        %parallel_loop3A_640 = arith.constant 16 : i32
        %parallel_loop3A_641 = arith.muli %parallel_loop3A_140, %parallel_loop3A_640 : i32
        %parallel_loop3A_642 = arith.constant 7 : i32
        %parallel_loop3A_643 = arith.addi %parallel_loop3A_641, %parallel_loop3A_642 : i32
        %parallel_loop3A_644 = arith.index_cast %and3A_78 : i32 to index
        %parallel_loop3A_645 = arith.index_cast %parallel_loop3A_643 : i32 to index
        %parallel_loop3A_646 = arith.constant 0 : index
        %parallel_loop3A_647 = tpu.vector_load %arg12[%parallel_loop3A_644, %parallel_loop3A_645, %parallel_loop3A_646] {strides = array<i32>} : memref<2x512x64xf32, #tpu.memory_space<vmem>>, vector<1x1x16xf32>,
        %parallel_loop3A_648 = vector.shape_cast %parallel_loop3A_647 : vector<1x1x16xf32> to vector<16xf32>
        %parallel_loop3A_649 = arith.mulf %parallel_loop3A_648, %parallel_loop3A_637 : vector<16xf32>
        %parallel_loop3A_650 = arith.index_cast %parallel_loop3A_639 : i32 to index
        %parallel_loop3A_651 = arith.constant 0 : index
        %parallel_loop3A_652 = tpu.vector_load %arg13[%parallel_loop3A_650, %parallel_loop3A_651] {strides = array<i32>} : memref<520x64xf32, #tpu.memory_space<vmem>>, vector<1x16xf32>,
        %parallel_loop3A_653 = vector.shape_cast %parallel_loop3A_652 : vector<1x16xf32> to vector<16xf32>
        %parallel_loop3A_654 = vector.shape_cast %parallel_loop3A_649 : vector<16xf32> to vector<1x16xf32>
        tpu.vector_store %arg13[%parallel_loop3A_650, %parallel_loop3A_651], %parallel_loop3A_654 {add = true, strides = array<i32>} : memref<520x64xf32, #tpu.memory_space<vmem>>, vector<1x16xf32>,
        %parallel_loop3A_655 = arith.constant 16 : i32
        %parallel_loop3A_656 = arith.muli %parallel_loop3A_140, %parallel_loop3A_655 : i32
        %parallel_loop3A_657 = arith.constant 7 : i32
        %parallel_loop3A_658 = arith.addi %parallel_loop3A_656, %parallel_loop3A_657 : i32
        %parallel_loop3A_659 = arith.index_cast %and3A_78 : i32 to index
        %parallel_loop3A_660 = arith.index_cast %parallel_loop3A_658 : i32 to index
        %parallel_loop3A_661 = arith.constant 16 : index
        %parallel_loop3A_662 = tpu.vector_load %arg12[%parallel_loop3A_659, %parallel_loop3A_660, %parallel_loop3A_661] {strides = array<i32>} : memref<2x512x64xf32, #tpu.memory_space<vmem>>, vector<1x1x16xf32>,
        %parallel_loop3A_663 = vector.shape_cast %parallel_loop3A_662 : vector<1x1x16xf32> to vector<16xf32>
        %parallel_loop3A_664 = arith.mulf %parallel_loop3A_663, %parallel_loop3A_637 : vector<16xf32>
        %parallel_loop3A_665 = arith.index_cast %parallel_loop3A_639 : i32 to index
        %parallel_loop3A_666 = arith.constant 16 : index
        %parallel_loop3A_667 = tpu.vector_load %arg13[%parallel_loop3A_665, %parallel_loop3A_666] {strides = array<i32>} : memref<520x64xf32, #tpu.memory_space<vmem>>, vector<1x16xf32>,
        %parallel_loop3A_668 = vector.shape_cast %parallel_loop3A_667 : vector<1x16xf32> to vector<16xf32>
        %parallel_loop3A_669 = vector.shape_cast %parallel_loop3A_664 : vector<16xf32> to vector<1x16xf32>
        tpu.vector_store %arg13[%parallel_loop3A_665, %parallel_loop3A_666], %parallel_loop3A_669 {add = true, strides = array<i32>} : memref<520x64xf32, #tpu.memory_space<vmem>>, vector<1x16xf32>,
        %parallel_loop3A_670 = arith.constant 16 : i32
        %parallel_loop3A_671 = arith.muli %parallel_loop3A_140, %parallel_loop3A_670 : i32
        %parallel_loop3A_672 = arith.constant 7 : i32
        %parallel_loop3A_673 = arith.addi %parallel_loop3A_671, %parallel_loop3A_672 : i32
        %parallel_loop3A_674 = arith.index_cast %and3A_78 : i32 to index
        %parallel_loop3A_675 = arith.index_cast %parallel_loop3A_673 : i32 to index
        %parallel_loop3A_676 = arith.constant 32 : index
        %parallel_loop3A_677 = tpu.vector_load %arg12[%parallel_loop3A_674, %parallel_loop3A_675, %parallel_loop3A_676] {strides = array<i32>} : memref<2x512x64xf32, #tpu.memory_space<vmem>>, vector<1x1x16xf32>,
        %parallel_loop3A_678 = vector.shape_cast %parallel_loop3A_677 : vector<1x1x16xf32> to vector<16xf32>
        %parallel_loop3A_679 = arith.mulf %parallel_loop3A_678, %parallel_loop3A_637 : vector<16xf32>
        %parallel_loop3A_680 = arith.index_cast %parallel_loop3A_639 : i32 to index
        %parallel_loop3A_681 = arith.constant 32 : index
        %parallel_loop3A_682 = tpu.vector_load %arg13[%parallel_loop3A_680, %parallel_loop3A_681] {strides = array<i32>} : memref<520x64xf32, #tpu.memory_space<vmem>>, vector<1x16xf32>,
        %parallel_loop3A_683 = vector.shape_cast %parallel_loop3A_682 : vector<1x16xf32> to vector<16xf32>
        %parallel_loop3A_684 = vector.shape_cast %parallel_loop3A_679 : vector<16xf32> to vector<1x16xf32>
        tpu.vector_store %arg13[%parallel_loop3A_680, %parallel_loop3A_681], %parallel_loop3A_684 {add = true, strides = array<i32>} : memref<520x64xf32, #tpu.memory_space<vmem>>, vector<1x16xf32>,
        %parallel_loop3A_685 = arith.constant 16 : i32
        %parallel_loop3A_686 = arith.muli %parallel_loop3A_140, %parallel_loop3A_685 : i32
        %parallel_loop3A_687 = arith.constant 7 : i32
        %parallel_loop3A_688 = arith.addi %parallel_loop3A_686, %parallel_loop3A_687 : i32
        %parallel_loop3A_689 = arith.index_cast %and3A_78 : i32 to index
        %parallel_loop3A_690 = arith.index_cast %parallel_loop3A_688 : i32 to index
        %parallel_loop3A_691 = arith.constant 48 : index
        %parallel_loop3A_692 = tpu.vector_load %arg12[%parallel_loop3A_689, %parallel_loop3A_690, %parallel_loop3A_691] {strides = array<i32>} : memref<2x512x64xf32, #tpu.memory_space<vmem>>, vector<1x1x16xf32>,
        %parallel_loop3A_693 = vector.shape_cast %parallel_loop3A_692 : vector<1x1x16xf32> to vector<16xf32>
        %parallel_loop3A_694 = arith.mulf %parallel_loop3A_693, %parallel_loop3A_637 : vector<16xf32>
        %parallel_loop3A_695 = arith.index_cast %parallel_loop3A_639 : i32 to index
        %parallel_loop3A_696 = arith.constant 48 : index
        %parallel_loop3A_697 = tpu.vector_load %arg13[%parallel_loop3A_695, %parallel_loop3A_696] {strides = array<i32>} : memref<520x64xf32, #tpu.memory_space<vmem>>, vector<1x16xf32>,
        %parallel_loop3A_698 = vector.shape_cast %parallel_loop3A_697 : vector<1x16xf32> to vector<16xf32>
        %parallel_loop3A_699 = vector.shape_cast %parallel_loop3A_694 : vector<16xf32> to vector<1x16xf32>
        tpu.vector_store %arg13[%parallel_loop3A_695, %parallel_loop3A_696], %parallel_loop3A_699 {add = true, strides = array<i32>} : memref<520x64xf32, #tpu.memory_space<vmem>>, vector<1x16xf32>,
        %parallel_loop3A_700 = arith.constant 8 : i32
        %parallel_loop3A_701 = vector.broadcast %parallel_loop3A_700 : i32 to vector<16x1xi32>
        %parallel_loop3A_702 = vector.shape_cast %parallel_loop3A_701 : vector<16x1xi32> to vector<16xi32>
        %parallel_loop3A_703 = tpu.dynamic_gather %parallel_loop3A_163[%parallel_loop3A_702] in [0] : vector<16xf32>, vector<16xi32> -> vector<16xf32>
        %parallel_loop3A_704 = vector.extract_strided_slice %parallel_loop3A_171 {offsets = [8], sizes = [1], strides = [1]} : vector<16xi32> to vector<1xi32>
        %parallel_loop3A_705 = vector.extract %parallel_loop3A_704[0] : i32 from vector<1xi32>
        %parallel_loop3A_706 = arith.constant 16 : i32
        %parallel_loop3A_707 = arith.muli %parallel_loop3A_140, %parallel_loop3A_706 : i32
        %parallel_loop3A_708 = arith.constant 8 : i32
        %parallel_loop3A_709 = arith.addi %parallel_loop3A_707, %parallel_loop3A_708 : i32
        %parallel_loop3A_710 = arith.index_cast %and3A_78 : i32 to index
        %parallel_loop3A_711 = arith.index_cast %parallel_loop3A_709 : i32 to index
        %parallel_loop3A_712 = arith.constant 0 : index
        %parallel_loop3A_713 = tpu.vector_load %arg12[%parallel_loop3A_710, %parallel_loop3A_711, %parallel_loop3A_712] {strides = array<i32>} : memref<2x512x64xf32, #tpu.memory_space<vmem>>, vector<1x1x16xf32>,
        %parallel_loop3A_714 = vector.shape_cast %parallel_loop3A_713 : vector<1x1x16xf32> to vector<16xf32>
        %parallel_loop3A_715 = arith.mulf %parallel_loop3A_714, %parallel_loop3A_703 : vector<16xf32>
        %parallel_loop3A_716 = arith.index_cast %parallel_loop3A_705 : i32 to index
        %parallel_loop3A_717 = arith.constant 0 : index
        %parallel_loop3A_718 = tpu.vector_load %arg13[%parallel_loop3A_716, %parallel_loop3A_717] {strides = array<i32>} : memref<520x64xf32, #tpu.memory_space<vmem>>, vector<1x16xf32>,
        %parallel_loop3A_719 = vector.shape_cast %parallel_loop3A_718 : vector<1x16xf32> to vector<16xf32>
        %parallel_loop3A_720 = vector.shape_cast %parallel_loop3A_715 : vector<16xf32> to vector<1x16xf32>
        tpu.vector_store %arg13[%parallel_loop3A_716, %parallel_loop3A_717], %parallel_loop3A_720 {add = true, strides = array<i32>} : memref<520x64xf32, #tpu.memory_space<vmem>>, vector<1x16xf32>,
        %parallel_loop3A_721 = arith.constant 16 : i32
        %parallel_loop3A_722 = arith.muli %parallel_loop3A_140, %parallel_loop3A_721 : i32
        %parallel_loop3A_723 = arith.constant 8 : i32
        %parallel_loop3A_724 = arith.addi %parallel_loop3A_722, %parallel_loop3A_723 : i32
        %parallel_loop3A_725 = arith.index_cast %and3A_78 : i32 to index
        %parallel_loop3A_726 = arith.index_cast %parallel_loop3A_724 : i32 to index
        %parallel_loop3A_727 = arith.constant 16 : index
        %parallel_loop3A_728 = tpu.vector_load %arg12[%parallel_loop3A_725, %parallel_loop3A_726, %parallel_loop3A_727] {strides = array<i32>} : memref<2x512x64xf32, #tpu.memory_space<vmem>>, vector<1x1x16xf32>,
        %parallel_loop3A_729 = vector.shape_cast %parallel_loop3A_728 : vector<1x1x16xf32> to vector<16xf32>
        %parallel_loop3A_730 = arith.mulf %parallel_loop3A_729, %parallel_loop3A_703 : vector<16xf32>
        %parallel_loop3A_731 = arith.index_cast %parallel_loop3A_705 : i32 to index
        %parallel_loop3A_732 = arith.constant 16 : index
        %parallel_loop3A_733 = tpu.vector_load %arg13[%parallel_loop3A_731, %parallel_loop3A_732] {strides = array<i32>} : memref<520x64xf32, #tpu.memory_space<vmem>>, vector<1x16xf32>,
        %parallel_loop3A_734 = vector.shape_cast %parallel_loop3A_733 : vector<1x16xf32> to vector<16xf32>
        %parallel_loop3A_735 = vector.shape_cast %parallel_loop3A_730 : vector<16xf32> to vector<1x16xf32>
        tpu.vector_store %arg13[%parallel_loop3A_731, %parallel_loop3A_732], %parallel_loop3A_735 {add = true, strides = array<i32>} : memref<520x64xf32, #tpu.memory_space<vmem>>, vector<1x16xf32>,
        %parallel_loop3A_736 = arith.constant 16 : i32
        %parallel_loop3A_737 = arith.muli %parallel_loop3A_140, %parallel_loop3A_736 : i32
        %parallel_loop3A_738 = arith.constant 8 : i32
        %parallel_loop3A_739 = arith.addi %parallel_loop3A_737, %parallel_loop3A_738 : i32
        %parallel_loop3A_740 = arith.index_cast %and3A_78 : i32 to index
        %parallel_loop3A_741 = arith.index_cast %parallel_loop3A_739 : i32 to index
        %parallel_loop3A_742 = arith.constant 32 : index
        %parallel_loop3A_743 = tpu.vector_load %arg12[%parallel_loop3A_740, %parallel_loop3A_741, %parallel_loop3A_742] {strides = array<i32>} : memref<2x512x64xf32, #tpu.memory_space<vmem>>, vector<1x1x16xf32>,
        %parallel_loop3A_744 = vector.shape_cast %parallel_loop3A_743 : vector<1x1x16xf32> to vector<16xf32>
        %parallel_loop3A_745 = arith.mulf %parallel_loop3A_744, %parallel_loop3A_703 : vector<16xf32>
        %parallel_loop3A_746 = arith.index_cast %parallel_loop3A_705 : i32 to index
        %parallel_loop3A_747 = arith.constant 32 : index
        %parallel_loop3A_748 = tpu.vector_load %arg13[%parallel_loop3A_746, %parallel_loop3A_747] {strides = array<i32>} : memref<520x64xf32, #tpu.memory_space<vmem>>, vector<1x16xf32>,
        %parallel_loop3A_749 = vector.shape_cast %parallel_loop3A_748 : vector<1x16xf32> to vector<16xf32>
        %parallel_loop3A_750 = vector.shape_cast %parallel_loop3A_745 : vector<16xf32> to vector<1x16xf32>
        tpu.vector_store %arg13[%parallel_loop3A_746, %parallel_loop3A_747], %parallel_loop3A_750 {add = true, strides = array<i32>} : memref<520x64xf32, #tpu.memory_space<vmem>>, vector<1x16xf32>,
        %parallel_loop3A_751 = arith.constant 16 : i32
        %parallel_loop3A_752 = arith.muli %parallel_loop3A_140, %parallel_loop3A_751 : i32
        %parallel_loop3A_753 = arith.constant 8 : i32
        %parallel_loop3A_754 = arith.addi %parallel_loop3A_752, %parallel_loop3A_753 : i32
        %parallel_loop3A_755 = arith.index_cast %and3A_78 : i32 to index
        %parallel_loop3A_756 = arith.index_cast %parallel_loop3A_754 : i32 to index
        %parallel_loop3A_757 = arith.constant 48 : index
        %parallel_loop3A_758 = tpu.vector_load %arg12[%parallel_loop3A_755, %parallel_loop3A_756, %parallel_loop3A_757] {strides = array<i32>} : memref<2x512x64xf32, #tpu.memory_space<vmem>>, vector<1x1x16xf32>,
        %parallel_loop3A_759 = vector.shape_cast %parallel_loop3A_758 : vector<1x1x16xf32> to vector<16xf32>
        %parallel_loop3A_760 = arith.mulf %parallel_loop3A_759, %parallel_loop3A_703 : vector<16xf32>
        %parallel_loop3A_761 = arith.index_cast %parallel_loop3A_705 : i32 to index
        %parallel_loop3A_762 = arith.constant 48 : index
        %parallel_loop3A_763 = tpu.vector_load %arg13[%parallel_loop3A_761, %parallel_loop3A_762] {strides = array<i32>} : memref<520x64xf32, #tpu.memory_space<vmem>>, vector<1x16xf32>,
        %parallel_loop3A_764 = vector.shape_cast %parallel_loop3A_763 : vector<1x16xf32> to vector<16xf32>
        %parallel_loop3A_765 = vector.shape_cast %parallel_loop3A_760 : vector<16xf32> to vector<1x16xf32>
        tpu.vector_store %arg13[%parallel_loop3A_761, %parallel_loop3A_762], %parallel_loop3A_765 {add = true, strides = array<i32>} : memref<520x64xf32, #tpu.memory_space<vmem>>, vector<1x16xf32>,
        %parallel_loop3A_766 = arith.constant 9 : i32
        %parallel_loop3A_767 = vector.broadcast %parallel_loop3A_766 : i32 to vector<16x1xi32>
        %parallel_loop3A_768 = vector.shape_cast %parallel_loop3A_767 : vector<16x1xi32> to vector<16xi32>
        %parallel_loop3A_769 = tpu.dynamic_gather %parallel_loop3A_163[%parallel_loop3A_768] in [0] : vector<16xf32>, vector<16xi32> -> vector<16xf32>
        %parallel_loop3A_770 = vector.extract_strided_slice %parallel_loop3A_171 {offsets = [9], sizes = [1], strides = [1]} : vector<16xi32> to vector<1xi32>
        %parallel_loop3A_771 = vector.extract %parallel_loop3A_770[0] : i32 from vector<1xi32>
        %parallel_loop3A_772 = arith.constant 16 : i32
        %parallel_loop3A_773 = arith.muli %parallel_loop3A_140, %parallel_loop3A_772 : i32
        %parallel_loop3A_774 = arith.constant 9 : i32
        %parallel_loop3A_775 = arith.addi %parallel_loop3A_773, %parallel_loop3A_774 : i32
        %parallel_loop3A_776 = arith.index_cast %and3A_78 : i32 to index
        %parallel_loop3A_777 = arith.index_cast %parallel_loop3A_775 : i32 to index
        %parallel_loop3A_778 = arith.constant 0 : index
        %parallel_loop3A_779 = tpu.vector_load %arg12[%parallel_loop3A_776, %parallel_loop3A_777, %parallel_loop3A_778] {strides = array<i32>} : memref<2x512x64xf32, #tpu.memory_space<vmem>>, vector<1x1x16xf32>,
        %parallel_loop3A_780 = vector.shape_cast %parallel_loop3A_779 : vector<1x1x16xf32> to vector<16xf32>
        %parallel_loop3A_781 = arith.mulf %parallel_loop3A_780, %parallel_loop3A_769 : vector<16xf32>
        %parallel_loop3A_782 = arith.index_cast %parallel_loop3A_771 : i32 to index
        %parallel_loop3A_783 = arith.constant 0 : index
        %parallel_loop3A_784 = tpu.vector_load %arg13[%parallel_loop3A_782, %parallel_loop3A_783] {strides = array<i32>} : memref<520x64xf32, #tpu.memory_space<vmem>>, vector<1x16xf32>,
        %parallel_loop3A_785 = vector.shape_cast %parallel_loop3A_784 : vector<1x16xf32> to vector<16xf32>
        %parallel_loop3A_786 = vector.shape_cast %parallel_loop3A_781 : vector<16xf32> to vector<1x16xf32>
        tpu.vector_store %arg13[%parallel_loop3A_782, %parallel_loop3A_783], %parallel_loop3A_786 {add = true, strides = array<i32>} : memref<520x64xf32, #tpu.memory_space<vmem>>, vector<1x16xf32>,
        %parallel_loop3A_787 = arith.constant 16 : i32
        %parallel_loop3A_788 = arith.muli %parallel_loop3A_140, %parallel_loop3A_787 : i32
        %parallel_loop3A_789 = arith.constant 9 : i32
        %parallel_loop3A_790 = arith.addi %parallel_loop3A_788, %parallel_loop3A_789 : i32
        %parallel_loop3A_791 = arith.index_cast %and3A_78 : i32 to index
        %parallel_loop3A_792 = arith.index_cast %parallel_loop3A_790 : i32 to index
        %parallel_loop3A_793 = arith.constant 16 : index
        %parallel_loop3A_794 = tpu.vector_load %arg12[%parallel_loop3A_791, %parallel_loop3A_792, %parallel_loop3A_793] {strides = array<i32>} : memref<2x512x64xf32, #tpu.memory_space<vmem>>, vector<1x1x16xf32>,
        %parallel_loop3A_795 = vector.shape_cast %parallel_loop3A_794 : vector<1x1x16xf32> to vector<16xf32>
        %parallel_loop3A_796 = arith.mulf %parallel_loop3A_795, %parallel_loop3A_769 : vector<16xf32>
        %parallel_loop3A_797 = arith.index_cast %parallel_loop3A_771 : i32 to index
        %parallel_loop3A_798 = arith.constant 16 : index
        %parallel_loop3A_799 = tpu.vector_load %arg13[%parallel_loop3A_797, %parallel_loop3A_798] {strides = array<i32>} : memref<520x64xf32, #tpu.memory_space<vmem>>, vector<1x16xf32>,
        %parallel_loop3A_800 = vector.shape_cast %parallel_loop3A_799 : vector<1x16xf32> to vector<16xf32>
        %parallel_loop3A_801 = vector.shape_cast %parallel_loop3A_796 : vector<16xf32> to vector<1x16xf32>
        tpu.vector_store %arg13[%parallel_loop3A_797, %parallel_loop3A_798], %parallel_loop3A_801 {add = true, strides = array<i32>} : memref<520x64xf32, #tpu.memory_space<vmem>>, vector<1x16xf32>,
        %parallel_loop3A_802 = arith.constant 16 : i32
        %parallel_loop3A_803 = arith.muli %parallel_loop3A_140, %parallel_loop3A_802 : i32
        %parallel_loop3A_804 = arith.constant 9 : i32
        %parallel_loop3A_805 = arith.addi %parallel_loop3A_803, %parallel_loop3A_804 : i32
        %parallel_loop3A_806 = arith.index_cast %and3A_78 : i32 to index
        %parallel_loop3A_807 = arith.index_cast %parallel_loop3A_805 : i32 to index
        %parallel_loop3A_808 = arith.constant 32 : index
        %parallel_loop3A_809 = tpu.vector_load %arg12[%parallel_loop3A_806, %parallel_loop3A_807, %parallel_loop3A_808] {strides = array<i32>} : memref<2x512x64xf32, #tpu.memory_space<vmem>>, vector<1x1x16xf32>,
        %parallel_loop3A_810 = vector.shape_cast %parallel_loop3A_809 : vector<1x1x16xf32> to vector<16xf32>
        %parallel_loop3A_811 = arith.mulf %parallel_loop3A_810, %parallel_loop3A_769 : vector<16xf32>
        %parallel_loop3A_812 = arith.index_cast %parallel_loop3A_771 : i32 to index
        %parallel_loop3A_813 = arith.constant 32 : index
        %parallel_loop3A_814 = tpu.vector_load %arg13[%parallel_loop3A_812, %parallel_loop3A_813] {strides = array<i32>} : memref<520x64xf32, #tpu.memory_space<vmem>>, vector<1x16xf32>,
        %parallel_loop3A_815 = vector.shape_cast %parallel_loop3A_814 : vector<1x16xf32> to vector<16xf32>
        %parallel_loop3A_816 = vector.shape_cast %parallel_loop3A_811 : vector<16xf32> to vector<1x16xf32>
        tpu.vector_store %arg13[%parallel_loop3A_812, %parallel_loop3A_813], %parallel_loop3A_816 {add = true, strides = array<i32>} : memref<520x64xf32, #tpu.memory_space<vmem>>, vector<1x16xf32>,
        %parallel_loop3A_817 = arith.constant 16 : i32
        %parallel_loop3A_818 = arith.muli %parallel_loop3A_140, %parallel_loop3A_817 : i32
        %parallel_loop3A_819 = arith.constant 9 : i32
        %parallel_loop3A_820 = arith.addi %parallel_loop3A_818, %parallel_loop3A_819 : i32
        %parallel_loop3A_821 = arith.index_cast %and3A_78 : i32 to index
        %parallel_loop3A_822 = arith.index_cast %parallel_loop3A_820 : i32 to index
        %parallel_loop3A_823 = arith.constant 48 : index
        %parallel_loop3A_824 = tpu.vector_load %arg12[%parallel_loop3A_821, %parallel_loop3A_822, %parallel_loop3A_823] {strides = array<i32>} : memref<2x512x64xf32, #tpu.memory_space<vmem>>, vector<1x1x16xf32>,
        %parallel_loop3A_825 = vector.shape_cast %parallel_loop3A_824 : vector<1x1x16xf32> to vector<16xf32>
        %parallel_loop3A_826 = arith.mulf %parallel_loop3A_825, %parallel_loop3A_769 : vector<16xf32>
        %parallel_loop3A_827 = arith.index_cast %parallel_loop3A_771 : i32 to index
        %parallel_loop3A_828 = arith.constant 48 : index
        %parallel_loop3A_829 = tpu.vector_load %arg13[%parallel_loop3A_827, %parallel_loop3A_828] {strides = array<i32>} : memref<520x64xf32, #tpu.memory_space<vmem>>, vector<1x16xf32>,
        %parallel_loop3A_830 = vector.shape_cast %parallel_loop3A_829 : vector<1x16xf32> to vector<16xf32>
        %parallel_loop3A_831 = vector.shape_cast %parallel_loop3A_826 : vector<16xf32> to vector<1x16xf32>
        tpu.vector_store %arg13[%parallel_loop3A_827, %parallel_loop3A_828], %parallel_loop3A_831 {add = true, strides = array<i32>} : memref<520x64xf32, #tpu.memory_space<vmem>>, vector<1x16xf32>,
        %parallel_loop3A_832 = arith.constant 10 : i32
        %parallel_loop3A_833 = vector.broadcast %parallel_loop3A_832 : i32 to vector<16x1xi32>
        %parallel_loop3A_834 = vector.shape_cast %parallel_loop3A_833 : vector<16x1xi32> to vector<16xi32>
        %parallel_loop3A_835 = tpu.dynamic_gather %parallel_loop3A_163[%parallel_loop3A_834] in [0] : vector<16xf32>, vector<16xi32> -> vector<16xf32>
        %parallel_loop3A_836 = vector.extract_strided_slice %parallel_loop3A_171 {offsets = [10], sizes = [1], strides = [1]} : vector<16xi32> to vector<1xi32>
        %parallel_loop3A_837 = vector.extract %parallel_loop3A_836[0] : i32 from vector<1xi32>
        %parallel_loop3A_838 = arith.constant 16 : i32
        %parallel_loop3A_839 = arith.muli %parallel_loop3A_140, %parallel_loop3A_838 : i32
        %parallel_loop3A_840 = arith.constant 10 : i32
        %parallel_loop3A_841 = arith.addi %parallel_loop3A_839, %parallel_loop3A_840 : i32
        %parallel_loop3A_842 = arith.index_cast %and3A_78 : i32 to index
        %parallel_loop3A_843 = arith.index_cast %parallel_loop3A_841 : i32 to index
        %parallel_loop3A_844 = arith.constant 0 : index
        %parallel_loop3A_845 = tpu.vector_load %arg12[%parallel_loop3A_842, %parallel_loop3A_843, %parallel_loop3A_844] {strides = array<i32>} : memref<2x512x64xf32, #tpu.memory_space<vmem>>, vector<1x1x16xf32>,
        %parallel_loop3A_846 = vector.shape_cast %parallel_loop3A_845 : vector<1x1x16xf32> to vector<16xf32>
        %parallel_loop3A_847 = arith.mulf %parallel_loop3A_846, %parallel_loop3A_835 : vector<16xf32>
        %parallel_loop3A_848 = arith.index_cast %parallel_loop3A_837 : i32 to index
        %parallel_loop3A_849 = arith.constant 0 : index
        %parallel_loop3A_850 = tpu.vector_load %arg13[%parallel_loop3A_848, %parallel_loop3A_849] {strides = array<i32>} : memref<520x64xf32, #tpu.memory_space<vmem>>, vector<1x16xf32>,
        %parallel_loop3A_851 = vector.shape_cast %parallel_loop3A_850 : vector<1x16xf32> to vector<16xf32>
        %parallel_loop3A_852 = vector.shape_cast %parallel_loop3A_847 : vector<16xf32> to vector<1x16xf32>
        tpu.vector_store %arg13[%parallel_loop3A_848, %parallel_loop3A_849], %parallel_loop3A_852 {add = true, strides = array<i32>} : memref<520x64xf32, #tpu.memory_space<vmem>>, vector<1x16xf32>,
        %parallel_loop3A_853 = arith.constant 16 : i32
        %parallel_loop3A_854 = arith.muli %parallel_loop3A_140, %parallel_loop3A_853 : i32
        %parallel_loop3A_855 = arith.constant 10 : i32
        %parallel_loop3A_856 = arith.addi %parallel_loop3A_854, %parallel_loop3A_855 : i32
        %parallel_loop3A_857 = arith.index_cast %and3A_78 : i32 to index
        %parallel_loop3A_858 = arith.index_cast %parallel_loop3A_856 : i32 to index
        %parallel_loop3A_859 = arith.constant 16 : index
        %parallel_loop3A_860 = tpu.vector_load %arg12[%parallel_loop3A_857, %parallel_loop3A_858, %parallel_loop3A_859] {strides = array<i32>} : memref<2x512x64xf32, #tpu.memory_space<vmem>>, vector<1x1x16xf32>,
        %parallel_loop3A_861 = vector.shape_cast %parallel_loop3A_860 : vector<1x1x16xf32> to vector<16xf32>
        %parallel_loop3A_862 = arith.mulf %parallel_loop3A_861, %parallel_loop3A_835 : vector<16xf32>
        %parallel_loop3A_863 = arith.index_cast %parallel_loop3A_837 : i32 to index
        %parallel_loop3A_864 = arith.constant 16 : index
        %parallel_loop3A_865 = tpu.vector_load %arg13[%parallel_loop3A_863, %parallel_loop3A_864] {strides = array<i32>} : memref<520x64xf32, #tpu.memory_space<vmem>>, vector<1x16xf32>,
        %parallel_loop3A_866 = vector.shape_cast %parallel_loop3A_865 : vector<1x16xf32> to vector<16xf32>
        %parallel_loop3A_867 = vector.shape_cast %parallel_loop3A_862 : vector<16xf32> to vector<1x16xf32>
        tpu.vector_store %arg13[%parallel_loop3A_863, %parallel_loop3A_864], %parallel_loop3A_867 {add = true, strides = array<i32>} : memref<520x64xf32, #tpu.memory_space<vmem>>, vector<1x16xf32>,
        %parallel_loop3A_868 = arith.constant 16 : i32
        %parallel_loop3A_869 = arith.muli %parallel_loop3A_140, %parallel_loop3A_868 : i32
        %parallel_loop3A_870 = arith.constant 10 : i32
        %parallel_loop3A_871 = arith.addi %parallel_loop3A_869, %parallel_loop3A_870 : i32
        %parallel_loop3A_872 = arith.index_cast %and3A_78 : i32 to index
        %parallel_loop3A_873 = arith.index_cast %parallel_loop3A_871 : i32 to index
        %parallel_loop3A_874 = arith.constant 32 : index
        %parallel_loop3A_875 = tpu.vector_load %arg12[%parallel_loop3A_872, %parallel_loop3A_873, %parallel_loop3A_874] {strides = array<i32>} : memref<2x512x64xf32, #tpu.memory_space<vmem>>, vector<1x1x16xf32>,
        %parallel_loop3A_876 = vector.shape_cast %parallel_loop3A_875 : vector<1x1x16xf32> to vector<16xf32>
        %parallel_loop3A_877 = arith.mulf %parallel_loop3A_876, %parallel_loop3A_835 : vector<16xf32>
        %parallel_loop3A_878 = arith.index_cast %parallel_loop3A_837 : i32 to index
        %parallel_loop3A_879 = arith.constant 32 : index
        %parallel_loop3A_880 = tpu.vector_load %arg13[%parallel_loop3A_878, %parallel_loop3A_879] {strides = array<i32>} : memref<520x64xf32, #tpu.memory_space<vmem>>, vector<1x16xf32>,
        %parallel_loop3A_881 = vector.shape_cast %parallel_loop3A_880 : vector<1x16xf32> to vector<16xf32>
        %parallel_loop3A_882 = vector.shape_cast %parallel_loop3A_877 : vector<16xf32> to vector<1x16xf32>
        tpu.vector_store %arg13[%parallel_loop3A_878, %parallel_loop3A_879], %parallel_loop3A_882 {add = true, strides = array<i32>} : memref<520x64xf32, #tpu.memory_space<vmem>>, vector<1x16xf32>,
        %parallel_loop3A_883 = arith.constant 16 : i32
        %parallel_loop3A_884 = arith.muli %parallel_loop3A_140, %parallel_loop3A_883 : i32
        %parallel_loop3A_885 = arith.constant 10 : i32
        %parallel_loop3A_886 = arith.addi %parallel_loop3A_884, %parallel_loop3A_885 : i32
        %parallel_loop3A_887 = arith.index_cast %and3A_78 : i32 to index
        %parallel_loop3A_888 = arith.index_cast %parallel_loop3A_886 : i32 to index
        %parallel_loop3A_889 = arith.constant 48 : index
        %parallel_loop3A_890 = tpu.vector_load %arg12[%parallel_loop3A_887, %parallel_loop3A_888, %parallel_loop3A_889] {strides = array<i32>} : memref<2x512x64xf32, #tpu.memory_space<vmem>>, vector<1x1x16xf32>,
        %parallel_loop3A_891 = vector.shape_cast %parallel_loop3A_890 : vector<1x1x16xf32> to vector<16xf32>
        %parallel_loop3A_892 = arith.mulf %parallel_loop3A_891, %parallel_loop3A_835 : vector<16xf32>
        %parallel_loop3A_893 = arith.index_cast %parallel_loop3A_837 : i32 to index
        %parallel_loop3A_894 = arith.constant 48 : index
        %parallel_loop3A_895 = tpu.vector_load %arg13[%parallel_loop3A_893, %parallel_loop3A_894] {strides = array<i32>} : memref<520x64xf32, #tpu.memory_space<vmem>>, vector<1x16xf32>,
        %parallel_loop3A_896 = vector.shape_cast %parallel_loop3A_895 : vector<1x16xf32> to vector<16xf32>
        %parallel_loop3A_897 = vector.shape_cast %parallel_loop3A_892 : vector<16xf32> to vector<1x16xf32>
        tpu.vector_store %arg13[%parallel_loop3A_893, %parallel_loop3A_894], %parallel_loop3A_897 {add = true, strides = array<i32>} : memref<520x64xf32, #tpu.memory_space<vmem>>, vector<1x16xf32>,
        %parallel_loop3A_898 = arith.constant 11 : i32
        %parallel_loop3A_899 = vector.broadcast %parallel_loop3A_898 : i32 to vector<16x1xi32>
        %parallel_loop3A_900 = vector.shape_cast %parallel_loop3A_899 : vector<16x1xi32> to vector<16xi32>
        %parallel_loop3A_901 = tpu.dynamic_gather %parallel_loop3A_163[%parallel_loop3A_900] in [0] : vector<16xf32>, vector<16xi32> -> vector<16xf32>
        %parallel_loop3A_902 = vector.extract_strided_slice %parallel_loop3A_171 {offsets = [11], sizes = [1], strides = [1]} : vector<16xi32> to vector<1xi32>
        %parallel_loop3A_903 = vector.extract %parallel_loop3A_902[0] : i32 from vector<1xi32>
        %parallel_loop3A_904 = arith.constant 16 : i32
        %parallel_loop3A_905 = arith.muli %parallel_loop3A_140, %parallel_loop3A_904 : i32
        %parallel_loop3A_906 = arith.constant 11 : i32
        %parallel_loop3A_907 = arith.addi %parallel_loop3A_905, %parallel_loop3A_906 : i32
        %parallel_loop3A_908 = arith.index_cast %and3A_78 : i32 to index
        %parallel_loop3A_909 = arith.index_cast %parallel_loop3A_907 : i32 to index
        %parallel_loop3A_910 = arith.constant 0 : index
        %parallel_loop3A_911 = tpu.vector_load %arg12[%parallel_loop3A_908, %parallel_loop3A_909, %parallel_loop3A_910] {strides = array<i32>} : memref<2x512x64xf32, #tpu.memory_space<vmem>>, vector<1x1x16xf32>,
        %parallel_loop3A_912 = vector.shape_cast %parallel_loop3A_911 : vector<1x1x16xf32> to vector<16xf32>
        %parallel_loop3A_913 = arith.mulf %parallel_loop3A_912, %parallel_loop3A_901 : vector<16xf32>
        %parallel_loop3A_914 = arith.index_cast %parallel_loop3A_903 : i32 to index
        %parallel_loop3A_915 = arith.constant 0 : index
        %parallel_loop3A_916 = tpu.vector_load %arg13[%parallel_loop3A_914, %parallel_loop3A_915] {strides = array<i32>} : memref<520x64xf32, #tpu.memory_space<vmem>>, vector<1x16xf32>,
        %parallel_loop3A_917 = vector.shape_cast %parallel_loop3A_916 : vector<1x16xf32> to vector<16xf32>
        %parallel_loop3A_918 = vector.shape_cast %parallel_loop3A_913 : vector<16xf32> to vector<1x16xf32>
        tpu.vector_store %arg13[%parallel_loop3A_914, %parallel_loop3A_915], %parallel_loop3A_918 {add = true, strides = array<i32>} : memref<520x64xf32, #tpu.memory_space<vmem>>, vector<1x16xf32>,
        %parallel_loop3A_919 = arith.constant 16 : i32
        %parallel_loop3A_920 = arith.muli %parallel_loop3A_140, %parallel_loop3A_919 : i32
        %parallel_loop3A_921 = arith.constant 11 : i32
        %parallel_loop3A_922 = arith.addi %parallel_loop3A_920, %parallel_loop3A_921 : i32
        %parallel_loop3A_923 = arith.index_cast %and3A_78 : i32 to index
        %parallel_loop3A_924 = arith.index_cast %parallel_loop3A_922 : i32 to index
        %parallel_loop3A_925 = arith.constant 16 : index
        %parallel_loop3A_926 = tpu.vector_load %arg12[%parallel_loop3A_923, %parallel_loop3A_924, %parallel_loop3A_925] {strides = array<i32>} : memref<2x512x64xf32, #tpu.memory_space<vmem>>, vector<1x1x16xf32>,
        %parallel_loop3A_927 = vector.shape_cast %parallel_loop3A_926 : vector<1x1x16xf32> to vector<16xf32>
        %parallel_loop3A_928 = arith.mulf %parallel_loop3A_927, %parallel_loop3A_901 : vector<16xf32>
        %parallel_loop3A_929 = arith.index_cast %parallel_loop3A_903 : i32 to index
        %parallel_loop3A_930 = arith.constant 16 : index
        %parallel_loop3A_931 = tpu.vector_load %arg13[%parallel_loop3A_929, %parallel_loop3A_930] {strides = array<i32>} : memref<520x64xf32, #tpu.memory_space<vmem>>, vector<1x16xf32>,
        %parallel_loop3A_932 = vector.shape_cast %parallel_loop3A_931 : vector<1x16xf32> to vector<16xf32>
        %parallel_loop3A_933 = vector.shape_cast %parallel_loop3A_928 : vector<16xf32> to vector<1x16xf32>
        tpu.vector_store %arg13[%parallel_loop3A_929, %parallel_loop3A_930], %parallel_loop3A_933 {add = true, strides = array<i32>} : memref<520x64xf32, #tpu.memory_space<vmem>>, vector<1x16xf32>,
        %parallel_loop3A_934 = arith.constant 16 : i32
        %parallel_loop3A_935 = arith.muli %parallel_loop3A_140, %parallel_loop3A_934 : i32
        %parallel_loop3A_936 = arith.constant 11 : i32
        %parallel_loop3A_937 = arith.addi %parallel_loop3A_935, %parallel_loop3A_936 : i32
        %parallel_loop3A_938 = arith.index_cast %and3A_78 : i32 to index
        %parallel_loop3A_939 = arith.index_cast %parallel_loop3A_937 : i32 to index
        %parallel_loop3A_940 = arith.constant 32 : index
        %parallel_loop3A_941 = tpu.vector_load %arg12[%parallel_loop3A_938, %parallel_loop3A_939, %parallel_loop3A_940] {strides = array<i32>} : memref<2x512x64xf32, #tpu.memory_space<vmem>>, vector<1x1x16xf32>,
        %parallel_loop3A_942 = vector.shape_cast %parallel_loop3A_941 : vector<1x1x16xf32> to vector<16xf32>
        %parallel_loop3A_943 = arith.mulf %parallel_loop3A_942, %parallel_loop3A_901 : vector<16xf32>
        %parallel_loop3A_944 = arith.index_cast %parallel_loop3A_903 : i32 to index
        %parallel_loop3A_945 = arith.constant 32 : index
        %parallel_loop3A_946 = tpu.vector_load %arg13[%parallel_loop3A_944, %parallel_loop3A_945] {strides = array<i32>} : memref<520x64xf32, #tpu.memory_space<vmem>>, vector<1x16xf32>,
        %parallel_loop3A_947 = vector.shape_cast %parallel_loop3A_946 : vector<1x16xf32> to vector<16xf32>
        %parallel_loop3A_948 = vector.shape_cast %parallel_loop3A_943 : vector<16xf32> to vector<1x16xf32>
        tpu.vector_store %arg13[%parallel_loop3A_944, %parallel_loop3A_945], %parallel_loop3A_948 {add = true, strides = array<i32>} : memref<520x64xf32, #tpu.memory_space<vmem>>, vector<1x16xf32>,
        %parallel_loop3A_949 = arith.constant 16 : i32
        %parallel_loop3A_950 = arith.muli %parallel_loop3A_140, %parallel_loop3A_949 : i32
        %parallel_loop3A_951 = arith.constant 11 : i32
        %parallel_loop3A_952 = arith.addi %parallel_loop3A_950, %parallel_loop3A_951 : i32
        %parallel_loop3A_953 = arith.index_cast %and3A_78 : i32 to index
        %parallel_loop3A_954 = arith.index_cast %parallel_loop3A_952 : i32 to index
        %parallel_loop3A_955 = arith.constant 48 : index
        %parallel_loop3A_956 = tpu.vector_load %arg12[%parallel_loop3A_953, %parallel_loop3A_954, %parallel_loop3A_955] {strides = array<i32>} : memref<2x512x64xf32, #tpu.memory_space<vmem>>, vector<1x1x16xf32>,
        %parallel_loop3A_957 = vector.shape_cast %parallel_loop3A_956 : vector<1x1x16xf32> to vector<16xf32>
        %parallel_loop3A_958 = arith.mulf %parallel_loop3A_957, %parallel_loop3A_901 : vector<16xf32>
        %parallel_loop3A_959 = arith.index_cast %parallel_loop3A_903 : i32 to index
        %parallel_loop3A_960 = arith.constant 48 : index
        %parallel_loop3A_961 = tpu.vector_load %arg13[%parallel_loop3A_959, %parallel_loop3A_960] {strides = array<i32>} : memref<520x64xf32, #tpu.memory_space<vmem>>, vector<1x16xf32>,
        %parallel_loop3A_962 = vector.shape_cast %parallel_loop3A_961 : vector<1x16xf32> to vector<16xf32>
        %parallel_loop3A_963 = vector.shape_cast %parallel_loop3A_958 : vector<16xf32> to vector<1x16xf32>
        tpu.vector_store %arg13[%parallel_loop3A_959, %parallel_loop3A_960], %parallel_loop3A_963 {add = true, strides = array<i32>} : memref<520x64xf32, #tpu.memory_space<vmem>>, vector<1x16xf32>,
        %parallel_loop3A_964 = arith.constant 12 : i32
        %parallel_loop3A_965 = vector.broadcast %parallel_loop3A_964 : i32 to vector<16x1xi32>
        %parallel_loop3A_966 = vector.shape_cast %parallel_loop3A_965 : vector<16x1xi32> to vector<16xi32>
        %parallel_loop3A_967 = tpu.dynamic_gather %parallel_loop3A_163[%parallel_loop3A_966] in [0] : vector<16xf32>, vector<16xi32> -> vector<16xf32>
        %parallel_loop3A_968 = vector.extract_strided_slice %parallel_loop3A_171 {offsets = [12], sizes = [1], strides = [1]} : vector<16xi32> to vector<1xi32>
        %parallel_loop3A_969 = vector.extract %parallel_loop3A_968[0] : i32 from vector<1xi32>
        %parallel_loop3A_970 = arith.constant 16 : i32
        %parallel_loop3A_971 = arith.muli %parallel_loop3A_140, %parallel_loop3A_970 : i32
        %parallel_loop3A_972 = arith.constant 12 : i32
        %parallel_loop3A_973 = arith.addi %parallel_loop3A_971, %parallel_loop3A_972 : i32
        %parallel_loop3A_974 = arith.index_cast %and3A_78 : i32 to index
        %parallel_loop3A_975 = arith.index_cast %parallel_loop3A_973 : i32 to index
        %parallel_loop3A_976 = arith.constant 0 : index
        %parallel_loop3A_977 = tpu.vector_load %arg12[%parallel_loop3A_974, %parallel_loop3A_975, %parallel_loop3A_976] {strides = array<i32>} : memref<2x512x64xf32, #tpu.memory_space<vmem>>, vector<1x1x16xf32>,
        %parallel_loop3A_978 = vector.shape_cast %parallel_loop3A_977 : vector<1x1x16xf32> to vector<16xf32>
        %parallel_loop3A_979 = arith.mulf %parallel_loop3A_978, %parallel_loop3A_967 : vector<16xf32>
        %parallel_loop3A_980 = arith.index_cast %parallel_loop3A_969 : i32 to index
        %parallel_loop3A_981 = arith.constant 0 : index
        %parallel_loop3A_982 = tpu.vector_load %arg13[%parallel_loop3A_980, %parallel_loop3A_981] {strides = array<i32>} : memref<520x64xf32, #tpu.memory_space<vmem>>, vector<1x16xf32>,
        %parallel_loop3A_983 = vector.shape_cast %parallel_loop3A_982 : vector<1x16xf32> to vector<16xf32>
        %parallel_loop3A_984 = vector.shape_cast %parallel_loop3A_979 : vector<16xf32> to vector<1x16xf32>
        tpu.vector_store %arg13[%parallel_loop3A_980, %parallel_loop3A_981], %parallel_loop3A_984 {add = true, strides = array<i32>} : memref<520x64xf32, #tpu.memory_space<vmem>>, vector<1x16xf32>,
        %parallel_loop3A_985 = arith.constant 16 : i32
        %parallel_loop3A_986 = arith.muli %parallel_loop3A_140, %parallel_loop3A_985 : i32
        %parallel_loop3A_987 = arith.constant 12 : i32
        %parallel_loop3A_988 = arith.addi %parallel_loop3A_986, %parallel_loop3A_987 : i32
        %parallel_loop3A_989 = arith.index_cast %and3A_78 : i32 to index
        %parallel_loop3A_990 = arith.index_cast %parallel_loop3A_988 : i32 to index
        %parallel_loop3A_991 = arith.constant 16 : index
        %parallel_loop3A_992 = tpu.vector_load %arg12[%parallel_loop3A_989, %parallel_loop3A_990, %parallel_loop3A_991] {strides = array<i32>} : memref<2x512x64xf32, #tpu.memory_space<vmem>>, vector<1x1x16xf32>,
        %parallel_loop3A_993 = vector.shape_cast %parallel_loop3A_992 : vector<1x1x16xf32> to vector<16xf32>
        %parallel_loop3A_994 = arith.mulf %parallel_loop3A_993, %parallel_loop3A_967 : vector<16xf32>
        %parallel_loop3A_995 = arith.index_cast %parallel_loop3A_969 : i32 to index
        %parallel_loop3A_996 = arith.constant 16 : index
        %parallel_loop3A_997 = tpu.vector_load %arg13[%parallel_loop3A_995, %parallel_loop3A_996] {strides = array<i32>} : memref<520x64xf32, #tpu.memory_space<vmem>>, vector<1x16xf32>,
        %parallel_loop3A_998 = vector.shape_cast %parallel_loop3A_997 : vector<1x16xf32> to vector<16xf32>
        %parallel_loop3A_999 = vector.shape_cast %parallel_loop3A_994 : vector<16xf32> to vector<1x16xf32>
        tpu.vector_store %arg13[%parallel_loop3A_995, %parallel_loop3A_996], %parallel_loop3A_999 {add = true, strides = array<i32>} : memref<520x64xf32, #tpu.memory_space<vmem>>, vector<1x16xf32>,
        %parallel_loop3A_1000 = arith.constant 16 : i32
        %parallel_loop3A_1001 = arith.muli %parallel_loop3A_140, %parallel_loop3A_1000 : i32
        %parallel_loop3A_1002 = arith.constant 12 : i32
        %parallel_loop3A_1003 = arith.addi %parallel_loop3A_1001, %parallel_loop3A_1002 : i32
        %parallel_loop3A_1004 = arith.index_cast %and3A_78 : i32 to index
        %parallel_loop3A_1005 = arith.index_cast %parallel_loop3A_1003 : i32 to index
        %parallel_loop3A_1006 = arith.constant 32 : index
        %parallel_loop3A_1007 = tpu.vector_load %arg12[%parallel_loop3A_1004, %parallel_loop3A_1005, %parallel_loop3A_1006] {strides = array<i32>} : memref<2x512x64xf32, #tpu.memory_space<vmem>>, vector<1x1x16xf32>,
        %parallel_loop3A_1008 = vector.shape_cast %parallel_loop3A_1007 : vector<1x1x16xf32> to vector<16xf32>
        %parallel_loop3A_1009 = arith.mulf %parallel_loop3A_1008, %parallel_loop3A_967 : vector<16xf32>
        %parallel_loop3A_1010 = arith.index_cast %parallel_loop3A_969 : i32 to index
        %parallel_loop3A_1011 = arith.constant 32 : index
        %parallel_loop3A_1012 = tpu.vector_load %arg13[%parallel_loop3A_1010, %parallel_loop3A_1011] {strides = array<i32>} : memref<520x64xf32, #tpu.memory_space<vmem>>, vector<1x16xf32>,
        %parallel_loop3A_1013 = vector.shape_cast %parallel_loop3A_1012 : vector<1x16xf32> to vector<16xf32>
        %parallel_loop3A_1014 = vector.shape_cast %parallel_loop3A_1009 : vector<16xf32> to vector<1x16xf32>
        tpu.vector_store %arg13[%parallel_loop3A_1010, %parallel_loop3A_1011], %parallel_loop3A_1014 {add = true, strides = array<i32>} : memref<520x64xf32, #tpu.memory_space<vmem>>, vector<1x16xf32>,
        %parallel_loop3A_1015 = arith.constant 16 : i32
        %parallel_loop3A_1016 = arith.muli %parallel_loop3A_140, %parallel_loop3A_1015 : i32
        %parallel_loop3A_1017 = arith.constant 12 : i32
        %parallel_loop3A_1018 = arith.addi %parallel_loop3A_1016, %parallel_loop3A_1017 : i32
        %parallel_loop3A_1019 = arith.index_cast %and3A_78 : i32 to index
        %parallel_loop3A_1020 = arith.index_cast %parallel_loop3A_1018 : i32 to index
        %parallel_loop3A_1021 = arith.constant 48 : index
        %parallel_loop3A_1022 = tpu.vector_load %arg12[%parallel_loop3A_1019, %parallel_loop3A_1020, %parallel_loop3A_1021] {strides = array<i32>} : memref<2x512x64xf32, #tpu.memory_space<vmem>>, vector<1x1x16xf32>,
        %parallel_loop3A_1023 = vector.shape_cast %parallel_loop3A_1022 : vector<1x1x16xf32> to vector<16xf32>
        %parallel_loop3A_1024 = arith.mulf %parallel_loop3A_1023, %parallel_loop3A_967 : vector<16xf32>
        %parallel_loop3A_1025 = arith.index_cast %parallel_loop3A_969 : i32 to index
        %parallel_loop3A_1026 = arith.constant 48 : index
        %parallel_loop3A_1027 = tpu.vector_load %arg13[%parallel_loop3A_1025, %parallel_loop3A_1026] {strides = array<i32>} : memref<520x64xf32, #tpu.memory_space<vmem>>, vector<1x16xf32>,
        %parallel_loop3A_1028 = vector.shape_cast %parallel_loop3A_1027 : vector<1x16xf32> to vector<16xf32>
        %parallel_loop3A_1029 = vector.shape_cast %parallel_loop3A_1024 : vector<16xf32> to vector<1x16xf32>
        tpu.vector_store %arg13[%parallel_loop3A_1025, %parallel_loop3A_1026], %parallel_loop3A_1029 {add = true, strides = array<i32>} : memref<520x64xf32, #tpu.memory_space<vmem>>, vector<1x16xf32>,
        %parallel_loop3A_1030 = arith.constant 13 : i32
        %parallel_loop3A_1031 = vector.broadcast %parallel_loop3A_1030 : i32 to vector<16x1xi32>
        %parallel_loop3A_1032 = vector.shape_cast %parallel_loop3A_1031 : vector<16x1xi32> to vector<16xi32>
        %parallel_loop3A_1033 = tpu.dynamic_gather %parallel_loop3A_163[%parallel_loop3A_1032] in [0] : vector<16xf32>, vector<16xi32> -> vector<16xf32>
        %parallel_loop3A_1034 = vector.extract_strided_slice %parallel_loop3A_171 {offsets = [13], sizes = [1], strides = [1]} : vector<16xi32> to vector<1xi32>
        %parallel_loop3A_1035 = vector.extract %parallel_loop3A_1034[0] : i32 from vector<1xi32>
        %parallel_loop3A_1036 = arith.constant 16 : i32
        %parallel_loop3A_1037 = arith.muli %parallel_loop3A_140, %parallel_loop3A_1036 : i32
        %parallel_loop3A_1038 = arith.constant 13 : i32
        %parallel_loop3A_1039 = arith.addi %parallel_loop3A_1037, %parallel_loop3A_1038 : i32
        %parallel_loop3A_1040 = arith.index_cast %and3A_78 : i32 to index
        %parallel_loop3A_1041 = arith.index_cast %parallel_loop3A_1039 : i32 to index
        %parallel_loop3A_1042 = arith.constant 0 : index
        %parallel_loop3A_1043 = tpu.vector_load %arg12[%parallel_loop3A_1040, %parallel_loop3A_1041, %parallel_loop3A_1042] {strides = array<i32>} : memref<2x512x64xf32, #tpu.memory_space<vmem>>, vector<1x1x16xf32>,
        %parallel_loop3A_1044 = vector.shape_cast %parallel_loop3A_1043 : vector<1x1x16xf32> to vector<16xf32>
        %parallel_loop3A_1045 = arith.mulf %parallel_loop3A_1044, %parallel_loop3A_1033 : vector<16xf32>
        %parallel_loop3A_1046 = arith.index_cast %parallel_loop3A_1035 : i32 to index
        %parallel_loop3A_1047 = arith.constant 0 : index
        %parallel_loop3A_1048 = tpu.vector_load %arg13[%parallel_loop3A_1046, %parallel_loop3A_1047] {strides = array<i32>} : memref<520x64xf32, #tpu.memory_space<vmem>>, vector<1x16xf32>,
        %parallel_loop3A_1049 = vector.shape_cast %parallel_loop3A_1048 : vector<1x16xf32> to vector<16xf32>
        %parallel_loop3A_1050 = vector.shape_cast %parallel_loop3A_1045 : vector<16xf32> to vector<1x16xf32>
        tpu.vector_store %arg13[%parallel_loop3A_1046, %parallel_loop3A_1047], %parallel_loop3A_1050 {add = true, strides = array<i32>} : memref<520x64xf32, #tpu.memory_space<vmem>>, vector<1x16xf32>,
        %parallel_loop3A_1051 = arith.constant 16 : i32
        %parallel_loop3A_1052 = arith.muli %parallel_loop3A_140, %parallel_loop3A_1051 : i32
        %parallel_loop3A_1053 = arith.constant 13 : i32
        %parallel_loop3A_1054 = arith.addi %parallel_loop3A_1052, %parallel_loop3A_1053 : i32
        %parallel_loop3A_1055 = arith.index_cast %and3A_78 : i32 to index
        %parallel_loop3A_1056 = arith.index_cast %parallel_loop3A_1054 : i32 to index
        %parallel_loop3A_1057 = arith.constant 16 : index
        %parallel_loop3A_1058 = tpu.vector_load %arg12[%parallel_loop3A_1055, %parallel_loop3A_1056, %parallel_loop3A_1057] {strides = array<i32>} : memref<2x512x64xf32, #tpu.memory_space<vmem>>, vector<1x1x16xf32>,
        %parallel_loop3A_1059 = vector.shape_cast %parallel_loop3A_1058 : vector<1x1x16xf32> to vector<16xf32>
        %parallel_loop3A_1060 = arith.mulf %parallel_loop3A_1059, %parallel_loop3A_1033 : vector<16xf32>
        %parallel_loop3A_1061 = arith.index_cast %parallel_loop3A_1035 : i32 to index
        %parallel_loop3A_1062 = arith.constant 16 : index
        %parallel_loop3A_1063 = tpu.vector_load %arg13[%parallel_loop3A_1061, %parallel_loop3A_1062] {strides = array<i32>} : memref<520x64xf32, #tpu.memory_space<vmem>>, vector<1x16xf32>,
        %parallel_loop3A_1064 = vector.shape_cast %parallel_loop3A_1063 : vector<1x16xf32> to vector<16xf32>
        %parallel_loop3A_1065 = vector.shape_cast %parallel_loop3A_1060 : vector<16xf32> to vector<1x16xf32>
        tpu.vector_store %arg13[%parallel_loop3A_1061, %parallel_loop3A_1062], %parallel_loop3A_1065 {add = true, strides = array<i32>} : memref<520x64xf32, #tpu.memory_space<vmem>>, vector<1x16xf32>,
        %parallel_loop3A_1066 = arith.constant 16 : i32
        %parallel_loop3A_1067 = arith.muli %parallel_loop3A_140, %parallel_loop3A_1066 : i32
        %parallel_loop3A_1068 = arith.constant 13 : i32
        %parallel_loop3A_1069 = arith.addi %parallel_loop3A_1067, %parallel_loop3A_1068 : i32
        %parallel_loop3A_1070 = arith.index_cast %and3A_78 : i32 to index
        %parallel_loop3A_1071 = arith.index_cast %parallel_loop3A_1069 : i32 to index
        %parallel_loop3A_1072 = arith.constant 32 : index
        %parallel_loop3A_1073 = tpu.vector_load %arg12[%parallel_loop3A_1070, %parallel_loop3A_1071, %parallel_loop3A_1072] {strides = array<i32>} : memref<2x512x64xf32, #tpu.memory_space<vmem>>, vector<1x1x16xf32>,
        %parallel_loop3A_1074 = vector.shape_cast %parallel_loop3A_1073 : vector<1x1x16xf32> to vector<16xf32>
        %parallel_loop3A_1075 = arith.mulf %parallel_loop3A_1074, %parallel_loop3A_1033 : vector<16xf32>
        %parallel_loop3A_1076 = arith.index_cast %parallel_loop3A_1035 : i32 to index
        %parallel_loop3A_1077 = arith.constant 32 : index
        %parallel_loop3A_1078 = tpu.vector_load %arg13[%parallel_loop3A_1076, %parallel_loop3A_1077] {strides = array<i32>} : memref<520x64xf32, #tpu.memory_space<vmem>>, vector<1x16xf32>,
        %parallel_loop3A_1079 = vector.shape_cast %parallel_loop3A_1078 : vector<1x16xf32> to vector<16xf32>
        %parallel_loop3A_1080 = vector.shape_cast %parallel_loop3A_1075 : vector<16xf32> to vector<1x16xf32>
        tpu.vector_store %arg13[%parallel_loop3A_1076, %parallel_loop3A_1077], %parallel_loop3A_1080 {add = true, strides = array<i32>} : memref<520x64xf32, #tpu.memory_space<vmem>>, vector<1x16xf32>,
        %parallel_loop3A_1081 = arith.constant 16 : i32
        %parallel_loop3A_1082 = arith.muli %parallel_loop3A_140, %parallel_loop3A_1081 : i32
        %parallel_loop3A_1083 = arith.constant 13 : i32
        %parallel_loop3A_1084 = arith.addi %parallel_loop3A_1082, %parallel_loop3A_1083 : i32
        %parallel_loop3A_1085 = arith.index_cast %and3A_78 : i32 to index
        %parallel_loop3A_1086 = arith.index_cast %parallel_loop3A_1084 : i32 to index
        %parallel_loop3A_1087 = arith.constant 48 : index
        %parallel_loop3A_1088 = tpu.vector_load %arg12[%parallel_loop3A_1085, %parallel_loop3A_1086, %parallel_loop3A_1087] {strides = array<i32>} : memref<2x512x64xf32, #tpu.memory_space<vmem>>, vector<1x1x16xf32>,
        %parallel_loop3A_1089 = vector.shape_cast %parallel_loop3A_1088 : vector<1x1x16xf32> to vector<16xf32>
        %parallel_loop3A_1090 = arith.mulf %parallel_loop3A_1089, %parallel_loop3A_1033 : vector<16xf32>
        %parallel_loop3A_1091 = arith.index_cast %parallel_loop3A_1035 : i32 to index
        %parallel_loop3A_1092 = arith.constant 48 : index
        %parallel_loop3A_1093 = tpu.vector_load %arg13[%parallel_loop3A_1091, %parallel_loop3A_1092] {strides = array<i32>} : memref<520x64xf32, #tpu.memory_space<vmem>>, vector<1x16xf32>,
        %parallel_loop3A_1094 = vector.shape_cast %parallel_loop3A_1093 : vector<1x16xf32> to vector<16xf32>
        %parallel_loop3A_1095 = vector.shape_cast %parallel_loop3A_1090 : vector<16xf32> to vector<1x16xf32>
        tpu.vector_store %arg13[%parallel_loop3A_1091, %parallel_loop3A_1092], %parallel_loop3A_1095 {add = true, strides = array<i32>} : memref<520x64xf32, #tpu.memory_space<vmem>>, vector<1x16xf32>,
        %parallel_loop3A_1096 = arith.constant 14 : i32
        %parallel_loop3A_1097 = vector.broadcast %parallel_loop3A_1096 : i32 to vector<16x1xi32>
        %parallel_loop3A_1098 = vector.shape_cast %parallel_loop3A_1097 : vector<16x1xi32> to vector<16xi32>
        %parallel_loop3A_1099 = tpu.dynamic_gather %parallel_loop3A_163[%parallel_loop3A_1098] in [0] : vector<16xf32>, vector<16xi32> -> vector<16xf32>
        %parallel_loop3A_1100 = vector.extract_strided_slice %parallel_loop3A_171 {offsets = [14], sizes = [1], strides = [1]} : vector<16xi32> to vector<1xi32>
        %parallel_loop3A_1101 = vector.extract %parallel_loop3A_1100[0] : i32 from vector<1xi32>
        %parallel_loop3A_1102 = arith.constant 16 : i32
        %parallel_loop3A_1103 = arith.muli %parallel_loop3A_140, %parallel_loop3A_1102 : i32
        %parallel_loop3A_1104 = arith.constant 14 : i32
        %parallel_loop3A_1105 = arith.addi %parallel_loop3A_1103, %parallel_loop3A_1104 : i32
        %parallel_loop3A_1106 = arith.index_cast %and3A_78 : i32 to index
        %parallel_loop3A_1107 = arith.index_cast %parallel_loop3A_1105 : i32 to index
        %parallel_loop3A_1108 = arith.constant 0 : index
        %parallel_loop3A_1109 = tpu.vector_load %arg12[%parallel_loop3A_1106, %parallel_loop3A_1107, %parallel_loop3A_1108] {strides = array<i32>} : memref<2x512x64xf32, #tpu.memory_space<vmem>>, vector<1x1x16xf32>,
        %parallel_loop3A_1110 = vector.shape_cast %parallel_loop3A_1109 : vector<1x1x16xf32> to vector<16xf32>
        %parallel_loop3A_1111 = arith.mulf %parallel_loop3A_1110, %parallel_loop3A_1099 : vector<16xf32>
        %parallel_loop3A_1112 = arith.index_cast %parallel_loop3A_1101 : i32 to index
        %parallel_loop3A_1113 = arith.constant 0 : index
        %parallel_loop3A_1114 = tpu.vector_load %arg13[%parallel_loop3A_1112, %parallel_loop3A_1113] {strides = array<i32>} : memref<520x64xf32, #tpu.memory_space<vmem>>, vector<1x16xf32>,
        %parallel_loop3A_1115 = vector.shape_cast %parallel_loop3A_1114 : vector<1x16xf32> to vector<16xf32>
        %parallel_loop3A_1116 = vector.shape_cast %parallel_loop3A_1111 : vector<16xf32> to vector<1x16xf32>
        tpu.vector_store %arg13[%parallel_loop3A_1112, %parallel_loop3A_1113], %parallel_loop3A_1116 {add = true, strides = array<i32>} : memref<520x64xf32, #tpu.memory_space<vmem>>, vector<1x16xf32>,
        %parallel_loop3A_1117 = arith.constant 16 : i32
        %parallel_loop3A_1118 = arith.muli %parallel_loop3A_140, %parallel_loop3A_1117 : i32
        %parallel_loop3A_1119 = arith.constant 14 : i32
        %parallel_loop3A_1120 = arith.addi %parallel_loop3A_1118, %parallel_loop3A_1119 : i32
        %parallel_loop3A_1121 = arith.index_cast %and3A_78 : i32 to index
        %parallel_loop3A_1122 = arith.index_cast %parallel_loop3A_1120 : i32 to index
        %parallel_loop3A_1123 = arith.constant 16 : index
        %parallel_loop3A_1124 = tpu.vector_load %arg12[%parallel_loop3A_1121, %parallel_loop3A_1122, %parallel_loop3A_1123] {strides = array<i32>} : memref<2x512x64xf32, #tpu.memory_space<vmem>>, vector<1x1x16xf32>,
        %parallel_loop3A_1125 = vector.shape_cast %parallel_loop3A_1124 : vector<1x1x16xf32> to vector<16xf32>
        %parallel_loop3A_1126 = arith.mulf %parallel_loop3A_1125, %parallel_loop3A_1099 : vector<16xf32>
        %parallel_loop3A_1127 = arith.index_cast %parallel_loop3A_1101 : i32 to index
        %parallel_loop3A_1128 = arith.constant 16 : index
        %parallel_loop3A_1129 = tpu.vector_load %arg13[%parallel_loop3A_1127, %parallel_loop3A_1128] {strides = array<i32>} : memref<520x64xf32, #tpu.memory_space<vmem>>, vector<1x16xf32>,
        %parallel_loop3A_1130 = vector.shape_cast %parallel_loop3A_1129 : vector<1x16xf32> to vector<16xf32>
        %parallel_loop3A_1131 = vector.shape_cast %parallel_loop3A_1126 : vector<16xf32> to vector<1x16xf32>
        tpu.vector_store %arg13[%parallel_loop3A_1127, %parallel_loop3A_1128], %parallel_loop3A_1131 {add = true, strides = array<i32>} : memref<520x64xf32, #tpu.memory_space<vmem>>, vector<1x16xf32>,
        %parallel_loop3A_1132 = arith.constant 16 : i32
        %parallel_loop3A_1133 = arith.muli %parallel_loop3A_140, %parallel_loop3A_1132 : i32
        %parallel_loop3A_1134 = arith.constant 14 : i32
        %parallel_loop3A_1135 = arith.addi %parallel_loop3A_1133, %parallel_loop3A_1134 : i32
        %parallel_loop3A_1136 = arith.index_cast %and3A_78 : i32 to index
        %parallel_loop3A_1137 = arith.index_cast %parallel_loop3A_1135 : i32 to index
        %parallel_loop3A_1138 = arith.constant 32 : index
        %parallel_loop3A_1139 = tpu.vector_load %arg12[%parallel_loop3A_1136, %parallel_loop3A_1137, %parallel_loop3A_1138] {strides = array<i32>} : memref<2x512x64xf32, #tpu.memory_space<vmem>>, vector<1x1x16xf32>,
        %parallel_loop3A_1140 = vector.shape_cast %parallel_loop3A_1139 : vector<1x1x16xf32> to vector<16xf32>
        %parallel_loop3A_1141 = arith.mulf %parallel_loop3A_1140, %parallel_loop3A_1099 : vector<16xf32>
        %parallel_loop3A_1142 = arith.index_cast %parallel_loop3A_1101 : i32 to index
        %parallel_loop3A_1143 = arith.constant 32 : index
        %parallel_loop3A_1144 = tpu.vector_load %arg13[%parallel_loop3A_1142, %parallel_loop3A_1143] {strides = array<i32>} : memref<520x64xf32, #tpu.memory_space<vmem>>, vector<1x16xf32>,
        %parallel_loop3A_1145 = vector.shape_cast %parallel_loop3A_1144 : vector<1x16xf32> to vector<16xf32>
        %parallel_loop3A_1146 = vector.shape_cast %parallel_loop3A_1141 : vector<16xf32> to vector<1x16xf32>
        tpu.vector_store %arg13[%parallel_loop3A_1142, %parallel_loop3A_1143], %parallel_loop3A_1146 {add = true, strides = array<i32>} : memref<520x64xf32, #tpu.memory_space<vmem>>, vector<1x16xf32>,
        %parallel_loop3A_1147 = arith.constant 16 : i32
        %parallel_loop3A_1148 = arith.muli %parallel_loop3A_140, %parallel_loop3A_1147 : i32
        %parallel_loop3A_1149 = arith.constant 14 : i32
        %parallel_loop3A_1150 = arith.addi %parallel_loop3A_1148, %parallel_loop3A_1149 : i32
        %parallel_loop3A_1151 = arith.index_cast %and3A_78 : i32 to index
        %parallel_loop3A_1152 = arith.index_cast %parallel_loop3A_1150 : i32 to index
        %parallel_loop3A_1153 = arith.constant 48 : index
        %parallel_loop3A_1154 = tpu.vector_load %arg12[%parallel_loop3A_1151, %parallel_loop3A_1152, %parallel_loop3A_1153] {strides = array<i32>} : memref<2x512x64xf32, #tpu.memory_space<vmem>>, vector<1x1x16xf32>,
        %parallel_loop3A_1155 = vector.shape_cast %parallel_loop3A_1154 : vector<1x1x16xf32> to vector<16xf32>
        %parallel_loop3A_1156 = arith.mulf %parallel_loop3A_1155, %parallel_loop3A_1099 : vector<16xf32>
        %parallel_loop3A_1157 = arith.index_cast %parallel_loop3A_1101 : i32 to index
        %parallel_loop3A_1158 = arith.constant 48 : index
        %parallel_loop3A_1159 = tpu.vector_load %arg13[%parallel_loop3A_1157, %parallel_loop3A_1158] {strides = array<i32>} : memref<520x64xf32, #tpu.memory_space<vmem>>, vector<1x16xf32>,
        %parallel_loop3A_1160 = vector.shape_cast %parallel_loop3A_1159 : vector<1x16xf32> to vector<16xf32>
        %parallel_loop3A_1161 = vector.shape_cast %parallel_loop3A_1156 : vector<16xf32> to vector<1x16xf32>
        tpu.vector_store %arg13[%parallel_loop3A_1157, %parallel_loop3A_1158], %parallel_loop3A_1161 {add = true, strides = array<i32>} : memref<520x64xf32, #tpu.memory_space<vmem>>, vector<1x16xf32>,
        %parallel_loop3A_1162 = arith.constant 15 : i32
        %parallel_loop3A_1163 = vector.broadcast %parallel_loop3A_1162 : i32 to vector<16x1xi32>
        %parallel_loop3A_1164 = vector.shape_cast %parallel_loop3A_1163 : vector<16x1xi32> to vector<16xi32>
        %parallel_loop3A_1165 = tpu.dynamic_gather %parallel_loop3A_163[%parallel_loop3A_1164] in [0] : vector<16xf32>, vector<16xi32> -> vector<16xf32>
        %parallel_loop3A_1166 = vector.extract_strided_slice %parallel_loop3A_171 {offsets = [15], sizes = [1], strides = [1]} : vector<16xi32> to vector<1xi32>
        %parallel_loop3A_1167 = vector.extract %parallel_loop3A_1166[0] : i32 from vector<1xi32>
        %parallel_loop3A_1168 = arith.constant 16 : i32
        %parallel_loop3A_1169 = arith.muli %parallel_loop3A_140, %parallel_loop3A_1168 : i32
        %parallel_loop3A_1170 = arith.constant 15 : i32
        %parallel_loop3A_1171 = arith.addi %parallel_loop3A_1169, %parallel_loop3A_1170 : i32
        %parallel_loop3A_1172 = arith.index_cast %and3A_78 : i32 to index
        %parallel_loop3A_1173 = arith.index_cast %parallel_loop3A_1171 : i32 to index
        %parallel_loop3A_1174 = arith.constant 0 : index
        %parallel_loop3A_1175 = tpu.vector_load %arg12[%parallel_loop3A_1172, %parallel_loop3A_1173, %parallel_loop3A_1174] {strides = array<i32>} : memref<2x512x64xf32, #tpu.memory_space<vmem>>, vector<1x1x16xf32>,
        %parallel_loop3A_1176 = vector.shape_cast %parallel_loop3A_1175 : vector<1x1x16xf32> to vector<16xf32>
        %parallel_loop3A_1177 = arith.mulf %parallel_loop3A_1176, %parallel_loop3A_1165 : vector<16xf32>
        %parallel_loop3A_1178 = arith.index_cast %parallel_loop3A_1167 : i32 to index
        %parallel_loop3A_1179 = arith.constant 0 : index
        %parallel_loop3A_1180 = tpu.vector_load %arg13[%parallel_loop3A_1178, %parallel_loop3A_1179] {strides = array<i32>} : memref<520x64xf32, #tpu.memory_space<vmem>>, vector<1x16xf32>,
        %parallel_loop3A_1181 = vector.shape_cast %parallel_loop3A_1180 : vector<1x16xf32> to vector<16xf32>
        %parallel_loop3A_1182 = vector.shape_cast %parallel_loop3A_1177 : vector<16xf32> to vector<1x16xf32>
        tpu.vector_store %arg13[%parallel_loop3A_1178, %parallel_loop3A_1179], %parallel_loop3A_1182 {add = true, strides = array<i32>} : memref<520x64xf32, #tpu.memory_space<vmem>>, vector<1x16xf32>,
        %parallel_loop3A_1183 = arith.constant 16 : i32
        %parallel_loop3A_1184 = arith.muli %parallel_loop3A_140, %parallel_loop3A_1183 : i32
        %parallel_loop3A_1185 = arith.constant 15 : i32
        %parallel_loop3A_1186 = arith.addi %parallel_loop3A_1184, %parallel_loop3A_1185 : i32
        %parallel_loop3A_1187 = arith.index_cast %and3A_78 : i32 to index
        %parallel_loop3A_1188 = arith.index_cast %parallel_loop3A_1186 : i32 to index
        %parallel_loop3A_1189 = arith.constant 16 : index
        %parallel_loop3A_1190 = tpu.vector_load %arg12[%parallel_loop3A_1187, %parallel_loop3A_1188, %parallel_loop3A_1189] {strides = array<i32>} : memref<2x512x64xf32, #tpu.memory_space<vmem>>, vector<1x1x16xf32>,
        %parallel_loop3A_1191 = vector.shape_cast %parallel_loop3A_1190 : vector<1x1x16xf32> to vector<16xf32>
        %parallel_loop3A_1192 = arith.mulf %parallel_loop3A_1191, %parallel_loop3A_1165 : vector<16xf32>
        %parallel_loop3A_1193 = arith.index_cast %parallel_loop3A_1167 : i32 to index
        %parallel_loop3A_1194 = arith.constant 16 : index
        %parallel_loop3A_1195 = tpu.vector_load %arg13[%parallel_loop3A_1193, %parallel_loop3A_1194] {strides = array<i32>} : memref<520x64xf32, #tpu.memory_space<vmem>>, vector<1x16xf32>,
        %parallel_loop3A_1196 = vector.shape_cast %parallel_loop3A_1195 : vector<1x16xf32> to vector<16xf32>
        %parallel_loop3A_1197 = vector.shape_cast %parallel_loop3A_1192 : vector<16xf32> to vector<1x16xf32>
        tpu.vector_store %arg13[%parallel_loop3A_1193, %parallel_loop3A_1194], %parallel_loop3A_1197 {add = true, strides = array<i32>} : memref<520x64xf32, #tpu.memory_space<vmem>>, vector<1x16xf32>,
        %parallel_loop3A_1198 = arith.constant 16 : i32
        %parallel_loop3A_1199 = arith.muli %parallel_loop3A_140, %parallel_loop3A_1198 : i32
        %parallel_loop3A_1200 = arith.constant 15 : i32
        %parallel_loop3A_1201 = arith.addi %parallel_loop3A_1199, %parallel_loop3A_1200 : i32
        %parallel_loop3A_1202 = arith.index_cast %and3A_78 : i32 to index
        %parallel_loop3A_1203 = arith.index_cast %parallel_loop3A_1201 : i32 to index
        %parallel_loop3A_1204 = arith.constant 32 : index
        %parallel_loop3A_1205 = tpu.vector_load %arg12[%parallel_loop3A_1202, %parallel_loop3A_1203, %parallel_loop3A_1204] {strides = array<i32>} : memref<2x512x64xf32, #tpu.memory_space<vmem>>, vector<1x1x16xf32>,
        %parallel_loop3A_1206 = vector.shape_cast %parallel_loop3A_1205 : vector<1x1x16xf32> to vector<16xf32>
        %parallel_loop3A_1207 = arith.mulf %parallel_loop3A_1206, %parallel_loop3A_1165 : vector<16xf32>
        %parallel_loop3A_1208 = arith.index_cast %parallel_loop3A_1167 : i32 to index
        %parallel_loop3A_1209 = arith.constant 32 : index
        %parallel_loop3A_1210 = tpu.vector_load %arg13[%parallel_loop3A_1208, %parallel_loop3A_1209] {strides = array<i32>} : memref<520x64xf32, #tpu.memory_space<vmem>>, vector<1x16xf32>,
        %parallel_loop3A_1211 = vector.shape_cast %parallel_loop3A_1210 : vector<1x16xf32> to vector<16xf32>
        %parallel_loop3A_1212 = vector.shape_cast %parallel_loop3A_1207 : vector<16xf32> to vector<1x16xf32>
        tpu.vector_store %arg13[%parallel_loop3A_1208, %parallel_loop3A_1209], %parallel_loop3A_1212 {add = true, strides = array<i32>} : memref<520x64xf32, #tpu.memory_space<vmem>>, vector<1x16xf32>,
        %parallel_loop3A_1213 = arith.constant 16 : i32
        %parallel_loop3A_1214 = arith.muli %parallel_loop3A_140, %parallel_loop3A_1213 : i32
        %parallel_loop3A_1215 = arith.constant 15 : i32
        %parallel_loop3A_1216 = arith.addi %parallel_loop3A_1214, %parallel_loop3A_1215 : i32
        %parallel_loop3A_1217 = arith.index_cast %and3A_78 : i32 to index
        %parallel_loop3A_1218 = arith.index_cast %parallel_loop3A_1216 : i32 to index
        %parallel_loop3A_1219 = arith.constant 48 : index
        %parallel_loop3A_1220 = tpu.vector_load %arg12[%parallel_loop3A_1217, %parallel_loop3A_1218, %parallel_loop3A_1219] {strides = array<i32>} : memref<2x512x64xf32, #tpu.memory_space<vmem>>, vector<1x1x16xf32>,
        %parallel_loop3A_1221 = vector.shape_cast %parallel_loop3A_1220 : vector<1x1x16xf32> to vector<16xf32>
        %parallel_loop3A_1222 = arith.mulf %parallel_loop3A_1221, %parallel_loop3A_1165 : vector<16xf32>
        %parallel_loop3A_1223 = arith.index_cast %parallel_loop3A_1167 : i32 to index
        %parallel_loop3A_1224 = arith.constant 48 : index
        %parallel_loop3A_1225 = tpu.vector_load %arg13[%parallel_loop3A_1223, %parallel_loop3A_1224] {strides = array<i32>} : memref<520x64xf32, #tpu.memory_space<vmem>>, vector<1x16xf32>,
        %parallel_loop3A_1226 = vector.shape_cast %parallel_loop3A_1225 : vector<1x16xf32> to vector<16xf32>
        %parallel_loop3A_1227 = vector.shape_cast %parallel_loop3A_1222 : vector<16xf32> to vector<1x16xf32>
        tpu.vector_store %arg13[%parallel_loop3A_1223, %parallel_loop3A_1224], %parallel_loop3A_1227 {add = true, strides = array<i32>} : memref<520x64xf32, #tpu.memory_space<vmem>>, vector<1x16xf32>,
      } {sc.loop_unroll_factor = 1 : i64, sc.parallel_access}
      %add3A_133 = arith.constant 2 : i32
      %add3A_134 = arith.addi %while3A_75, %add3A_133 : i32
      %lt3A_135 = arith.cmpi slt, %add3A_134, %select_n3A_61 : i32
      %convert_element_type3A_136 = arith.extui %lt3A_135 : i1 to i32
      %cond3A_137 = arith.constant 0 : i32
      %cond3A_138 = arith.cmpi ne, %convert_element_type3A_136, %cond3A_137 : i32
      scf.if %cond3A_138 {
        %add3A_140 = arith.constant 2 : i32
        %add3A_141 = arith.addi %while3A_75, %add3A_140 : i32
        %mul3A_142 = arith.constant 512 : i32
        %mul3A_143 = arith.muli %add3A_141, %mul3A_142 : i32
        %add3A_144 = arith.addi %mul3A_34, %mul3A_143 : i32
        %multiple_of3A_145 = tpu.assume_multiple %add3A_144, 8 : i32
        %dma_start3A_146 = arith.constant 0 : i32
        %dma_start3A_147 = tpu.memref_slice %arg9[%and3A_78, %dma_start3A_146] : memref<2x512xi32, #tpu.memory_space<vmem>> -> memref<1x512xi32, #tpu.memory_space<vmem>>
        %dma_start3A_148 = tpu.memref_squeeze %dma_start3A_147 : memref<1x512xi32, #tpu.memory_space<vmem>> -> memref<512xi32, #tpu.memory_space<vmem>>
        %dma_start3A_149 = tpu.memref_slice %arg3[%multiple_of3A_145] : memref<269824xi32, #tpu.memory_space<hbm>> -> memref<512xi32, #tpu.memory_space<hbm>>
        %dma_start3A_150 = arith.constant 0 : i32
        %dma_start3A_151 = tpu.memref_slice %arg9[%and3A_78, %dma_start3A_150] : memref<2x512xi32, #tpu.memory_space<vmem>> -> memref<1x512xi32, #tpu.memory_space<vmem>>
        %dma_start3A_152 = tpu.memref_squeeze %dma_start3A_151 : memref<1x512xi32, #tpu.memory_space<vmem>> -> memref<512xi32, #tpu.memory_space<vmem>>
        %dma_start3A_153 = tpu.memref_slice %arg3[%multiple_of3A_145] : memref<269824xi32, #tpu.memory_space<hbm>> -> memref<512xi32, #tpu.memory_space<hbm>>
        tpu.enqueue_dma source(%dma_start3A_153 : memref<512xi32, #tpu.memory_space<hbm>>) target(%dma_start3A_152 : memref<512xi32, #tpu.memory_space<vmem>>) target_semaphore(%arg14 : memref<!tpu.dma_semaphore, #tpu.memory_space<semaphore_mem>>)
        %dma_start3A_154 = arith.constant 0 : i32
        %dma_start3A_155 = tpu.memref_slice %arg10[%and3A_78, %dma_start3A_154] : memref<2x512xi32, #tpu.memory_space<vmem>> -> memref<1x512xi32, #tpu.memory_space<vmem>>
        %dma_start3A_156 = tpu.memref_squeeze %dma_start3A_155 : memref<1x512xi32, #tpu.memory_space<vmem>> -> memref<512xi32, #tpu.memory_space<vmem>>
        %dma_start3A_157 = tpu.memref_slice %arg4[%multiple_of3A_145] : memref<269824xi32, #tpu.memory_space<hbm>> -> memref<512xi32, #tpu.memory_space<hbm>>
        %dma_start3A_158 = arith.constant 0 : i32
        %dma_start3A_159 = tpu.memref_slice %arg10[%and3A_78, %dma_start3A_158] : memref<2x512xi32, #tpu.memory_space<vmem>> -> memref<1x512xi32, #tpu.memory_space<vmem>>
        %dma_start3A_160 = tpu.memref_squeeze %dma_start3A_159 : memref<1x512xi32, #tpu.memory_space<vmem>> -> memref<512xi32, #tpu.memory_space<vmem>>
        %dma_start3A_161 = tpu.memref_slice %arg4[%multiple_of3A_145] : memref<269824xi32, #tpu.memory_space<hbm>> -> memref<512xi32, #tpu.memory_space<hbm>>
        tpu.enqueue_dma source(%dma_start3A_161 : memref<512xi32, #tpu.memory_space<hbm>>) target(%dma_start3A_160 : memref<512xi32, #tpu.memory_space<vmem>>) target_semaphore(%arg14 : memref<!tpu.dma_semaphore, #tpu.memory_space<semaphore_mem>>)
        %dma_start3A_162 = arith.constant 0 : i32
        %dma_start3A_163 = tpu.memref_slice %arg11[%and3A_78, %dma_start3A_162] : memref<2x512xf32, #tpu.memory_space<vmem>> -> memref<1x512xf32, #tpu.memory_space<vmem>>
        %dma_start3A_164 = tpu.memref_squeeze %dma_start3A_163 : memref<1x512xf32, #tpu.memory_space<vmem>> -> memref<512xf32, #tpu.memory_space<vmem>>
        %dma_start3A_165 = tpu.memref_slice %arg5[%multiple_of3A_145] : memref<269824xf32, #tpu.memory_space<hbm>> -> memref<512xf32, #tpu.memory_space<hbm>>
        %dma_start3A_166 = arith.constant 0 : i32
        %dma_start3A_167 = tpu.memref_slice %arg11[%and3A_78, %dma_start3A_166] : memref<2x512xf32, #tpu.memory_space<vmem>> -> memref<1x512xf32, #tpu.memory_space<vmem>>
        %dma_start3A_168 = tpu.memref_squeeze %dma_start3A_167 : memref<1x512xf32, #tpu.memory_space<vmem>> -> memref<512xf32, #tpu.memory_space<vmem>>
        %dma_start3A_169 = tpu.memref_slice %arg5[%multiple_of3A_145] : memref<269824xf32, #tpu.memory_space<hbm>> -> memref<512xf32, #tpu.memory_space<hbm>>
        tpu.enqueue_dma source(%dma_start3A_169 : memref<512xf32, #tpu.memory_space<hbm>>) target(%dma_start3A_168 : memref<512xf32, #tpu.memory_space<vmem>>) target_semaphore(%arg14 : memref<!tpu.dma_semaphore, #tpu.memory_space<semaphore_mem>>)
      } else {
      }
      %while3A_139 = arith.constant 0 : i32
      scf.yield %while3A_139 : i32
    }
    "tpu.region"() ({
      %run_scoped3A = tpu.sem_alloc : memref<!tpu.dma_semaphore, #tpu.memory_space<semaphore_mem>>
      %dma_start3A_75 = arith.constant 0 : i32
      %dma_start3A_76 = arith.constant 0 : i32
      %dma_start3A_77 = tpu.memref_slice %arg13[%dma_start3A_75, %dma_start3A_76] : memref<520x64xf32, #tpu.memory_space<vmem>> -> memref<512x64xf32, #tpu.memory_space<vmem>>
      %dma_start3A_78 = arith.constant 0 : i32
      %dma_start3A_79 = tpu.memref_slice %arg7[%mul3A_2, %dma_start3A_78] : memref<16384x64xf32, #tpu.memory_space<hbm>> -> memref<512x64xf32, #tpu.memory_space<hbm>>
      %dma_start3A_80 = arith.constant 0 : i32
      %dma_start3A_81 = tpu.memref_slice %arg7[%mul3A_2, %dma_start3A_80] : memref<16384x64xf32, #tpu.memory_space<hbm>> -> memref<512x64xf32, #tpu.memory_space<hbm>>
      %dma_start3A_82 = arith.constant 0 : i32
      %dma_start3A_83 = arith.constant 0 : i32
      %dma_start3A_84 = tpu.memref_slice %arg13[%dma_start3A_82, %dma_start3A_83] : memref<520x64xf32, #tpu.memory_space<vmem>> -> memref<512x64xf32, #tpu.memory_space<vmem>>
      tpu.enqueue_dma source(%dma_start3A_84 : memref<512x64xf32, #tpu.memory_space<vmem>>) target(%dma_start3A_81 : memref<512x64xf32, #tpu.memory_space<hbm>>) target_semaphore(%run_scoped3A : memref<!tpu.dma_semaphore, #tpu.memory_space<semaphore_mem>>)
      %dma_wait3A_85 = arith.constant 0 : i32
      %dma_wait3A_86 = arith.constant 0 : i32
      %dma_wait3A_87 = tpu.memref_slice %arg13[%dma_wait3A_85, %dma_wait3A_86] : memref<520x64xf32, #tpu.memory_space<vmem>> -> memref<512x64xf32, #tpu.memory_space<vmem>>
      %dma_wait3A_88 = arith.constant 0 : i32
      %dma_wait3A_89 = tpu.memref_slice %arg7[%mul3A_2, %dma_wait3A_88] : memref<16384x64xf32, #tpu.memory_space<hbm>> -> memref<512x64xf32, #tpu.memory_space<hbm>>
      %dma_wait3A_90 = arith.constant 0 : i32
      %dma_wait3A_91 = tpu.memref_slice %arg7[%mul3A_2, %dma_wait3A_90] : memref<16384x64xf32, #tpu.memory_space<hbm>> -> memref<512x64xf32, #tpu.memory_space<hbm>>
      %dma_wait3A_92 = arith.constant 0 : i32
      %dma_wait3A_93 = arith.constant 0 : i32
      %dma_wait3A_94 = tpu.memref_slice %arg13[%dma_wait3A_92, %dma_wait3A_93] : memref<520x64xf32, #tpu.memory_space<vmem>> -> memref<512x64xf32, #tpu.memory_space<vmem>>
      tpu.wait_dma2 semaphore(%run_scoped3A : memref<!tpu.dma_semaphore, #tpu.memory_space<semaphore_mem>>) src(%dma_wait3A_94 : memref<512x64xf32, #tpu.memory_space<vmem>>) dst(%dma_wait3A_91 : memref<512x64xf32, #tpu.memory_space<hbm>>)
      tpu.yield
    }) : () -> ()
    return
  }
}

</mosaic_0001>

<sc_bundles>
// kernel: kernel.3.cloned.1.call-start
scs
__scs_entry_jumppad:
0x0: {  	(pc) =	sbr.rel $0x88, $3  }
0x1: {  	(tag) =	ssettag $0x0;
	lr =	simm.s32 $0x1  }
0x2: {  	[smem:$0x3F9D] =	sst lr;
	_ =	strace $0xD0000000  }
0x3: {  	_ = 	snop  }
0x4: {  	_ = 	snop  }
0x5: {  	_ = 	snop  }
0x6: {  	_ = 	snop  }
0x7: {  	_ = 	snop  }
__scs_overlays_trampoline_lowered:
0x8: {  	[smem:$0x3FAC] =	sst s0  }
0x9: {  	[smem:$0x3FAD] =	sst s1  }
0xa: {  	[smem:$0x3FAE] =	sst s2  }
0xb: {  	[smem:$0x3FAF] =	sst s3  }
0xc: {  	[smem:$0x3FB0] =	sst s4  }
0xd: {  	[smem:$0x3FB1] =	sst s5  }
0xe: {  	[smem:$0x3FB2] =	sst s6  }
0xf: {  	[smem:$0x3FB3] =	sst s7  }
0x10: {  	[smem:$0x3FB4] =	sst s8  }
0x11: {  	[smem:$0x3FB5] =	sst s9;
	s0 =	simm.s32 @!p0 $0x0  }
0x12: {  	s1 =	sld [smem:$0x3F9B];
	s0 =	simm.s32 @p0 $0x1  }
0x13: {  	[smem:$0x3FB6] =	sst s0;
	s0 =	simm.s32 @!p1 $0x0  }
0x14: {  	s2 =	sld [smem:$0x3F9A];
	s0 =	simm.s32 @p1 $0x1  }
0x15: {  	[smem:$0x3FB7] =	sst s0;
	s0 =	simm.s32 @!p2 $0x0  }
0x16: {  	s3 =	sld [smem:$0x3FDB];
	s0 =	simm.s32 @p2 $0x1  }
0x17: {  	s4 =	simm.s32 $0x1BF5;
	[smem:$0x3FB9] =	sst s0  }
0x18: {  	s0 =	sld [smem:$0x3F9C];
	_ =	swait.ge [sflag:s4], $0x0  }
0x19: {  	s7 =	sld [smem:$0x3F9D]  }
0x1a: {  	s8 =	sadd.s32 $0xFFFFE003, lr  }
0x1b: {  	s9 =	sadd.s32 $0xFFFFFEF7, lr;
	s5 =	simm.s32 $0xFFFFFFFF;
	p2 =	slt.u32 s8, $0xFFFFF086  }
0x1c: {  	p1 =	slt.u32 s9, $0xF7A;
	s5 =	simm.s32 @!p2 $0x0  }
0x1d: {  	s5 =	simm.s32 @p1 $0x1;
	p0 =	seq.s32 s7, s2  }
0x1e: {  	s7 =	smul.u32 @!p0 $0xF7A, s2;
	p2 =	seq.s32 @!p0 s5, $0x0  }
0x1f: {  	s9 =	smul.u32 $0xF7A, s1;
	s8 =	simm.s32 @!p0 $0x1BF5;
	p2 =	por !p2, p0  }
0x20: {  	[sflag:s8] =	ssyncset.s32 @!p0 $0xFFFFF086;
	s6 =	sadd.s32 @!p0 s3, s7;
	s7 =	simm.s32 @!p0 $0x108  }
0x21: {  	s3 =	sadd.s32 s3, s9;
	s6 =	sadd.s32 @!p0 $0x88, s6;
	s7 =	simm.s32 @p2 $0x1082  }
0x22: {  	[simem:s7], [sflag:s8] =	dma.local @!p0 [hbm:s6], $0xF7A  }
0x23: {  	s9 =	sor.u32 $0xD0000000, s2;
	s6 =	simm.s32 $0x108;
	_ =	swait.ge @!p0 [sflag:s8], $0x0  }
0x24: {  	s3 =	sadd.s32 $0x88, s3;
	s6 =	simm.s32 @!p1 $0x1082;
	[sflag:s4] =	ssyncset.s32 $0xFFFFF086  }
0x25: {  	[simem:s6], [sflag:s4] =	dma.local [hbm:s3], $0xF7A  }
0x26: {  	[smem:$0x3F9D] =	sst s1;
	(tag) =	ssettag s2;
	_ =	strace s9  }
0x27: {  	s1 =	sld [smem:$0x3FAD]  }
0x28: {  	s2 =	sld [smem:$0x3FAE]  }
0x29: {  	s4 =	sld [smem:$0x3FB0]  }
0x2a: {  	p0 =	seq.s32 s5, $0x0;
	s5 =	sld [smem:$0x3FB1]  }
0x2b: {  	s6 =	sld [smem:$0x3FB2]  }
0x2c: {  	s7 =	sld [smem:$0x3FB3]  }
0x2d: {  	s3 =	simm.s32 $0x108;
	s8 =	sld [smem:$0x3FB4]  }
0x2e: {  	s3 =	simm.s32 @!p0 $0x1082;
	s9 =	sld [smem:$0x3FB5]  }
0x2f: {  	lr =	sadd.s32 s0, s3;
	s0 =	sld [smem:$0x3FAC]  }
0x30: {  	s3 =	sld [smem:$0x3FAF]  }
0x31: {  	[smem:$0x3FB8] =	sst s10  }
0x32: {  	s10 =	sld [smem:$0x3FB6];
	_ =	sdelay $0x3  }
0x33: {  	p0 =	seq.s32 s10, $0x1;
	s10 =	sld [smem:$0x3FB8];
	_ =	sdelay $0x3  }
0x34: {  	[smem:$0x3FB8] =	sst s10  }
0x35: {  	s10 =	sld [smem:$0x3FB7];
	_ =	sdelay $0x3  }
0x36: {  	p1 =	seq.s32 s10, $0x1;
	s10 =	sld [smem:$0x3FB8];
	_ =	sdelay $0x3  }
0x37: {  	[smem:$0x3FB8] =	sst s10  }
0x38: {  	s10 =	sld [smem:$0x3FB9]  }
0x39: {  	_ = 	snop;
	(pc) =	sbr.ind lr, $3  }
0x3a: {  	_ = 	snop  }
0x3b: {  	_ = 	snop  }
0x3c: {  	p2 =	seq.s32 s10, $0x1;
	s10 =	sld [smem:$0x3FB8]  }
0x3d: {  	_ =	shalt  }
0x3e: {  	_ =	shalt  }
0x3f: {  	_ =	shalt  }
0x40: {  	_ =	shalt  }
0x41: {  	_ =	shalt  }
0x42: {  	_ =	shalt  }
0x43: {  	_ =	shalt  }
0x44: {  	_ =	shalt  }
0x45: {  	_ =	shalt  }
0x46: {  	_ =	shalt  }
0x47: {  	_ =	shalt  }
0x48: {  	_ =	shalt  }
0x49: {  	_ =	shalt  }
0x4a: {  	_ =	shalt  }
0x4b: {  	_ =	shalt  }
0x4c: {  	_ =	shalt  }
0x4d: {  	_ =	shalt  }
0x4e: {  	_ =	shalt  }
0x4f: {  	_ =	shalt  }
0x50: {  	_ =	shalt  }
0x51: {  	_ =	shalt  }
0x52: {  	_ =	shalt  }
0x53: {  	_ =	shalt  }
0x54: {  	_ =	shalt  }
0x55: {  	_ =	shalt  }
0x56: {  	_ =	shalt  }
0x57: {  	_ =	shalt  }
0x58: {  	_ =	shalt  }
0x59: {  	_ =	shalt  }
0x5a: {  	_ =	shalt  }
0x5b: {  	_ =	shalt  }
0x5c: {  	_ =	shalt  }
0x5d: {  	_ =	shalt  }
0x5e: {  	_ =	shalt  }
0x5f: {  	_ =	shalt  }
0x60: {  	_ =	shalt  }
0x61: {  	_ =	shalt  }
0x62: {  	_ =	shalt  }
0x63: {  	_ =	shalt  }
0x64: {  	_ =	shalt  }
0x65: {  	_ =	shalt  }
0x66: {  	_ =	shalt  }
0x67: {  	_ =	shalt  }
0x68: {  	_ =	shalt  }
0x69: {  	_ =	shalt  }
0x6a: {  	_ =	shalt  }
0x6b: {  	_ =	shalt  }
0x6c: {  	_ =	shalt  }
0x6d: {  	_ =	shalt  }
0x6e: {  	_ =	shalt  }
0x6f: {  	_ =	shalt  }
0x70: {  	_ =	shalt  }
0x71: {  	_ =	shalt  }
0x72: {  	_ =	shalt  }
0x73: {  	_ =	shalt  }
0x74: {  	_ =	shalt  }
0x75: {  	_ =	shalt  }
0x76: {  	_ =	shalt  }
0x77: {  	_ =	shalt  }
0x78: {  	_ =	shalt  }
0x79: {  	_ =	shalt  }
0x7a: {  	_ =	shalt  }
0x7b: {  	_ =	shalt  }
0x7c: {  	_ =	shalt  }
0x7d: {  	_ =	shalt  }
0x7e: {  	_ =	shalt  }
0x7f: {  	_ =	shalt  }
0x80: {  	_ =	shalt  }
0x81: {  	_ =	shalt  }
0x82: {  	_ =	shalt  }
0x83: {  	_ =	shalt  }
0x84: {  	_ =	shalt  }
0x85: {  	_ =	shalt  }
0x86: {  	_ =	shalt  }
0x87: {  	_ =	shalt  }
.Lfunc_end0:
.L_simem_size_0:
called_computation_lowered:
.L_overlay_start_0:
0x88: {  	s2 =	sld [smem:$0x3FD9]  }
0x89: {  	s3 =	sld [smem:$0x3FFE];
	_ =	sdelay $0x1  }
0x8a: {  	s1 =	srdreg.scid  }
0x8b: {  	s0 =	sand.u32 $0x1, s1  }
0x8c: {  	s17 =	sshll.u32 s0, $0xA;
	s2 =	sadd.s32 s3, s2  }
0x8d: {  	s2 =	sadd.s32 s2, s17  }
0x8e: {  	[smem:$0x3FC4] =	sst s2  }
0x8f: {  	_ = 	snop  }
0x90: {  	s2 =	sld [smem:$0x3FD0];
	(tm) =	ssettm $0x1  }
0x91: {  	s18 =	sld [smem:$0x3FFB];
	_ =	sdelay $0x3  }
0x92: {  	_ =	strace s18  }
0x93: {  	s3 =	sld [smem:$0x3FFC];
	_ =	sdelay $0x3  }
0x94: {  	_ =	strace s3  }
0x95: {  	s3 =	sld [smem:$0x3FFD];
	_ =	sdelay $0x3  }
0x96: {  	_ =	strace s3  }
0x97: {  	_ =	strace $0x8FFFFFFF  }
0x98: {  	s19 =	sld [smem:$0x3FDB];
	_ =	sdelay $0x1  }
0x99: {  	s4 =	simm.s32 $_scs_section_size  }
0x9a: {  	s5 =	simm.s32 $_size__tile_overlayer_lowered;
	s6 =	simm.s32 $_tile_overlayer_lowered  }
0x9b: {  	s22 =	simm.s32 $0x1BFF;
	s21 =	sshll.u32 s6, $0x1;
	s3 =	sadd.s32 s4, s19  }
0x9c: {  	s7 =	simm.s32 $0x0;
	s20 =	sshll.u32 s5, $0x1;
	s5 =	sadd.s32 s21, s3  }
0x9d: {  	[timem:s7], [sflag:s22] =	dma.local [hbm:s5], s20  }
0x9e: {  	_ =	swait.ge [sflag:s22], s20  }
0x9f: {  	s4 =	ssub.s32 $0x0, s20;
	[sflag:s22] =	ssyncset.done $0x0  }
0xa0: {  	[sflag:s22] =	ssyncadd.s32 s4;
	_ =	sdelay $0x1  }
0xa1: {  	s23 =	simm.s32 $0x1B8B  }
0xa2: {  	_ =	swait.ge [sflag:s23], $0x1  }
0xa3: {  	[sflag:s23] =	ssyncset.done $0x0  }
0xa4: {  	s25 =	simm.s32 $0x1B8E;
	s24 =	sld [smem:$0x3FFE];
	[sflag:s23] =	ssyncadd.s32 $0xFFFFFFFF  }
0xa5: {  	s26 =	simm.s32 $execute0_lowered;
	[smem:$0x3FD2] =	sst s25  }
0xa6: {  	s5 =	sshll.u32 s26, $0x1;
	_ =	strace $0x80000046;
	[dreg:$0x1] =	wrdreg $0xFFFFFFFF  }
0xa7: {  	s28 =	simm.s32 $_size_execute0_lowered;
	s3 =	sadd.s32 s3, s5;
	[dreg:$0x0] =	wrdreg $0x0  }
0xa8: {  	s5 =	sshll.u32 s28, $0x1;
	[dreg:$0x2] =	wrdreg s3  }
0xa9: {  	[dreg:$0x3] =	wrdreg s5  }
0xaa: {  	[dreg:$0x4] =	wrdreg $0xC0  }
0xab: {  	_ =	task [dreg:s7], $0x5FFFF  }
0xac: {  	[dreg:$0x1] =	wrdreg $0xFFFFFFFF  }
0xad: {  	[dreg:$0x0] =	wrdreg $0x60  }
0xae: {  	[dreg:$0x2] =	wrdreg s24  }
0xaf: {  	[dreg:$0x3] =	wrdreg s2  }
0xb0: {  	[dreg:$0x4] =	wrdreg $0x9  }
0xb1: {  	_ =	task.clear_ibuf [dreg:s7], $0x5FFFF;
	_ =	strace $0x90000046  }
0xb2: {  	s29 =	simm.s32 $0x9;
	_ =	strace $0x80000048  }
0xb3: {  	_ =	swait.ge [sflag:s29], $0x1  }
0xb4: {  	[sflag:s29] =	ssyncadd.s32 $0xFFFFFFFF  }
0xb5: {  	_ =	strace $0x90000048  }
0xb6: {  	_ =	sfence  }
0xb7: {  	s30 =	sld [smem:$0x0];
	_ =	sdelay $0x2  }
0xb8: {  	s31 =	sshll.u32 s1, $0xD;
	s1 =	sshrl.u32 s1, $0x2  }
0xb9: {  	s3 =	sand.u32 $0x4000, s31;
	s1 =	sadd.s32 s1, s30  }
0xba: {  	s0 =	sor.u32 s3, s0;
	s1 =	sshll.u32 s1, $0x11  }
0xbb: {  	s0 =	sor.u32 s1, s0  }
0xbc: {  	s0 =	sadd.s32 $0x8F2B, s0  }
0xbd: {  	[sflag:s0] =	ssyncadd.remote.s32 $0x1  }
0xbe: {  	_ =	sfence.sel $0xFFFF  }
0xbf: {  	[dreg:$0x0] =	wrdreg $0xFFFFFFFF;
	(pc) =	sbr.abs _section_cstart, $3  }
0xc0: {  	[dreg:$0x1] =	wrdreg $0xFFFFFFFF  }
0xc1: {  	_ =	task.clear_ibuf [dreg:s7], $0x2FFFF;
	_ =	strace $0x9FFFFFFF  }
0xc2: {  	(tm) =	ssettm $0x7FFFFFFF  }
0xc3: {  	_ =	shalt  }
tec
execute0_lowered:
.L_overlay_start_1:
0x0: {  	(tag) =	ssettag $0x1  }
0x1: {  	s0 =	srdreg.scid;
	s1 =	rddreg [dreg:$0x0]  }
0x2: {  	s3 =	stileid.u32;
	s6 =	simm.s32 $0x0;
	s0 =	sand.u32 $0x1, s0  }
0x3: {  	[smem:$0x7FF] =	sst s6;
	s4 =	sadd.s32 $0x8C00, s1;
	s29 =	sadd.s32 $0x600, s1  }
0x4: {  	s30 =	sadd.s32 $0x11000, s1;
	_ =	strace $0x80000047;
	[dreg:$0x3] =	wrdreg s4  }
0x5: {  	v1 =	vimm.f32 $0.0e+00;
	s2 =	sshll.u32 s0, $0x4;
	[dreg:$0x4] =	wrdreg s29;
	s0 =	ssub.s32 $0x2, s0  }
0x6: {  	v2 =	vlaneseq.u32;
	v3 =	vimm.s32 $0x0;
	v4 =	vimm.s32 $0x1;
	[dreg:$0x5] =	wrdreg s30;
	s2 =	sor.u32 s3, s2;
	s5 =	sshrl.u32 s0, $0x1  }
.Ltmp0:
0x7: {  	v5 =	vimm.s32 $0x2;
	v6 =	vimm.s32 $0x3;
	v7 =	vimm.s32 $0x4;
	s3 =	sshll.u32 s2, $0x1;
	s0 =	ssub.s32 s0, s5;
	(pc) =	sbr.rel .LBB2_1-.Ltmp0, $4  }
0x8: {  	v8 =	vimm.s32 $0x5;
	v9 =	vimm.s32 $0x6;
	v10 =	vimm.s32 $0x7;
	s31 =	sshll.u32 s2, $0xC;
	s3 =	sadd.s32 s3, s1;
	s0 =	smax.u32 s0, $0x1  }
0x9: {  	v11 =	vimm.s32 $0x8;
	v12 =	vimm.s32 $0x9;
	v13 =	vimm.s32 $0xA;
	s1 =	sadd.s32 s31, s1;
	s3 =	sadd.s32 $0x8A00, s3;
	[dreg:$0x8] =	wrdreg s0  }
0xa: {  	v14 =	vimm.s32 $0xB;
	v15 =	vimm.s32 $0xC;
	v16 =	vimm.s32 $0xD;
	s2 =	sshll.u32 s2, $0x9;
	s1 =	sadd.s32 $0x19400, s1;
	[dreg:$0x6] =	wrdreg s3  }
0xb: {  	s22 =	simm.s32 $0x2;
	v17 =	vimm.s32 $0xE;
	v18 =	vimm.s32 $0xF;
	v0 =	vmov s2;
	s2 =	simm.s32 $0x0;
	[dreg:$0x7] =	wrdreg s1  }
.LBB2_8:
0xc: {  	s6 =	simm.s32 $0x0  }
0xd: {  	s0 =	rddreg [dreg:$0x7];
	s1 =	simm.s32 $0x10C10;
	s30 =	simm.s32 $0x3  }
0xe: {  	[hbm4b:s0+s6] =	stream.linear.scatter [tilespmem:s1], [sflag:$0x3], $0x8000, $0x38;
	[tilespmem:$0x18E10] =	vst v63  }
0xf: {  	_ =	swait.ge [sflag:s30], $0x8000  }
0x10: {  	s2 =	rddreg [dreg:$0x9]  }
0x11: {  	s31 =	rddreg [dreg:$0x8];
	s2 =	sadd.s32 $0x1, s2  }
0x12: {  	p0 =	sne.s32 s2, s31  }
.Ltmp1:
0x13: {  	_ = 	snop;
	(pc) =	sbr.rel @!p0 .LBB2_9-.Ltmp1, $3  }
0x14: {  	_ =	sdelay $0x1  }
0x15: {  	[sflag:s30] =	ssyncset.done $0x0  }
0x16: {  	[sflag:s30] =	ssyncadd.s32 $0xFFFF8000  }
.LBB2_1:
0x17: {  	s0 =	rddreg [dreg:$0x6]  }
0x18: {  	[tilespmem:s6], [sflag:$0x1] =	stream.linear.gather [hbm4b:s0+s6], $0x10, $0x38;
	[tilespmem:$0x18E10] =	vst v63  }
0x19: {  	[dreg:$0x9] =	wrdreg s2;
	s1 =	simm.s32 $0x100;
	s0 =	simm.s32 $0x0  }
.LBB2_2:
0x1a: {  	p0 =	sne.s32 s1, $0x20700;
	[tilespmem:s0+$0x10C40] =	vst v1;
	s2 =	smov.u32 s1;
	s1 =	sadd.s32 $0x100, s1  }
.Ltmp2:
0x1b: {  	[tilespmem:s0+$0x10C30] =	vst v1;
	(pc) =	sbr.rel @p0 .LBB2_2-.Ltmp2, $3  }
0x1c: {  	[tilespmem:s0+$0x10C10] =	vst v1  }
0x1d: {  	[tilespmem:s0+$0x10C20] =	vst v1;
	_ =	sdelay $0x1  }
0x1e: {  	s0 =	sshra.s32 s2, $0x2  }
0x1f: {  	[tilespmem:s0+$0x10C40] =	vst v1  }
0x20: {  	[tilespmem:s0+$0x10C30] =	vst v1  }
0x21: {  	[tilespmem:s0+$0x10C10] =	vst v1  }
0x22: {  	[tilespmem:s0+$0x10C20] =	vst v1;
	s24 =	simm.s32 $0x1  }
0x23: {  	_ =	swait.ge [sflag:s24], $0x10  }
0x24: {  	[sflag:s24] =	ssyncset.done $0x0  }
0x25: {  	[sflag:s24] =	ssyncadd.s32 $0xFFFFFFF0  }
0x26: {  	v20 =	vld [tilespmem:$0x0];
	_ =	sdelay $0x4  }
0x27: {  	(v2sf) =	vpush v20, $0x0;
	_ =	sdelay $0x6  }
0x28: {  	(v2sf) =	vpush v20, $0x1;
	_ =	sdelay $0x7  }
0x29: {  	s25 =	spop (v2sf)  }
0x2a: {  	s1 =	sand.u32 $0x7, s25  }
0x2b: {  	s2 =	sshra.s32 s25, $0x1F;
	p0 =	slt.s32 s25, $0x1;
	p1 =	sne.s32 s1, $0x0  }
0x2c: {  	s26 =	sshrl.u32 s2, $0x1D;
	p0 =	por !p0, !p1  }
0x2d: {  	s1 =	simm.s32 $0x1;
	s0 =	sadd.s32 s26, s25;
	p0 =	por !p0, !p0  }
0x2e: {  	s0 =	sshra.s32 s0, $0x3;
	s1 =	simm.s32 @!p0 $0x0  }
0x2f: {  	s0 =	ssub.s32 s0, s1  }
0x30: {  	s29 =	spop (v2sf);
	s8 =	sshll.u32 s0, $0x3  }
0x31: {  	s1 =	ssub.s32 s29, s8  }
0x32: {  	s1 =	sadd.s32 $0x1FF, s1  }
0x33: {  	s30 =	sand.u32 $0x1FF, s1  }
0x34: {  	s31 =	sshra.s32 s1, $0x1F;
	p6 =	slt.s32 s1, $0x1;
	p5 =	sne.s32 s30, $0x0  }
0x35: {  	s2 =	sshrl.u32 s31, $0x17;
	p0 =	por !p6, !p5  }
0x36: {  	s1 =	sadd.s32 s2, s1;
	s2 =	simm.s32 $0x1;
	p0 =	por !p0, !p0  }
0x37: {  	s1 =	sshra.s32 s1, $0x9;
	s2 =	simm.s32 @!p0 $0x0  }
0x38: {  	s28 =	ssub.s32 s1, s2  }
0x39: {  	p0 =	slt.s32 s28, $0x1  }
.Ltmp3:
0x3a: {  	_ = 	snop;
	(pc) =	sbr.rel @p0 .LBB2_8-.Ltmp3, $1  }
0x3b: {  	_ =	sdelay $0x3  }
0x3c: {  	s0 =	sand.u32 $0x1FFFFFFF, s0;
	s3 =	rddreg [dreg:$0x3];
	s2 =	simm.s32 $0x0  }
0x3d: {  	s6 =	simm.s32 $0x10;
	s4 =	rddreg [dreg:$0x4];
	s1 =	sadd.s32 s3, s0  }
0x3e: {  	[tilespmem:s6], [sflag:$0x1] =	stream.linear.gather [hbm4b:s1+s2], $0x200, $0x38;
	[tilespmem:$0x18E10] =	vst v63  }
0x3f: {  	s5 =	simm.s32 $0x410;
	s17 =	sadd.s32 s4, s0  }
0x40: {  	[tilespmem:s5], [sflag:$0x1] =	stream.linear.gather [hbm4b:s17+s2], $0x200, $0x38;
	[tilespmem:$0x18E10] =	vst v63  }
0x41: {  	s5 =	rddreg [dreg:$0x5]  }
0x42: {  	s18 =	simm.s32 $0x810;
	s19 =	simm.s32 $0x1;
	s0 =	sadd.s32 s5, s0  }
0x43: {  	[tilespmem:s18], [sflag:$0x1] =	stream.linear.gather [hbm4b:s0+s2], $0x200, $0x38;
	[tilespmem:$0x18E10] =	vst v63  }
0x44: {  	_ =	swait.ge [sflag:s19], $0x200  }
0x45: {  	[sflag:s19] =	ssyncset.done $0x0  }
0x46: {  	[sflag:s19] =	ssyncadd.s32 $0xFFFFFE00  }
0x47: {  	_ =	swait.ge [sflag:s19], $0x200  }
0x48: {  	[sflag:s19] =	ssyncset.done $0x0  }
0x49: {  	[sflag:s19] =	ssyncadd.s32 $0xFFFFFE00  }
0x4a: {  	_ =	swait.ge [sflag:s19], $0x200  }
0x4b: {  	[sflag:s19] =	ssyncset.done $0x0  }
0x4c: {  	[sflag:s19] =	ssyncadd.s32 $0xFFFFFE00  }
0x4d: {  	s20 =	simm.s32 $0x80;
	s21 =	simm.s32 $0xC10;
	s0 =	rddreg [dreg:$0x1]  }
0x4e: {  	[tilespmem:s21], [sflag:$0x2] =	stream.indirect.gather [hbm4b:s0+s20], $0x40, s6, s20, $0xb8;
	[tilespmem:$0x18E10] =	vst v63  }
0x4f: {  	s23 =	simm.s32 $0x90;
	s24 =	simm.s32 $0x2C10  }
0x50: {  	[tilespmem:s24], [sflag:$0x2] =	stream.indirect.gather [hbm4b:s0+s20], $0x40, s23, s20, $0xb8;
	[tilespmem:$0x18E10] =	vst v63  }
0x51: {  	s25 =	simm.s32 $0x110;
	s26 =	simm.s32 $0x4C10  }
0x52: {  	[tilespmem:s26], [sflag:$0x2] =	stream.indirect.gather [hbm4b:s0+s20], $0x40, s25, s20, $0xb8;
	[tilespmem:$0x18E10] =	vst v63  }
0x53: {  	s29 =	simm.s32 $0x190;
	s31 =	simm.s32 $0x6C10;
	p0 =	seq.s32 s28, $0x1  }
0x54: {  	[tilespmem:s31], [sflag:$0x2] =	stream.indirect.gather [hbm4b:s0+s20], $0x40, s29, s20, $0xb8;
	[tilespmem:$0x18E10] =	vst v63  }
0x55: {  	s0 =	sadd.s32 @!p0 $0x200, s8  }
0x56: {  	s0 =	sshrl.u32 @!p0 s0, $0x3  }
0x57: {  	s2 =	simm.s32 @!p0 $0x0;
	s1 =	sadd.s32 @!p0 s3, s0;
	s3 =	simm.s32 @!p0 $0x210  }
0x58: {  	[tilespmem:s3], [sflag:$0x1] =	stream.linear.gather @!p0 [hbm4b:s1+s2], $0x200, $0x38;
	[tilespmem:$0x18E10] =	vst v63  }
0x59: {  	s1 =	sadd.s32 @!p0 s4, s0;
	s3 =	simm.s32 @!p0 $0x610  }
0x5a: {  	[tilespmem:s3], [sflag:$0x1] =	stream.linear.gather @!p0 [hbm4b:s1+s2], $0x200, $0x38;
	[tilespmem:$0x18E10] =	vst v63  }
0x5b: {  	s0 =	sadd.s32 @!p0 s5, s0;
	s1 =	simm.s32 @!p0 $0xA10  }
0x5c: {  	[tilespmem:s1], [sflag:$0x1] =	stream.linear.gather @!p0 [hbm4b:s0+s2], $0x200, $0x38;
	[tilespmem:$0x18E10] =	vst v63  }
0x5d: {  	v19 =	vbroadcast v20, $0x0;
	v20 =	vbroadcast v20, $0x1;
	s30 =	simm.s32 $0x0;
	[dreg:$0xa] =	wrdreg s8;
	p0 =	por $0x0, $0x0  }
.LBB2_5:
0x5e: {  	_ =	swait.ge [sflag:s22], $0x2000  }
0x5f: {  	[sflag:s22] =	ssyncset.done $0x0  }
0x60: {  	[sflag:s22] =	ssyncadd.s32 $0xFFFFE000  }
0x61: {  	_ =	swait.ge [sflag:s22], $0x2000  }
0x62: {  	[sflag:s22] =	ssyncset.done $0x0  }
0x63: {  	[sflag:s22] =	ssyncadd.s32 $0xFFFFE000  }
0x64: {  	_ =	swait.ge [sflag:s22], $0x2000  }
0x65: {  	[sflag:s22] =	ssyncset.done $0x0  }
0x66: {  	[sflag:s22] =	ssyncadd.s32 $0xFFFFE000  }
0x67: {  	s29 =	sadd.s32 $0x1, s30;
	_ =	swait.ge [sflag:s22], $0x2000  }
0x68: {  	p1 =	sge.s32 s29, s28;
	[sflag:s22] =	ssyncset.done $0x0  }
0x69: {  	s0 =	simm.s32 @!p1 $0x1;
	[sflag:s22] =	ssyncadd.s32 $0xFFFFE000  }
0x6a: {  	_ =	swait.ge @!p1 [sflag:s0], $0x200  }
0x6b: {  	[sflag:s0] =	ssyncset.done @!p1 $0x0  }
0x6c: {  	[sflag:s0] =	ssyncadd.s32 @!p1 $0xFFFFFE00  }
0x6d: {  	_ =	swait.ge @!p1 [sflag:s0], $0x200  }
0x6e: {  	[sflag:s0] =	ssyncset.done @!p1 $0x0  }
0x6f: {  	[sflag:s0] =	ssyncadd.s32 @!p1 $0xFFFFFE00  }
0x70: {  	s15 =	sand.u32 $0x1, s30;
	s1 =	simm.s32 $0x1;
	_ =	swait.ge @!p1 [sflag:s0], $0x200  }
0x71: {  	s2 =	sxor.u32 @!p1 $0x1, s15;
	s5 =	simm.s32 @!p1 $0x80;
	[sflag:s0] =	ssyncset.done @!p1 $0x0  }
0x72: {  	s3 =	sshll.u32 @!p1 s2, $0x9;
	[sflag:s0] =	ssyncadd.s32 @!p1 $0xFFFFFE00;
	s0 =	sshll.u32 @!p1 s2, $0xF  }
0x73: {  	s4 =	sor.u32 @!p1 $0x10, s3;
	s2 =	sor.u32 @!p1 $0xC10, s0;
	s7 =	rddreg [dreg:$0x1]  }
0x74: {  	[tilespmem:s2], [sflag:$0x2] =	stream.indirect.gather @!p1 [hbm4b:s7+s5], $0x40, s4, s5, $0xb8;
	[tilespmem:$0x18E10] =	vst v63  }
0x75: {  	s1 =	simm.s32 @!p0 $0x0;
	s2 =	sor.u32 @!p1 $0x2C10, s0;
	s4 =	sor.u32 @!p1 $0x90, s3  }
0x76: {  	[tilespmem:s2], [sflag:$0x2] =	stream.indirect.gather @!p1 [hbm4b:s7+s5], $0x40, s4, s5, $0xb8;
	[tilespmem:$0x18E10] =	vst v63  }
0x77: {  	s17 =	sshll.u32 s1, $0x9;
	s6 =	sor.u32 @!p1 $0x110, s3;
	s2 =	sor.u32 @!p1 $0x4C10, s0  }
0x78: {  	[tilespmem:s2], [sflag:$0x2] =	stream.indirect.gather @!p1 [hbm4b:s7+s5], $0x40, s6, s5, $0xb8;
	[tilespmem:$0x18E10] =	vst v63  }
0x79: {  	s18 =	sor.u32 $0x410, s17;
	s3 =	sor.u32 @!p1 $0x190, s3;
	s0 =	sor.u32 @!p1 $0x6C10, s0  }
0x7a: {  	[tilespmem:s0], [sflag:$0x2] =	stream.indirect.gather @!p1 [hbm4b:s7+s5], $0x40, s3, s5, $0xb8;
	[tilespmem:$0x18E10] =	vst v63  }
0x7b: {  	v21 =	vld [tilespmem:s18+$0x0];
	_ =	sdelay $0x4  }
0x7c: {  	v21 =	vsub.s32 v21, v0  }
0x7d: {  	vm0 =	vgt.s32 v21, $0x0  }
0x7e: {  	v21 =	vnsel vm0, $0x0, v21  }
0x7f: {  	v21 =	vmin.u32 v21, $0x200  }
0x80: {  	v28 =	vshll.u32 v21, $0x6  }
0x81: {  	(v2sf) =	vpush v28, $0x0;
	_ =	sdelay $0x4  }
0x82: {  	s20 =	sshll.u32 s30, $0x9;
	s19 =	sor.u32 $0x810, s17  }
0x83: {  	s13 =	sadd.s32 s8, s20;
	v21 =	vld [tilespmem:s19+$0x0]  }
0x84: {  	s1 =	sshll.u32 s1, $0xF;
	s3 =	sadd.s32 $0x0, s13  }
0x85: {  	s1 =	sor.u32 $0xE10, s1;
	v22 =	vadd.s32 s3, v2  }
0x86: {  	v23 =	vld [tilespmem:s1+$0xFFFFFE00];
	vm6 =	vge.s32 v22, v19;
	vm1 =	vlt.s32 v22, v20  }
0x87: {  	vm0 =	vmand vm6, vm1  }
0x88: {  	v27 =	vnsel vm0, $0x0, v21  }
0x89: {  	v21 =	vperm.xlane v27, v3;
	_ =	sdelay $0x1  }
0x8a: {  	v22 =	vmul.f32 v23, v21  }
0x8b: {  	s21 =	spop (v2sf)  }
0x8c: {  	[tilespmem:s21+$0x10C10] =	vst.add.f32.msk $0xffff, v22  }
0x8d: {  	v22 =	vld [tilespmem:s1+$0xFFFFFE10];
	_ =	sdelay $0x4  }
0x8e: {  	v22 =	vmul.f32 v22, v21;
	_ =	sdelay $0x1  }
0x8f: {  	[tilespmem:s21+$0x10C20] =	vst.add.f32.msk $0xffff, v22  }
0x90: {  	v22 =	vld [tilespmem:s1+$0xFFFFFE20];
	_ =	sdelay $0x4  }
0x91: {  	v22 =	vmul.f32 v22, v21;
	_ =	sdelay $0x1  }
0x92: {  	(v2sf) =	vpush v28, $0x1;
	[tilespmem:s21+$0x10C30] =	vst.add.f32.msk $0xffff, v22  }
0x93: {  	v22 =	vld [tilespmem:s1+$0xFFFFFE30];
	_ =	sdelay $0x4  }
0x94: {  	v21 =	vmul.f32 v22, v21;
	_ =	sdelay $0x1  }
0x95: {  	[tilespmem:s21+$0x10C40] =	vst.add.f32.msk $0xffff, v21  }
0x96: {  	v21 =	vld [tilespmem:s1+$0xFFFFFE40];
	_ =	sdelay $0x2  }
0x97: {  	v22 =	vperm.xlane v27, v4;
	_ =	sdelay $0x1  }
0x98: {  	v21 =	vmul.f32 v21, v22  }
0x99: {  	s23 =	spop (v2sf)  }
0x9a: {  	[tilespmem:s23+$0x10C10] =	vst.add.f32.msk $0xffff, v21  }
0x9b: {  	v21 =	vld [tilespmem:s1+$0xFFFFFE50];
	_ =	sdelay $0x4  }
0x9c: {  	v21 =	vmul.f32 v21, v22;
	_ =	sdelay $0x1  }
0x9d: {  	[tilespmem:s23+$0x10C20] =	vst.add.f32.msk $0xffff, v21  }
0x9e: {  	v21 =	vld [tilespmem:s1+$0xFFFFFE60];
	_ =	sdelay $0x4  }
0x9f: {  	v21 =	vmul.f32 v21, v22;
	_ =	sdelay $0x1  }
0xa0: {  	(v2sf) =	vpush v28, $0x2;
	[tilespmem:s23+$0x10C30] =	vst.add.f32.msk $0xffff, v21  }
0xa1: {  	v21 =	vld [tilespmem:s1+$0xFFFFFE70];
	_ =	sdelay $0x4  }
0xa2: {  	v21 =	vmul.f32 v21, v22;
	_ =	sdelay $0x1  }
0xa3: {  	[tilespmem:s23+$0x10C40] =	vst.add.f32.msk $0xffff, v21  }
0xa4: {  	v21 =	vld [tilespmem:s1+$0xFFFFFE80];
	_ =	sdelay $0x2  }
0xa5: {  	v22 =	vperm.xlane v27, v5;
	_ =	sdelay $0x1  }
0xa6: {  	v21 =	vmul.f32 v21, v22  }
0xa7: {  	s24 =	spop (v2sf)  }
0xa8: {  	[tilespmem:s24+$0x10C10] =	vst.add.f32.msk $0xffff, v21  }
0xa9: {  	v21 =	vld [tilespmem:s1+$0xFFFFFE90];
	_ =	sdelay $0x4  }
0xaa: {  	v21 =	vmul.f32 v21, v22;
	_ =	sdelay $0x1  }
0xab: {  	[tilespmem:s24+$0x10C20] =	vst.add.f32.msk $0xffff, v21  }
0xac: {  	v21 =	vld [tilespmem:s1+$0xFFFFFEA0];
	_ =	sdelay $0x4  }
0xad: {  	v21 =	vmul.f32 v21, v22;
	_ =	sdelay $0x1  }
0xae: {  	(v2sf) =	vpush v28, $0x3;
	[tilespmem:s24+$0x10C30] =	vst.add.f32.msk $0xffff, v21  }
0xaf: {  	v21 =	vld [tilespmem:s1+$0xFFFFFEB0];
	_ =	sdelay $0x4  }
0xb0: {  	v21 =	vmul.f32 v21, v22;
	_ =	sdelay $0x1  }
0xb1: {  	[tilespmem:s24+$0x10C40] =	vst.add.f32.msk $0xffff, v21  }
0xb2: {  	v21 =	vld [tilespmem:s1+$0xFFFFFEC0];
	_ =	sdelay $0x2  }
0xb3: {  	v22 =	vperm.xlane v27, v6;
	_ =	sdelay $0x1  }
0xb4: {  	v21 =	vmul.f32 v21, v22  }
0xb5: {  	s25 =	spop (v2sf)  }
0xb6: {  	[tilespmem:s25+$0x10C10] =	vst.add.f32.msk $0xffff, v21  }
0xb7: {  	v21 =	vld [tilespmem:s1+$0xFFFFFED0];
	_ =	sdelay $0x4  }
0xb8: {  	s2 =	sadd.s32 $0x10, s18;
	v21 =	vmul.f32 v21, v22  }
0xb9: {  	v23 =	vld [tilespmem:s2+$0x0]  }
0xba: {  	[tilespmem:s25+$0x10C20] =	vst.add.f32.msk $0xffff, v21  }
0xbb: {  	v21 =	vld [tilespmem:s1+$0xFFFFFEE0];
	_ =	sdelay $0x3  }
0xbc: {  	v23 =	vsub.s32 v23, v0  }
0xbd: {  	vm7 =	vgt.s32 v23, $0x0;
	v21 =	vmul.f32 v21, v22  }
0xbe: {  	v23 =	vnsel vm7, $0x0, v23  }
0xbf: {  	v23 =	vmin.u32 v23, $0x200;
	(v2sf) =	vpush v28, $0x4;
	[tilespmem:s25+$0x10C30] =	vst.add.f32.msk $0xffff, v21  }
0xc0: {  	v24 =	vshll.u32 v23, $0x6;
	v21 =	vld [tilespmem:s1+$0xFFFFFEF0]  }
0xc1: {  	(v2sf) =	vpush v24, $0x0;
	_ =	sdelay $0x3  }
0xc2: {  	s0 =	sadd.s32 $0x10, s19;
	v21 =	vmul.f32 v21, v22  }
0xc3: {  	v22 =	vld [tilespmem:s0+$0x0]  }
0xc4: {  	[tilespmem:s25+$0x10C40] =	vst.add.f32.msk $0xffff, v21  }
0xc5: {  	s26 =	sadd.s32 $0x10, s13;
	v23 =	vld [tilespmem:s1+$0xFFFFFF00]  }
0xc6: {  	s31 =	sadd.s32 $0x400, s1;
	v21 =	vadd.s32 s26, v2  }
0xc7: {  	v25 =	vld [tilespmem:s31+$0xFFFFFE00];
	vm8 =	vge.s32 v21, v19;
	vm9 =	vlt.s32 v21, v20  }
0xc8: {  	v26 =	vperm.xlane v27, v7;
	vm0 =	vmand vm8, vm9  }
0xc9: {  	v21 =	vnsel vm0, $0x0, v22  }
0xca: {  	v22 =	vperm.xlane v21, v3;
	v23 =	vmul.f32 v23, v26  }
0xcb: {  	s4 =	spop (v2sf)  }
0xcc: {  	v25 =	vmul.f32 v25, v22;
	[tilespmem:s4+$0x10C10] =	vst.add.f32.msk $0xffff, v23  }
0xcd: {  	s5 =	spop (v2sf);
	v23 =	vld [tilespmem:s1+$0xFFFFFF10]  }
0xce: {  	[tilespmem:s5+$0x10C10] =	vst.add.f32.msk $0xffff, v25  }
0xcf: {  	v25 =	vld [tilespmem:s31+$0xFFFFFE10];
	_ =	sdelay $0x2  }
0xd0: {  	v23 =	vmul.f32 v23, v26;
	_ =	sdelay $0x1  }
0xd1: {  	v25 =	vmul.f32 v25, v22;
	[tilespmem:s4+$0x10C20] =	vst.add.f32.msk $0xffff, v23  }
0xd2: {  	v23 =	vld [tilespmem:s1+$0xFFFFFF20]  }
0xd3: {  	[tilespmem:s5+$0x10C20] =	vst.add.f32.msk $0xffff, v25  }
0xd4: {  	v25 =	vld [tilespmem:s31+$0xFFFFFE20];
	_ =	sdelay $0x2  }
0xd5: {  	v23 =	vmul.f32 v23, v26;
	_ =	sdelay $0x1  }
0xd6: {  	(v2sf) =	vpush v28, $0x5;
	v25 =	vmul.f32 v25, v22;
	[tilespmem:s4+$0x10C30] =	vst.add.f32.msk $0xffff, v23  }
0xd7: {  	v23 =	vld [tilespmem:s1+$0xFFFFFF30]  }
0xd8: {  	(v2sf) =	vpush v24, $0x1;
	[tilespmem:s5+$0x10C30] =	vst.add.f32.msk $0xffff, v25  }
0xd9: {  	v25 =	vld [tilespmem:s31+$0xFFFFFE30];
	_ =	sdelay $0x2  }
0xda: {  	v23 =	vmul.f32 v23, v26;
	_ =	sdelay $0x1  }
0xdb: {  	v22 =	vmul.f32 v25, v22;
	[tilespmem:s4+$0x10C40] =	vst.add.f32.msk $0xffff, v23  }
0xdc: {  	v23 =	vld [tilespmem:s1+$0xFFFFFF40]  }
0xdd: {  	[tilespmem:s5+$0x10C40] =	vst.add.f32.msk $0xffff, v22  }
0xde: {  	v22 =	vld [tilespmem:s31+$0xFFFFFE40]  }
0xdf: {  	v25 =	vperm.xlane v27, v8;
	_ =	sdelay $0x1  }
0xe0: {  	v26 =	vperm.xlane v21, v4;
	v23 =	vmul.f32 v23, v25  }
0xe1: {  	s6 =	spop (v2sf)  }
0xe2: {  	v22 =	vmul.f32 v22, v26;
	[tilespmem:s6+$0x10C10] =	vst.add.f32.msk $0xffff, v23  }
0xe3: {  	s7 =	spop (v2sf);
	v23 =	vld [tilespmem:s1+$0xFFFFFF50]  }
0xe4: {  	[tilespmem:s7+$0x10C10] =	vst.add.f32.msk $0xffff, v22  }
0xe5: {  	v22 =	vld [tilespmem:s31+$0xFFFFFE50];
	_ =	sdelay $0x2  }
0xe6: {  	v23 =	vmul.f32 v23, v25;
	_ =	sdelay $0x1  }
0xe7: {  	v22 =	vmul.f32 v22, v26;
	[tilespmem:s6+$0x10C20] =	vst.add.f32.msk $0xffff, v23  }
0xe8: {  	v23 =	vld [tilespmem:s1+$0xFFFFFF60]  }
0xe9: {  	[tilespmem:s7+$0x10C20] =	vst.add.f32.msk $0xffff, v22  }
0xea: {  	v22 =	vld [tilespmem:s31+$0xFFFFFE60];
	_ =	sdelay $0x2  }
0xeb: {  	v23 =	vmul.f32 v23, v25;
	_ =	sdelay $0x1  }
0xec: {  	(v2sf) =	vpush v28, $0x6;
	v22 =	vmul.f32 v22, v26;
	[tilespmem:s6+$0x10C30] =	vst.add.f32.msk $0xffff, v23  }
0xed: {  	v23 =	vld [tilespmem:s1+$0xFFFFFF70]  }
0xee: {  	(v2sf) =	vpush v24, $0x2;
	[tilespmem:s7+$0x10C30] =	vst.add.f32.msk $0xffff, v22  }
0xef: {  	v22 =	vld [tilespmem:s31+$0xFFFFFE70];
	_ =	sdelay $0x2  }
0xf0: {  	v23 =	vmul.f32 v23, v25;
	_ =	sdelay $0x1  }
0xf1: {  	v22 =	vmul.f32 v22, v26;
	[tilespmem:s6+$0x10C40] =	vst.add.f32.msk $0xffff, v23  }
0xf2: {  	v23 =	vld [tilespmem:s1+$0xFFFFFF80]  }
0xf3: {  	[tilespmem:s7+$0x10C40] =	vst.add.f32.msk $0xffff, v22  }
0xf4: {  	v22 =	vld [tilespmem:s31+$0xFFFFFE80]  }
0xf5: {  	v25 =	vperm.xlane v27, v9;
	_ =	sdelay $0x1  }
0xf6: {  	v26 =	vperm.xlane v21, v5;
	v23 =	vmul.f32 v23, v25  }
0xf7: {  	s8 =	spop (v2sf)  }
0xf8: {  	v22 =	vmul.f32 v22, v26;
	[tilespmem:s8+$0x10C10] =	vst.add.f32.msk $0xffff, v23  }
0xf9: {  	s9 =	spop (v2sf);
	v23 =	vld [tilespmem:s1+$0xFFFFFF90]  }
0xfa: {  	[tilespmem:s9+$0x10C10] =	vst.add.f32.msk $0xffff, v22  }
0xfb: {  	v22 =	vld [tilespmem:s31+$0xFFFFFE90];
	_ =	sdelay $0x2  }
0xfc: {  	v23 =	vmul.f32 v23, v25;
	_ =	sdelay $0x1  }
0xfd: {  	v22 =	vmul.f32 v22, v26;
	[tilespmem:s8+$0x10C20] =	vst.add.f32.msk $0xffff, v23  }
0xfe: {  	v23 =	vld [tilespmem:s1+$0xFFFFFFA0]  }
0xff: {  	[tilespmem:s9+$0x10C20] =	vst.add.f32.msk $0xffff, v22  }
0x100: {  	v22 =	vld [tilespmem:s31+$0xFFFFFEA0];
	_ =	sdelay $0x2  }
0x101: {  	v23 =	vmul.f32 v23, v25;
	_ =	sdelay $0x1  }
0x102: {  	(v2sf) =	vpush v28, $0x7;
	v22 =	vmul.f32 v22, v26;
	[tilespmem:s8+$0x10C30] =	vst.add.f32.msk $0xffff, v23  }
0x103: {  	v23 =	vld [tilespmem:s1+$0xFFFFFFB0]  }
0x104: {  	(v2sf) =	vpush v24, $0x3;
	[tilespmem:s9+$0x10C30] =	vst.add.f32.msk $0xffff, v22  }
0x105: {  	v22 =	vld [tilespmem:s31+$0xFFFFFEB0];
	_ =	sdelay $0x2  }
0x106: {  	v23 =	vmul.f32 v23, v25;
	_ =	sdelay $0x1  }
0x107: {  	v22 =	vmul.f32 v22, v26;
	[tilespmem:s8+$0x10C40] =	vst.add.f32.msk $0xffff, v23  }
0x108: {  	v23 =	vld [tilespmem:s1+$0xFFFFFFC0]  }
0x109: {  	[tilespmem:s9+$0x10C40] =	vst.add.f32.msk $0xffff, v22  }
0x10a: {  	v22 =	vld [tilespmem:s31+$0xFFFFFEC0]  }
0x10b: {  	v26 =	vperm.xlane v27, v10;
	_ =	sdelay $0x1  }
0x10c: {  	v29 =	vperm.xlane v21, v6;
	v23 =	vmul.f32 v23, v26  }
0x10d: {  	s10 =	spop (v2sf)  }
0x10e: {  	v22 =	vmul.f32 v22, v29;
	[tilespmem:s10+$0x10C10] =	vst.add.f32.msk $0xffff, v23  }
0x10f: {  	s11 =	spop (v2sf);
	v23 =	vld [tilespmem:s1+$0xFFFFFFD0]  }
0x110: {  	[tilespmem:s11+$0x10C10] =	vst.add.f32.msk $0xffff, v22  }
0x111: {  	v22 =	vld [tilespmem:s31+$0xFFFFFED0];
	_ =	sdelay $0x2  }
0x112: {  	s12 =	sadd.s32 $0x10, s2;
	v23 =	vmul.f32 v23, v26  }
0x113: {  	v25 =	vld [tilespmem:s12+$0x0]  }
0x114: {  	v22 =	vmul.f32 v22, v29;
	[tilespmem:s10+$0x10C20] =	vst.add.f32.msk $0xffff, v23  }
0x115: {  	v23 =	vld [tilespmem:s1+$0xFFFFFFE0]  }
0x116: {  	[tilespmem:s11+$0x10C20] =	vst.add.f32.msk $0xffff, v22  }
0x117: {  	v22 =	vld [tilespmem:s31+$0xFFFFFEE0];
	_ =	sdelay $0x2  }
0x118: {  	v23 =	vmul.f32 v23, v26  }
0x119: {  	v25 =	vsub.s32 v25, v0  }
0x11a: {  	(v2sf) =	vpush v28, $0x8;
	vm10 =	vgt.s32 v25, $0x0;
	v22 =	vmul.f32 v22, v29;
	[tilespmem:s10+$0x10C30] =	vst.add.f32.msk $0xffff, v23  }
0x11b: {  	v23 =	vnsel vm10, $0x0, v25;
	v30 =	vld [tilespmem:s1+$0xFFFFFFF0]  }
0x11c: {  	(v2sf) =	vpush v24, $0x4;
	[tilespmem:s11+$0x10C30] =	vst.add.f32.msk $0xffff, v22;
	v23 =	vmin.u32 v23, $0x200  }
0x11d: {  	v22 =	vld [tilespmem:s31+$0xFFFFFEF0];
	v25 =	vshll.u32 v23, $0x6  }
0x11e: {  	(v2sf) =	vpush v25, $0x0;
	_ =	sdelay $0x1  }
0x11f: {  	s14 =	sadd.s32 $0x10, s0;
	v23 =	vmul.f32 v30, v26  }
0x120: {  	v26 =	vld [tilespmem:s14+$0x0]  }
0x121: {  	v22 =	vmul.f32 v22, v29;
	[tilespmem:s10+$0x10C40] =	vst.add.f32.msk $0xffff, v23  }
0x122: {  	v23 =	vld [tilespmem:s1+$0x0]  }
0x123: {  	[tilespmem:s11+$0x10C40] =	vst.add.f32.msk $0xffff, v22  }
0x124: {  	s16 =	sadd.s32 $0x20, s13;
	v29 =	vld [tilespmem:s31+$0xFFFFFF00]  }
0x125: {  	s0 =	sadd.s32 $0x400, s31;
	v30 =	vperm.xlane v27, v11;
	v22 =	vadd.s32 s16, v2  }
0x126: {  	v31 =	vld [tilespmem:s0+$0xFFFFFE00];
	vm11 =	vge.s32 v22, v19;
	vm12 =	vlt.s32 v22, v20  }
0x127: {  	v32 =	vperm.xlane v21, v7;
	vm0 =	vmand vm11, vm12;
	v23 =	vmul.f32 v23, v30  }
0x128: {  	s17 =	spop (v2sf);
	v22 =	vnsel vm0, $0x0, v26  }
0x129: {  	v26 =	vperm.xlane v22, v3;
	v29 =	vmul.f32 v29, v32;
	[tilespmem:s17+$0x10C10] =	vst.add.f32.msk $0xffff, v23  }
0x12a: {  	s18 =	spop (v2sf);
	v23 =	vld [tilespmem:s1+$0x10]  }
0x12b: {  	v31 =	vmul.f32 v31, v26;
	[tilespmem:s18+$0x10C10] =	vst.add.f32.msk $0xffff, v29  }
0x12c: {  	v29 =	vld [tilespmem:s31+$0xFFFFFF10];
	s19 =	spop (v2sf)  }
0x12d: {  	[tilespmem:s19+$0x10C10] =	vst.add.f32.msk $0xffff, v31  }
0x12e: {  	v31 =	vld [tilespmem:s0+$0xFFFFFE10]  }
0x12f: {  	v23 =	vmul.f32 v23, v30;
	_ =	sdelay $0x1  }
0x130: {  	v29 =	vmul.f32 v29, v32;
	[tilespmem:s17+$0x10C20] =	vst.add.f32.msk $0xffff, v23  }
0x131: {  	v23 =	vld [tilespmem:s1+$0x20]  }
0x132: {  	[tilespmem:s18+$0x10C20] =	vst.add.f32.msk $0xffff, v29;
	v31 =	vmul.f32 v31, v26  }
0x133: {  	v29 =	vld [tilespmem:s31+$0xFFFFFF20]  }
0x134: {  	[tilespmem:s19+$0x10C20] =	vst.add.f32.msk $0xffff, v31  }
0x135: {  	v31 =	vld [tilespmem:s0+$0xFFFFFE20]  }
0x136: {  	v23 =	vmul.f32 v23, v30;
	_ =	sdelay $0x1  }
0x137: {  	(v2sf) =	vpush v28, $0x9;
	v29 =	vmul.f32 v29, v32;
	[tilespmem:s17+$0x10C30] =	vst.add.f32.msk $0xffff, v23  }
0x138: {  	v23 =	vld [tilespmem:s1+$0x30]  }
0x139: {  	(v2sf) =	vpush v24, $0x5;
	[tilespmem:s18+$0x10C30] =	vst.add.f32.msk $0xffff, v29;
	v31 =	vmul.f32 v31, v26  }
0x13a: {  	v29 =	vld [tilespmem:s31+$0xFFFFFF30]  }
0x13b: {  	(v2sf) =	vpush v25, $0x1;
	[tilespmem:s19+$0x10C30] =	vst.add.f32.msk $0xffff, v31  }
0x13c: {  	v31 =	vld [tilespmem:s0+$0xFFFFFE30]  }
0x13d: {  	v23 =	vmul.f32 v23, v30;
	_ =	sdelay $0x1  }
0x13e: {  	v29 =	vmul.f32 v29, v32;
	[tilespmem:s17+$0x10C40] =	vst.add.f32.msk $0xffff, v23  }
0x13f: {  	v23 =	vld [tilespmem:s1+$0x40]  }
0x140: {  	[tilespmem:s18+$0x10C40] =	vst.add.f32.msk $0xffff, v29;
	v26 =	vmul.f32 v31, v26  }
0x141: {  	v29 =	vld [tilespmem:s31+$0xFFFFFF40]  }
0x142: {  	[tilespmem:s19+$0x10C40] =	vst.add.f32.msk $0xffff, v26;
	v26 =	vperm.xlane v27, v12  }
0x143: {  	v30 =	vld [tilespmem:s0+$0xFFFFFE40]  }
0x144: {  	v31 =	vperm.xlane v21, v8;
	v23 =	vmul.f32 v23, v26  }
0x145: {  	s20 =	spop (v2sf)  }
0x146: {  	v39 =	vperm.xlane v22, v4;
	v29 =	vmul.f32 v29, v31;
	[tilespmem:s20+$0x10C10] =	vst.add.f32.msk $0xffff, v23  }
0x147: {  	s21 =	spop (v2sf);
	v23 =	vld [tilespmem:s1+$0x50]  }
0x148: {  	[tilespmem:s21+$0x10C10] =	vst.add.f32.msk $0xffff, v29;
	v30 =	vmul.f32 v30, v39  }
0x149: {  	s23 =	spop (v2sf);
	v29 =	vld [tilespmem:s31+$0xFFFFFF50]  }
0x14a: {  	[tilespmem:s23+$0x10C10] =	vst.add.f32.msk $0xffff, v30  }
0x14b: {  	v30 =	vld [tilespmem:s0+$0xFFFFFE50]  }
0x14c: {  	v23 =	vmul.f32 v23, v26;
	_ =	sdelay $0x1  }
0x14d: {  	v29 =	vmul.f32 v29, v31;
	[tilespmem:s20+$0x10C20] =	vst.add.f32.msk $0xffff, v23  }
0x14e: {  	v23 =	vld [tilespmem:s1+$0x60]  }
0x14f: {  	[tilespmem:s21+$0x10C20] =	vst.add.f32.msk $0xffff, v29;
	v30 =	vmul.f32 v30, v39  }
0x150: {  	v29 =	vld [tilespmem:s31+$0xFFFFFF60]  }
0x151: {  	[tilespmem:s23+$0x10C20] =	vst.add.f32.msk $0xffff, v30  }
0x152: {  	v30 =	vld [tilespmem:s0+$0xFFFFFE60]  }
0x153: {  	v23 =	vmul.f32 v23, v26;
	_ =	sdelay $0x1  }
0x154: {  	(v2sf) =	vpush v28, $0xA;
	v29 =	vmul.f32 v29, v31;
	[tilespmem:s20+$0x10C30] =	vst.add.f32.msk $0xffff, v23  }
0x155: {  	v23 =	vld [tilespmem:s1+$0x70]  }
0x156: {  	(v2sf) =	vpush v24, $0x6;
	[tilespmem:s21+$0x10C30] =	vst.add.f32.msk $0xffff, v29;
	v30 =	vmul.f32 v30, v39  }
0x157: {  	v29 =	vld [tilespmem:s31+$0xFFFFFF70]  }
0x158: {  	(v2sf) =	vpush v25, $0x2;
	[tilespmem:s23+$0x10C30] =	vst.add.f32.msk $0xffff, v30  }
0x159: {  	v30 =	vld [tilespmem:s0+$0xFFFFFE70]  }
0x15a: {  	v23 =	vmul.f32 v23, v26;
	_ =	sdelay $0x1  }
0x15b: {  	v26 =	vmul.f32 v29, v31;
	[tilespmem:s20+$0x10C40] =	vst.add.f32.msk $0xffff, v23  }
0x15c: {  	v23 =	vld [tilespmem:s1+$0x80]  }
0x15d: {  	[tilespmem:s21+$0x10C40] =	vst.add.f32.msk $0xffff, v26;
	v29 =	vmul.f32 v30, v39  }
0x15e: {  	v26 =	vld [tilespmem:s31+$0xFFFFFF80]  }
0x15f: {  	[tilespmem:s23+$0x10C40] =	vst.add.f32.msk $0xffff, v29;
	v29 =	vperm.xlane v27, v13  }
0x160: {  	v30 =	vld [tilespmem:s0+$0xFFFFFE80]  }
0x161: {  	v31 =	vperm.xlane v21, v9;
	v23 =	vmul.f32 v23, v29  }
0x162: {  	s24 =	spop (v2sf)  }
0x163: {  	v40 =	vperm.xlane v22, v5;
	v26 =	vmul.f32 v26, v31;
	[tilespmem:s24+$0x10C10] =	vst.add.f32.msk $0xffff, v23  }
0x164: {  	s25 =	spop (v2sf);
	v23 =	vld [tilespmem:s1+$0x90]  }
0x165: {  	[tilespmem:s25+$0x10C10] =	vst.add.f32.msk $0xffff, v26;
	v30 =	vmul.f32 v30, v40  }
0x166: {  	s26 =	spop (v2sf);
	v26 =	vld [tilespmem:s31+$0xFFFFFF90]  }
0x167: {  	[tilespmem:s26+$0x10C10] =	vst.add.f32.msk $0xffff, v30  }
0x168: {  	v30 =	vld [tilespmem:s0+$0xFFFFFE90]  }
0x169: {  	v23 =	vmul.f32 v23, v29;
	_ =	sdelay $0x1  }
0x16a: {  	v26 =	vmul.f32 v26, v31;
	[tilespmem:s24+$0x10C20] =	vst.add.f32.msk $0xffff, v23  }
0x16b: {  	v23 =	vld [tilespmem:s1+$0xA0]  }
0x16c: {  	[tilespmem:s25+$0x10C20] =	vst.add.f32.msk $0xffff, v26;
	v30 =	vmul.f32 v30, v40  }
0x16d: {  	v26 =	vld [tilespmem:s31+$0xFFFFFFA0]  }
0x16e: {  	[tilespmem:s26+$0x10C20] =	vst.add.f32.msk $0xffff, v30  }
0x16f: {  	v30 =	vld [tilespmem:s0+$0xFFFFFEA0]  }
0x170: {  	v23 =	vmul.f32 v23, v29;
	_ =	sdelay $0x1  }
0x171: {  	(v2sf) =	vpush v28, $0xB;
	v26 =	vmul.f32 v26, v31;
	[tilespmem:s24+$0x10C30] =	vst.add.f32.msk $0xffff, v23  }
0x172: {  	v23 =	vld [tilespmem:s1+$0xB0]  }
0x173: {  	(v2sf) =	vpush v24, $0x7;
	[tilespmem:s25+$0x10C30] =	vst.add.f32.msk $0xffff, v26;
	v30 =	vmul.f32 v30, v40  }
0x174: {  	v26 =	vld [tilespmem:s31+$0xFFFFFFB0]  }
0x175: {  	(v2sf) =	vpush v25, $0x3;
	[tilespmem:s26+$0x10C30] =	vst.add.f32.msk $0xffff, v30  }
0x176: {  	v30 =	vld [tilespmem:s0+$0xFFFFFEB0]  }
0x177: {  	v23 =	vmul.f32 v23, v29;
	_ =	sdelay $0x1  }
0x178: {  	v26 =	vmul.f32 v26, v31;
	[tilespmem:s24+$0x10C40] =	vst.add.f32.msk $0xffff, v23  }
0x179: {  	v23 =	vld [tilespmem:s1+$0xC0]  }
0x17a: {  	[tilespmem:s25+$0x10C40] =	vst.add.f32.msk $0xffff, v26;
	v29 =	vmul.f32 v30, v40  }
0x17b: {  	v26 =	vld [tilespmem:s31+$0xFFFFFFC0]  }
0x17c: {  	[tilespmem:s26+$0x10C40] =	vst.add.f32.msk $0xffff, v29;
	v29 =	vperm.xlane v27, v14  }
0x17d: {  	v30 =	vld [tilespmem:s0+$0xFFFFFEC0]  }
0x17e: {  	v31 =	vperm.xlane v21, v10;
	v23 =	vmul.f32 v23, v29  }
0x17f: {  	s5 =	spop (v2sf)  }
0x180: {  	v41 =	vperm.xlane v22, v6;
	v26 =	vmul.f32 v26, v31;
	[tilespmem:s5+$0x10C10] =	vst.add.f32.msk $0xffff, v23  }
0x181: {  	s6 =	spop (v2sf);
	v23 =	vld [tilespmem:s1+$0xD0]  }
0x182: {  	[tilespmem:s6+$0x10C10] =	vst.add.f32.msk $0xffff, v26;
	v30 =	vmul.f32 v30, v41  }
0x183: {  	s7 =	spop (v2sf);
	v26 =	vld [tilespmem:s31+$0xFFFFFFD0]  }
0x184: {  	[tilespmem:s7+$0x10C10] =	vst.add.f32.msk $0xffff, v30  }
0x185: {  	v30 =	vld [tilespmem:s0+$0xFFFFFED0]  }
0x186: {  	s4 =	sadd.s32 $0x10, s12;
	v23 =	vmul.f32 v23, v29  }
0x187: {  	v33 =	vld [tilespmem:s4+$0x0]  }
0x188: {  	v26 =	vmul.f32 v26, v31;
	[tilespmem:s5+$0x10C20] =	vst.add.f32.msk $0xffff, v23  }
0x189: {  	v23 =	vld [tilespmem:s1+$0xE0]  }
0x18a: {  	[tilespmem:s6+$0x10C20] =	vst.add.f32.msk $0xffff, v26;
	v30 =	vmul.f32 v30, v41  }
0x18b: {  	v26 =	vld [tilespmem:s31+$0xFFFFFFE0]  }
0x18c: {  	[tilespmem:s7+$0x10C20] =	vst.add.f32.msk $0xffff, v30  }
0x18d: {  	v30 =	vld [tilespmem:s0+$0xFFFFFEE0]  }
0x18e: {  	v23 =	vmul.f32 v23, v29;
	_ =	sdelay $0x1  }
0x18f: {  	(v2sf) =	vpush v28, $0xC;
	v26 =	vmul.f32 v26, v31;
	[tilespmem:s5+$0x10C30] =	vst.add.f32.msk $0xffff, v23  }
0x190: {  	v23 =	vsub.s32 v33, v0;
	v42 =	vld [tilespmem:s1+$0xF0]  }
0x191: {  	(v2sf) =	vpush v24, $0x8;
	[tilespmem:s6+$0x10C30] =	vst.add.f32.msk $0xffff, v26;
	vm13 =	vgt.s32 v23, $0x0;
	v30 =	vmul.f32 v30, v41  }
0x192: {  	v34 =	vld [tilespmem:s31+$0xFFFFFFF0];
	v23 =	vnsel vm13, $0x0, v23  }
0x193: {  	(v2sf) =	vpush v25, $0x4;
	v23 =	vmin.u32 v23, $0x200;
	[tilespmem:s7+$0x10C30] =	vst.add.f32.msk $0xffff, v30  }
0x194: {  	v26 =	vshll.u32 v23, $0x6;
	v23 =	vld [tilespmem:s0+$0xFFFFFEF0]  }
0x195: {  	s17 =	sadd.s32 $0x10, s14;
	(v2sf) =	vpush v26, $0x0;
	v29 =	vmul.f32 v42, v29  }
0x196: {  	v30 =	vld [tilespmem:s17+$0x0]  }
0x197: {  	v31 =	vmul.f32 v34, v31;
	[tilespmem:s5+$0x10C40] =	vst.add.f32.msk $0xffff, v29  }
0x198: {  	v29 =	vld [tilespmem:s1+$0x100]  }
0x199: {  	[tilespmem:s6+$0x10C40] =	vst.add.f32.msk $0xffff, v31;
	v23 =	vmul.f32 v23, v41  }
0x19a: {  	v31 =	vld [tilespmem:s31+$0x0]  }
0x19b: {  	v43 =	vperm.xlane v27, v15;
	[tilespmem:s7+$0x10C40] =	vst.add.f32.msk $0xffff, v23  }
0x19c: {  	s12 =	sadd.s32 $0x400, s0;
	s8 =	sadd.s32 $0x30, s13;
	v44 =	vld [tilespmem:s0+$0xFFFFFF00]  }
0x19d: {  	v35 =	vperm.xlane v21, v11;
	v45 =	vld [tilespmem:s12+$0xFFFFFE00];
	s18 =	sadd.s32 $0x10, s4;
	v23 =	vadd.s32 s8, v2;
	v36 =	vmul.f32 v29, v43  }
0x19e: {  	s9 =	spop (v2sf);
	vm14 =	vge.s32 v23, v19;
	vm15 =	vlt.s32 v23, v20;
	v29 =	vld [tilespmem:s18+$0x0]  }
0x19f: {  	v37 =	vperm.xlane v22, v7;
	vm0 =	vmand vm14, vm15;
	v31 =	vmul.f32 v31, v35;
	[tilespmem:s9+$0x10C10] =	vst.add.f32.msk $0xffff, v36  }
0x1a0: {  	s10 =	spop (v2sf);
	v23 =	vnsel vm0, $0x0, v30;
	v30 =	vld [tilespmem:s1+$0x110]  }
0x1a1: {  	v46 =	vperm.xlane v23, v3;
	[tilespmem:s10+$0x10C10] =	vst.add.f32.msk $0xffff, v31;
	v33 =	vmul.f32 v44, v37  }
0x1a2: {  	s11 =	spop (v2sf);
	v31 =	vld [tilespmem:s31+$0x10]  }
0x1a3: {  	v34 =	vmul.f32 v45, v46;
	[tilespmem:s11+$0x10C10] =	vst.add.f32.msk $0xffff, v33  }
0x1a4: {  	s14 =	spop (v2sf);
	v33 =	vld [tilespmem:s0+$0xFFFFFF10]  }
0x1a5: {  	[tilespmem:s14+$0x10C10] =	vst.add.f32.msk $0xffff, v34;
	v30 =	vmul.f32 v30, v43  }
0x1a6: {  	v34 =	vld [tilespmem:s12+$0xFFFFFE10]  }
0x1a7: {  	v31 =	vmul.f32 v31, v35;
	[tilespmem:s9+$0x10C20] =	vst.add.f32.msk $0xffff, v30  }
0x1a8: {  	v30 =	vld [tilespmem:s1+$0x120]  }
0x1a9: {  	[tilespmem:s10+$0x10C20] =	vst.add.f32.msk $0xffff, v31;
	v33 =	vmul.f32 v33, v37  }
0x1aa: {  	v31 =	vld [tilespmem:s31+$0x20]  }
0x1ab: {  	v34 =	vmul.f32 v34, v46;
	[tilespmem:s11+$0x10C20] =	vst.add.f32.msk $0xffff, v33  }
0x1ac: {  	v33 =	vld [tilespmem:s0+$0xFFFFFF20]  }
0x1ad: {  	[tilespmem:s14+$0x10C20] =	vst.add.f32.msk $0xffff, v34;
	v30 =	vmul.f32 v30, v43  }
0x1ae: {  	v34 =	vld [tilespmem:s12+$0xFFFFFE20]  }
0x1af: {  	(v2sf) =	vpush v28, $0xD;
	v31 =	vmul.f32 v31, v35;
	[tilespmem:s9+$0x10C30] =	vst.add.f32.msk $0xffff, v30  }
0x1b0: {  	v30 =	vld [tilespmem:s1+$0x130]  }
0x1b1: {  	(v2sf) =	vpush v24, $0x9;
	[tilespmem:s10+$0x10C30] =	vst.add.f32.msk $0xffff, v31;
	v33 =	vmul.f32 v33, v37  }
0x1b2: {  	v31 =	vld [tilespmem:s31+$0x30]  }
0x1b3: {  	(v2sf) =	vpush v25, $0x5;
	v34 =	vmul.f32 v34, v46;
	[tilespmem:s11+$0x10C30] =	vst.add.f32.msk $0xffff, v33  }
0x1b4: {  	v33 =	vld [tilespmem:s0+$0xFFFFFF30]  }
0x1b5: {  	(v2sf) =	vpush v26, $0x1;
	[tilespmem:s14+$0x10C30] =	vst.add.f32.msk $0xffff, v34;
	v30 =	vmul.f32 v30, v43  }
0x1b6: {  	v47 =	vld [tilespmem:s12+$0xFFFFFE30]  }
0x1b7: {  	v31 =	vmul.f32 v31, v35;
	[tilespmem:s9+$0x10C40] =	vst.add.f32.msk $0xffff, v30  }
0x1b8: {  	v30 =	vld [tilespmem:s1+$0x140]  }
0x1b9: {  	[tilespmem:s10+$0x10C40] =	vst.add.f32.msk $0xffff, v31;
	v33 =	vmul.f32 v33, v37  }
0x1ba: {  	v31 =	vld [tilespmem:s31+$0x40]  }
0x1bb: {  	v48 =	vperm.xlane v27, v16;
	v32 =	vmul.f32 v47, v46;
	[tilespmem:s11+$0x10C40] =	vst.add.f32.msk $0xffff, v33  }
0x1bc: {  	v49 =	vld [tilespmem:s0+$0xFFFFFF40]  }
0x1bd: {  	v50 =	vperm.xlane v21, v12;
	[tilespmem:s14+$0x10C40] =	vst.add.f32.msk $0xffff, v32;
	v30 =	vmul.f32 v30, v48  }
0x1be: {  	s16 =	spop (v2sf);
	v51 =	vld [tilespmem:s12+$0xFFFFFE40]  }
0x1bf: {  	v52 =	vperm.xlane v22, v8;
	v31 =	vmul.f32 v31, v50;
	[tilespmem:s16+$0x10C10] =	vst.add.f32.msk $0xffff, v30  }
0x1c0: {  	s19 =	spop (v2sf);
	v30 =	vld [tilespmem:s1+$0x150]  }
0x1c1: {  	v53 =	vperm.xlane v23, v4;
	[tilespmem:s19+$0x10C10] =	vst.add.f32.msk $0xffff, v31;
	v34 =	vmul.f32 v49, v52  }
0x1c2: {  	s20 =	spop (v2sf);
	v31 =	vld [tilespmem:s31+$0x50]  }
0x1c3: {  	v35 =	vmul.f32 v51, v53;
	[tilespmem:s20+$0x10C10] =	vst.add.f32.msk $0xffff, v34  }
0x1c4: {  	s21 =	spop (v2sf);
	v34 =	vld [tilespmem:s0+$0xFFFFFF50]  }
0x1c5: {  	[tilespmem:s21+$0x10C10] =	vst.add.f32.msk $0xffff, v35;
	v30 =	vmul.f32 v30, v48  }
0x1c6: {  	v35 =	vld [tilespmem:s12+$0xFFFFFE50]  }
0x1c7: {  	v31 =	vmul.f32 v31, v50;
	[tilespmem:s16+$0x10C20] =	vst.add.f32.msk $0xffff, v30  }
0x1c8: {  	v30 =	vld [tilespmem:s1+$0x160]  }
0x1c9: {  	[tilespmem:s19+$0x10C20] =	vst.add.f32.msk $0xffff, v31;
	v34 =	vmul.f32 v34, v52  }
0x1ca: {  	v31 =	vld [tilespmem:s31+$0x60]  }
0x1cb: {  	v35 =	vmul.f32 v35, v53;
	[tilespmem:s20+$0x10C20] =	vst.add.f32.msk $0xffff, v34  }
0x1cc: {  	v34 =	vld [tilespmem:s0+$0xFFFFFF60]  }
0x1cd: {  	[tilespmem:s21+$0x10C20] =	vst.add.f32.msk $0xffff, v35;
	v30 =	vmul.f32 v30, v48  }
0x1ce: {  	v35 =	vld [tilespmem:s12+$0xFFFFFE60]  }
0x1cf: {  	(v2sf) =	vpush v28, $0xE;
	v31 =	vmul.f32 v31, v50;
	[tilespmem:s16+$0x10C30] =	vst.add.f32.msk $0xffff, v30  }
0x1d0: {  	v30 =	vld [tilespmem:s1+$0x170]  }
0x1d1: {  	(v2sf) =	vpush v24, $0xA;
	[tilespmem:s19+$0x10C30] =	vst.add.f32.msk $0xffff, v31;
	v34 =	vmul.f32 v34, v52  }
0x1d2: {  	v31 =	vld [tilespmem:s31+$0x70]  }
0x1d3: {  	(v2sf) =	vpush v25, $0x6;
	v35 =	vmul.f32 v35, v53;
	[tilespmem:s20+$0x10C30] =	vst.add.f32.msk $0xffff, v34  }
0x1d4: {  	v34 =	vld [tilespmem:s0+$0xFFFFFF70]  }
0x1d5: {  	(v2sf) =	vpush v26, $0x2;
	[tilespmem:s21+$0x10C30] =	vst.add.f32.msk $0xffff, v35;
	v30 =	vmul.f32 v30, v48  }
0x1d6: {  	v54 =	vld [tilespmem:s12+$0xFFFFFE70]  }
0x1d7: {  	v31 =	vmul.f32 v31, v50;
	[tilespmem:s16+$0x10C40] =	vst.add.f32.msk $0xffff, v30  }
0x1d8: {  	v30 =	vld [tilespmem:s1+$0x180]  }
0x1d9: {  	[tilespmem:s19+$0x10C40] =	vst.add.f32.msk $0xffff, v31;
	v55 =	vmul.f32 v34, v52  }
0x1da: {  	v31 =	vld [tilespmem:s31+$0x80]  }
0x1db: {  	v56 =	vperm.xlane v27, v17;
	v33 =	vmul.f32 v54, v53;
	[tilespmem:s20+$0x10C40] =	vst.add.f32.msk $0xffff, v55  }
0x1dc: {  	v57 =	vld [tilespmem:s0+$0xFFFFFF80]  }
0x1dd: {  	v58 =	vperm.xlane v21, v13;
	[tilespmem:s21+$0x10C40] =	vst.add.f32.msk $0xffff, v33;
	v30 =	vmul.f32 v30, v56  }
0x1de: {  	s23 =	spop (v2sf);
	v35 =	vld [tilespmem:s12+$0xFFFFFE80]  }
0x1df: {  	v59 =	vperm.xlane v22, v9;
	v31 =	vmul.f32 v31, v58;
	[tilespmem:s23+$0x10C10] =	vst.add.f32.msk $0xffff, v30  }
0x1e0: {  	s24 =	spop (v2sf);
	v30 =	vld [tilespmem:s1+$0x190]  }
0x1e1: {  	v60 =	vperm.xlane v23, v5;
	[tilespmem:s24+$0x10C10] =	vst.add.f32.msk $0xffff, v31;
	v34 =	vmul.f32 v57, v59  }
0x1e2: {  	s25 =	spop (v2sf);
	v31 =	vld [tilespmem:s31+$0x90]  }
0x1e3: {  	v35 =	vmul.f32 v35, v60;
	[tilespmem:s25+$0x10C10] =	vst.add.f32.msk $0xffff, v34  }
0x1e4: {  	s26 =	spop (v2sf);
	v34 =	vld [tilespmem:s0+$0xFFFFFF90]  }
0x1e5: {  	[tilespmem:s26+$0x10C10] =	vst.add.f32.msk $0xffff, v35;
	v30 =	vmul.f32 v30, v56  }
0x1e6: {  	v35 =	vld [tilespmem:s12+$0xFFFFFE90]  }
0x1e7: {  	v31 =	vmul.f32 v31, v58;
	[tilespmem:s23+$0x10C20] =	vst.add.f32.msk $0xffff, v30  }
0x1e8: {  	v30 =	vld [tilespmem:s1+$0x1A0]  }
0x1e9: {  	[tilespmem:s24+$0x10C20] =	vst.add.f32.msk $0xffff, v31;
	v34 =	vmul.f32 v34, v59  }
0x1ea: {  	v31 =	vld [tilespmem:s31+$0xA0]  }
0x1eb: {  	v35 =	vmul.f32 v35, v60;
	[tilespmem:s25+$0x10C20] =	vst.add.f32.msk $0xffff, v34  }
0x1ec: {  	v34 =	vld [tilespmem:s0+$0xFFFFFFA0]  }
0x1ed: {  	[tilespmem:s26+$0x10C20] =	vst.add.f32.msk $0xffff, v35;
	v30 =	vmul.f32 v30, v56  }
0x1ee: {  	v35 =	vld [tilespmem:s12+$0xFFFFFEA0]  }
0x1ef: {  	(v2sf) =	vpush v28, $0xF;
	v31 =	vmul.f32 v31, v58;
	[tilespmem:s23+$0x10C30] =	vst.add.f32.msk $0xffff, v30  }
0x1f0: {  	v28 =	vld [tilespmem:s1+$0x1B0]  }
0x1f1: {  	(v2sf) =	vpush v24, $0xB;
	[tilespmem:s24+$0x10C30] =	vst.add.f32.msk $0xffff, v31;
	v30 =	vmul.f32 v34, v59  }
0x1f2: {  	v31 =	vld [tilespmem:s31+$0xB0]  }
0x1f3: {  	(v2sf) =	vpush v25, $0x7;
	v61 =	vmul.f32 v35, v60;
	[tilespmem:s25+$0x10C30] =	vst.add.f32.msk $0xffff, v30  }
0x1f4: {  	v30 =	vld [tilespmem:s0+$0xFFFFFFB0]  }
0x1f5: {  	(v2sf) =	vpush v26, $0x3;
	[tilespmem:s26+$0x10C30] =	vst.add.f32.msk $0xffff, v61;
	v28 =	vmul.f32 v28, v56  }
0x1f6: {  	v62 =	vld [tilespmem:s12+$0xFFFFFEB0]  }
0x1f7: {  	v31 =	vmul.f32 v31, v58;
	[tilespmem:s23+$0x10C40] =	vst.add.f32.msk $0xffff, v28  }
0x1f8: {  	v28 =	vld [tilespmem:s1+$0x1C0]  }
0x1f9: {  	[tilespmem:s24+$0x10C40] =	vst.add.f32.msk $0xffff, v31;
	v30 =	vmul.f32 v30, v59  }
0x1fa: {  	v31 =	vld [tilespmem:s31+$0xC0]  }
0x1fb: {  	v27 =	vperm.xlane v27, v18;
	v32 =	vmul.f32 v62, v60;
	[tilespmem:s25+$0x10C40] =	vst.add.f32.msk $0xffff, v30  }
0x1fc: {  	v63 =	vld [tilespmem:s0+$0xFFFFFFC0]  }
0x1fd: {  	v30 =	vperm.xlane v21, v14;
	[tilespmem:s26+$0x10C40] =	vst.add.f32.msk $0xffff, v32;
	v28 =	vmul.f32 v28, v27  }
0x1fe: {  	s16 =	spop (v2sf);
	v32 =	vld [tilespmem:s12+$0xFFFFFEC0]  }
0x1ff: {  	v33 =	vperm.xlane v22, v10;
	v31 =	vmul.f32 v31, v30;
	[tilespmem:s16+$0x10C10] =	vst.add.f32.msk $0xffff, v28  }
0x200: {  	s19 =	spop (v2sf);
	v28 =	vld [tilespmem:s1+$0x1D0]  }
0x201: {  	v35 =	vperm.xlane v23, v6;
	[tilespmem:s19+$0x10C10] =	vst.add.f32.msk $0xffff, v31;
	v34 =	vmul.f32 v63, v33  }
0x202: {  	s9 =	spop (v2sf);
	v31 =	vld [tilespmem:s31+$0xD0]  }
0x203: {  	v32 =	vmul.f32 v32, v35;
	[tilespmem:s9+$0x10C10] =	vst.add.f32.msk $0xffff, v34  }
0x204: {  	s4 =	spop (v2sf);
	v34 =	vld [tilespmem:s0+$0xFFFFFFD0]  }
0x205: {  	[tilespmem:s4+$0x10C10] =	vst.add.f32.msk $0xffff, v32;
	v28 =	vmul.f32 v28, v27  }
0x206: {  	v32 =	vld [tilespmem:s12+$0xFFFFFED0]  }
0x207: {  	v31 =	vmul.f32 v31, v30;
	[tilespmem:s16+$0x10C20] =	vst.add.f32.msk $0xffff, v28  }
0x208: {  	v28 =	vld [tilespmem:s1+$0x1E0]  }
0x209: {  	[tilespmem:s19+$0x10C20] =	vst.add.f32.msk $0xffff, v31;
	v34 =	vmul.f32 v34, v33  }
0x20a: {  	v31 =	vld [tilespmem:s31+$0xE0]  }
0x20b: {  	v32 =	vmul.f32 v32, v35;
	[tilespmem:s9+$0x10C20] =	vst.add.f32.msk $0xffff, v34  }
0x20c: {  	v34 =	vld [tilespmem:s0+$0xFFFFFFE0]  }
0x20d: {  	s15 =	sshll.u32 s15, $0x9;
	s20 =	simm.s32 $0x40;
	s21 =	simm.s32 $0x50;
	[tilespmem:s4+$0x10C20] =	vst.add.f32.msk $0xffff, v32;
	v32 =	vmul.f32 v28, v27  }
.LBB2_6:
0x20e: {  	p1 =	sne.s32 s21, $0x1F0;
	v28 =	vld [tilespmem:s12+$0xFFFFFEE0]  }
0x20f: {  	v31 =	vmul.f32 v31, v30;
	[tilespmem:s16+$0x10C30] =	vst.add.f32.msk $0xffff, v32  }
0x210: {  	v32 =	vld [tilespmem:s1+$0x1F0];
	s1 =	smov.u32 s31;
	s31 =	smov.u32 s0;
	s0 =	smov.u32 s12  }
0x211: {  	v34 =	vmul.f32 v34, v33;
	[tilespmem:s19+$0x10C30] =	vst.add.f32.msk $0xffff, v31;
	(v2sf) =	vpush v24, $0xC  }
0x212: {  	v29 =	vsub.s32 v29, v0;
	v31 =	vld [tilespmem:s1+$0xF0]  }
0x213: {  	vm0 =	vgt.s32 v29, $0x0;
	v28 =	vmul.f32 v28, v35;
	[tilespmem:s9+$0x10C30] =	vst.add.f32.msk $0xffff, v34;
	(v2sf) =	vpush v25, $0x8  }
0x214: {  	v29 =	vnsel vm0, $0x0, v29;
	v34 =	vld [tilespmem:s31+$0xFFFFFFF0]  }
0x215: {  	v29 =	vmin.u32 v29, $0x200;
	[tilespmem:s4+$0x10C30] =	vst.add.f32.msk $0xffff, v28;
	(v2sf) =	vpush v26, $0x4;
	v28 =	vmul.f32 v32, v27  }
0x216: {  	v27 =	vshll.u32 v29, $0x6;
	v29 =	vld [tilespmem:s12+$0xFFFFFEF0]  }
0x217: {  	s17 =	sadd.s32 $0x10, s17;
	(v2sf) =	vpush v27, $0x0;
	v30 =	vmul.f32 v31, v30;
	[tilespmem:s16+$0x10C40] =	vst.add.f32.msk $0xffff, v28  }
0x218: {  	v28 =	vld [tilespmem:s17+$0x0]  }
0x219: {  	v31 =	vmul.f32 v34, v33;
	[tilespmem:s19+$0x10C40] =	vst.add.f32.msk $0xffff, v30  }
0x21a: {  	v30 =	vld [tilespmem:s1+$0x100]  }
0x21b: {  	v29 =	vmul.f32 v29, v35;
	[tilespmem:s9+$0x10C40] =	vst.add.f32.msk $0xffff, v31  }
0x21c: {  	v31 =	vld [tilespmem:s31+$0x0]  }
0x21d: {  	v32 =	vperm.xlane v21, v15;
	[tilespmem:s4+$0x10C40] =	vst.add.f32.msk $0xffff, v29  }
0x21e: {  	s2 =	sadd.s32 s13, s20;
	s20 =	smov.u32 s21;
	s12 =	sadd.s32 $0x400, s12;
	v33 =	vld [tilespmem:s0+$0xFFFFFF00]  }
0x21f: {  	s18 =	sadd.s32 $0x10, s18;
	v36 =	vperm.xlane v22, v11;
	v34 =	vadd.s32 s2, v2;
	v35 =	vld [tilespmem:s12+$0xFFFFFE00];
	v30 =	vmul.f32 v30, v32  }
0x220: {  	vm0 =	vge.s32 v34, v19;
	vm1 =	vlt.s32 v34, v20;
	v29 =	vld [tilespmem:s18+$0x0];
	s2 =	spop (v2sf)  }
0x221: {  	v34 =	vperm.xlane v23, v7;
	vm0 =	vmand vm0, vm1;
	v31 =	vmul.f32 v31, v36;
	[tilespmem:s2+$0x10C10] =	vst.add.f32.msk $0xffff, v30  }
0x222: {  	v28 =	vnsel vm0, $0x0, v28;
	s3 =	spop (v2sf);
	v30 =	vld [tilespmem:s1+$0x110]  }
0x223: {  	v37 =	vperm.xlane v28, v3;
	v33 =	vmul.f32 v33, v34;
	[tilespmem:s3+$0x10C10] =	vst.add.f32.msk $0xffff, v31  }
0x224: {  	s4 =	spop (v2sf);
	v31 =	vld [tilespmem:s31+$0x10]  }
0x225: {  	v35 =	vmul.f32 v35, v37;
	[tilespmem:s4+$0x10C10] =	vst.add.f32.msk $0xffff, v33  }
0x226: {  	s5 =	spop (v2sf);
	v33 =	vld [tilespmem:s0+$0xFFFFFF10]  }
0x227: {  	[tilespmem:s5+$0x10C10] =	vst.add.f32.msk $0xffff, v35;
	v30 =	vmul.f32 v30, v32  }
0x228: {  	v35 =	vld [tilespmem:s12+$0xFFFFFE10]  }
0x229: {  	v31 =	vmul.f32 v31, v36;
	[tilespmem:s2+$0x10C20] =	vst.add.f32.msk $0xffff, v30  }
0x22a: {  	v30 =	vld [tilespmem:s1+$0x120]  }
0x22b: {  	v33 =	vmul.f32 v33, v34;
	[tilespmem:s3+$0x10C20] =	vst.add.f32.msk $0xffff, v31  }
0x22c: {  	v31 =	vld [tilespmem:s31+$0x20]  }
0x22d: {  	v35 =	vmul.f32 v35, v37;
	[tilespmem:s4+$0x10C20] =	vst.add.f32.msk $0xffff, v33  }
0x22e: {  	v33 =	vld [tilespmem:s0+$0xFFFFFF20]  }
0x22f: {  	[tilespmem:s5+$0x10C20] =	vst.add.f32.msk $0xffff, v35;
	v30 =	vmul.f32 v30, v32  }
0x230: {  	v35 =	vld [tilespmem:s12+$0xFFFFFE20]  }
0x231: {  	v31 =	vmul.f32 v31, v36;
	[tilespmem:s2+$0x10C30] =	vst.add.f32.msk $0xffff, v30;
	(v2sf) =	vpush v24, $0xD  }
0x232: {  	v30 =	vld [tilespmem:s1+$0x130]  }
0x233: {  	v33 =	vmul.f32 v33, v34;
	[tilespmem:s3+$0x10C30] =	vst.add.f32.msk $0xffff, v31;
	(v2sf) =	vpush v25, $0x9  }
0x234: {  	v31 =	vld [tilespmem:s31+$0x30]  }
0x235: {  	v35 =	vmul.f32 v35, v37;
	[tilespmem:s4+$0x10C30] =	vst.add.f32.msk $0xffff, v33;
	(v2sf) =	vpush v26, $0x5  }
0x236: {  	v33 =	vld [tilespmem:s0+$0xFFFFFF30]  }
0x237: {  	[tilespmem:s5+$0x10C30] =	vst.add.f32.msk $0xffff, v35;
	(v2sf) =	vpush v27, $0x1;
	v30 =	vmul.f32 v30, v32  }
0x238: {  	v32 =	vld [tilespmem:s12+$0xFFFFFE30]  }
0x239: {  	v31 =	vmul.f32 v31, v36;
	[tilespmem:s2+$0x10C40] =	vst.add.f32.msk $0xffff, v30  }
0x23a: {  	v30 =	vld [tilespmem:s1+$0x140]  }
0x23b: {  	v33 =	vmul.f32 v33, v34;
	[tilespmem:s3+$0x10C40] =	vst.add.f32.msk $0xffff, v31  }
0x23c: {  	v31 =	vld [tilespmem:s31+$0x40]  }
0x23d: {  	v32 =	vmul.f32 v32, v37;
	[tilespmem:s4+$0x10C40] =	vst.add.f32.msk $0xffff, v33;
	v33 =	vperm.xlane v21, v16  }
0x23e: {  	v34 =	vld [tilespmem:s0+$0xFFFFFF40]  }
0x23f: {  	[tilespmem:s5+$0x10C40] =	vst.add.f32.msk $0xffff, v32;
	v32 =	vperm.xlane v22, v12;
	v30 =	vmul.f32 v30, v33  }
0x240: {  	v35 =	vld [tilespmem:s12+$0xFFFFFE40];
	s2 =	spop (v2sf)  }
0x241: {  	v36 =	vperm.xlane v23, v8;
	v31 =	vmul.f32 v31, v32;
	[tilespmem:s2+$0x10C10] =	vst.add.f32.msk $0xffff, v30  }
0x242: {  	s3 =	spop (v2sf);
	v30 =	vld [tilespmem:s1+$0x150]  }
0x243: {  	v37 =	vperm.xlane v28, v4;
	v34 =	vmul.f32 v34, v36;
	[tilespmem:s3+$0x10C10] =	vst.add.f32.msk $0xffff, v31  }
0x244: {  	s4 =	spop (v2sf);
	v31 =	vld [tilespmem:s31+$0x50]  }
0x245: {  	v35 =	vmul.f32 v35, v37;
	[tilespmem:s4+$0x10C10] =	vst.add.f32.msk $0xffff, v34  }
0x246: {  	s5 =	spop (v2sf);
	v34 =	vld [tilespmem:s0+$0xFFFFFF50]  }
0x247: {  	[tilespmem:s5+$0x10C10] =	vst.add.f32.msk $0xffff, v35;
	v30 =	vmul.f32 v30, v33  }
0x248: {  	v35 =	vld [tilespmem:s12+$0xFFFFFE50]  }
0x249: {  	v31 =	vmul.f32 v31, v32;
	[tilespmem:s2+$0x10C20] =	vst.add.f32.msk $0xffff, v30  }
0x24a: {  	v30 =	vld [tilespmem:s1+$0x160]  }
0x24b: {  	v34 =	vmul.f32 v34, v36;
	[tilespmem:s3+$0x10C20] =	vst.add.f32.msk $0xffff, v31  }
0x24c: {  	v31 =	vld [tilespmem:s31+$0x60]  }
0x24d: {  	v35 =	vmul.f32 v35, v37;
	[tilespmem:s4+$0x10C20] =	vst.add.f32.msk $0xffff, v34  }
0x24e: {  	v34 =	vld [tilespmem:s0+$0xFFFFFF60]  }
0x24f: {  	[tilespmem:s5+$0x10C20] =	vst.add.f32.msk $0xffff, v35;
	v30 =	vmul.f32 v30, v33  }
0x250: {  	v35 =	vld [tilespmem:s12+$0xFFFFFE60]  }
0x251: {  	v31 =	vmul.f32 v31, v32;
	[tilespmem:s2+$0x10C30] =	vst.add.f32.msk $0xffff, v30;
	(v2sf) =	vpush v24, $0xE  }
0x252: {  	v30 =	vld [tilespmem:s1+$0x170]  }
0x253: {  	v34 =	vmul.f32 v34, v36;
	[tilespmem:s3+$0x10C30] =	vst.add.f32.msk $0xffff, v31;
	(v2sf) =	vpush v25, $0xA  }
0x254: {  	v31 =	vld [tilespmem:s31+$0x70]  }
0x255: {  	v35 =	vmul.f32 v35, v37;
	[tilespmem:s4+$0x10C30] =	vst.add.f32.msk $0xffff, v34;
	(v2sf) =	vpush v26, $0x6  }
0x256: {  	v34 =	vld [tilespmem:s0+$0xFFFFFF70]  }
0x257: {  	[tilespmem:s5+$0x10C30] =	vst.add.f32.msk $0xffff, v35;
	(v2sf) =	vpush v27, $0x2;
	v30 =	vmul.f32 v30, v33  }
0x258: {  	v33 =	vld [tilespmem:s12+$0xFFFFFE70]  }
0x259: {  	v31 =	vmul.f32 v31, v32;
	[tilespmem:s2+$0x10C40] =	vst.add.f32.msk $0xffff, v30  }
0x25a: {  	v30 =	vld [tilespmem:s1+$0x180]  }
0x25b: {  	v32 =	vmul.f32 v34, v36;
	[tilespmem:s3+$0x10C40] =	vst.add.f32.msk $0xffff, v31  }
0x25c: {  	v31 =	vld [tilespmem:s31+$0x80]  }
0x25d: {  	v33 =	vmul.f32 v33, v37;
	[tilespmem:s4+$0x10C40] =	vst.add.f32.msk $0xffff, v32;
	v32 =	vperm.xlane v21, v17  }
0x25e: {  	v34 =	vld [tilespmem:s0+$0xFFFFFF80]  }
0x25f: {  	[tilespmem:s5+$0x10C40] =	vst.add.f32.msk $0xffff, v33;
	v33 =	vperm.xlane v22, v13;
	v30 =	vmul.f32 v30, v32  }
0x260: {  	v35 =	vld [tilespmem:s12+$0xFFFFFE80];
	s2 =	spop (v2sf)  }
0x261: {  	v36 =	vperm.xlane v23, v9;
	v31 =	vmul.f32 v31, v33;
	[tilespmem:s2+$0x10C10] =	vst.add.f32.msk $0xffff, v30  }
0x262: {  	s4 =	spop (v2sf);
	v30 =	vld [tilespmem:s1+$0x190]  }
0x263: {  	v37 =	vperm.xlane v28, v5;
	v34 =	vmul.f32 v34, v36;
	[tilespmem:s4+$0x10C10] =	vst.add.f32.msk $0xffff, v31  }
0x264: {  	s5 =	spop (v2sf);
	v31 =	vld [tilespmem:s31+$0x90]  }
0x265: {  	v35 =	vmul.f32 v35, v37;
	[tilespmem:s5+$0x10C10] =	vst.add.f32.msk $0xffff, v34  }
0x266: {  	s3 =	spop (v2sf);
	v34 =	vld [tilespmem:s0+$0xFFFFFF90]  }
0x267: {  	[tilespmem:s3+$0x10C10] =	vst.add.f32.msk $0xffff, v35;
	v30 =	vmul.f32 v30, v32  }
0x268: {  	v35 =	vld [tilespmem:s12+$0xFFFFFE90]  }
0x269: {  	v31 =	vmul.f32 v31, v33;
	[tilespmem:s2+$0x10C20] =	vst.add.f32.msk $0xffff, v30  }
0x26a: {  	v30 =	vld [tilespmem:s1+$0x1A0]  }
0x26b: {  	v34 =	vmul.f32 v34, v36;
	[tilespmem:s4+$0x10C20] =	vst.add.f32.msk $0xffff, v31  }
0x26c: {  	v31 =	vld [tilespmem:s31+$0xA0]  }
0x26d: {  	v35 =	vmul.f32 v35, v37;
	[tilespmem:s5+$0x10C20] =	vst.add.f32.msk $0xffff, v34  }
0x26e: {  	v34 =	vld [tilespmem:s0+$0xFFFFFFA0]  }
0x26f: {  	[tilespmem:s3+$0x10C20] =	vst.add.f32.msk $0xffff, v35;
	v30 =	vmul.f32 v30, v32  }
0x270: {  	v35 =	vld [tilespmem:s12+$0xFFFFFEA0]  }
0x271: {  	v31 =	vmul.f32 v31, v33;
	[tilespmem:s2+$0x10C30] =	vst.add.f32.msk $0xffff, v30;
	(v2sf) =	vpush v24, $0xF;
	v24 =	vmovc v25;
	v25 =	vmovc v26;
	v26 =	vmov v27  }
0x272: {  	v27 =	vld [tilespmem:s1+$0x1B0]  }
0x273: {  	v30 =	vmul.f32 v34, v36;
	[tilespmem:s4+$0x10C30] =	vst.add.f32.msk $0xffff, v31;
	(v2sf) =	vpush v24, $0xB  }
0x274: {  	v31 =	vld [tilespmem:s31+$0xB0]  }
0x275: {  	v34 =	vmul.f32 v35, v37;
	[tilespmem:s5+$0x10C30] =	vst.add.f32.msk $0xffff, v30;
	(v2sf) =	vpush v25, $0x7  }
0x276: {  	v30 =	vld [tilespmem:s0+$0xFFFFFFB0]  }
0x277: {  	[tilespmem:s3+$0x10C30] =	vst.add.f32.msk $0xffff, v34;
	(v2sf) =	vpush v26, $0x3;
	v27 =	vmul.f32 v27, v32  }
0x278: {  	v32 =	vld [tilespmem:s12+$0xFFFFFEB0]  }
0x279: {  	v31 =	vmul.f32 v31, v33;
	[tilespmem:s2+$0x10C40] =	vst.add.f32.msk $0xffff, v27  }
0x27a: {  	v33 =	vld [tilespmem:s1+$0x1C0]  }
0x27b: {  	v27 =	vmul.f32 v30, v36;
	[tilespmem:s4+$0x10C40] =	vst.add.f32.msk $0xffff, v31  }
0x27c: {  	v31 =	vld [tilespmem:s31+$0xC0]  }
0x27d: {  	v30 =	vmul.f32 v32, v37;
	[tilespmem:s5+$0x10C40] =	vst.add.f32.msk $0xffff, v27;
	v27 =	vperm.xlane v21, v18;
	v21 =	vmovc v22;
	v22 =	vmov v23  }
0x27e: {  	v23 =	vmov v28;
	v32 =	vld [tilespmem:s0+$0xFFFFFFC0]  }
0x27f: {  	[tilespmem:s3+$0x10C40] =	vst.add.f32.msk $0xffff, v30;
	v30 =	vperm.xlane v21, v14;
	v28 =	vmul.f32 v33, v27  }
0x280: {  	v34 =	vld [tilespmem:s12+$0xFFFFFEC0];
	s16 =	spop (v2sf)  }
0x281: {  	v33 =	vperm.xlane v22, v10;
	v31 =	vmul.f32 v31, v30;
	[tilespmem:s16+$0x10C10] =	vst.add.f32.msk $0xffff, v28  }
0x282: {  	s19 =	spop (v2sf);
	v28 =	vld [tilespmem:s1+$0x1D0]  }
0x283: {  	v35 =	vperm.xlane v23, v6;
	v32 =	vmul.f32 v32, v33;
	[tilespmem:s19+$0x10C10] =	vst.add.f32.msk $0xffff, v31  }
0x284: {  	s9 =	spop (v2sf);
	v31 =	vld [tilespmem:s31+$0xD0]  }
0x285: {  	v34 =	vmul.f32 v34, v35;
	[tilespmem:s9+$0x10C10] =	vst.add.f32.msk $0xffff, v32  }
0x286: {  	s4 =	spop (v2sf);
	v32 =	vld [tilespmem:s0+$0xFFFFFFD0]  }
0x287: {  	[tilespmem:s4+$0x10C10] =	vst.add.f32.msk $0xffff, v34;
	v28 =	vmul.f32 v28, v27  }
0x288: {  	v34 =	vld [tilespmem:s12+$0xFFFFFED0]  }
0x289: {  	v31 =	vmul.f32 v31, v30;
	[tilespmem:s16+$0x10C20] =	vst.add.f32.msk $0xffff, v28  }
0x28a: {  	v28 =	vld [tilespmem:s1+$0x1E0]  }
.Ltmp4:
0x28b: {  	v32 =	vmul.f32 v32, v33;
	[tilespmem:s19+$0x10C20] =	vst.add.f32.msk $0xffff, v31;
	(pc) =	sbr.rel @p1 .LBB2_6-.Ltmp4, $4  }
0x28c: {  	v31 =	vld [tilespmem:s31+$0xE0]  }
0x28d: {  	v36 =	vmul.f32 v34, v35;
	[tilespmem:s9+$0x10C20] =	vst.add.f32.msk $0xffff, v32  }
0x28e: {  	v34 =	vld [tilespmem:s0+$0xFFFFFFE0]  }
0x28f: {  	s21 =	sadd.s32 $0x10, s21;
	[tilespmem:s4+$0x10C20] =	vst.add.f32.msk $0xffff, v36;
	v32 =	vmul.f32 v28, v27  }
0x290: {  	v28 =	vsub.s32 v29, v0  }
0x291: {  	vm0 =	vgt.s32 v28, $0x0  }
0x292: {  	(v2sf) =	vpush v24, $0xC;
	v28 =	vnsel vm0, $0x0, v28  }
0x293: {  	(v2sf) =	vpush v25, $0x8;
	v28 =	vmin.u32 v28, $0x200  }
0x294: {  	(v2sf) =	vpush v26, $0x4;
	v29 =	vshll.u32 v28, $0x6  }
0x295: {  	(v2sf) =	vpush v29, $0x0;
	_ =	sdelay $0x4  }
0x296: {  	s2 =	sadd.s32 $0x10, s17  }
0x297: {  	v45 =	vld [tilespmem:s2+$0x0]  }
0x298: {  	s21 =	sadd.s32 s13, s20  }
0x299: {  	s13 =	sadd.s32 $0x400, s12;
	v36 =	vadd.s32 s21, v2  }
0x29a: {  	v37 =	vld [tilespmem:s13+$0xFFFFFE00];
	vm15 =	vge.s32 v36, v19;
	vm1 =	vlt.s32 v36, v20  }
0x29b: {  	vm0 =	vmand vm15, vm1  }
0x29c: {  	v28 =	vnsel vm0, $0x0, v45  }
0x29d: {  	v46 =	vperm.xlane v28, v3;
	s21 =	spop (v2sf)  }
0x29e: {  	s10 =	spop (v2sf)  }
0x29f: {  	v37 =	vmul.f32 v37, v46;
	s6 =	spop (v2sf)  }
0x2a0: {  	s23 =	spop (v2sf)  }
0x2a1: {  	[tilespmem:s23+$0x10C10] =	vst.add.f32.msk $0xffff, v37  }
0x2a2: {  	v37 =	vld [tilespmem:s13+$0xFFFFFE10];
	_ =	sdelay $0x4  }
0x2a3: {  	v37 =	vmul.f32 v37, v46;
	_ =	sdelay $0x1  }
0x2a4: {  	[tilespmem:s23+$0x10C20] =	vst.add.f32.msk $0xffff, v37  }
0x2a5: {  	v37 =	vld [tilespmem:s13+$0xFFFFFE20];
	_ =	sdelay $0x3  }
0x2a6: {  	(v2sf) =	vpush v24, $0xD  }
0x2a7: {  	(v2sf) =	vpush v25, $0x9;
	v37 =	vmul.f32 v37, v46  }
0x2a8: {  	(v2sf) =	vpush v26, $0x5  }
0x2a9: {  	(v2sf) =	vpush v29, $0x1;
	[tilespmem:s23+$0x10C30] =	vst.add.f32.msk $0xffff, v37  }
0x2aa: {  	v37 =	vld [tilespmem:s13+$0xFFFFFE30];
	_ =	sdelay $0x4  }
0x2ab: {  	v36 =	vmul.f32 v37, v46;
	_ =	sdelay $0x1  }
0x2ac: {  	[tilespmem:s23+$0x10C40] =	vst.add.f32.msk $0xffff, v36  }
0x2ad: {  	v36 =	vld [tilespmem:s13+$0xFFFFFE40];
	_ =	sdelay $0x2  }
0x2ae: {  	v47 =	vperm.xlane v28, v4;
	s20 =	spop (v2sf)  }
0x2af: {  	s3 =	spop (v2sf)  }
0x2b0: {  	s5 =	spop (v2sf);
	v36 =	vmul.f32 v36, v47  }
0x2b1: {  	s24 =	spop (v2sf)  }
0x2b2: {  	[tilespmem:s24+$0x10C10] =	vst.add.f32.msk $0xffff, v36  }
0x2b3: {  	v36 =	vld [tilespmem:s13+$0xFFFFFE50];
	_ =	sdelay $0x4  }
0x2b4: {  	v36 =	vmul.f32 v36, v47;
	_ =	sdelay $0x1  }
0x2b5: {  	[tilespmem:s24+$0x10C20] =	vst.add.f32.msk $0xffff, v36  }
0x2b6: {  	v36 =	vld [tilespmem:s13+$0xFFFFFE60];
	_ =	sdelay $0x3  }
0x2b7: {  	(v2sf) =	vpush v24, $0xE  }
0x2b8: {  	(v2sf) =	vpush v25, $0xA;
	v36 =	vmul.f32 v36, v47  }
0x2b9: {  	(v2sf) =	vpush v26, $0x6  }
0x2ba: {  	(v2sf) =	vpush v29, $0x2;
	[tilespmem:s24+$0x10C30] =	vst.add.f32.msk $0xffff, v36  }
0x2bb: {  	v36 =	vld [tilespmem:s13+$0xFFFFFE70];
	_ =	sdelay $0x4  }
0x2bc: {  	v36 =	vmul.f32 v36, v47;
	_ =	sdelay $0x1  }
0x2bd: {  	[tilespmem:s24+$0x10C40] =	vst.add.f32.msk $0xffff, v36  }
0x2be: {  	v36 =	vld [tilespmem:s13+$0xFFFFFE80];
	_ =	sdelay $0x2  }
0x2bf: {  	v48 =	vperm.xlane v28, v5;
	s18 =	spop (v2sf)  }
0x2c0: {  	s24 =	spop (v2sf)  }
0x2c1: {  	s23 =	spop (v2sf);
	v36 =	vmul.f32 v36, v48  }
0x2c2: {  	s25 =	spop (v2sf)  }
0x2c3: {  	[tilespmem:s25+$0x10C10] =	vst.add.f32.msk $0xffff, v36  }
0x2c4: {  	v36 =	vld [tilespmem:s13+$0xFFFFFE90];
	_ =	sdelay $0x4  }
0x2c5: {  	v36 =	vmul.f32 v36, v48;
	_ =	sdelay $0x1  }
0x2c6: {  	[tilespmem:s25+$0x10C20] =	vst.add.f32.msk $0xffff, v36  }
0x2c7: {  	v36 =	vld [tilespmem:s13+$0xFFFFFEA0];
	_ =	sdelay $0x3  }
0x2c8: {  	(v2sf) =	vpush v24, $0xF  }
0x2c9: {  	(v2sf) =	vpush v25, $0xB;
	v49 =	vmul.f32 v36, v48  }
0x2ca: {  	(v2sf) =	vpush v26, $0x7  }
0x2cb: {  	(v2sf) =	vpush v29, $0x3;
	[tilespmem:s25+$0x10C30] =	vst.add.f32.msk $0xffff, v49  }
0x2cc: {  	v24 =	vld [tilespmem:s13+$0xFFFFFEB0];
	_ =	sdelay $0x4  }
0x2cd: {  	v24 =	vmul.f32 v24, v48;
	_ =	sdelay $0x1  }
0x2ce: {  	[tilespmem:s25+$0x10C40] =	vst.add.f32.msk $0xffff, v24  }
0x2cf: {  	v24 =	vld [tilespmem:s13+$0xFFFFFEC0];
	_ =	sdelay $0x2  }
0x2d0: {  	v50 =	vperm.xlane v28, v6;
	s17 =	spop (v2sf)  }
0x2d1: {  	s14 =	spop (v2sf)  }
0x2d2: {  	s25 =	spop (v2sf);
	v24 =	vmul.f32 v24, v50  }
0x2d3: {  	s26 =	spop (v2sf)  }
0x2d4: {  	[tilespmem:s26+$0x10C10] =	vst.add.f32.msk $0xffff, v24  }
0x2d5: {  	v24 =	vld [tilespmem:s13+$0xFFFFFED0];
	_ =	sdelay $0x4  }
0x2d6: {  	v24 =	vmul.f32 v24, v50  }
0x2d7: {  	v51 =	vld [tilespmem:s12+$0xFFFFFEE0]  }
0x2d8: {  	[tilespmem:s26+$0x10C20] =	vst.add.f32.msk $0xffff, v24  }
0x2d9: {  	v24 =	vld [tilespmem:s13+$0xFFFFFEE0];
	_ =	sdelay $0x2  }
0x2da: {  	v37 =	vmul.f32 v51, v35;
	_ =	sdelay $0x1  }
0x2db: {  	[tilespmem:s4+$0x10C30] =	vst.add.f32.msk $0xffff, v37;
	(v2sf) =	vpush v25, $0xC;
	v24 =	vmul.f32 v24, v50  }
0x2dc: {  	v37 =	vld [tilespmem:s12+$0xFFFFFEF0];
	(v2sf) =	vpush v26, $0x8  }
0x2dd: {  	(v2sf) =	vpush v29, $0x4;
	[tilespmem:s26+$0x10C30] =	vst.add.f32.msk $0xffff, v24  }
0x2de: {  	v24 =	vld [tilespmem:s13+$0xFFFFFEF0];
	_ =	sdelay $0x2  }
0x2df: {  	v52 =	vmul.f32 v37, v35;
	_ =	sdelay $0x1  }
0x2e0: {  	[tilespmem:s4+$0x10C40] =	vst.add.f32.msk $0xffff, v52;
	v24 =	vmul.f32 v24, v50  }
0x2e1: {  	v35 =	vld [tilespmem:s12+$0xFFFFFF00]  }
0x2e2: {  	[tilespmem:s26+$0x10C40] =	vst.add.f32.msk $0xffff, v24  }
0x2e3: {  	v24 =	vld [tilespmem:s13+$0xFFFFFF00]  }
0x2e4: {  	v53 =	vperm.xlane v23, v7;
	_ =	sdelay $0x1  }
0x2e5: {  	v54 =	vperm.xlane v28, v7;
	v35 =	vmul.f32 v35, v53  }
0x2e6: {  	s8 =	spop (v2sf)  }
0x2e7: {  	[tilespmem:s6+$0x10C10] =	vst.add.f32.msk $0xffff, v35;
	s2 =	spop (v2sf);
	v24 =	vmul.f32 v24, v54  }
0x2e8: {  	v35 =	vld [tilespmem:s12+$0xFFFFFF10];
	s7 =	spop (v2sf)  }
0x2e9: {  	[tilespmem:s7+$0x10C10] =	vst.add.f32.msk $0xffff, v24  }
0x2ea: {  	v24 =	vld [tilespmem:s13+$0xFFFFFF10];
	_ =	sdelay $0x2  }
0x2eb: {  	v35 =	vmul.f32 v35, v53;
	_ =	sdelay $0x1  }
0x2ec: {  	[tilespmem:s6+$0x10C20] =	vst.add.f32.msk $0xffff, v35;
	v24 =	vmul.f32 v24, v54  }
0x2ed: {  	v35 =	vld [tilespmem:s12+$0xFFFFFF20]  }
0x2ee: {  	[tilespmem:s7+$0x10C20] =	vst.add.f32.msk $0xffff, v24  }
0x2ef: {  	v24 =	vld [tilespmem:s13+$0xFFFFFF20];
	_ =	sdelay $0x2  }
0x2f0: {  	v35 =	vmul.f32 v35, v53;
	_ =	sdelay $0x1  }
0x2f1: {  	[tilespmem:s6+$0x10C30] =	vst.add.f32.msk $0xffff, v35;
	(v2sf) =	vpush v25, $0xD;
	v24 =	vmul.f32 v24, v54  }
0x2f2: {  	v35 =	vld [tilespmem:s12+$0xFFFFFF30];
	(v2sf) =	vpush v26, $0x9  }
0x2f3: {  	(v2sf) =	vpush v29, $0x5;
	[tilespmem:s7+$0x10C30] =	vst.add.f32.msk $0xffff, v24  }
0x2f4: {  	v24 =	vld [tilespmem:s13+$0xFFFFFF30];
	_ =	sdelay $0x2  }
0x2f5: {  	v35 =	vmul.f32 v35, v53;
	_ =	sdelay $0x1  }
0x2f6: {  	[tilespmem:s6+$0x10C40] =	vst.add.f32.msk $0xffff, v35;
	v24 =	vmul.f32 v24, v54  }
0x2f7: {  	v35 =	vld [tilespmem:s12+$0xFFFFFF40]  }
0x2f8: {  	[tilespmem:s7+$0x10C40] =	vst.add.f32.msk $0xffff, v24  }
0x2f9: {  	v24 =	vld [tilespmem:s13+$0xFFFFFF40]  }
0x2fa: {  	v55 =	vperm.xlane v23, v8;
	_ =	sdelay $0x1  }
0x2fb: {  	v56 =	vperm.xlane v28, v8;
	v35 =	vmul.f32 v35, v55  }
0x2fc: {  	s7 =	spop (v2sf)  }
0x2fd: {  	[tilespmem:s5+$0x10C10] =	vst.add.f32.msk $0xffff, v35;
	s6 =	spop (v2sf);
	v24 =	vmul.f32 v24, v56  }
0x2fe: {  	v35 =	vld [tilespmem:s12+$0xFFFFFF50];
	s11 =	spop (v2sf)  }
0x2ff: {  	[tilespmem:s11+$0x10C10] =	vst.add.f32.msk $0xffff, v24  }
0x300: {  	v24 =	vld [tilespmem:s13+$0xFFFFFF50];
	_ =	sdelay $0x2  }
0x301: {  	v35 =	vmul.f32 v35, v55;
	_ =	sdelay $0x1  }
0x302: {  	[tilespmem:s5+$0x10C20] =	vst.add.f32.msk $0xffff, v35;
	v24 =	vmul.f32 v24, v56  }
0x303: {  	v35 =	vld [tilespmem:s12+$0xFFFFFF60]  }
0x304: {  	[tilespmem:s11+$0x10C20] =	vst.add.f32.msk $0xffff, v24  }
0x305: {  	v24 =	vld [tilespmem:s13+$0xFFFFFF60];
	_ =	sdelay $0x2  }
0x306: {  	v35 =	vmul.f32 v35, v55;
	_ =	sdelay $0x1  }
0x307: {  	[tilespmem:s5+$0x10C30] =	vst.add.f32.msk $0xffff, v35;
	(v2sf) =	vpush v25, $0xE;
	v24 =	vmul.f32 v24, v56  }
0x308: {  	v35 =	vld [tilespmem:s12+$0xFFFFFF70];
	(v2sf) =	vpush v26, $0xA  }
0x309: {  	(v2sf) =	vpush v29, $0x6;
	[tilespmem:s11+$0x10C30] =	vst.add.f32.msk $0xffff, v24  }
0x30a: {  	v24 =	vld [tilespmem:s13+$0xFFFFFF70];
	_ =	sdelay $0x2  }
0x30b: {  	v35 =	vmul.f32 v35, v55;
	_ =	sdelay $0x1  }
0x30c: {  	[tilespmem:s5+$0x10C40] =	vst.add.f32.msk $0xffff, v35;
	v24 =	vmul.f32 v24, v56  }
0x30d: {  	v35 =	vld [tilespmem:s12+$0xFFFFFF80]  }
0x30e: {  	[tilespmem:s11+$0x10C40] =	vst.add.f32.msk $0xffff, v24  }
0x30f: {  	v24 =	vld [tilespmem:s13+$0xFFFFFF80]  }
0x310: {  	v57 =	vperm.xlane v23, v9;
	_ =	sdelay $0x1  }
0x311: {  	v58 =	vperm.xlane v28, v9;
	v35 =	vmul.f32 v35, v57  }
0x312: {  	s11 =	spop (v2sf)  }
0x313: {  	[tilespmem:s23+$0x10C10] =	vst.add.f32.msk $0xffff, v35;
	s5 =	spop (v2sf);
	v24 =	vmul.f32 v24, v58  }
0x314: {  	v35 =	vld [tilespmem:s12+$0xFFFFFF90];
	s26 =	spop (v2sf)  }
0x315: {  	[tilespmem:s26+$0x10C10] =	vst.add.f32.msk $0xffff, v24  }
0x316: {  	v24 =	vld [tilespmem:s13+$0xFFFFFF90];
	_ =	sdelay $0x2  }
0x317: {  	v35 =	vmul.f32 v35, v57;
	_ =	sdelay $0x1  }
0x318: {  	[tilespmem:s23+$0x10C20] =	vst.add.f32.msk $0xffff, v35;
	v24 =	vmul.f32 v24, v58  }
0x319: {  	v35 =	vld [tilespmem:s12+$0xFFFFFFA0]  }
0x31a: {  	[tilespmem:s26+$0x10C20] =	vst.add.f32.msk $0xffff, v24  }
0x31b: {  	v24 =	vld [tilespmem:s13+$0xFFFFFFA0];
	_ =	sdelay $0x2  }
0x31c: {  	v35 =	vmul.f32 v35, v57;
	_ =	sdelay $0x1  }
0x31d: {  	[tilespmem:s23+$0x10C30] =	vst.add.f32.msk $0xffff, v35;
	(v2sf) =	vpush v25, $0xF;
	v24 =	vmul.f32 v24, v58  }
0x31e: {  	v59 =	vld [tilespmem:s12+$0xFFFFFFB0];
	(v2sf) =	vpush v26, $0xB  }
0x31f: {  	(v2sf) =	vpush v29, $0x7;
	[tilespmem:s26+$0x10C30] =	vst.add.f32.msk $0xffff, v24  }
0x320: {  	v24 =	vld [tilespmem:s13+$0xFFFFFFB0];
	_ =	sdelay $0x2  }
0x321: {  	v25 =	vmul.f32 v59, v57;
	_ =	sdelay $0x1  }
0x322: {  	[tilespmem:s23+$0x10C40] =	vst.add.f32.msk $0xffff, v25;
	v24 =	vmul.f32 v24, v58  }
0x323: {  	v25 =	vld [tilespmem:s12+$0xFFFFFFC0]  }
0x324: {  	[tilespmem:s26+$0x10C40] =	vst.add.f32.msk $0xffff, v24  }
0x325: {  	v24 =	vld [tilespmem:s13+$0xFFFFFFC0]  }
0x326: {  	v60 =	vperm.xlane v23, v10;
	_ =	sdelay $0x1  }
0x327: {  	v61 =	vperm.xlane v28, v10;
	v25 =	vmul.f32 v25, v60  }
0x328: {  	s23 =	spop (v2sf)  }
0x329: {  	[tilespmem:s25+$0x10C10] =	vst.add.f32.msk $0xffff, v25;
	s4 =	spop (v2sf);
	v24 =	vmul.f32 v24, v61  }
0x32a: {  	v25 =	vld [tilespmem:s12+$0xFFFFFFD0];
	s26 =	spop (v2sf)  }
0x32b: {  	[tilespmem:s26+$0x10C10] =	vst.add.f32.msk $0xffff, v24  }
0x32c: {  	v24 =	vld [tilespmem:s13+$0xFFFFFFD0];
	_ =	sdelay $0x2  }
0x32d: {  	v25 =	vmul.f32 v25, v60;
	_ =	sdelay $0x1  }
0x32e: {  	[tilespmem:s25+$0x10C20] =	vst.add.f32.msk $0xffff, v25;
	v24 =	vmul.f32 v24, v61  }
0x32f: {  	v25 =	vld [tilespmem:s12+$0xFFFFFFE0]  }
0x330: {  	[tilespmem:s26+$0x10C20] =	vst.add.f32.msk $0xffff, v24  }
0x331: {  	v24 =	vld [tilespmem:s13+$0xFFFFFFE0]  }
0x332: {  	v34 =	vmul.f32 v34, v33;
	_ =	sdelay $0x1  }
0x333: {  	[tilespmem:s9+$0x10C30] =	vst.add.f32.msk $0xffff, v34;
	v25 =	vmul.f32 v25, v60  }
0x334: {  	v34 =	vld [tilespmem:s0+$0xFFFFFFF0]  }
0x335: {  	[tilespmem:s25+$0x10C30] =	vst.add.f32.msk $0xffff, v25;
	v24 =	vmul.f32 v24, v61  }
0x336: {  	(v2sf) =	vpush v26, $0xC;
	v25 =	vld [tilespmem:s12+$0xFFFFFFF0]  }
0x337: {  	(v2sf) =	vpush v29, $0x8;
	[tilespmem:s26+$0x10C30] =	vst.add.f32.msk $0xffff, v24  }
0x338: {  	v24 =	vld [tilespmem:s13+$0xFFFFFFF0]  }
0x339: {  	v62 =	vmul.f32 v34, v33;
	_ =	sdelay $0x1  }
0x33a: {  	[tilespmem:s9+$0x10C40] =	vst.add.f32.msk $0xffff, v62;
	v25 =	vmul.f32 v25, v60  }
0x33b: {  	v33 =	vld [tilespmem:s0+$0x0]  }
0x33c: {  	[tilespmem:s25+$0x10C40] =	vst.add.f32.msk $0xffff, v25;
	v24 =	vmul.f32 v24, v61  }
0x33d: {  	v25 =	vld [tilespmem:s12+$0x0]  }
0x33e: {  	v63 =	vperm.xlane v22, v11;
	[tilespmem:s26+$0x10C40] =	vst.add.f32.msk $0xffff, v24  }
0x33f: {  	v40 =	vld [tilespmem:s13+$0x0]  }
0x340: {  	v41 =	vperm.xlane v23, v11;
	v33 =	vmul.f32 v33, v63;
	_ =	sdelay $0x1  }
0x341: {  	v42 =	vperm.xlane v28, v11;
	[tilespmem:s10+$0x10C10] =	vst.add.f32.msk $0xffff, v33;
	v25 =	vmul.f32 v25, v41  }
0x342: {  	v43 =	vld [tilespmem:s0+$0x10]  }
0x343: {  	s25 =	spop (v2sf);
	[tilespmem:s2+$0x10C10] =	vst.add.f32.msk $0xffff, v25;
	v44 =	vmul.f32 v40, v42  }
0x344: {  	v45 =	vld [tilespmem:s12+$0x10];
	s26 =	spop (v2sf)  }
0x345: {  	[tilespmem:s26+$0x10C10] =	vst.add.f32.msk $0xffff, v44  }
0x346: {  	v25 =	vld [tilespmem:s13+$0x10]  }
0x347: {  	v36 =	vmul.f32 v43, v63;
	_ =	sdelay $0x1  }
0x348: {  	[tilespmem:s10+$0x10C20] =	vst.add.f32.msk $0xffff, v36;
	v34 =	vmul.f32 v45, v41  }
0x349: {  	v36 =	vld [tilespmem:s0+$0x20]  }
0x34a: {  	[tilespmem:s2+$0x10C20] =	vst.add.f32.msk $0xffff, v34;
	v25 =	vmul.f32 v25, v42  }
0x34b: {  	v34 =	vld [tilespmem:s12+$0x20]  }
0x34c: {  	[tilespmem:s26+$0x10C20] =	vst.add.f32.msk $0xffff, v25  }
0x34d: {  	v25 =	vld [tilespmem:s13+$0x20]  }
0x34e: {  	v36 =	vmul.f32 v36, v63;
	_ =	sdelay $0x1  }
0x34f: {  	[tilespmem:s10+$0x10C30] =	vst.add.f32.msk $0xffff, v36;
	v34 =	vmul.f32 v34, v41  }
0x350: {  	v36 =	vld [tilespmem:s0+$0x30]  }
0x351: {  	[tilespmem:s2+$0x10C30] =	vst.add.f32.msk $0xffff, v34;
	v25 =	vmul.f32 v25, v42  }
0x352: {  	(v2sf) =	vpush v26, $0xD;
	v34 =	vld [tilespmem:s12+$0x30]  }
0x353: {  	(v2sf) =	vpush v29, $0x9;
	[tilespmem:s26+$0x10C30] =	vst.add.f32.msk $0xffff, v25  }
0x354: {  	v25 =	vld [tilespmem:s13+$0x30]  }
0x355: {  	v24 =	vmul.f32 v36, v63;
	_ =	sdelay $0x1  }
0x356: {  	v46 =	vmul.f32 v34, v41;
	[tilespmem:s10+$0x10C40] =	vst.add.f32.msk $0xffff, v24  }
0x357: {  	v47 =	vld [tilespmem:s0+$0x40]  }
0x358: {  	[tilespmem:s2+$0x10C40] =	vst.add.f32.msk $0xffff, v46;
	v48 =	vmul.f32 v25, v42  }
0x359: {  	v49 =	vld [tilespmem:s12+$0x40]  }
0x35a: {  	v50 =	vperm.xlane v22, v12;
	[tilespmem:s26+$0x10C40] =	vst.add.f32.msk $0xffff, v48  }
0x35b: {  	v24 =	vld [tilespmem:s13+$0x40]  }
0x35c: {  	v51 =	vperm.xlane v23, v12;
	v34 =	vmul.f32 v47, v50;
	_ =	sdelay $0x1  }
0x35d: {  	v52 =	vperm.xlane v28, v12;
	[tilespmem:s3+$0x10C10] =	vst.add.f32.msk $0xffff, v34;
	v25 =	vmul.f32 v49, v51  }
0x35e: {  	v53 =	vld [tilespmem:s0+$0x50]  }
0x35f: {  	s10 =	spop (v2sf);
	[tilespmem:s6+$0x10C10] =	vst.add.f32.msk $0xffff, v25;
	v24 =	vmul.f32 v24, v52  }
0x360: {  	s9 =	spop (v2sf);
	v25 =	vld [tilespmem:s12+$0x50]  }
0x361: {  	[tilespmem:s9+$0x10C10] =	vst.add.f32.msk $0xffff, v24  }
0x362: {  	v24 =	vld [tilespmem:s13+$0x50]  }
0x363: {  	v36 =	vmul.f32 v53, v50;
	_ =	sdelay $0x1  }
0x364: {  	[tilespmem:s3+$0x10C20] =	vst.add.f32.msk $0xffff, v36;
	v25 =	vmul.f32 v25, v51  }
0x365: {  	v36 =	vld [tilespmem:s0+$0x60]  }
0x366: {  	[tilespmem:s6+$0x10C20] =	vst.add.f32.msk $0xffff, v25;
	v24 =	vmul.f32 v24, v52  }
0x367: {  	v25 =	vld [tilespmem:s12+$0x60]  }
0x368: {  	[tilespmem:s9+$0x10C20] =	vst.add.f32.msk $0xffff, v24  }
0x369: {  	v24 =	vld [tilespmem:s13+$0x60]  }
0x36a: {  	v36 =	vmul.f32 v36, v50;
	_ =	sdelay $0x1  }
0x36b: {  	[tilespmem:s3+$0x10C30] =	vst.add.f32.msk $0xffff, v36;
	v25 =	vmul.f32 v25, v51  }
0x36c: {  	v36 =	vld [tilespmem:s0+$0x70]  }
0x36d: {  	[tilespmem:s6+$0x10C30] =	vst.add.f32.msk $0xffff, v25;
	v24 =	vmul.f32 v24, v52  }
0x36e: {  	(v2sf) =	vpush v26, $0xE;
	v25 =	vld [tilespmem:s12+$0x70]  }
0x36f: {  	(v2sf) =	vpush v29, $0xA;
	[tilespmem:s9+$0x10C30] =	vst.add.f32.msk $0xffff, v24  }
0x370: {  	v24 =	vld [tilespmem:s13+$0x70]  }
0x371: {  	v33 =	vmul.f32 v36, v50;
	_ =	sdelay $0x1  }
0x372: {  	[tilespmem:s3+$0x10C40] =	vst.add.f32.msk $0xffff, v33;
	v25 =	vmul.f32 v25, v51  }
0x373: {  	v33 =	vld [tilespmem:s0+$0x80]  }
0x374: {  	[tilespmem:s6+$0x10C40] =	vst.add.f32.msk $0xffff, v25;
	v24 =	vmul.f32 v24, v52  }
0x375: {  	v25 =	vld [tilespmem:s12+$0x80]  }
0x376: {  	v54 =	vperm.xlane v22, v13;
	[tilespmem:s9+$0x10C40] =	vst.add.f32.msk $0xffff, v24  }
0x377: {  	v24 =	vld [tilespmem:s13+$0x80]  }
0x378: {  	v55 =	vperm.xlane v23, v13;
	v33 =	vmul.f32 v33, v54;
	_ =	sdelay $0x1  }
0x379: {  	v56 =	vperm.xlane v28, v13;
	[tilespmem:s24+$0x10C10] =	vst.add.f32.msk $0xffff, v33;
	v25 =	vmul.f32 v25, v55  }
0x37a: {  	v57 =	vld [tilespmem:s0+$0x90]  }
0x37b: {  	s26 =	spop (v2sf);
	[tilespmem:s5+$0x10C10] =	vst.add.f32.msk $0xffff, v25;
	v24 =	vmul.f32 v24, v56  }
0x37c: {  	s3 =	spop (v2sf);
	v25 =	vld [tilespmem:s12+$0x90]  }
0x37d: {  	[tilespmem:s3+$0x10C10] =	vst.add.f32.msk $0xffff, v24  }
0x37e: {  	v24 =	vld [tilespmem:s13+$0x90]  }
0x37f: {  	v36 =	vmul.f32 v57, v54;
	_ =	sdelay $0x1  }
0x380: {  	[tilespmem:s24+$0x10C20] =	vst.add.f32.msk $0xffff, v36;
	v25 =	vmul.f32 v25, v55  }
0x381: {  	v36 =	vld [tilespmem:s0+$0xA0]  }
0x382: {  	[tilespmem:s5+$0x10C20] =	vst.add.f32.msk $0xffff, v25;
	v24 =	vmul.f32 v24, v56  }
0x383: {  	v25 =	vld [tilespmem:s12+$0xA0]  }
0x384: {  	[tilespmem:s3+$0x10C20] =	vst.add.f32.msk $0xffff, v24  }
0x385: {  	v24 =	vld [tilespmem:s13+$0xA0]  }
0x386: {  	v36 =	vmul.f32 v36, v54;
	_ =	sdelay $0x1  }
0x387: {  	[tilespmem:s24+$0x10C30] =	vst.add.f32.msk $0xffff, v36;
	v25 =	vmul.f32 v25, v55  }
0x388: {  	v36 =	vld [tilespmem:s0+$0xB0]  }
0x389: {  	[tilespmem:s5+$0x10C30] =	vst.add.f32.msk $0xffff, v25;
	v24 =	vmul.f32 v24, v56  }
0x38a: {  	(v2sf) =	vpush v26, $0xF;
	v25 =	vld [tilespmem:s12+$0xB0]  }
0x38b: {  	(v2sf) =	vpush v29, $0xB;
	[tilespmem:s3+$0x10C30] =	vst.add.f32.msk $0xffff, v24  }
0x38c: {  	v24 =	vld [tilespmem:s13+$0xB0]  }
0x38d: {  	v58 =	vmul.f32 v36, v54;
	_ =	sdelay $0x1  }
0x38e: {  	[tilespmem:s24+$0x10C40] =	vst.add.f32.msk $0xffff, v58;
	v25 =	vmul.f32 v25, v55  }
0x38f: {  	v26 =	vld [tilespmem:s0+$0xC0]  }
0x390: {  	[tilespmem:s5+$0x10C40] =	vst.add.f32.msk $0xffff, v25;
	v24 =	vmul.f32 v24, v56  }
0x391: {  	v25 =	vld [tilespmem:s12+$0xC0]  }
0x392: {  	v59 =	vperm.xlane v22, v14;
	[tilespmem:s3+$0x10C40] =	vst.add.f32.msk $0xffff, v24  }
0x393: {  	v24 =	vld [tilespmem:s13+$0xC0]  }
0x394: {  	v60 =	vperm.xlane v23, v14;
	v26 =	vmul.f32 v26, v59  }
0x395: {  	[tilespmem:s16+$0x10C30] =	vst.add.f32.msk $0xffff, v32  }
0x396: {  	v61 =	vperm.xlane v28, v14;
	[tilespmem:s14+$0x10C10] =	vst.add.f32.msk $0xffff, v26;
	v25 =	vmul.f32 v25, v60  }
0x397: {  	v62 =	vld [tilespmem:s0+$0xD0]  }
0x398: {  	s5 =	spop (v2sf);
	[tilespmem:s4+$0x10C10] =	vst.add.f32.msk $0xffff, v25;
	v24 =	vmul.f32 v24, v61  }
0x399: {  	s6 =	spop (v2sf);
	v25 =	vld [tilespmem:s12+$0xD0]  }
0x39a: {  	v31 =	vmul.f32 v31, v30;
	[tilespmem:s6+$0x10C10] =	vst.add.f32.msk $0xffff, v24  }
0x39b: {  	v63 =	vld [tilespmem:s13+$0xD0]  }
0x39c: {  	[tilespmem:s19+$0x10C30] =	vst.add.f32.msk $0xffff, v31;
	v37 =	vmul.f32 v62, v59  }
0x39d: {  	v41 =	vld [tilespmem:s31+$0xF0]  }
0x39e: {  	[tilespmem:s14+$0x10C20] =	vst.add.f32.msk $0xffff, v37;
	v25 =	vmul.f32 v25, v60  }
0x39f: {  	v32 =	vld [tilespmem:s0+$0xE0]  }
0x3a0: {  	[tilespmem:s4+$0x10C20] =	vst.add.f32.msk $0xffff, v25;
	v38 =	vmul.f32 v63, v61  }
0x3a1: {  	v39 =	vld [tilespmem:s12+$0xE0]  }
0x3a2: {  	v44 =	vmul.f32 v41, v30;
	[tilespmem:s6+$0x10C20] =	vst.add.f32.msk $0xffff, v38  }
0x3a3: {  	v25 =	vld [tilespmem:s13+$0xE0]  }
0x3a4: {  	[tilespmem:s19+$0x10C40] =	vst.add.f32.msk $0xffff, v44;
	v40 =	vmul.f32 v32, v59  }
0x3a5: {  	v46 =	vld [tilespmem:s31+$0x100]  }
0x3a6: {  	[tilespmem:s14+$0x10C30] =	vst.add.f32.msk $0xffff, v40;
	v42 =	vmul.f32 v39, v60  }
0x3a7: {  	v43 =	vld [tilespmem:s0+$0xF0]  }
0x3a8: {  	v49 =	vperm.xlane v21, v15;
	[tilespmem:s4+$0x10C30] =	vst.add.f32.msk $0xffff, v42;
	v25 =	vmul.f32 v25, v61  }
0x3a9: {  	v31 =	vld [tilespmem:s12+$0xF0]  }
0x3aa: {  	(v2sf) =	vpush v29, $0xC;
	v32 =	vmul.f32 v46, v49;
	[tilespmem:s6+$0x10C30] =	vst.add.f32.msk $0xffff, v25  }
0x3ab: {  	v25 =	vld [tilespmem:s13+$0xF0]  }
0x3ac: {  	[tilespmem:s21+$0x10C10] =	vst.add.f32.msk $0xffff, v32;
	v45 =	vmul.f32 v43, v59  }
0x3ad: {  	v53 =	vld [tilespmem:s31+$0x110]  }
0x3ae: {  	[tilespmem:s14+$0x10C40] =	vst.add.f32.msk $0xffff, v45;
	v47 =	vmul.f32 v31, v60  }
0x3af: {  	v48 =	vld [tilespmem:s0+$0x100]  }
0x3b0: {  	[tilespmem:s4+$0x10C40] =	vst.add.f32.msk $0xffff, v47;
	v25 =	vmul.f32 v25, v61  }
0x3b1: {  	v50 =	vld [tilespmem:s12+$0x100]  }
0x3b2: {  	v51 =	vperm.xlane v22, v15;
	[tilespmem:s6+$0x10C40] =	vst.add.f32.msk $0xffff, v25  }
0x3b3: {  	v34 =	vmul.f32 v53, v49;
	v25 =	vld [tilespmem:s13+$0x100]  }
0x3b4: {  	v52 =	vperm.xlane v23, v15;
	v31 =	vmul.f32 v48, v51  }
0x3b5: {  	[tilespmem:s21+$0x10C20] =	vst.add.f32.msk $0xffff, v34  }
0x3b6: {  	v54 =	vperm.xlane v28, v15;
	[tilespmem:s8+$0x10C10] =	vst.add.f32.msk $0xffff, v31;
	v26 =	vmul.f32 v50, v52  }
0x3b7: {  	v55 =	vld [tilespmem:s0+$0x110]  }
0x3b8: {  	[tilespmem:s25+$0x10C10] =	vst.add.f32.msk $0xffff, v26;
	v25 =	vmul.f32 v25, v54  }
0x3b9: {  	s19 =	spop (v2sf);
	v26 =	vld [tilespmem:s12+$0x110]  }
0x3ba: {  	[tilespmem:s19+$0x10C10] =	vst.add.f32.msk $0xffff, v25  }
0x3bb: {  	v25 =	vld [tilespmem:s13+$0x110]  }
0x3bc: {  	v57 =	vld [tilespmem:s31+$0x120];
	v56 =	vmul.f32 v55, v51  }
0x3bd: {  	v24 =	vld [tilespmem:s1+$0x1F0]  }
0x3be: {  	[tilespmem:s8+$0x10C20] =	vst.add.f32.msk $0xffff, v56;
	v26 =	vmul.f32 v26, v52  }
0x3bf: {  	v34 =	vld [tilespmem:s0+$0x120]  }
0x3c0: {  	[tilespmem:s25+$0x10C20] =	vst.add.f32.msk $0xffff, v26;
	v25 =	vmul.f32 v25, v54  }
0x3c1: {  	v26 =	vld [tilespmem:s12+$0x120]  }
0x3c2: {  	v35 =	vmul.f32 v57, v49;
	[tilespmem:s19+$0x10C20] =	vst.add.f32.msk $0xffff, v25  }
0x3c3: {  	v25 =	vld [tilespmem:s13+$0x120]  }
0x3c4: {  	[tilespmem:s21+$0x10C30] =	vst.add.f32.msk $0xffff, v35;
	v34 =	vmul.f32 v34, v51  }
0x3c5: {  	v35 =	vld [tilespmem:s31+$0x130]  }
0x3c6: {  	[tilespmem:s8+$0x10C30] =	vst.add.f32.msk $0xffff, v34;
	v26 =	vmul.f32 v26, v52  }
0x3c7: {  	v34 =	vld [tilespmem:s0+$0x130]  }
0x3c8: {  	[tilespmem:s25+$0x10C30] =	vst.add.f32.msk $0xffff, v26;
	v25 =	vmul.f32 v25, v54  }
0x3c9: {  	v26 =	vld [tilespmem:s12+$0x130]  }
0x3ca: {  	(v2sf) =	vpush v29, $0xD;
	v30 =	vmul.f32 v35, v49;
	[tilespmem:s19+$0x10C30] =	vst.add.f32.msk $0xffff, v25  }
0x3cb: {  	v25 =	vld [tilespmem:s13+$0x130]  }
0x3cc: {  	[tilespmem:s21+$0x10C40] =	vst.add.f32.msk $0xffff, v30;
	v58 =	vmul.f32 v34, v51  }
0x3cd: {  	v59 =	vld [tilespmem:s31+$0x140]  }
0x3ce: {  	[tilespmem:s8+$0x10C40] =	vst.add.f32.msk $0xffff, v58;
	v26 =	vmul.f32 v26, v52  }
0x3cf: {  	v30 =	vld [tilespmem:s0+$0x140]  }
0x3d0: {  	v60 =	vperm.xlane v21, v16;
	[tilespmem:s25+$0x10C40] =	vst.add.f32.msk $0xffff, v26;
	v25 =	vmul.f32 v25, v54  }
0x3d1: {  	v61 =	vld [tilespmem:s12+$0x140]  }
0x3d2: {  	v63 =	vperm.xlane v22, v16;
	v62 =	vmul.f32 v59, v60;
	[tilespmem:s19+$0x10C40] =	vst.add.f32.msk $0xffff, v25  }
0x3d3: {  	v25 =	vld [tilespmem:s13+$0x140]  }
0x3d4: {  	v36 =	vperm.xlane v23, v16;
	[tilespmem:s20+$0x10C10] =	vst.add.f32.msk $0xffff, v62;
	v30 =	vmul.f32 v30, v63  }
0x3d5: {  	v37 =	vld [tilespmem:s31+$0x150]  }
0x3d6: {  	v39 =	vperm.xlane v28, v16;
	[tilespmem:s7+$0x10C10] =	vst.add.f32.msk $0xffff, v30;
	v38 =	vmul.f32 v61, v36  }
0x3d7: {  	v40 =	vld [tilespmem:s0+$0x150]  }
0x3d8: {  	[tilespmem:s10+$0x10C10] =	vst.add.f32.msk $0xffff, v38;
	v25 =	vmul.f32 v25, v39  }
0x3d9: {  	s24 =	spop (v2sf);
	v30 =	vld [tilespmem:s12+$0x150]  }
0x3da: {  	v34 =	vmul.f32 v37, v60;
	[tilespmem:s24+$0x10C10] =	vst.add.f32.msk $0xffff, v25  }
0x3db: {  	v25 =	vld [tilespmem:s13+$0x150]  }
0x3dc: {  	[tilespmem:s20+$0x10C20] =	vst.add.f32.msk $0xffff, v34;
	v41 =	vmul.f32 v40, v63  }
0x3dd: {  	v42 =	vld [tilespmem:s31+$0x160]  }
0x3de: {  	[tilespmem:s7+$0x10C20] =	vst.add.f32.msk $0xffff, v41;
	v30 =	vmul.f32 v30, v36  }
0x3df: {  	v34 =	vld [tilespmem:s0+$0x160]  }
0x3e0: {  	[tilespmem:s10+$0x10C20] =	vst.add.f32.msk $0xffff, v30;
	v25 =	vmul.f32 v25, v39  }
0x3e1: {  	v30 =	vld [tilespmem:s12+$0x160]  }
0x3e2: {  	v35 =	vmul.f32 v42, v60;
	[tilespmem:s24+$0x10C20] =	vst.add.f32.msk $0xffff, v25  }
0x3e3: {  	v25 =	vld [tilespmem:s13+$0x160]  }
0x3e4: {  	[tilespmem:s20+$0x10C30] =	vst.add.f32.msk $0xffff, v35;
	v34 =	vmul.f32 v34, v63  }
0x3e5: {  	v35 =	vld [tilespmem:s31+$0x170]  }
0x3e6: {  	[tilespmem:s7+$0x10C30] =	vst.add.f32.msk $0xffff, v34;
	v30 =	vmul.f32 v30, v36  }
0x3e7: {  	v34 =	vld [tilespmem:s0+$0x170]  }
0x3e8: {  	[tilespmem:s10+$0x10C30] =	vst.add.f32.msk $0xffff, v30;
	v25 =	vmul.f32 v25, v39  }
0x3e9: {  	v30 =	vld [tilespmem:s12+$0x170]  }
0x3ea: {  	(v2sf) =	vpush v29, $0xE;
	v26 =	vmul.f32 v35, v60;
	[tilespmem:s24+$0x10C30] =	vst.add.f32.msk $0xffff, v25  }
0x3eb: {  	v25 =	vld [tilespmem:s13+$0x170]  }
0x3ec: {  	[tilespmem:s20+$0x10C40] =	vst.add.f32.msk $0xffff, v26;
	v43 =	vmul.f32 v34, v63  }
0x3ed: {  	v44 =	vld [tilespmem:s31+$0x180]  }
0x3ee: {  	[tilespmem:s7+$0x10C40] =	vst.add.f32.msk $0xffff, v43;
	v45 =	vmul.f32 v30, v36  }
0x3ef: {  	v46 =	vld [tilespmem:s0+$0x180]  }
0x3f0: {  	v47 =	vperm.xlane v21, v17;
	[tilespmem:s10+$0x10C40] =	vst.add.f32.msk $0xffff, v45;
	v25 =	vmul.f32 v25, v39  }
0x3f1: {  	v48 =	vld [tilespmem:s12+$0x180]  }
0x3f2: {  	v50 =	vperm.xlane v22, v17;
	v49 =	vmul.f32 v44, v47;
	[tilespmem:s24+$0x10C40] =	vst.add.f32.msk $0xffff, v25  }
0x3f3: {  	v25 =	vld [tilespmem:s13+$0x180]  }
0x3f4: {  	v51 =	vperm.xlane v23, v17;
	[tilespmem:s18+$0x10C10] =	vst.add.f32.msk $0xffff, v49;
	v30 =	vmul.f32 v46, v50  }
0x3f5: {  	v52 =	vld [tilespmem:s31+$0x190]  }
0x3f6: {  	v54 =	vperm.xlane v28, v17;
	[tilespmem:s11+$0x10C10] =	vst.add.f32.msk $0xffff, v30;
	v53 =	vmul.f32 v48, v51  }
0x3f7: {  	v55 =	vld [tilespmem:s0+$0x190]  }
0x3f8: {  	[tilespmem:s26+$0x10C10] =	vst.add.f32.msk $0xffff, v53;
	v25 =	vmul.f32 v25, v54  }
0x3f9: {  	s25 =	spop (v2sf);
	v30 =	vld [tilespmem:s12+$0x190]  }
0x3fa: {  	v34 =	vmul.f32 v52, v47;
	[tilespmem:s25+$0x10C10] =	vst.add.f32.msk $0xffff, v25  }
0x3fb: {  	v25 =	vld [tilespmem:s13+$0x190]  }
0x3fc: {  	[tilespmem:s18+$0x10C20] =	vst.add.f32.msk $0xffff, v34;
	v56 =	vmul.f32 v55, v50  }
0x3fd: {  	v57 =	vld [tilespmem:s31+$0x1A0]  }
0x3fe: {  	[tilespmem:s11+$0x10C20] =	vst.add.f32.msk $0xffff, v56;
	v30 =	vmul.f32 v30, v51  }
0x3ff: {  	v34 =	vld [tilespmem:s0+$0x1A0]  }
0x400: {  	[tilespmem:s26+$0x10C20] =	vst.add.f32.msk $0xffff, v30;
	v25 =	vmul.f32 v25, v54  }
0x401: {  	v30 =	vld [tilespmem:s12+$0x1A0]  }
0x402: {  	v35 =	vmul.f32 v57, v47;
	[tilespmem:s25+$0x10C20] =	vst.add.f32.msk $0xffff, v25  }
0x403: {  	v25 =	vld [tilespmem:s13+$0x1A0]  }
0x404: {  	[tilespmem:s18+$0x10C30] =	vst.add.f32.msk $0xffff, v35;
	v34 =	vmul.f32 v34, v50  }
0x405: {  	v35 =	vld [tilespmem:s31+$0x1B0]  }
0x406: {  	[tilespmem:s11+$0x10C30] =	vst.add.f32.msk $0xffff, v34;
	v30 =	vmul.f32 v30, v51  }
0x407: {  	v34 =	vld [tilespmem:s0+$0x1B0]  }
0x408: {  	[tilespmem:s26+$0x10C30] =	vst.add.f32.msk $0xffff, v30;
	v25 =	vmul.f32 v25, v54  }
0x409: {  	v30 =	vld [tilespmem:s12+$0x1B0]  }
0x40a: {  	(v2sf) =	vpush v29, $0xF;
	v26 =	vmul.f32 v35, v47;
	[tilespmem:s25+$0x10C30] =	vst.add.f32.msk $0xffff, v25  }
0x40b: {  	v25 =	vld [tilespmem:s13+$0x1B0]  }
0x40c: {  	[tilespmem:s18+$0x10C40] =	vst.add.f32.msk $0xffff, v26;
	v58 =	vmul.f32 v34, v50  }
0x40d: {  	v59 =	vld [tilespmem:s31+$0x1C0]  }
0x40e: {  	[tilespmem:s11+$0x10C40] =	vst.add.f32.msk $0xffff, v58;
	v60 =	vmul.f32 v30, v51  }
0x40f: {  	v61 =	vld [tilespmem:s0+$0x1C0]  }
0x410: {  	v21 =	vperm.xlane v21, v18;
	[tilespmem:s26+$0x10C40] =	vst.add.f32.msk $0xffff, v60;
	v25 =	vmul.f32 v25, v54  }
0x411: {  	v26 =	vld [tilespmem:s12+$0x1C0]  }
0x412: {  	v22 =	vperm.xlane v22, v18;
	v29 =	vmul.f32 v59, v21;
	[tilespmem:s25+$0x10C40] =	vst.add.f32.msk $0xffff, v25  }
0x413: {  	v25 =	vld [tilespmem:s13+$0x1C0]  }
0x414: {  	v23 =	vperm.xlane v23, v18;
	[tilespmem:s17+$0x10C10] =	vst.add.f32.msk $0xffff, v29;
	v62 =	vmul.f32 v61, v22  }
0x415: {  	v63 =	vld [tilespmem:s31+$0x1D0]  }
0x416: {  	v28 =	vperm.xlane v28, v18;
	[tilespmem:s23+$0x10C10] =	vst.add.f32.msk $0xffff, v62;
	v26 =	vmul.f32 v26, v23  }
0x417: {  	v29 =	vld [tilespmem:s0+$0x1D0]  }
0x418: {  	[tilespmem:s5+$0x10C10] =	vst.add.f32.msk $0xffff, v26;
	v25 =	vmul.f32 v25, v28  }
0x419: {  	s26 =	spop (v2sf);
	v26 =	vld [tilespmem:s12+$0x1D0]  }
0x41a: {  	v30 =	vmul.f32 v63, v21;
	[tilespmem:s26+$0x10C10] =	vst.add.f32.msk $0xffff, v25  }
0x41b: {  	v25 =	vld [tilespmem:s13+$0x1D0]  }
0x41c: {  	[tilespmem:s17+$0x10C20] =	vst.add.f32.msk $0xffff, v30;
	v29 =	vmul.f32 v29, v22  }
0x41d: {  	v30 =	vld [tilespmem:s31+$0x1E0]  }
0x41e: {  	[tilespmem:s23+$0x10C20] =	vst.add.f32.msk $0xffff, v29;
	v26 =	vmul.f32 v26, v23  }
0x41f: {  	v29 =	vld [tilespmem:s0+$0x1E0]  }
0x420: {  	[tilespmem:s5+$0x10C20] =	vst.add.f32.msk $0xffff, v26;
	v25 =	vmul.f32 v25, v28  }
0x421: {  	v26 =	vld [tilespmem:s12+$0x1E0]  }
0x422: {  	v30 =	vmul.f32 v30, v21;
	[tilespmem:s26+$0x10C20] =	vst.add.f32.msk $0xffff, v25  }
0x423: {  	v25 =	vld [tilespmem:s13+$0x1E0]  }
0x424: {  	[tilespmem:s17+$0x10C30] =	vst.add.f32.msk $0xffff, v30;
	v29 =	vmul.f32 v29, v22  }
0x425: {  	v30 =	vld [tilespmem:s31+$0x1F0]  }
0x426: {  	[tilespmem:s23+$0x10C30] =	vst.add.f32.msk $0xffff, v29;
	v26 =	vmul.f32 v26, v23  }
0x427: {  	v29 =	vld [tilespmem:s0+$0x1F0]  }
0x428: {  	[tilespmem:s5+$0x10C30] =	vst.add.f32.msk $0xffff, v26;
	v25 =	vmul.f32 v25, v28  }
0x429: {  	v26 =	vld [tilespmem:s12+$0x1F0]  }
0x42a: {  	[tilespmem:s26+$0x10C30] =	vst.add.f32.msk $0xffff, v25  }
0x42b: {  	v25 =	vld [tilespmem:s13+$0x1F0]  }
0x42c: {  	v24 =	vmul.f32 v24, v27  }
0x42d: {  	v21 =	vmul.f32 v30, v21  }
0x42e: {  	[tilespmem:s16+$0x10C40] =	vst.add.f32.msk $0xffff, v24;
	v22 =	vmul.f32 v29, v22  }
0x42f: {  	[tilespmem:s17+$0x10C40] =	vst.add.f32.msk $0xffff, v21;
	s0 =	sadd.s32 $0x2, s30;
	v21 =	vmul.f32 v26, v23  }
0x430: {  	p1 =	sge.s32 s0, s28;
	[tilespmem:s23+$0x10C40] =	vst.add.f32.msk $0xffff, v22;
	v22 =	vmul.f32 v25, v28  }
0x431: {  	s0 =	sshll.u32 @!p1 s0, $0x9;
	s8 =	rddreg [dreg:$0xa];
	[tilespmem:s5+$0x10C40] =	vst.add.f32.msk $0xffff, v21  }
0x432: {  	s0 =	sadd.s32 @!p1 s8, s0;
	[tilespmem:s26+$0x10C40] =	vst.add.f32.msk $0xffff, v22  }
0x433: {  	s0 =	sshrl.u32 @!p1 s0, $0x3;
	s2 =	rddreg [dreg:$0x3]  }
0x434: {  	s1 =	sadd.s32 @!p1 $0x10, s15;
	s3 =	simm.s32 @!p1 $0x0;
	s2 =	sadd.s32 @!p1 s2, s0  }
0x435: {  	[tilespmem:s1], [sflag:$0x1] =	stream.linear.gather @!p1 [hbm4b:s2+s3], $0x200, $0x38;
	[tilespmem:$0x18E10] =	vst v63  }
0x436: {  	s2 =	rddreg [dreg:$0x4]  }
0x437: {  	s1 =	sadd.s32 @!p1 $0x410, s15;
	s2 =	sadd.s32 @!p1 s2, s0  }
0x438: {  	[tilespmem:s1], [sflag:$0x1] =	stream.linear.gather @!p1 [hbm4b:s2+s3], $0x200, $0x38;
	[tilespmem:$0x18E10] =	vst v63  }
0x439: {  	s2 =	rddreg [dreg:$0x5]  }
0x43a: {  	s1 =	sadd.s32 @!p1 $0x810, s15;
	s0 =	sadd.s32 @!p1 s2, s0  }
0x43b: {  	[tilespmem:s1], [sflag:$0x1] =	stream.linear.gather @!p1 [hbm4b:s0+s3], $0x200, $0x38;
	[tilespmem:$0x18E10] =	vst v63  }
0x43c: {  	p1 =	sne.s32 s29, s28  }
.Ltmp5:
0x43d: {  	_ = 	snop;
	(pc) =	sbr.rel @p1 .LBB2_5-.Ltmp5, $4  }
.Ltmp6:
0x43e: {  	_ = 	snop;
	(pc) =	sbr.rel @!p1 .LBB2_8-.Ltmp6, $4  }
0x43f: {  	_ = 	snop  }
0x440: {  	_ = 	snop  }
0x441: {  	p0 =	por !p0, !p0;
	s30 =	smov.u32 s29  }
0x442: {  	_ = 	snop  }
.LBB2_9:
0x443: {  	_ =	sfence.sel $0x180000  }
0x444: {  	[bflag:$0x0] =	sbarrier.arrive $0xFFFF  }
0x445: {  	_ =	strace $0x90000047  }
0x446: {  	s0 =	stileid.u32;
	[bflag:$0x2] =	sbarrier.arrive $0xFFFF  }
0x447: {  	p0 =	sne.s32 s0, $0x0;
	s0 =	rddreg [dreg:$0x2]  }
0x448: {  	s0 =	sadd.s32 @!p0 $0x100000, s0  }
0x449: {  	[sflag:s0] =	ssyncadd.tile.s32 @!p0 $0x1;
	_ =	shalt  }
.Lfunc_end2:
_tile_overlayer_lowered:
.L_overlay_start_2:
0x44a: {  	(tag) =	ssettag $0x2  }
0x44b: {  	s0 =	rddreg [dreg:$0x0];
	s2 =	stileid.u32  }
0x44c: {  	s1 =	rddreg [dreg:$0x1];
	p0 =	sne.s32 s2, $0x0  }
0x44d: {  	s3 =	rddreg [dreg:$0x2];
	[bflag:$0x3] =	sbarrier.arrive $0xFFFF;
	s2 =	simm.s32 @!p0 $0x1C03  }
0x44e: {  	[timem:s3], [sflag:s2] =	dma.local @!p0 [hbm:s0], s1  }
0x44f: {  	s0 =	simm.s32 @!p0 $0x3  }
0x450: {  	_ =	swait.ge @!p0 [sflag:s0], s1  }
0x451: {  	s1 =	ssub.s32 @!p0 $0x0, s1;
	[sflag:s0] =	ssyncset.done @!p0 $0x0  }
0x452: {  	[sflag:s0] =	ssyncadd.s32 @!p0 s1  }
0x453: {  	[bflag:$0x3] =	sbarrier.arrive $0xFFFF  }
0x454: {  	_ =	shalt  }

</sc_bundles>
